<compile_context>
chip_gen: v7x
topology: tpu7x:2x2x1
jax: 0.10.2.dev20260603
libtpu: 0.0.44.dev20260713+nightly
codegen_flags: <defaults>
</compile_context>

<pallas_src>
import functools

import jax
import jax.numpy as jnp
from jax import lax
from jax.experimental import pallas as pl
from jax.experimental.pallas import tpu as pltpu
from jax.experimental.pallas import tpu_sc as plsc

_L = 16
_NW = 32
_C = 19
_OC = 3
_R = 1024
_HALO = 128


@functools.lru_cache(maxsize=None)
def _build(B: int):
    rows_pw = B // _NW
    n_chunks = rows_pw // _R
    n_pairs = n_chunks // 2
    n_groups = _R // _L
    mesh = plsc.VectorSubcoreMesh(core_axis_name="c", subcore_axis_name="s")

    @functools.partial(
        pl.kernel,
        mesh=mesh,
        compiler_params=pltpu.CompilerParams(needs_layout_passes=False),
        out_type=jax.ShapeDtypeStruct((_OC, B), jnp.float32),
        scratch_types=[
            pltpu.VMEM((_C, _HALO + _R), jnp.float32),
            pltpu.VMEM((_C, _HALO + _R), jnp.float32),
            pltpu.VMEM((_OC, _R), jnp.float32),
            pltpu.VMEM((_OC, _R), jnp.float32),
            pltpu.SemaphoreType.DMA,
            pltpu.SemaphoreType.DMA,
            pltpu.SemaphoreType.DMA,
            pltpu.SemaphoreType.DMA,
            pltpu.SemaphoreType.DMA,
            pltpu.SemaphoreType.DMA,
        ],
    )
    def sck(x_hbm, o_hbm, in0, in1, ot0, ot1, sh0, sm0, sh1, sm1, so0, so1):
        wid = lax.axis_index("s") * 2 + lax.axis_index("c")
        lane = lax.iota(jnp.int32, _L)
        row11 = jnp.full((_L,), 11, jnp.int32)

        _COLS = (0, 1, 8, 9, 10, 12, 13, 14, 16, 17)

        def in_copies(k, buf, sem_h, sem_m):
            r0 = wid * rows_pw + k * _R
            h0 = jnp.where(r0 == 0, B - _HALO, r0 - _HALO)
            copies = [pltpu.make_async_copy(
                x_hbm.at[11, pl.ds(h0, _HALO)],
                buf.at[11, pl.ds(0, _HALO)], sem_h),
                pltpu.make_async_copy(
                    x_hbm.at[11, pl.ds(r0, _R)],
                    buf.at[11, pl.ds(_HALO, _R)], sem_h)]
            copies += [pltpu.make_async_copy(
                x_hbm.at[c, pl.ds(r0, _R)],
                buf.at[c, pl.ds(_HALO, _R)], sem_m) for c in _COLS]
            return copies

        def out_copy(k, obuf, sem_o):
            r0 = wid * rows_pw + k * _R
            return pltpu.make_async_copy(
                obuf, o_hbm.at[:, pl.ds(r0, _R)], sem_o)

        def start_in(k, buf, sem_h, sem_m):
            for c in in_copies(k, buf, sem_h, sem_m):
                c.start()

        def wait_in(k, buf, sem_h, sem_m):
            for c in in_copies(k, buf, sem_h, sem_m):
                c.wait()

        def compute(buf, obuf):
            @plsc.parallel_loop(0, n_groups, 1, unroll=8)
            def group_body(g):
                base = _HALO + g * _L

                def ld(col):
                    return buf[col, pl.ds(base, _L)]

                ha_open = ld(0)
                ha_close = ld(1)
                high_diff = ld(8)
                low_diff = ld(9)
                body_diff = ld(10)
                ma = ld(11)
                ma_prev = plsc.load_gather(buf, [row11, lane + (base - 1)])
                ma_sig = ld(12)
                rsi = ld(13)
                s_sig = ld(14)
                bb_up = ld(16)
                bb_lo = ld(17)

                body_big = jnp.abs(ha_close - ha_open) > 0.5
                strong_b = ((ha_close > ha_open) & (body_diff > 0.0)
                            & body_big & (high_diff > 0.0) & (low_diff > 0.0))
                strong_br = ((ha_close < ha_open) & (body_diff < 0.0)
                             & body_big & (high_diff < 0.0) & (low_diff < 0.0))
                d = ma - ma_prev
                map_, man = ma > 0.0, ma < 0.0
                dp, dn = d > 0.0, d < 0.0
                sp = (dp & map_) | (dn & man)
                sn = (dn & map_) | (dp & man)
                num = ha_close - bb_lo
                den = bb_up - bb_lo
                denp, denn = den > 0.0, den < 0.0
                t2 = 0.2 * den
                t8 = 0.8 * den
                pp_lo = ((num < t2) & denp) | ((num > t2) & denn)
                pp_hi = ((num > t8) & denp) | ((num < t8) & denn)
                bb0 = pp_hi & sn
                bb2 = pp_lo & sp
                ob = (rsi > 0.8) & sn
                osd = (rsi < 0.2) & sp
                msig_hi = ma_sig > 0.1
                msig_lo = ma_sig < -0.1
                ssig_hi = s_sig > 0.1
                ssig_lo = s_sig < -0.1
                ma0 = msig_lo & sn
                ma2 = msig_hi & sp
                long_s = strong_b & sp & ((msig_hi & ssig_lo)
                                          | (msig_hi & pp_lo)
                                          | (ssig_lo & pp_lo))
                short_s = strong_br & sn & ((msig_lo & ssig_hi)
                                            | (msig_lo & pp_hi)
                                            | (ssig_hi & pp_hi))
                c0 = (jnp.where(strong_br, 0.7 * 1.2, 0.0)
                      + jnp.where(ma0, 0.7 * 1.5, 0.0)
                      + jnp.where(ob, 0.7 * 1.0, 0.0)
                      + jnp.where(bb0, 0.7 * 1.2, 0.0)
                      + jnp.where(short_s, 0.8 * 1.8, 0.0))
                c2 = (jnp.where(strong_b, 0.7 * 1.2, 0.0)
                      + jnp.where(ma2, 0.7 * 1.5, 0.0)
                      + jnp.where(osd, 0.7 * 1.0, 0.0)
                      + jnp.where(bb2, 0.7 * 1.2, 0.0)
                      + jnp.where(long_s, 0.8 * 1.8, 0.0))
                x0 = 0.8 + 2.0 * c0
                x2 = 0.8 + 2.0 * c2
                m = jnp.maximum(x0, x2)
                e0 = jnp.exp(x0 - m)
                e1 = jnp.exp(0.4 - m)
                e2 = jnp.exp(x2 - m)
                inv = 1.0 / (e0 + e1 + e2)
                out_s = pl.ds(g * _L, _L)
                obuf[0, out_s] = e0 * inv
                obuf[1, out_s] = e1 * inv
                obuf[2, out_s] = e2 * inv

        def do_chunk(k, buf, sem_h, sem_m, obuf, sem_o):
            wait_in(k, buf, sem_h, sem_m)

            @pl.when(k > 1)
            def _():
                out_copy(k - 2, obuf, sem_o).wait()

            compute(buf, obuf)
            out_copy(k, obuf, sem_o).start()

        start_in(0, in0, sh0, sm0)

        def pair_body(j, carry):
            a = 2 * j
            b = a + 1
            start_in(b, in1, sh1, sm1)
            do_chunk(a, in0, sh0, sm0, ot0, so0)

            @pl.when(j + 1 < n_pairs)
            def _():
                start_in(a + 2, in0, sh0, sm0)

            do_chunk(b, in1, sh1, sm1, ot1, so1)
            return carry

        lax.fori_loop(0, n_pairs, pair_body, 0)
        out_copy(n_chunks - 2, ot0, so0).wait()
        out_copy(n_chunks - 1, ot1, so1).wait()

    return sck


def kernel(state):
    B, _ = state.shape
    xt = state.T
    ot = _build(B)(xt)
    return ot.T

# --- scband reference (transcript-rebuilt; emitter-appended) ---
"""Pipeline reference for scband-indicator-distribution-44083544326362 (READ-ONLY COPY).

The authoritative reference and input builder live on the scoring server;
editing this copy changes nothing except your own understanding.
"""

import jax, jax.numpy as jnp
import numpy as np


def setup_inputs(seed: int = 0) -> dict:
    key = jax.random.key(seed)
    state = jax.random.normal(key, (1048576, 19), dtype=jnp.float32)
    return {"state": state}


def reference(state):
    B = state.shape[0]
    action_dim = 3
    default_probs = jnp.array([0.4, 0.2, 0.4], dtype=state.dtype)
    default_logits = jnp.broadcast_to(default_probs[None, :], (B, action_dim))
    ha_open = state[:, 0]
    ha_close = state[:, 1]
    ha_lower_wick = state[:, 5]
    ha_upper_wick = state[:, 6]
    high_diff = state[:, 8]
    low_diff = state[:, 9]
    body_diff = state[:, 10]
    is_bullish = ha_close > ha_open
    is_bearish = ha_close < ha_open
    body_size = jnp.abs(ha_close - ha_open)
    trend_bullish = jnp.logical_and(is_bullish, body_diff > 0)
    trend_bearish = jnp.logical_and(is_bearish, body_diff < 0)
    strong_bullish = trend_bullish & (body_size > 0.5) & (high_diff > 0) & (low_diff > 0)
    strong_bearish = trend_bearish & (body_size > 0.5) & (high_diff < 0) & (low_diff < 0)
    zeros = jnp.zeros((B,), state.dtype)
    # masked scatter-write: ha_signal_tensor[mask, col] = 0.7
    ha_col0 = jnp.where(strong_bearish, 0.7, 0.0).astype(state.dtype)
    ha_col2 = jnp.where(strong_bullish, 0.7, 0.0).astype(state.dtype)
    ha_signal = jnp.stack([ha_col0, zeros, ha_col2], axis=1)
    ma_200 = state[:, 11]
    ma_200_signal = state[:, 12]
    ma_slope = (ma_200 - jnp.roll(ma_200, 1, axis=0)) / ma_200
    stoch_rsi = state[:, 13]
    stoch_signal = state[:, 14]
    bb_upper = state[:, 16]
    bb_lower = state[:, 17]
    bb_width = state[:, 18]
    price_position = (ha_close - bb_lower) / (bb_upper - bb_lower)
    band_squeeze = bb_width < 0.1
    band_expansion = bb_width > 0.2
    bb_col2 = jnp.where((price_position < 0.2) & (ma_slope > 0), 0.7, 0.0).astype(state.dtype)
    bb_col0 = jnp.where((price_position > 0.8) & (ma_slope < 0), 0.7, 0.0).astype(state.dtype)
    squeeze_expansion = jnp.logical_and(band_squeeze, band_expansion)
    bb_col2 = jnp.where(squeeze_expansion & (ma_slope > 0), 0.8, bb_col2)
    bb_col0 = jnp.where(squeeze_expansion & (ma_slope < 0), 0.8, bb_col0)
    bb_signal = jnp.stack([bb_col0, zeros, bb_col2], axis=1)
    overbought = jnp.logical_and(stoch_rsi > 0.8, ma_slope < 0)
    oversold = jnp.logical_and(stoch_rsi < 0.2, ma_slope > 0)
    stoch_tensor = jnp.stack([
        jnp.where(overbought, 0.7, 0.0).astype(state.dtype), zeros,
        jnp.where(oversold, 0.7, 0.0).astype(state.dtype)], axis=1)
    ma_tensor = jnp.stack([
        jnp.where((ma_200_signal < -0.1) & (ma_slope < 0), 0.7, 0.0).astype(state.dtype), zeros,
        jnp.where((ma_200_signal > 0.1) & (ma_slope > 0), 0.7, 0.0).astype(state.dtype)], axis=1)
    long_signal = (ha_signal[:, 2] > 0) & (ma_slope > 0) & (
        ((ma_200_signal > 0.1) & (stoch_signal < -0.1))
        | ((ma_200_signal > 0.1) & (price_position < 0.2))
        | ((stoch_signal < -0.1) & (price_position < 0.2)))
    short_signal = (ha_signal[:, 0] > 0) & (ma_slope < 0) & (
        ((ma_200_signal < -0.1) & (stoch_signal > 0.1))
        | ((ma_200_signal < -0.1) & (price_position > 0.8))
        | ((stoch_signal > 0.1) & (price_position > 0.8)))
    combo = jnp.stack([
        jnp.where(short_signal, 0.8, 0.0).astype(state.dtype), zeros,
        jnp.where(long_signal, 0.8, 0.0).astype(state.dtype)], axis=1)
    combined = ha_signal * 1.2 + ma_tensor * 1.5 + stoch_tensor * 1.0 + bb_signal * 1.2 + combo * 1.8
    mixed_logits = default_logits + combined
    final_probs = jax.nn.softmax(mixed_logits / 0.5, axis=-1)
    return final_probs

if __name__ == "__main__":
    import jax
    _d = setup_inputs()
    print(jax.jit(kernel)(*tuple(_d.values())))

</pallas_src>

<mosaic_0001>
#map = affine_map<(d0, d1) -> (0, 0)>
module attributes {stable_mosaic.version = 14 : i64} {
  func.func @sck(%arg0: i32, %arg1: i32, %arg2: memref<19x1048576xf32, #tpu.memory_space<hbm>>, %arg3: memref<3x1048576xf32, #tpu.memory_space<hbm>>, %arg4: memref<19x1152xf32, #tpu.memory_space<vmem>>, %arg5: memref<19x1152xf32, #tpu.memory_space<vmem>>, %arg6: memref<3x1024xf32, #tpu.memory_space<vmem>>, %arg7: memref<3x1024xf32, #tpu.memory_space<vmem>>, %arg8: memref<!tpu.dma_semaphore, #tpu.memory_space<semaphore_mem>>, %arg9: memref<!tpu.dma_semaphore, #tpu.memory_space<semaphore_mem>>, %arg10: memref<!tpu.dma_semaphore, #tpu.memory_space<semaphore_mem>>, %arg11: memref<!tpu.dma_semaphore, #tpu.memory_space<semaphore_mem>>, %arg12: memref<!tpu.dma_semaphore, #tpu.memory_space<semaphore_mem>>, %arg13: memref<!tpu.dma_semaphore, #tpu.memory_space<semaphore_mem>>) attributes {dimension_semantics = [#tpu.dimension_semantics<core_parallel>, #tpu.dimension_semantics<subcore_parallel>], iteration_bounds = array<i64: 2, 16>, scalar_prefetch = 0 : i64, scratch_operands = 10 : i64, tpu.core_type = #tpu.core_type<sc_vector_subcore>, window_params = [{transform_indices = #map}, {transform_indices = #map}]} {
    %mul3A = arith.constant 2 : i32
    %mul3A_0 = arith.muli %arg1, %mul3A : i32
    %add3A = arith.addi %mul3A_0, %arg0 : i32
    %iota3A = tpu.iota {dimensions = array<i32: 0>} : vector<16xi32>
    %broadcast_in_dim3A = arith.constant 11 : i32
    %broadcast_in_dim3A_1 = vector.broadcast %broadcast_in_dim3A : i32 to vector<16xi32>
    %mul3A_2 = arith.constant 32768 : i32
    %mul3A_3 = arith.muli %add3A, %mul3A_2 : i32
    %add3A_4 = arith.constant 0 : i32
    %add3A_5 = arith.addi %mul3A_3, %add3A_4 : i32
    %eq3A = arith.constant 0 : i32
    %eq3A_6 = arith.cmpi eq, %add3A_5, %eq3A : i32
    %sub3A = arith.constant 128 : i32
    %sub3A_7 = arith.subi %add3A_5, %sub3A : i32
    %jit3A = arith.constant 1048448 : i32
    %select_n3A = arith.select %eq3A_6, %jit3A, %sub3A_7 : i32
    %dma_start3A = arith.constant 11 : i32
    %dma_start3A_8 = arith.constant 11 : i32
    %dma_start3A_9 = arith.constant 0 : i32
    %dma_start3A_10 = tpu.memref_slice %arg4[%dma_start3A_8, %dma_start3A_9] : memref<19x1152xf32, #tpu.memory_space<vmem>> -> memref<1x128xf32, #tpu.memory_space<vmem>>
    %dma_start3A_11 = tpu.memref_squeeze %dma_start3A_10 : memref<1x128xf32, #tpu.memory_space<vmem>> -> memref<128xf32, #tpu.memory_space<vmem>>
    %dma_start3A_12 = tpu.memref_slice %arg2[%dma_start3A, %select_n3A] : memref<19x1048576xf32, #tpu.memory_space<hbm>> -> memref<1x128xf32, #tpu.memory_space<hbm>>
    %dma_start3A_13 = tpu.memref_squeeze %dma_start3A_12 : memref<1x128xf32, #tpu.memory_space<hbm>> -> memref<128xf32, #tpu.memory_space<hbm>>
    %dma_start3A_14 = arith.constant 0 : i32
    %dma_start3A_15 = tpu.memref_slice %arg4[%dma_start3A_8, %dma_start3A_14] : memref<19x1152xf32, #tpu.memory_space<vmem>> -> memref<1x128xf32, #tpu.memory_space<vmem>>
    %dma_start3A_16 = tpu.memref_squeeze %dma_start3A_15 : memref<1x128xf32, #tpu.memory_space<vmem>> -> memref<128xf32, #tpu.memory_space<vmem>>
    %dma_start3A_17 = tpu.memref_slice %arg2[%dma_start3A, %select_n3A] : memref<19x1048576xf32, #tpu.memory_space<hbm>> -> memref<1x128xf32, #tpu.memory_space<hbm>>
    %dma_start3A_18 = tpu.memref_squeeze %dma_start3A_17 : memref<1x128xf32, #tpu.memory_space<hbm>> -> memref<128xf32, #tpu.memory_space<hbm>>
    tpu.enqueue_dma source(%dma_start3A_18 : memref<128xf32, #tpu.memory_space<hbm>>) target(%dma_start3A_16 : memref<128xf32, #tpu.memory_space<vmem>>) target_semaphore(%arg8 : memref<!tpu.dma_semaphore, #tpu.memory_space<semaphore_mem>>)
    %dma_start3A_19 = arith.constant 11 : i32
    %dma_start3A_20 = arith.constant 11 : i32
    %dma_start3A_21 = arith.constant 128 : i32
    %dma_start3A_22 = tpu.memref_slice %arg4[%dma_start3A_20, %dma_start3A_21] : memref<19x1152xf32, #tpu.memory_space<vmem>> -> memref<1x1024xf32, #tpu.memory_space<vmem>>
    %dma_start3A_23 = tpu.memref_squeeze %dma_start3A_22 : memref<1x1024xf32, #tpu.memory_space<vmem>> -> memref<1024xf32, #tpu.memory_space<vmem>>
    %dma_start3A_24 = tpu.memref_slice %arg2[%dma_start3A_19, %add3A_5] : memref<19x1048576xf32, #tpu.memory_space<hbm>> -> memref<1x1024xf32, #tpu.memory_space<hbm>>
    %dma_start3A_25 = tpu.memref_squeeze %dma_start3A_24 : memref<1x1024xf32, #tpu.memory_space<hbm>> -> memref<1024xf32, #tpu.memory_space<hbm>>
    %dma_start3A_26 = arith.constant 128 : i32
    %dma_start3A_27 = tpu.memref_slice %arg4[%dma_start3A_20, %dma_start3A_26] : memref<19x1152xf32, #tpu.memory_space<vmem>> -> memref<1x1024xf32, #tpu.memory_space<vmem>>
    %dma_start3A_28 = tpu.memref_squeeze %dma_start3A_27 : memref<1x1024xf32, #tpu.memory_space<vmem>> -> memref<1024xf32, #tpu.memory_space<vmem>>
    %dma_start3A_29 = tpu.memref_slice %arg2[%dma_start3A_19, %add3A_5] : memref<19x1048576xf32, #tpu.memory_space<hbm>> -> memref<1x1024xf32, #tpu.memory_space<hbm>>
    %dma_start3A_30 = tpu.memref_squeeze %dma_start3A_29 : memref<1x1024xf32, #tpu.memory_space<hbm>> -> memref<1024xf32, #tpu.memory_space<hbm>>
    tpu.enqueue_dma source(%dma_start3A_30 : memref<1024xf32, #tpu.memory_space<hbm>>) target(%dma_start3A_28 : memref<1024xf32, #tpu.memory_space<vmem>>) target_semaphore(%arg8 : memref<!tpu.dma_semaphore, #tpu.memory_space<semaphore_mem>>)
    %dma_start3A_31 = arith.constant 0 : i32
    %dma_start3A_32 = arith.constant 0 : i32
    %dma_start3A_33 = arith.constant 128 : i32
    %dma_start3A_34 = tpu.memref_slice %arg4[%dma_start3A_32, %dma_start3A_33] : memref<19x1152xf32, #tpu.memory_space<vmem>> -> memref<1x1024xf32, #tpu.memory_space<vmem>>
    %dma_start3A_35 = tpu.memref_squeeze %dma_start3A_34 : memref<1x1024xf32, #tpu.memory_space<vmem>> -> memref<1024xf32, #tpu.memory_space<vmem>>
    %dma_start3A_36 = tpu.memref_slice %arg2[%dma_start3A_31, %add3A_5] : memref<19x1048576xf32, #tpu.memory_space<hbm>> -> memref<1x1024xf32, #tpu.memory_space<hbm>>
    %dma_start3A_37 = tpu.memref_squeeze %dma_start3A_36 : memref<1x1024xf32, #tpu.memory_space<hbm>> -> memref<1024xf32, #tpu.memory_space<hbm>>
    %dma_start3A_38 = arith.constant 128 : i32
    %dma_start3A_39 = tpu.memref_slice %arg4[%dma_start3A_32, %dma_start3A_38] : memref<19x1152xf32, #tpu.memory_space<vmem>> -> memref<1x1024xf32, #tpu.memory_space<vmem>>
    %dma_start3A_40 = tpu.memref_squeeze %dma_start3A_39 : memref<1x1024xf32, #tpu.memory_space<vmem>> -> memref<1024xf32, #tpu.memory_space<vmem>>
    %dma_start3A_41 = tpu.memref_slice %arg2[%dma_start3A_31, %add3A_5] : memref<19x1048576xf32, #tpu.memory_space<hbm>> -> memref<1x1024xf32, #tpu.memory_space<hbm>>
    %dma_start3A_42 = tpu.memref_squeeze %dma_start3A_41 : memref<1x1024xf32, #tpu.memory_space<hbm>> -> memref<1024xf32, #tpu.memory_space<hbm>>
    tpu.enqueue_dma source(%dma_start3A_42 : memref<1024xf32, #tpu.memory_space<hbm>>) target(%dma_start3A_40 : memref<1024xf32, #tpu.memory_space<vmem>>) target_semaphore(%arg9 : memref<!tpu.dma_semaphore, #tpu.memory_space<semaphore_mem>>)
    %dma_start3A_43 = arith.constant 1 : i32
    %dma_start3A_44 = arith.constant 1 : i32
    %dma_start3A_45 = arith.constant 128 : i32
    %dma_start3A_46 = tpu.memref_slice %arg4[%dma_start3A_44, %dma_start3A_45] : memref<19x1152xf32, #tpu.memory_space<vmem>> -> memref<1x1024xf32, #tpu.memory_space<vmem>>
    %dma_start3A_47 = tpu.memref_squeeze %dma_start3A_46 : memref<1x1024xf32, #tpu.memory_space<vmem>> -> memref<1024xf32, #tpu.memory_space<vmem>>
    %dma_start3A_48 = tpu.memref_slice %arg2[%dma_start3A_43, %add3A_5] : memref<19x1048576xf32, #tpu.memory_space<hbm>> -> memref<1x1024xf32, #tpu.memory_space<hbm>>
    %dma_start3A_49 = tpu.memref_squeeze %dma_start3A_48 : memref<1x1024xf32, #tpu.memory_space<hbm>> -> memref<1024xf32, #tpu.memory_space<hbm>>
    %dma_start3A_50 = arith.constant 128 : i32
    %dma_start3A_51 = tpu.memref_slice %arg4[%dma_start3A_44, %dma_start3A_50] : memref<19x1152xf32, #tpu.memory_space<vmem>> -> memref<1x1024xf32, #tpu.memory_space<vmem>>
    %dma_start3A_52 = tpu.memref_squeeze %dma_start3A_51 : memref<1x1024xf32, #tpu.memory_space<vmem>> -> memref<1024xf32, #tpu.memory_space<vmem>>
    %dma_start3A_53 = tpu.memref_slice %arg2[%dma_start3A_43, %add3A_5] : memref<19x1048576xf32, #tpu.memory_space<hbm>> -> memref<1x1024xf32, #tpu.memory_space<hbm>>
    %dma_start3A_54 = tpu.memref_squeeze %dma_start3A_53 : memref<1x1024xf32, #tpu.memory_space<hbm>> -> memref<1024xf32, #tpu.memory_space<hbm>>
    tpu.enqueue_dma source(%dma_start3A_54 : memref<1024xf32, #tpu.memory_space<hbm>>) target(%dma_start3A_52 : memref<1024xf32, #tpu.memory_space<vmem>>) target_semaphore(%arg9 : memref<!tpu.dma_semaphore, #tpu.memory_space<semaphore_mem>>)
    %dma_start3A_55 = arith.constant 8 : i32
    %dma_start3A_56 = arith.constant 8 : i32
    %dma_start3A_57 = arith.constant 128 : i32
    %dma_start3A_58 = tpu.memref_slice %arg4[%dma_start3A_56, %dma_start3A_57] : memref<19x1152xf32, #tpu.memory_space<vmem>> -> memref<1x1024xf32, #tpu.memory_space<vmem>>
    %dma_start3A_59 = tpu.memref_squeeze %dma_start3A_58 : memref<1x1024xf32, #tpu.memory_space<vmem>> -> memref<1024xf32, #tpu.memory_space<vmem>>
    %dma_start3A_60 = tpu.memref_slice %arg2[%dma_start3A_55, %add3A_5] : memref<19x1048576xf32, #tpu.memory_space<hbm>> -> memref<1x1024xf32, #tpu.memory_space<hbm>>
    %dma_start3A_61 = tpu.memref_squeeze %dma_start3A_60 : memref<1x1024xf32, #tpu.memory_space<hbm>> -> memref<1024xf32, #tpu.memory_space<hbm>>
    %dma_start3A_62 = arith.constant 128 : i32
    %dma_start3A_63 = tpu.memref_slice %arg4[%dma_start3A_56, %dma_start3A_62] : memref<19x1152xf32, #tpu.memory_space<vmem>> -> memref<1x1024xf32, #tpu.memory_space<vmem>>
    %dma_start3A_64 = tpu.memref_squeeze %dma_start3A_63 : memref<1x1024xf32, #tpu.memory_space<vmem>> -> memref<1024xf32, #tpu.memory_space<vmem>>
    %dma_start3A_65 = tpu.memref_slice %arg2[%dma_start3A_55, %add3A_5] : memref<19x1048576xf32, #tpu.memory_space<hbm>> -> memref<1x1024xf32, #tpu.memory_space<hbm>>
    %dma_start3A_66 = tpu.memref_squeeze %dma_start3A_65 : memref<1x1024xf32, #tpu.memory_space<hbm>> -> memref<1024xf32, #tpu.memory_space<hbm>>
    tpu.enqueue_dma source(%dma_start3A_66 : memref<1024xf32, #tpu.memory_space<hbm>>) target(%dma_start3A_64 : memref<1024xf32, #tpu.memory_space<vmem>>) target_semaphore(%arg9 : memref<!tpu.dma_semaphore, #tpu.memory_space<semaphore_mem>>)
    %dma_start3A_67 = arith.constant 9 : i32
    %dma_start3A_68 = arith.constant 9 : i32
    %dma_start3A_69 = arith.constant 128 : i32
    %dma_start3A_70 = tpu.memref_slice %arg4[%dma_start3A_68, %dma_start3A_69] : memref<19x1152xf32, #tpu.memory_space<vmem>> -> memref<1x1024xf32, #tpu.memory_space<vmem>>
    %dma_start3A_71 = tpu.memref_squeeze %dma_start3A_70 : memref<1x1024xf32, #tpu.memory_space<vmem>> -> memref<1024xf32, #tpu.memory_space<vmem>>
    %dma_start3A_72 = tpu.memref_slice %arg2[%dma_start3A_67, %add3A_5] : memref<19x1048576xf32, #tpu.memory_space<hbm>> -> memref<1x1024xf32, #tpu.memory_space<hbm>>
    %dma_start3A_73 = tpu.memref_squeeze %dma_start3A_72 : memref<1x1024xf32, #tpu.memory_space<hbm>> -> memref<1024xf32, #tpu.memory_space<hbm>>
    %dma_start3A_74 = arith.constant 128 : i32
    %dma_start3A_75 = tpu.memref_slice %arg4[%dma_start3A_68, %dma_start3A_74] : memref<19x1152xf32, #tpu.memory_space<vmem>> -> memref<1x1024xf32, #tpu.memory_space<vmem>>
    %dma_start3A_76 = tpu.memref_squeeze %dma_start3A_75 : memref<1x1024xf32, #tpu.memory_space<vmem>> -> memref<1024xf32, #tpu.memory_space<vmem>>
    %dma_start3A_77 = tpu.memref_slice %arg2[%dma_start3A_67, %add3A_5] : memref<19x1048576xf32, #tpu.memory_space<hbm>> -> memref<1x1024xf32, #tpu.memory_space<hbm>>
    %dma_start3A_78 = tpu.memref_squeeze %dma_start3A_77 : memref<1x1024xf32, #tpu.memory_space<hbm>> -> memref<1024xf32, #tpu.memory_space<hbm>>
    tpu.enqueue_dma source(%dma_start3A_78 : memref<1024xf32, #tpu.memory_space<hbm>>) target(%dma_start3A_76 : memref<1024xf32, #tpu.memory_space<vmem>>) target_semaphore(%arg9 : memref<!tpu.dma_semaphore, #tpu.memory_space<semaphore_mem>>)
    %dma_start3A_79 = arith.constant 10 : i32
    %dma_start3A_80 = arith.constant 10 : i32
    %dma_start3A_81 = arith.constant 128 : i32
    %dma_start3A_82 = tpu.memref_slice %arg4[%dma_start3A_80, %dma_start3A_81] : memref<19x1152xf32, #tpu.memory_space<vmem>> -> memref<1x1024xf32, #tpu.memory_space<vmem>>
    %dma_start3A_83 = tpu.memref_squeeze %dma_start3A_82 : memref<1x1024xf32, #tpu.memory_space<vmem>> -> memref<1024xf32, #tpu.memory_space<vmem>>
    %dma_start3A_84 = tpu.memref_slice %arg2[%dma_start3A_79, %add3A_5] : memref<19x1048576xf32, #tpu.memory_space<hbm>> -> memref<1x1024xf32, #tpu.memory_space<hbm>>
    %dma_start3A_85 = tpu.memref_squeeze %dma_start3A_84 : memref<1x1024xf32, #tpu.memory_space<hbm>> -> memref<1024xf32, #tpu.memory_space<hbm>>
    %dma_start3A_86 = arith.constant 128 : i32
    %dma_start3A_87 = tpu.memref_slice %arg4[%dma_start3A_80, %dma_start3A_86] : memref<19x1152xf32, #tpu.memory_space<vmem>> -> memref<1x1024xf32, #tpu.memory_space<vmem>>
    %dma_start3A_88 = tpu.memref_squeeze %dma_start3A_87 : memref<1x1024xf32, #tpu.memory_space<vmem>> -> memref<1024xf32, #tpu.memory_space<vmem>>
    %dma_start3A_89 = tpu.memref_slice %arg2[%dma_start3A_79, %add3A_5] : memref<19x1048576xf32, #tpu.memory_space<hbm>> -> memref<1x1024xf32, #tpu.memory_space<hbm>>
    %dma_start3A_90 = tpu.memref_squeeze %dma_start3A_89 : memref<1x1024xf32, #tpu.memory_space<hbm>> -> memref<1024xf32, #tpu.memory_space<hbm>>
    tpu.enqueue_dma source(%dma_start3A_90 : memref<1024xf32, #tpu.memory_space<hbm>>) target(%dma_start3A_88 : memref<1024xf32, #tpu.memory_space<vmem>>) target_semaphore(%arg9 : memref<!tpu.dma_semaphore, #tpu.memory_space<semaphore_mem>>)
    %dma_start3A_91 = arith.constant 12 : i32
    %dma_start3A_92 = arith.constant 12 : i32
    %dma_start3A_93 = arith.constant 128 : i32
    %dma_start3A_94 = tpu.memref_slice %arg4[%dma_start3A_92, %dma_start3A_93] : memref<19x1152xf32, #tpu.memory_space<vmem>> -> memref<1x1024xf32, #tpu.memory_space<vmem>>
    %dma_start3A_95 = tpu.memref_squeeze %dma_start3A_94 : memref<1x1024xf32, #tpu.memory_space<vmem>> -> memref<1024xf32, #tpu.memory_space<vmem>>
    %dma_start3A_96 = tpu.memref_slice %arg2[%dma_start3A_91, %add3A_5] : memref<19x1048576xf32, #tpu.memory_space<hbm>> -> memref<1x1024xf32, #tpu.memory_space<hbm>>
    %dma_start3A_97 = tpu.memref_squeeze %dma_start3A_96 : memref<1x1024xf32, #tpu.memory_space<hbm>> -> memref<1024xf32, #tpu.memory_space<hbm>>
    %dma_start3A_98 = arith.constant 128 : i32
    %dma_start3A_99 = tpu.memref_slice %arg4[%dma_start3A_92, %dma_start3A_98] : memref<19x1152xf32, #tpu.memory_space<vmem>> -> memref<1x1024xf32, #tpu.memory_space<vmem>>
    %dma_start3A_100 = tpu.memref_squeeze %dma_start3A_99 : memref<1x1024xf32, #tpu.memory_space<vmem>> -> memref<1024xf32, #tpu.memory_space<vmem>>
    %dma_start3A_101 = tpu.memref_slice %arg2[%dma_start3A_91, %add3A_5] : memref<19x1048576xf32, #tpu.memory_space<hbm>> -> memref<1x1024xf32, #tpu.memory_space<hbm>>
    %dma_start3A_102 = tpu.memref_squeeze %dma_start3A_101 : memref<1x1024xf32, #tpu.memory_space<hbm>> -> memref<1024xf32, #tpu.memory_space<hbm>>
    tpu.enqueue_dma source(%dma_start3A_102 : memref<1024xf32, #tpu.memory_space<hbm>>) target(%dma_start3A_100 : memref<1024xf32, #tpu.memory_space<vmem>>) target_semaphore(%arg9 : memref<!tpu.dma_semaphore, #tpu.memory_space<semaphore_mem>>)
    %dma_start3A_103 = arith.constant 13 : i32
    %dma_start3A_104 = arith.constant 13 : i32
    %dma_start3A_105 = arith.constant 128 : i32
    %dma_start3A_106 = tpu.memref_slice %arg4[%dma_start3A_104, %dma_start3A_105] : memref<19x1152xf32, #tpu.memory_space<vmem>> -> memref<1x1024xf32, #tpu.memory_space<vmem>>
    %dma_start3A_107 = tpu.memref_squeeze %dma_start3A_106 : memref<1x1024xf32, #tpu.memory_space<vmem>> -> memref<1024xf32, #tpu.memory_space<vmem>>
    %dma_start3A_108 = tpu.memref_slice %arg2[%dma_start3A_103, %add3A_5] : memref<19x1048576xf32, #tpu.memory_space<hbm>> -> memref<1x1024xf32, #tpu.memory_space<hbm>>
    %dma_start3A_109 = tpu.memref_squeeze %dma_start3A_108 : memref<1x1024xf32, #tpu.memory_space<hbm>> -> memref<1024xf32, #tpu.memory_space<hbm>>
    %dma_start3A_110 = arith.constant 128 : i32
    %dma_start3A_111 = tpu.memref_slice %arg4[%dma_start3A_104, %dma_start3A_110] : memref<19x1152xf32, #tpu.memory_space<vmem>> -> memref<1x1024xf32, #tpu.memory_space<vmem>>
    %dma_start3A_112 = tpu.memref_squeeze %dma_start3A_111 : memref<1x1024xf32, #tpu.memory_space<vmem>> -> memref<1024xf32, #tpu.memory_space<vmem>>
    %dma_start3A_113 = tpu.memref_slice %arg2[%dma_start3A_103, %add3A_5] : memref<19x1048576xf32, #tpu.memory_space<hbm>> -> memref<1x1024xf32, #tpu.memory_space<hbm>>
    %dma_start3A_114 = tpu.memref_squeeze %dma_start3A_113 : memref<1x1024xf32, #tpu.memory_space<hbm>> -> memref<1024xf32, #tpu.memory_space<hbm>>
    tpu.enqueue_dma source(%dma_start3A_114 : memref<1024xf32, #tpu.memory_space<hbm>>) target(%dma_start3A_112 : memref<1024xf32, #tpu.memory_space<vmem>>) target_semaphore(%arg9 : memref<!tpu.dma_semaphore, #tpu.memory_space<semaphore_mem>>)
    %dma_start3A_115 = arith.constant 14 : i32
    %dma_start3A_116 = arith.constant 14 : i32
    %dma_start3A_117 = arith.constant 128 : i32
    %dma_start3A_118 = tpu.memref_slice %arg4[%dma_start3A_116, %dma_start3A_117] : memref<19x1152xf32, #tpu.memory_space<vmem>> -> memref<1x1024xf32, #tpu.memory_space<vmem>>
    %dma_start3A_119 = tpu.memref_squeeze %dma_start3A_118 : memref<1x1024xf32, #tpu.memory_space<vmem>> -> memref<1024xf32, #tpu.memory_space<vmem>>
    %dma_start3A_120 = tpu.memref_slice %arg2[%dma_start3A_115, %add3A_5] : memref<19x1048576xf32, #tpu.memory_space<hbm>> -> memref<1x1024xf32, #tpu.memory_space<hbm>>
    %dma_start3A_121 = tpu.memref_squeeze %dma_start3A_120 : memref<1x1024xf32, #tpu.memory_space<hbm>> -> memref<1024xf32, #tpu.memory_space<hbm>>
    %dma_start3A_122 = arith.constant 128 : i32
    %dma_start3A_123 = tpu.memref_slice %arg4[%dma_start3A_116, %dma_start3A_122] : memref<19x1152xf32, #tpu.memory_space<vmem>> -> memref<1x1024xf32, #tpu.memory_space<vmem>>
    %dma_start3A_124 = tpu.memref_squeeze %dma_start3A_123 : memref<1x1024xf32, #tpu.memory_space<vmem>> -> memref<1024xf32, #tpu.memory_space<vmem>>
    %dma_start3A_125 = tpu.memref_slice %arg2[%dma_start3A_115, %add3A_5] : memref<19x1048576xf32, #tpu.memory_space<hbm>> -> memref<1x1024xf32, #tpu.memory_space<hbm>>
    %dma_start3A_126 = tpu.memref_squeeze %dma_start3A_125 : memref<1x1024xf32, #tpu.memory_space<hbm>> -> memref<1024xf32, #tpu.memory_space<hbm>>
    tpu.enqueue_dma source(%dma_start3A_126 : memref<1024xf32, #tpu.memory_space<hbm>>) target(%dma_start3A_124 : memref<1024xf32, #tpu.memory_space<vmem>>) target_semaphore(%arg9 : memref<!tpu.dma_semaphore, #tpu.memory_space<semaphore_mem>>)
    %dma_start3A_127 = arith.constant 16 : i32
    %dma_start3A_128 = arith.constant 16 : i32
    %dma_start3A_129 = arith.constant 128 : i32
    %dma_start3A_130 = tpu.memref_slice %arg4[%dma_start3A_128, %dma_start3A_129] : memref<19x1152xf32, #tpu.memory_space<vmem>> -> memref<1x1024xf32, #tpu.memory_space<vmem>>
    %dma_start3A_131 = tpu.memref_squeeze %dma_start3A_130 : memref<1x1024xf32, #tpu.memory_space<vmem>> -> memref<1024xf32, #tpu.memory_space<vmem>>
    %dma_start3A_132 = tpu.memref_slice %arg2[%dma_start3A_127, %add3A_5] : memref<19x1048576xf32, #tpu.memory_space<hbm>> -> memref<1x1024xf32, #tpu.memory_space<hbm>>
    %dma_start3A_133 = tpu.memref_squeeze %dma_start3A_132 : memref<1x1024xf32, #tpu.memory_space<hbm>> -> memref<1024xf32, #tpu.memory_space<hbm>>
    %dma_start3A_134 = arith.constant 128 : i32
    %dma_start3A_135 = tpu.memref_slice %arg4[%dma_start3A_128, %dma_start3A_134] : memref<19x1152xf32, #tpu.memory_space<vmem>> -> memref<1x1024xf32, #tpu.memory_space<vmem>>
    %dma_start3A_136 = tpu.memref_squeeze %dma_start3A_135 : memref<1x1024xf32, #tpu.memory_space<vmem>> -> memref<1024xf32, #tpu.memory_space<vmem>>
    %dma_start3A_137 = tpu.memref_slice %arg2[%dma_start3A_127, %add3A_5] : memref<19x1048576xf32, #tpu.memory_space<hbm>> -> memref<1x1024xf32, #tpu.memory_space<hbm>>
    %dma_start3A_138 = tpu.memref_squeeze %dma_start3A_137 : memref<1x1024xf32, #tpu.memory_space<hbm>> -> memref<1024xf32, #tpu.memory_space<hbm>>
    tpu.enqueue_dma source(%dma_start3A_138 : memref<1024xf32, #tpu.memory_space<hbm>>) target(%dma_start3A_136 : memref<1024xf32, #tpu.memory_space<vmem>>) target_semaphore(%arg9 : memref<!tpu.dma_semaphore, #tpu.memory_space<semaphore_mem>>)
    %dma_start3A_139 = arith.constant 17 : i32
    %dma_start3A_140 = arith.constant 17 : i32
    %dma_start3A_141 = arith.constant 128 : i32
    %dma_start3A_142 = tpu.memref_slice %arg4[%dma_start3A_140, %dma_start3A_141] : memref<19x1152xf32, #tpu.memory_space<vmem>> -> memref<1x1024xf32, #tpu.memory_space<vmem>>
    %dma_start3A_143 = tpu.memref_squeeze %dma_start3A_142 : memref<1x1024xf32, #tpu.memory_space<vmem>> -> memref<1024xf32, #tpu.memory_space<vmem>>
    %dma_start3A_144 = tpu.memref_slice %arg2[%dma_start3A_139, %add3A_5] : memref<19x1048576xf32, #tpu.memory_space<hbm>> -> memref<1x1024xf32, #tpu.memory_space<hbm>>
    %dma_start3A_145 = tpu.memref_squeeze %dma_start3A_144 : memref<1x1024xf32, #tpu.memory_space<hbm>> -> memref<1024xf32, #tpu.memory_space<hbm>>
    %dma_start3A_146 = arith.constant 128 : i32
    %dma_start3A_147 = tpu.memref_slice %arg4[%dma_start3A_140, %dma_start3A_146] : memref<19x1152xf32, #tpu.memory_space<vmem>> -> memref<1x1024xf32, #tpu.memory_space<vmem>>
    %dma_start3A_148 = tpu.memref_squeeze %dma_start3A_147 : memref<1x1024xf32, #tpu.memory_space<vmem>> -> memref<1024xf32, #tpu.memory_space<vmem>>
    %dma_start3A_149 = tpu.memref_slice %arg2[%dma_start3A_139, %add3A_5] : memref<19x1048576xf32, #tpu.memory_space<hbm>> -> memref<1x1024xf32, #tpu.memory_space<hbm>>
    %dma_start3A_150 = tpu.memref_squeeze %dma_start3A_149 : memref<1x1024xf32, #tpu.memory_space<hbm>> -> memref<1024xf32, #tpu.memory_space<hbm>>
    tpu.enqueue_dma source(%dma_start3A_150 : memref<1024xf32, #tpu.memory_space<hbm>>) target(%dma_start3A_148 : memref<1024xf32, #tpu.memory_space<vmem>>) target_semaphore(%arg9 : memref<!tpu.dma_semaphore, #tpu.memory_space<semaphore_mem>>)
    %scan3A = arith.constant 0 : i32
    %scan3A_151 = arith.constant 0 : i32
    %scan3A_152 = arith.constant 16 : i32
    %scan3A_153 = arith.addi %scan3A_151, %scan3A_152 : i32
    %scan3A_154 = arith.constant 1 : i32
    scf.for %scan3A_171 = %scan3A_151 to %scan3A_153 step %scan3A_154  : i32 {
      %mul3A_172 = arith.constant 2 : i32
      %mul3A_173 = arith.muli %mul3A_172, %scan3A_171 : i32
      %add3A_174 = arith.constant 1 : i32
      %add3A_175 = arith.addi %mul3A_173, %add3A_174 : i32
      %mul3A_176 = arith.constant 32768 : i32
      %mul3A_177 = arith.muli %add3A, %mul3A_176 : i32
      %mul3A_178 = arith.constant 1024 : i32
      %mul3A_179 = arith.muli %add3A_175, %mul3A_178 : i32
      %add3A_180 = arith.addi %mul3A_177, %mul3A_179 : i32
      %eq3A_181 = arith.constant 0 : i32
      %eq3A_182 = arith.cmpi eq, %add3A_180, %eq3A_181 : i32
      %sub3A_183 = arith.constant 128 : i32
      %sub3A_184 = arith.subi %add3A_180, %sub3A_183 : i32
      %jit3A_185 = arith.constant 1048448 : i32
      %select_n3A_186 = arith.select %eq3A_182, %jit3A_185, %sub3A_184 : i32
      %dma_start3A_187 = arith.constant 11 : i32
      %dma_start3A_188 = arith.constant 11 : i32
      %dma_start3A_189 = arith.constant 0 : i32
      %dma_start3A_190 = tpu.memref_slice %arg5[%dma_start3A_188, %dma_start3A_189] : memref<19x1152xf32, #tpu.memory_space<vmem>> -> memref<1x128xf32, #tpu.memory_space<vmem>>
      %dma_start3A_191 = tpu.memref_squeeze %dma_start3A_190 : memref<1x128xf32, #tpu.memory_space<vmem>> -> memref<128xf32, #tpu.memory_space<vmem>>
      %dma_start3A_192 = tpu.memref_slice %arg2[%dma_start3A_187, %select_n3A_186] : memref<19x1048576xf32, #tpu.memory_space<hbm>> -> memref<1x128xf32, #tpu.memory_space<hbm>>
      %dma_start3A_193 = tpu.memref_squeeze %dma_start3A_192 : memref<1x128xf32, #tpu.memory_space<hbm>> -> memref<128xf32, #tpu.memory_space<hbm>>
      %dma_start3A_194 = arith.constant 0 : i32
      %dma_start3A_195 = tpu.memref_slice %arg5[%dma_start3A_188, %dma_start3A_194] : memref<19x1152xf32, #tpu.memory_space<vmem>> -> memref<1x128xf32, #tpu.memory_space<vmem>>
      %dma_start3A_196 = tpu.memref_squeeze %dma_start3A_195 : memref<1x128xf32, #tpu.memory_space<vmem>> -> memref<128xf32, #tpu.memory_space<vmem>>
      %dma_start3A_197 = tpu.memref_slice %arg2[%dma_start3A_187, %select_n3A_186] : memref<19x1048576xf32, #tpu.memory_space<hbm>> -> memref<1x128xf32, #tpu.memory_space<hbm>>
      %dma_start3A_198 = tpu.memref_squeeze %dma_start3A_197 : memref<1x128xf32, #tpu.memory_space<hbm>> -> memref<128xf32, #tpu.memory_space<hbm>>
      tpu.enqueue_dma source(%dma_start3A_198 : memref<128xf32, #tpu.memory_space<hbm>>) target(%dma_start3A_196 : memref<128xf32, #tpu.memory_space<vmem>>) target_semaphore(%arg10 : memref<!tpu.dma_semaphore, #tpu.memory_space<semaphore_mem>>)
      %dma_start3A_199 = arith.constant 11 : i32
      %dma_start3A_200 = arith.constant 11 : i32
      %dma_start3A_201 = arith.constant 128 : i32
      %dma_start3A_202 = tpu.memref_slice %arg5[%dma_start3A_200, %dma_start3A_201] : memref<19x1152xf32, #tpu.memory_space<vmem>> -> memref<1x1024xf32, #tpu.memory_space<vmem>>
      %dma_start3A_203 = tpu.memref_squeeze %dma_start3A_202 : memref<1x1024xf32, #tpu.memory_space<vmem>> -> memref<1024xf32, #tpu.memory_space<vmem>>
      %dma_start3A_204 = tpu.memref_slice %arg2[%dma_start3A_199, %add3A_180] : memref<19x1048576xf32, #tpu.memory_space<hbm>> -> memref<1x1024xf32, #tpu.memory_space<hbm>>
      %dma_start3A_205 = tpu.memref_squeeze %dma_start3A_204 : memref<1x1024xf32, #tpu.memory_space<hbm>> -> memref<1024xf32, #tpu.memory_space<hbm>>
      %dma_start3A_206 = arith.constant 128 : i32
      %dma_start3A_207 = tpu.memref_slice %arg5[%dma_start3A_200, %dma_start3A_206] : memref<19x1152xf32, #tpu.memory_space<vmem>> -> memref<1x1024xf32, #tpu.memory_space<vmem>>
      %dma_start3A_208 = tpu.memref_squeeze %dma_start3A_207 : memref<1x1024xf32, #tpu.memory_space<vmem>> -> memref<1024xf32, #tpu.memory_space<vmem>>
      %dma_start3A_209 = tpu.memref_slice %arg2[%dma_start3A_199, %add3A_180] : memref<19x1048576xf32, #tpu.memory_space<hbm>> -> memref<1x1024xf32, #tpu.memory_space<hbm>>
      %dma_start3A_210 = tpu.memref_squeeze %dma_start3A_209 : memref<1x1024xf32, #tpu.memory_space<hbm>> -> memref<1024xf32, #tpu.memory_space<hbm>>
      tpu.enqueue_dma source(%dma_start3A_210 : memref<1024xf32, #tpu.memory_space<hbm>>) target(%dma_start3A_208 : memref<1024xf32, #tpu.memory_space<vmem>>) target_semaphore(%arg10 : memref<!tpu.dma_semaphore, #tpu.memory_space<semaphore_mem>>)
      %dma_start3A_211 = arith.constant 0 : i32
      %dma_start3A_212 = arith.constant 0 : i32
      %dma_start3A_213 = arith.constant 128 : i32
      %dma_start3A_214 = tpu.memref_slice %arg5[%dma_start3A_212, %dma_start3A_213] : memref<19x1152xf32, #tpu.memory_space<vmem>> -> memref<1x1024xf32, #tpu.memory_space<vmem>>
      %dma_start3A_215 = tpu.memref_squeeze %dma_start3A_214 : memref<1x1024xf32, #tpu.memory_space<vmem>> -> memref<1024xf32, #tpu.memory_space<vmem>>
      %dma_start3A_216 = tpu.memref_slice %arg2[%dma_start3A_211, %add3A_180] : memref<19x1048576xf32, #tpu.memory_space<hbm>> -> memref<1x1024xf32, #tpu.memory_space<hbm>>
      %dma_start3A_217 = tpu.memref_squeeze %dma_start3A_216 : memref<1x1024xf32, #tpu.memory_space<hbm>> -> memref<1024xf32, #tpu.memory_space<hbm>>
      %dma_start3A_218 = arith.constant 128 : i32
      %dma_start3A_219 = tpu.memref_slice %arg5[%dma_start3A_212, %dma_start3A_218] : memref<19x1152xf32, #tpu.memory_space<vmem>> -> memref<1x1024xf32, #tpu.memory_space<vmem>>
      %dma_start3A_220 = tpu.memref_squeeze %dma_start3A_219 : memref<1x1024xf32, #tpu.memory_space<vmem>> -> memref<1024xf32, #tpu.memory_space<vmem>>
      %dma_start3A_221 = tpu.memref_slice %arg2[%dma_start3A_211, %add3A_180] : memref<19x1048576xf32, #tpu.memory_space<hbm>> -> memref<1x1024xf32, #tpu.memory_space<hbm>>
      %dma_start3A_222 = tpu.memref_squeeze %dma_start3A_221 : memref<1x1024xf32, #tpu.memory_space<hbm>> -> memref<1024xf32, #tpu.memory_space<hbm>>
      tpu.enqueue_dma source(%dma_start3A_222 : memref<1024xf32, #tpu.memory_space<hbm>>) target(%dma_start3A_220 : memref<1024xf32, #tpu.memory_space<vmem>>) target_semaphore(%arg11 : memref<!tpu.dma_semaphore, #tpu.memory_space<semaphore_mem>>)
      %dma_start3A_223 = arith.constant 1 : i32
      %dma_start3A_224 = arith.constant 1 : i32
      %dma_start3A_225 = arith.constant 128 : i32
      %dma_start3A_226 = tpu.memref_slice %arg5[%dma_start3A_224, %dma_start3A_225] : memref<19x1152xf32, #tpu.memory_space<vmem>> -> memref<1x1024xf32, #tpu.memory_space<vmem>>
      %dma_start3A_227 = tpu.memref_squeeze %dma_start3A_226 : memref<1x1024xf32, #tpu.memory_space<vmem>> -> memref<1024xf32, #tpu.memory_space<vmem>>
      %dma_start3A_228 = tpu.memref_slice %arg2[%dma_start3A_223, %add3A_180] : memref<19x1048576xf32, #tpu.memory_space<hbm>> -> memref<1x1024xf32, #tpu.memory_space<hbm>>
      %dma_start3A_229 = tpu.memref_squeeze %dma_start3A_228 : memref<1x1024xf32, #tpu.memory_space<hbm>> -> memref<1024xf32, #tpu.memory_space<hbm>>
      %dma_start3A_230 = arith.constant 128 : i32
      %dma_start3A_231 = tpu.memref_slice %arg5[%dma_start3A_224, %dma_start3A_230] : memref<19x1152xf32, #tpu.memory_space<vmem>> -> memref<1x1024xf32, #tpu.memory_space<vmem>>
      %dma_start3A_232 = tpu.memref_squeeze %dma_start3A_231 : memref<1x1024xf32, #tpu.memory_space<vmem>> -> memref<1024xf32, #tpu.memory_space<vmem>>
      %dma_start3A_233 = tpu.memref_slice %arg2[%dma_start3A_223, %add3A_180] : memref<19x1048576xf32, #tpu.memory_space<hbm>> -> memref<1x1024xf32, #tpu.memory_space<hbm>>
      %dma_start3A_234 = tpu.memref_squeeze %dma_start3A_233 : memref<1x1024xf32, #tpu.memory_space<hbm>> -> memref<1024xf32, #tpu.memory_space<hbm>>
      tpu.enqueue_dma source(%dma_start3A_234 : memref<1024xf32, #tpu.memory_space<hbm>>) target(%dma_start3A_232 : memref<1024xf32, #tpu.memory_space<vmem>>) target_semaphore(%arg11 : memref<!tpu.dma_semaphore, #tpu.memory_space<semaphore_mem>>)
      %dma_start3A_235 = arith.constant 8 : i32
      %dma_start3A_236 = arith.constant 8 : i32
      %dma_start3A_237 = arith.constant 128 : i32
      %dma_start3A_238 = tpu.memref_slice %arg5[%dma_start3A_236, %dma_start3A_237] : memref<19x1152xf32, #tpu.memory_space<vmem>> -> memref<1x1024xf32, #tpu.memory_space<vmem>>
      %dma_start3A_239 = tpu.memref_squeeze %dma_start3A_238 : memref<1x1024xf32, #tpu.memory_space<vmem>> -> memref<1024xf32, #tpu.memory_space<vmem>>
      %dma_start3A_240 = tpu.memref_slice %arg2[%dma_start3A_235, %add3A_180] : memref<19x1048576xf32, #tpu.memory_space<hbm>> -> memref<1x1024xf32, #tpu.memory_space<hbm>>
      %dma_start3A_241 = tpu.memref_squeeze %dma_start3A_240 : memref<1x1024xf32, #tpu.memory_space<hbm>> -> memref<1024xf32, #tpu.memory_space<hbm>>
      %dma_start3A_242 = arith.constant 128 : i32
      %dma_start3A_243 = tpu.memref_slice %arg5[%dma_start3A_236, %dma_start3A_242] : memref<19x1152xf32, #tpu.memory_space<vmem>> -> memref<1x1024xf32, #tpu.memory_space<vmem>>
      %dma_start3A_244 = tpu.memref_squeeze %dma_start3A_243 : memref<1x1024xf32, #tpu.memory_space<vmem>> -> memref<1024xf32, #tpu.memory_space<vmem>>
      %dma_start3A_245 = tpu.memref_slice %arg2[%dma_start3A_235, %add3A_180] : memref<19x1048576xf32, #tpu.memory_space<hbm>> -> memref<1x1024xf32, #tpu.memory_space<hbm>>
      %dma_start3A_246 = tpu.memref_squeeze %dma_start3A_245 : memref<1x1024xf32, #tpu.memory_space<hbm>> -> memref<1024xf32, #tpu.memory_space<hbm>>
      tpu.enqueue_dma source(%dma_start3A_246 : memref<1024xf32, #tpu.memory_space<hbm>>) target(%dma_start3A_244 : memref<1024xf32, #tpu.memory_space<vmem>>) target_semaphore(%arg11 : memref<!tpu.dma_semaphore, #tpu.memory_space<semaphore_mem>>)
      %dma_start3A_247 = arith.constant 9 : i32
      %dma_start3A_248 = arith.constant 9 : i32
      %dma_start3A_249 = arith.constant 128 : i32
      %dma_start3A_250 = tpu.memref_slice %arg5[%dma_start3A_248, %dma_start3A_249] : memref<19x1152xf32, #tpu.memory_space<vmem>> -> memref<1x1024xf32, #tpu.memory_space<vmem>>
      %dma_start3A_251 = tpu.memref_squeeze %dma_start3A_250 : memref<1x1024xf32, #tpu.memory_space<vmem>> -> memref<1024xf32, #tpu.memory_space<vmem>>
      %dma_start3A_252 = tpu.memref_slice %arg2[%dma_start3A_247, %add3A_180] : memref<19x1048576xf32, #tpu.memory_space<hbm>> -> memref<1x1024xf32, #tpu.memory_space<hbm>>
      %dma_start3A_253 = tpu.memref_squeeze %dma_start3A_252 : memref<1x1024xf32, #tpu.memory_space<hbm>> -> memref<1024xf32, #tpu.memory_space<hbm>>
      %dma_start3A_254 = arith.constant 128 : i32
      %dma_start3A_255 = tpu.memref_slice %arg5[%dma_start3A_248, %dma_start3A_254] : memref<19x1152xf32, #tpu.memory_space<vmem>> -> memref<1x1024xf32, #tpu.memory_space<vmem>>
      %dma_start3A_256 = tpu.memref_squeeze %dma_start3A_255 : memref<1x1024xf32, #tpu.memory_space<vmem>> -> memref<1024xf32, #tpu.memory_space<vmem>>
      %dma_start3A_257 = tpu.memref_slice %arg2[%dma_start3A_247, %add3A_180] : memref<19x1048576xf32, #tpu.memory_space<hbm>> -> memref<1x1024xf32, #tpu.memory_space<hbm>>
      %dma_start3A_258 = tpu.memref_squeeze %dma_start3A_257 : memref<1x1024xf32, #tpu.memory_space<hbm>> -> memref<1024xf32, #tpu.memory_space<hbm>>
      tpu.enqueue_dma source(%dma_start3A_258 : memref<1024xf32, #tpu.memory_space<hbm>>) target(%dma_start3A_256 : memref<1024xf32, #tpu.memory_space<vmem>>) target_semaphore(%arg11 : memref<!tpu.dma_semaphore, #tpu.memory_space<semaphore_mem>>)
      %dma_start3A_259 = arith.constant 10 : i32
      %dma_start3A_260 = arith.constant 10 : i32
      %dma_start3A_261 = arith.constant 128 : i32
      %dma_start3A_262 = tpu.memref_slice %arg5[%dma_start3A_260, %dma_start3A_261] : memref<19x1152xf32, #tpu.memory_space<vmem>> -> memref<1x1024xf32, #tpu.memory_space<vmem>>
      %dma_start3A_263 = tpu.memref_squeeze %dma_start3A_262 : memref<1x1024xf32, #tpu.memory_space<vmem>> -> memref<1024xf32, #tpu.memory_space<vmem>>
      %dma_start3A_264 = tpu.memref_slice %arg2[%dma_start3A_259, %add3A_180] : memref<19x1048576xf32, #tpu.memory_space<hbm>> -> memref<1x1024xf32, #tpu.memory_space<hbm>>
      %dma_start3A_265 = tpu.memref_squeeze %dma_start3A_264 : memref<1x1024xf32, #tpu.memory_space<hbm>> -> memref<1024xf32, #tpu.memory_space<hbm>>
      %dma_start3A_266 = arith.constant 128 : i32
      %dma_start3A_267 = tpu.memref_slice %arg5[%dma_start3A_260, %dma_start3A_266] : memref<19x1152xf32, #tpu.memory_space<vmem>> -> memref<1x1024xf32, #tpu.memory_space<vmem>>
      %dma_start3A_268 = tpu.memref_squeeze %dma_start3A_267 : memref<1x1024xf32, #tpu.memory_space<vmem>> -> memref<1024xf32, #tpu.memory_space<vmem>>
      %dma_start3A_269 = tpu.memref_slice %arg2[%dma_start3A_259, %add3A_180] : memref<19x1048576xf32, #tpu.memory_space<hbm>> -> memref<1x1024xf32, #tpu.memory_space<hbm>>
      %dma_start3A_270 = tpu.memref_squeeze %dma_start3A_269 : memref<1x1024xf32, #tpu.memory_space<hbm>> -> memref<1024xf32, #tpu.memory_space<hbm>>
      tpu.enqueue_dma source(%dma_start3A_270 : memref<1024xf32, #tpu.memory_space<hbm>>) target(%dma_start3A_268 : memref<1024xf32, #tpu.memory_space<vmem>>) target_semaphore(%arg11 : memref<!tpu.dma_semaphore, #tpu.memory_space<semaphore_mem>>)
      %dma_start3A_271 = arith.constant 12 : i32
      %dma_start3A_272 = arith.constant 12 : i32
      %dma_start3A_273 = arith.constant 128 : i32
      %dma_start3A_274 = tpu.memref_slice %arg5[%dma_start3A_272, %dma_start3A_273] : memref<19x1152xf32, #tpu.memory_space<vmem>> -> memref<1x1024xf32, #tpu.memory_space<vmem>>
      %dma_start3A_275 = tpu.memref_squeeze %dma_start3A_274 : memref<1x1024xf32, #tpu.memory_space<vmem>> -> memref<1024xf32, #tpu.memory_space<vmem>>
      %dma_start3A_276 = tpu.memref_slice %arg2[%dma_start3A_271, %add3A_180] : memref<19x1048576xf32, #tpu.memory_space<hbm>> -> memref<1x1024xf32, #tpu.memory_space<hbm>>
      %dma_start3A_277 = tpu.memref_squeeze %dma_start3A_276 : memref<1x1024xf32, #tpu.memory_space<hbm>> -> memref<1024xf32, #tpu.memory_space<hbm>>
      %dma_start3A_278 = arith.constant 128 : i32
      %dma_start3A_279 = tpu.memref_slice %arg5[%dma_start3A_272, %dma_start3A_278] : memref<19x1152xf32, #tpu.memory_space<vmem>> -> memref<1x1024xf32, #tpu.memory_space<vmem>>
      %dma_start3A_280 = tpu.memref_squeeze %dma_start3A_279 : memref<1x1024xf32, #tpu.memory_space<vmem>> -> memref<1024xf32, #tpu.memory_space<vmem>>
      %dma_start3A_281 = tpu.memref_slice %arg2[%dma_start3A_271, %add3A_180] : memref<19x1048576xf32, #tpu.memory_space<hbm>> -> memref<1x1024xf32, #tpu.memory_space<hbm>>
      %dma_start3A_282 = tpu.memref_squeeze %dma_start3A_281 : memref<1x1024xf32, #tpu.memory_space<hbm>> -> memref<1024xf32, #tpu.memory_space<hbm>>
      tpu.enqueue_dma source(%dma_start3A_282 : memref<1024xf32, #tpu.memory_space<hbm>>) target(%dma_start3A_280 : memref<1024xf32, #tpu.memory_space<vmem>>) target_semaphore(%arg11 : memref<!tpu.dma_semaphore, #tpu.memory_space<semaphore_mem>>)
      %dma_start3A_283 = arith.constant 13 : i32
      %dma_start3A_284 = arith.constant 13 : i32
      %dma_start3A_285 = arith.constant 128 : i32
      %dma_start3A_286 = tpu.memref_slice %arg5[%dma_start3A_284, %dma_start3A_285] : memref<19x1152xf32, #tpu.memory_space<vmem>> -> memref<1x1024xf32, #tpu.memory_space<vmem>>
      %dma_start3A_287 = tpu.memref_squeeze %dma_start3A_286 : memref<1x1024xf32, #tpu.memory_space<vmem>> -> memref<1024xf32, #tpu.memory_space<vmem>>
      %dma_start3A_288 = tpu.memref_slice %arg2[%dma_start3A_283, %add3A_180] : memref<19x1048576xf32, #tpu.memory_space<hbm>> -> memref<1x1024xf32, #tpu.memory_space<hbm>>
      %dma_start3A_289 = tpu.memref_squeeze %dma_start3A_288 : memref<1x1024xf32, #tpu.memory_space<hbm>> -> memref<1024xf32, #tpu.memory_space<hbm>>
      %dma_start3A_290 = arith.constant 128 : i32
      %dma_start3A_291 = tpu.memref_slice %arg5[%dma_start3A_284, %dma_start3A_290] : memref<19x1152xf32, #tpu.memory_space<vmem>> -> memref<1x1024xf32, #tpu.memory_space<vmem>>
      %dma_start3A_292 = tpu.memref_squeeze %dma_start3A_291 : memref<1x1024xf32, #tpu.memory_space<vmem>> -> memref<1024xf32, #tpu.memory_space<vmem>>
      %dma_start3A_293 = tpu.memref_slice %arg2[%dma_start3A_283, %add3A_180] : memref<19x1048576xf32, #tpu.memory_space<hbm>> -> memref<1x1024xf32, #tpu.memory_space<hbm>>
      %dma_start3A_294 = tpu.memref_squeeze %dma_start3A_293 : memref<1x1024xf32, #tpu.memory_space<hbm>> -> memref<1024xf32, #tpu.memory_space<hbm>>
      tpu.enqueue_dma source(%dma_start3A_294 : memref<1024xf32, #tpu.memory_space<hbm>>) target(%dma_start3A_292 : memref<1024xf32, #tpu.memory_space<vmem>>) target_semaphore(%arg11 : memref<!tpu.dma_semaphore, #tpu.memory_space<semaphore_mem>>)
      %dma_start3A_295 = arith.constant 14 : i32
      %dma_start3A_296 = arith.constant 14 : i32
      %dma_start3A_297 = arith.constant 128 : i32
      %dma_start3A_298 = tpu.memref_slice %arg5[%dma_start3A_296, %dma_start3A_297] : memref<19x1152xf32, #tpu.memory_space<vmem>> -> memref<1x1024xf32, #tpu.memory_space<vmem>>
      %dma_start3A_299 = tpu.memref_squeeze %dma_start3A_298 : memref<1x1024xf32, #tpu.memory_space<vmem>> -> memref<1024xf32, #tpu.memory_space<vmem>>
      %dma_start3A_300 = tpu.memref_slice %arg2[%dma_start3A_295, %add3A_180] : memref<19x1048576xf32, #tpu.memory_space<hbm>> -> memref<1x1024xf32, #tpu.memory_space<hbm>>
      %dma_start3A_301 = tpu.memref_squeeze %dma_start3A_300 : memref<1x1024xf32, #tpu.memory_space<hbm>> -> memref<1024xf32, #tpu.memory_space<hbm>>
      %dma_start3A_302 = arith.constant 128 : i32
      %dma_start3A_303 = tpu.memref_slice %arg5[%dma_start3A_296, %dma_start3A_302] : memref<19x1152xf32, #tpu.memory_space<vmem>> -> memref<1x1024xf32, #tpu.memory_space<vmem>>
      %dma_start3A_304 = tpu.memref_squeeze %dma_start3A_303 : memref<1x1024xf32, #tpu.memory_space<vmem>> -> memref<1024xf32, #tpu.memory_space<vmem>>
      %dma_start3A_305 = tpu.memref_slice %arg2[%dma_start3A_295, %add3A_180] : memref<19x1048576xf32, #tpu.memory_space<hbm>> -> memref<1x1024xf32, #tpu.memory_space<hbm>>
      %dma_start3A_306 = tpu.memref_squeeze %dma_start3A_305 : memref<1x1024xf32, #tpu.memory_space<hbm>> -> memref<1024xf32, #tpu.memory_space<hbm>>
      tpu.enqueue_dma source(%dma_start3A_306 : memref<1024xf32, #tpu.memory_space<hbm>>) target(%dma_start3A_304 : memref<1024xf32, #tpu.memory_space<vmem>>) target_semaphore(%arg11 : memref<!tpu.dma_semaphore, #tpu.memory_space<semaphore_mem>>)
      %dma_start3A_307 = arith.constant 16 : i32
      %dma_start3A_308 = arith.constant 16 : i32
      %dma_start3A_309 = arith.constant 128 : i32
      %dma_start3A_310 = tpu.memref_slice %arg5[%dma_start3A_308, %dma_start3A_309] : memref<19x1152xf32, #tpu.memory_space<vmem>> -> memref<1x1024xf32, #tpu.memory_space<vmem>>
      %dma_start3A_311 = tpu.memref_squeeze %dma_start3A_310 : memref<1x1024xf32, #tpu.memory_space<vmem>> -> memref<1024xf32, #tpu.memory_space<vmem>>
      %dma_start3A_312 = tpu.memref_slice %arg2[%dma_start3A_307, %add3A_180] : memref<19x1048576xf32, #tpu.memory_space<hbm>> -> memref<1x1024xf32, #tpu.memory_space<hbm>>
      %dma_start3A_313 = tpu.memref_squeeze %dma_start3A_312 : memref<1x1024xf32, #tpu.memory_space<hbm>> -> memref<1024xf32, #tpu.memory_space<hbm>>
      %dma_start3A_314 = arith.constant 128 : i32
      %dma_start3A_315 = tpu.memref_slice %arg5[%dma_start3A_308, %dma_start3A_314] : memref<19x1152xf32, #tpu.memory_space<vmem>> -> memref<1x1024xf32, #tpu.memory_space<vmem>>
      %dma_start3A_316 = tpu.memref_squeeze %dma_start3A_315 : memref<1x1024xf32, #tpu.memory_space<vmem>> -> memref<1024xf32, #tpu.memory_space<vmem>>
      %dma_start3A_317 = tpu.memref_slice %arg2[%dma_start3A_307, %add3A_180] : memref<19x1048576xf32, #tpu.memory_space<hbm>> -> memref<1x1024xf32, #tpu.memory_space<hbm>>
      %dma_start3A_318 = tpu.memref_squeeze %dma_start3A_317 : memref<1x1024xf32, #tpu.memory_space<hbm>> -> memref<1024xf32, #tpu.memory_space<hbm>>
      tpu.enqueue_dma source(%dma_start3A_318 : memref<1024xf32, #tpu.memory_space<hbm>>) target(%dma_start3A_316 : memref<1024xf32, #tpu.memory_space<vmem>>) target_semaphore(%arg11 : memref<!tpu.dma_semaphore, #tpu.memory_space<semaphore_mem>>)
      %dma_start3A_319 = arith.constant 17 : i32
      %dma_start3A_320 = arith.constant 17 : i32
      %dma_start3A_321 = arith.constant 128 : i32
      %dma_start3A_322 = tpu.memref_slice %arg5[%dma_start3A_320, %dma_start3A_321] : memref<19x1152xf32, #tpu.memory_space<vmem>> -> memref<1x1024xf32, #tpu.memory_space<vmem>>
      %dma_start3A_323 = tpu.memref_squeeze %dma_start3A_322 : memref<1x1024xf32, #tpu.memory_space<vmem>> -> memref<1024xf32, #tpu.memory_space<vmem>>
      %dma_start3A_324 = tpu.memref_slice %arg2[%dma_start3A_319, %add3A_180] : memref<19x1048576xf32, #tpu.memory_space<hbm>> -> memref<1x1024xf32, #tpu.memory_space<hbm>>
      %dma_start3A_325 = tpu.memref_squeeze %dma_start3A_324 : memref<1x1024xf32, #tpu.memory_space<hbm>> -> memref<1024xf32, #tpu.memory_space<hbm>>
      %dma_start3A_326 = arith.constant 128 : i32
      %dma_start3A_327 = tpu.memref_slice %arg5[%dma_start3A_320, %dma_start3A_326] : memref<19x1152xf32, #tpu.memory_space<vmem>> -> memref<1x1024xf32, #tpu.memory_space<vmem>>
      %dma_start3A_328 = tpu.memref_squeeze %dma_start3A_327 : memref<1x1024xf32, #tpu.memory_space<vmem>> -> memref<1024xf32, #tpu.memory_space<vmem>>
      %dma_start3A_329 = tpu.memref_slice %arg2[%dma_start3A_319, %add3A_180] : memref<19x1048576xf32, #tpu.memory_space<hbm>> -> memref<1x1024xf32, #tpu.memory_space<hbm>>
      %dma_start3A_330 = tpu.memref_squeeze %dma_start3A_329 : memref<1x1024xf32, #tpu.memory_space<hbm>> -> memref<1024xf32, #tpu.memory_space<hbm>>
      tpu.enqueue_dma source(%dma_start3A_330 : memref<1024xf32, #tpu.memory_space<hbm>>) target(%dma_start3A_328 : memref<1024xf32, #tpu.memory_space<vmem>>) target_semaphore(%arg11 : memref<!tpu.dma_semaphore, #tpu.memory_space<semaphore_mem>>)
      %mul3A_331 = arith.constant 32768 : i32
      %mul3A_332 = arith.muli %add3A, %mul3A_331 : i32
      %mul3A_333 = arith.constant 1024 : i32
      %mul3A_334 = arith.muli %mul3A_173, %mul3A_333 : i32
      %add3A_335 = arith.addi %mul3A_332, %mul3A_334 : i32
      %eq3A_336 = arith.constant 0 : i32
      %eq3A_337 = arith.cmpi eq, %add3A_335, %eq3A_336 : i32
      %sub3A_338 = arith.constant 128 : i32
      %sub3A_339 = arith.subi %add3A_335, %sub3A_338 : i32
      %jit3A_340 = arith.constant 1048448 : i32
      %select_n3A_341 = arith.select %eq3A_337, %jit3A_340, %sub3A_339 : i32
      %dma_wait3A_342 = arith.constant 11 : i32
      %dma_wait3A_343 = arith.constant 11 : i32
      %dma_wait3A_344 = arith.constant 0 : i32
      %dma_wait3A_345 = tpu.memref_slice %arg4[%dma_wait3A_343, %dma_wait3A_344] : memref<19x1152xf32, #tpu.memory_space<vmem>> -> memref<1x128xf32, #tpu.memory_space<vmem>>
      %dma_wait3A_346 = tpu.memref_squeeze %dma_wait3A_345 : memref<1x128xf32, #tpu.memory_space<vmem>> -> memref<128xf32, #tpu.memory_space<vmem>>
      %dma_wait3A_347 = tpu.memref_slice %arg2[%dma_wait3A_342, %select_n3A_341] : memref<19x1048576xf32, #tpu.memory_space<hbm>> -> memref<1x128xf32, #tpu.memory_space<hbm>>
      %dma_wait3A_348 = tpu.memref_squeeze %dma_wait3A_347 : memref<1x128xf32, #tpu.memory_space<hbm>> -> memref<128xf32, #tpu.memory_space<hbm>>
      %dma_wait3A_349 = arith.constant 0 : i32
      %dma_wait3A_350 = tpu.memref_slice %arg4[%dma_wait3A_343, %dma_wait3A_349] : memref<19x1152xf32, #tpu.memory_space<vmem>> -> memref<1x128xf32, #tpu.memory_space<vmem>>
      %dma_wait3A_351 = tpu.memref_squeeze %dma_wait3A_350 : memref<1x128xf32, #tpu.memory_space<vmem>> -> memref<128xf32, #tpu.memory_space<vmem>>
      %dma_wait3A_352 = tpu.memref_slice %arg2[%dma_wait3A_342, %select_n3A_341] : memref<19x1048576xf32, #tpu.memory_space<hbm>> -> memref<1x128xf32, #tpu.memory_space<hbm>>
      %dma_wait3A_353 = tpu.memref_squeeze %dma_wait3A_352 : memref<1x128xf32, #tpu.memory_space<hbm>> -> memref<128xf32, #tpu.memory_space<hbm>>
      tpu.wait_dma2 semaphore(%arg8 : memref<!tpu.dma_semaphore, #tpu.memory_space<semaphore_mem>>) src(%dma_wait3A_353 : memref<128xf32, #tpu.memory_space<hbm>>) dst(%dma_wait3A_351 : memref<128xf32, #tpu.memory_space<vmem>>)
      %dma_wait3A_354 = arith.constant 11 : i32
      %dma_wait3A_355 = arith.constant 11 : i32
      %dma_wait3A_356 = arith.constant 128 : i32
      %dma_wait3A_357 = tpu.memref_slice %arg4[%dma_wait3A_355, %dma_wait3A_356] : memref<19x1152xf32, #tpu.memory_space<vmem>> -> memref<1x1024xf32, #tpu.memory_space<vmem>>
      %dma_wait3A_358 = tpu.memref_squeeze %dma_wait3A_357 : memref<1x1024xf32, #tpu.memory_space<vmem>> -> memref<1024xf32, #tpu.memory_space<vmem>>
      %dma_wait3A_359 = tpu.memref_slice %arg2[%dma_wait3A_354, %add3A_335] : memref<19x1048576xf32, #tpu.memory_space<hbm>> -> memref<1x1024xf32, #tpu.memory_space<hbm>>
      %dma_wait3A_360 = tpu.memref_squeeze %dma_wait3A_359 : memref<1x1024xf32, #tpu.memory_space<hbm>> -> memref<1024xf32, #tpu.memory_space<hbm>>
      %dma_wait3A_361 = arith.constant 128 : i32
      %dma_wait3A_362 = tpu.memref_slice %arg4[%dma_wait3A_355, %dma_wait3A_361] : memref<19x1152xf32, #tpu.memory_space<vmem>> -> memref<1x1024xf32, #tpu.memory_space<vmem>>
      %dma_wait3A_363 = tpu.memref_squeeze %dma_wait3A_362 : memref<1x1024xf32, #tpu.memory_space<vmem>> -> memref<1024xf32, #tpu.memory_space<vmem>>
      %dma_wait3A_364 = tpu.memref_slice %arg2[%dma_wait3A_354, %add3A_335] : memref<19x1048576xf32, #tpu.memory_space<hbm>> -> memref<1x1024xf32, #tpu.memory_space<hbm>>
      %dma_wait3A_365 = tpu.memref_squeeze %dma_wait3A_364 : memref<1x1024xf32, #tpu.memory_space<hbm>> -> memref<1024xf32, #tpu.memory_space<hbm>>
      tpu.wait_dma2 semaphore(%arg8 : memref<!tpu.dma_semaphore, #tpu.memory_space<semaphore_mem>>) src(%dma_wait3A_365 : memref<1024xf32, #tpu.memory_space<hbm>>) dst(%dma_wait3A_363 : memref<1024xf32, #tpu.memory_space<vmem>>)
      %dma_wait3A_366 = arith.constant 0 : i32
      %dma_wait3A_367 = arith.constant 0 : i32
      %dma_wait3A_368 = arith.constant 128 : i32
      %dma_wait3A_369 = tpu.memref_slice %arg4[%dma_wait3A_367, %dma_wait3A_368] : memref<19x1152xf32, #tpu.memory_space<vmem>> -> memref<1x1024xf32, #tpu.memory_space<vmem>>
      %dma_wait3A_370 = tpu.memref_squeeze %dma_wait3A_369 : memref<1x1024xf32, #tpu.memory_space<vmem>> -> memref<1024xf32, #tpu.memory_space<vmem>>
      %dma_wait3A_371 = tpu.memref_slice %arg2[%dma_wait3A_366, %add3A_335] : memref<19x1048576xf32, #tpu.memory_space<hbm>> -> memref<1x1024xf32, #tpu.memory_space<hbm>>
      %dma_wait3A_372 = tpu.memref_squeeze %dma_wait3A_371 : memref<1x1024xf32, #tpu.memory_space<hbm>> -> memref<1024xf32, #tpu.memory_space<hbm>>
      %dma_wait3A_373 = arith.constant 128 : i32
      %dma_wait3A_374 = tpu.memref_slice %arg4[%dma_wait3A_367, %dma_wait3A_373] : memref<19x1152xf32, #tpu.memory_space<vmem>> -> memref<1x1024xf32, #tpu.memory_space<vmem>>
      %dma_wait3A_375 = tpu.memref_squeeze %dma_wait3A_374 : memref<1x1024xf32, #tpu.memory_space<vmem>> -> memref<1024xf32, #tpu.memory_space<vmem>>
      %dma_wait3A_376 = tpu.memref_slice %arg2[%dma_wait3A_366, %add3A_335] : memref<19x1048576xf32, #tpu.memory_space<hbm>> -> memref<1x1024xf32, #tpu.memory_space<hbm>>
      %dma_wait3A_377 = tpu.memref_squeeze %dma_wait3A_376 : memref<1x1024xf32, #tpu.memory_space<hbm>> -> memref<1024xf32, #tpu.memory_space<hbm>>
      tpu.wait_dma2 semaphore(%arg9 : memref<!tpu.dma_semaphore, #tpu.memory_space<semaphore_mem>>) src(%dma_wait3A_377 : memref<1024xf32, #tpu.memory_space<hbm>>) dst(%dma_wait3A_375 : memref<1024xf32, #tpu.memory_space<vmem>>)
      %dma_wait3A_378 = arith.constant 1 : i32
      %dma_wait3A_379 = arith.constant 1 : i32
      %dma_wait3A_380 = arith.constant 128 : i32
      %dma_wait3A_381 = tpu.memref_slice %arg4[%dma_wait3A_379, %dma_wait3A_380] : memref<19x1152xf32, #tpu.memory_space<vmem>> -> memref<1x1024xf32, #tpu.memory_space<vmem>>
      %dma_wait3A_382 = tpu.memref_squeeze %dma_wait3A_381 : memref<1x1024xf32, #tpu.memory_space<vmem>> -> memref<1024xf32, #tpu.memory_space<vmem>>
      %dma_wait3A_383 = tpu.memref_slice %arg2[%dma_wait3A_378, %add3A_335] : memref<19x1048576xf32, #tpu.memory_space<hbm>> -> memref<1x1024xf32, #tpu.memory_space<hbm>>
      %dma_wait3A_384 = tpu.memref_squeeze %dma_wait3A_383 : memref<1x1024xf32, #tpu.memory_space<hbm>> -> memref<1024xf32, #tpu.memory_space<hbm>>
      %dma_wait3A_385 = arith.constant 128 : i32
      %dma_wait3A_386 = tpu.memref_slice %arg4[%dma_wait3A_379, %dma_wait3A_385] : memref<19x1152xf32, #tpu.memory_space<vmem>> -> memref<1x1024xf32, #tpu.memory_space<vmem>>
      %dma_wait3A_387 = tpu.memref_squeeze %dma_wait3A_386 : memref<1x1024xf32, #tpu.memory_space<vmem>> -> memref<1024xf32, #tpu.memory_space<vmem>>
      %dma_wait3A_388 = tpu.memref_slice %arg2[%dma_wait3A_378, %add3A_335] : memref<19x1048576xf32, #tpu.memory_space<hbm>> -> memref<1x1024xf32, #tpu.memory_space<hbm>>
      %dma_wait3A_389 = tpu.memref_squeeze %dma_wait3A_388 : memref<1x1024xf32, #tpu.memory_space<hbm>> -> memref<1024xf32, #tpu.memory_space<hbm>>
      tpu.wait_dma2 semaphore(%arg9 : memref<!tpu.dma_semaphore, #tpu.memory_space<semaphore_mem>>) src(%dma_wait3A_389 : memref<1024xf32, #tpu.memory_space<hbm>>) dst(%dma_wait3A_387 : memref<1024xf32, #tpu.memory_space<vmem>>)
      %dma_wait3A_390 = arith.constant 8 : i32
      %dma_wait3A_391 = arith.constant 8 : i32
      %dma_wait3A_392 = arith.constant 128 : i32
      %dma_wait3A_393 = tpu.memref_slice %arg4[%dma_wait3A_391, %dma_wait3A_392] : memref<19x1152xf32, #tpu.memory_space<vmem>> -> memref<1x1024xf32, #tpu.memory_space<vmem>>
      %dma_wait3A_394 = tpu.memref_squeeze %dma_wait3A_393 : memref<1x1024xf32, #tpu.memory_space<vmem>> -> memref<1024xf32, #tpu.memory_space<vmem>>
      %dma_wait3A_395 = tpu.memref_slice %arg2[%dma_wait3A_390, %add3A_335] : memref<19x1048576xf32, #tpu.memory_space<hbm>> -> memref<1x1024xf32, #tpu.memory_space<hbm>>
      %dma_wait3A_396 = tpu.memref_squeeze %dma_wait3A_395 : memref<1x1024xf32, #tpu.memory_space<hbm>> -> memref<1024xf32, #tpu.memory_space<hbm>>
      %dma_wait3A_397 = arith.constant 128 : i32
      %dma_wait3A_398 = tpu.memref_slice %arg4[%dma_wait3A_391, %dma_wait3A_397] : memref<19x1152xf32, #tpu.memory_space<vmem>> -> memref<1x1024xf32, #tpu.memory_space<vmem>>
      %dma_wait3A_399 = tpu.memref_squeeze %dma_wait3A_398 : memref<1x1024xf32, #tpu.memory_space<vmem>> -> memref<1024xf32, #tpu.memory_space<vmem>>
      %dma_wait3A_400 = tpu.memref_slice %arg2[%dma_wait3A_390, %add3A_335] : memref<19x1048576xf32, #tpu.memory_space<hbm>> -> memref<1x1024xf32, #tpu.memory_space<hbm>>
      %dma_wait3A_401 = tpu.memref_squeeze %dma_wait3A_400 : memref<1x1024xf32, #tpu.memory_space<hbm>> -> memref<1024xf32, #tpu.memory_space<hbm>>
      tpu.wait_dma2 semaphore(%arg9 : memref<!tpu.dma_semaphore, #tpu.memory_space<semaphore_mem>>) src(%dma_wait3A_401 : memref<1024xf32, #tpu.memory_space<hbm>>) dst(%dma_wait3A_399 : memref<1024xf32, #tpu.memory_space<vmem>>)
      %dma_wait3A_402 = arith.constant 9 : i32
      %dma_wait3A_403 = arith.constant 9 : i32
      %dma_wait3A_404 = arith.constant 128 : i32
      %dma_wait3A_405 = tpu.memref_slice %arg4[%dma_wait3A_403, %dma_wait3A_404] : memref<19x1152xf32, #tpu.memory_space<vmem>> -> memref<1x1024xf32, #tpu.memory_space<vmem>>
      %dma_wait3A_406 = tpu.memref_squeeze %dma_wait3A_405 : memref<1x1024xf32, #tpu.memory_space<vmem>> -> memref<1024xf32, #tpu.memory_space<vmem>>
      %dma_wait3A_407 = tpu.memref_slice %arg2[%dma_wait3A_402, %add3A_335] : memref<19x1048576xf32, #tpu.memory_space<hbm>> -> memref<1x1024xf32, #tpu.memory_space<hbm>>
      %dma_wait3A_408 = tpu.memref_squeeze %dma_wait3A_407 : memref<1x1024xf32, #tpu.memory_space<hbm>> -> memref<1024xf32, #tpu.memory_space<hbm>>
      %dma_wait3A_409 = arith.constant 128 : i32
      %dma_wait3A_410 = tpu.memref_slice %arg4[%dma_wait3A_403, %dma_wait3A_409] : memref<19x1152xf32, #tpu.memory_space<vmem>> -> memref<1x1024xf32, #tpu.memory_space<vmem>>
      %dma_wait3A_411 = tpu.memref_squeeze %dma_wait3A_410 : memref<1x1024xf32, #tpu.memory_space<vmem>> -> memref<1024xf32, #tpu.memory_space<vmem>>
      %dma_wait3A_412 = tpu.memref_slice %arg2[%dma_wait3A_402, %add3A_335] : memref<19x1048576xf32, #tpu.memory_space<hbm>> -> memref<1x1024xf32, #tpu.memory_space<hbm>>
      %dma_wait3A_413 = tpu.memref_squeeze %dma_wait3A_412 : memref<1x1024xf32, #tpu.memory_space<hbm>> -> memref<1024xf32, #tpu.memory_space<hbm>>
      tpu.wait_dma2 semaphore(%arg9 : memref<!tpu.dma_semaphore, #tpu.memory_space<semaphore_mem>>) src(%dma_wait3A_413 : memref<1024xf32, #tpu.memory_space<hbm>>) dst(%dma_wait3A_411 : memref<1024xf32, #tpu.memory_space<vmem>>)
      %dma_wait3A_414 = arith.constant 10 : i32
      %dma_wait3A_415 = arith.constant 10 : i32
      %dma_wait3A_416 = arith.constant 128 : i32
      %dma_wait3A_417 = tpu.memref_slice %arg4[%dma_wait3A_415, %dma_wait3A_416] : memref<19x1152xf32, #tpu.memory_space<vmem>> -> memref<1x1024xf32, #tpu.memory_space<vmem>>
      %dma_wait3A_418 = tpu.memref_squeeze %dma_wait3A_417 : memref<1x1024xf32, #tpu.memory_space<vmem>> -> memref<1024xf32, #tpu.memory_space<vmem>>
      %dma_wait3A_419 = tpu.memref_slice %arg2[%dma_wait3A_414, %add3A_335] : memref<19x1048576xf32, #tpu.memory_space<hbm>> -> memref<1x1024xf32, #tpu.memory_space<hbm>>
      %dma_wait3A_420 = tpu.memref_squeeze %dma_wait3A_419 : memref<1x1024xf32, #tpu.memory_space<hbm>> -> memref<1024xf32, #tpu.memory_space<hbm>>
      %dma_wait3A_421 = arith.constant 128 : i32
      %dma_wait3A_422 = tpu.memref_slice %arg4[%dma_wait3A_415, %dma_wait3A_421] : memref<19x1152xf32, #tpu.memory_space<vmem>> -> memref<1x1024xf32, #tpu.memory_space<vmem>>
      %dma_wait3A_423 = tpu.memref_squeeze %dma_wait3A_422 : memref<1x1024xf32, #tpu.memory_space<vmem>> -> memref<1024xf32, #tpu.memory_space<vmem>>
      %dma_wait3A_424 = tpu.memref_slice %arg2[%dma_wait3A_414, %add3A_335] : memref<19x1048576xf32, #tpu.memory_space<hbm>> -> memref<1x1024xf32, #tpu.memory_space<hbm>>
      %dma_wait3A_425 = tpu.memref_squeeze %dma_wait3A_424 : memref<1x1024xf32, #tpu.memory_space<hbm>> -> memref<1024xf32, #tpu.memory_space<hbm>>
      tpu.wait_dma2 semaphore(%arg9 : memref<!tpu.dma_semaphore, #tpu.memory_space<semaphore_mem>>) src(%dma_wait3A_425 : memref<1024xf32, #tpu.memory_space<hbm>>) dst(%dma_wait3A_423 : memref<1024xf32, #tpu.memory_space<vmem>>)
      %dma_wait3A_426 = arith.constant 12 : i32
      %dma_wait3A_427 = arith.constant 12 : i32
      %dma_wait3A_428 = arith.constant 128 : i32
      %dma_wait3A_429 = tpu.memref_slice %arg4[%dma_wait3A_427, %dma_wait3A_428] : memref<19x1152xf32, #tpu.memory_space<vmem>> -> memref<1x1024xf32, #tpu.memory_space<vmem>>
      %dma_wait3A_430 = tpu.memref_squeeze %dma_wait3A_429 : memref<1x1024xf32, #tpu.memory_space<vmem>> -> memref<1024xf32, #tpu.memory_space<vmem>>
      %dma_wait3A_431 = tpu.memref_slice %arg2[%dma_wait3A_426, %add3A_335] : memref<19x1048576xf32, #tpu.memory_space<hbm>> -> memref<1x1024xf32, #tpu.memory_space<hbm>>
      %dma_wait3A_432 = tpu.memref_squeeze %dma_wait3A_431 : memref<1x1024xf32, #tpu.memory_space<hbm>> -> memref<1024xf32, #tpu.memory_space<hbm>>
      %dma_wait3A_433 = arith.constant 128 : i32
      %dma_wait3A_434 = tpu.memref_slice %arg4[%dma_wait3A_427, %dma_wait3A_433] : memref<19x1152xf32, #tpu.memory_space<vmem>> -> memref<1x1024xf32, #tpu.memory_space<vmem>>
      %dma_wait3A_435 = tpu.memref_squeeze %dma_wait3A_434 : memref<1x1024xf32, #tpu.memory_space<vmem>> -> memref<1024xf32, #tpu.memory_space<vmem>>
      %dma_wait3A_436 = tpu.memref_slice %arg2[%dma_wait3A_426, %add3A_335] : memref<19x1048576xf32, #tpu.memory_space<hbm>> -> memref<1x1024xf32, #tpu.memory_space<hbm>>
      %dma_wait3A_437 = tpu.memref_squeeze %dma_wait3A_436 : memref<1x1024xf32, #tpu.memory_space<hbm>> -> memref<1024xf32, #tpu.memory_space<hbm>>
      tpu.wait_dma2 semaphore(%arg9 : memref<!tpu.dma_semaphore, #tpu.memory_space<semaphore_mem>>) src(%dma_wait3A_437 : memref<1024xf32, #tpu.memory_space<hbm>>) dst(%dma_wait3A_435 : memref<1024xf32, #tpu.memory_space<vmem>>)
      %dma_wait3A_438 = arith.constant 13 : i32
      %dma_wait3A_439 = arith.constant 13 : i32
      %dma_wait3A_440 = arith.constant 128 : i32
      %dma_wait3A_441 = tpu.memref_slice %arg4[%dma_wait3A_439, %dma_wait3A_440] : memref<19x1152xf32, #tpu.memory_space<vmem>> -> memref<1x1024xf32, #tpu.memory_space<vmem>>
      %dma_wait3A_442 = tpu.memref_squeeze %dma_wait3A_441 : memref<1x1024xf32, #tpu.memory_space<vmem>> -> memref<1024xf32, #tpu.memory_space<vmem>>
      %dma_wait3A_443 = tpu.memref_slice %arg2[%dma_wait3A_438, %add3A_335] : memref<19x1048576xf32, #tpu.memory_space<hbm>> -> memref<1x1024xf32, #tpu.memory_space<hbm>>
      %dma_wait3A_444 = tpu.memref_squeeze %dma_wait3A_443 : memref<1x1024xf32, #tpu.memory_space<hbm>> -> memref<1024xf32, #tpu.memory_space<hbm>>
      %dma_wait3A_445 = arith.constant 128 : i32
      %dma_wait3A_446 = tpu.memref_slice %arg4[%dma_wait3A_439, %dma_wait3A_445] : memref<19x1152xf32, #tpu.memory_space<vmem>> -> memref<1x1024xf32, #tpu.memory_space<vmem>>
      %dma_wait3A_447 = tpu.memref_squeeze %dma_wait3A_446 : memref<1x1024xf32, #tpu.memory_space<vmem>> -> memref<1024xf32, #tpu.memory_space<vmem>>
      %dma_wait3A_448 = tpu.memref_slice %arg2[%dma_wait3A_438, %add3A_335] : memref<19x1048576xf32, #tpu.memory_space<hbm>> -> memref<1x1024xf32, #tpu.memory_space<hbm>>
      %dma_wait3A_449 = tpu.memref_squeeze %dma_wait3A_448 : memref<1x1024xf32, #tpu.memory_space<hbm>> -> memref<1024xf32, #tpu.memory_space<hbm>>
      tpu.wait_dma2 semaphore(%arg9 : memref<!tpu.dma_semaphore, #tpu.memory_space<semaphore_mem>>) src(%dma_wait3A_449 : memref<1024xf32, #tpu.memory_space<hbm>>) dst(%dma_wait3A_447 : memref<1024xf32, #tpu.memory_space<vmem>>)
      %dma_wait3A_450 = arith.constant 14 : i32
      %dma_wait3A_451 = arith.constant 14 : i32
      %dma_wait3A_452 = arith.constant 128 : i32
      %dma_wait3A_453 = tpu.memref_slice %arg4[%dma_wait3A_451, %dma_wait3A_452] : memref<19x1152xf32, #tpu.memory_space<vmem>> -> memref<1x1024xf32, #tpu.memory_space<vmem>>
      %dma_wait3A_454 = tpu.memref_squeeze %dma_wait3A_453 : memref<1x1024xf32, #tpu.memory_space<vmem>> -> memref<1024xf32, #tpu.memory_space<vmem>>
      %dma_wait3A_455 = tpu.memref_slice %arg2[%dma_wait3A_450, %add3A_335] : memref<19x1048576xf32, #tpu.memory_space<hbm>> -> memref<1x1024xf32, #tpu.memory_space<hbm>>
      %dma_wait3A_456 = tpu.memref_squeeze %dma_wait3A_455 : memref<1x1024xf32, #tpu.memory_space<hbm>> -> memref<1024xf32, #tpu.memory_space<hbm>>
      %dma_wait3A_457 = arith.constant 128 : i32
      %dma_wait3A_458 = tpu.memref_slice %arg4[%dma_wait3A_451, %dma_wait3A_457] : memref<19x1152xf32, #tpu.memory_space<vmem>> -> memref<1x1024xf32, #tpu.memory_space<vmem>>
      %dma_wait3A_459 = tpu.memref_squeeze %dma_wait3A_458 : memref<1x1024xf32, #tpu.memory_space<vmem>> -> memref<1024xf32, #tpu.memory_space<vmem>>
      %dma_wait3A_460 = tpu.memref_slice %arg2[%dma_wait3A_450, %add3A_335] : memref<19x1048576xf32, #tpu.memory_space<hbm>> -> memref<1x1024xf32, #tpu.memory_space<hbm>>
      %dma_wait3A_461 = tpu.memref_squeeze %dma_wait3A_460 : memref<1x1024xf32, #tpu.memory_space<hbm>> -> memref<1024xf32, #tpu.memory_space<hbm>>
      tpu.wait_dma2 semaphore(%arg9 : memref<!tpu.dma_semaphore, #tpu.memory_space<semaphore_mem>>) src(%dma_wait3A_461 : memref<1024xf32, #tpu.memory_space<hbm>>) dst(%dma_wait3A_459 : memref<1024xf32, #tpu.memory_space<vmem>>)
      %dma_wait3A_462 = arith.constant 16 : i32
      %dma_wait3A_463 = arith.constant 16 : i32
      %dma_wait3A_464 = arith.constant 128 : i32
      %dma_wait3A_465 = tpu.memref_slice %arg4[%dma_wait3A_463, %dma_wait3A_464] : memref<19x1152xf32, #tpu.memory_space<vmem>> -> memref<1x1024xf32, #tpu.memory_space<vmem>>
      %dma_wait3A_466 = tpu.memref_squeeze %dma_wait3A_465 : memref<1x1024xf32, #tpu.memory_space<vmem>> -> memref<1024xf32, #tpu.memory_space<vmem>>
      %dma_wait3A_467 = tpu.memref_slice %arg2[%dma_wait3A_462, %add3A_335] : memref<19x1048576xf32, #tpu.memory_space<hbm>> -> memref<1x1024xf32, #tpu.memory_space<hbm>>
      %dma_wait3A_468 = tpu.memref_squeeze %dma_wait3A_467 : memref<1x1024xf32, #tpu.memory_space<hbm>> -> memref<1024xf32, #tpu.memory_space<hbm>>
      %dma_wait3A_469 = arith.constant 128 : i32
      %dma_wait3A_470 = tpu.memref_slice %arg4[%dma_wait3A_463, %dma_wait3A_469] : memref<19x1152xf32, #tpu.memory_space<vmem>> -> memref<1x1024xf32, #tpu.memory_space<vmem>>
      %dma_wait3A_471 = tpu.memref_squeeze %dma_wait3A_470 : memref<1x1024xf32, #tpu.memory_space<vmem>> -> memref<1024xf32, #tpu.memory_space<vmem>>
      %dma_wait3A_472 = tpu.memref_slice %arg2[%dma_wait3A_462, %add3A_335] : memref<19x1048576xf32, #tpu.memory_space<hbm>> -> memref<1x1024xf32, #tpu.memory_space<hbm>>
      %dma_wait3A_473 = tpu.memref_squeeze %dma_wait3A_472 : memref<1x1024xf32, #tpu.memory_space<hbm>> -> memref<1024xf32, #tpu.memory_space<hbm>>
      tpu.wait_dma2 semaphore(%arg9 : memref<!tpu.dma_semaphore, #tpu.memory_space<semaphore_mem>>) src(%dma_wait3A_473 : memref<1024xf32, #tpu.memory_space<hbm>>) dst(%dma_wait3A_471 : memref<1024xf32, #tpu.memory_space<vmem>>)
      %dma_wait3A_474 = arith.constant 17 : i32
      %dma_wait3A_475 = arith.constant 17 : i32
      %dma_wait3A_476 = arith.constant 128 : i32
      %dma_wait3A_477 = tpu.memref_slice %arg4[%dma_wait3A_475, %dma_wait3A_476] : memref<19x1152xf32, #tpu.memory_space<vmem>> -> memref<1x1024xf32, #tpu.memory_space<vmem>>
      %dma_wait3A_478 = tpu.memref_squeeze %dma_wait3A_477 : memref<1x1024xf32, #tpu.memory_space<vmem>> -> memref<1024xf32, #tpu.memory_space<vmem>>
      %dma_wait3A_479 = tpu.memref_slice %arg2[%dma_wait3A_474, %add3A_335] : memref<19x1048576xf32, #tpu.memory_space<hbm>> -> memref<1x1024xf32, #tpu.memory_space<hbm>>
      %dma_wait3A_480 = tpu.memref_squeeze %dma_wait3A_479 : memref<1x1024xf32, #tpu.memory_space<hbm>> -> memref<1024xf32, #tpu.memory_space<hbm>>
      %dma_wait3A_481 = arith.constant 128 : i32
      %dma_wait3A_482 = tpu.memref_slice %arg4[%dma_wait3A_475, %dma_wait3A_481] : memref<19x1152xf32, #tpu.memory_space<vmem>> -> memref<1x1024xf32, #tpu.memory_space<vmem>>
      %dma_wait3A_483 = tpu.memref_squeeze %dma_wait3A_482 : memref<1x1024xf32, #tpu.memory_space<vmem>> -> memref<1024xf32, #tpu.memory_space<vmem>>
      %dma_wait3A_484 = tpu.memref_slice %arg2[%dma_wait3A_474, %add3A_335] : memref<19x1048576xf32, #tpu.memory_space<hbm>> -> memref<1x1024xf32, #tpu.memory_space<hbm>>
      %dma_wait3A_485 = tpu.memref_squeeze %dma_wait3A_484 : memref<1x1024xf32, #tpu.memory_space<hbm>> -> memref<1024xf32, #tpu.memory_space<hbm>>
      tpu.wait_dma2 semaphore(%arg9 : memref<!tpu.dma_semaphore, #tpu.memory_space<semaphore_mem>>) src(%dma_wait3A_485 : memref<1024xf32, #tpu.memory_space<hbm>>) dst(%dma_wait3A_483 : memref<1024xf32, #tpu.memory_space<vmem>>)
      %gt3A = arith.constant 1 : i32
      %gt3A_486 = arith.cmpi sgt, %mul3A_173, %gt3A : i32
      %convert_element_type3A = arith.extui %gt3A_486 : i1 to i32
      %cond3A = arith.constant 0 : i32
      %cond3A_487 = arith.cmpi ne, %convert_element_type3A, %cond3A : i32
      scf.if %cond3A_487 {
        %sub3A_677 = arith.constant 2 : i32
        %sub3A_678 = arith.subi %mul3A_173, %sub3A_677 : i32
        %mul3A_679 = arith.constant 32768 : i32
        %mul3A_680 = arith.muli %add3A, %mul3A_679 : i32
        %mul3A_681 = arith.constant 1024 : i32
        %mul3A_682 = arith.muli %sub3A_678, %mul3A_681 : i32
        %add3A_683 = arith.addi %mul3A_680, %mul3A_682 : i32
        %dma_wait3A_684 = arith.constant 0 : i32
        %dma_wait3A_685 = tpu.memref_slice %arg3[%dma_wait3A_684, %add3A_683] : memref<3x1048576xf32, #tpu.memory_space<hbm>> -> memref<3x1024xf32, #tpu.memory_space<hbm>>
        %dma_wait3A_686 = arith.constant 0 : i32
        %dma_wait3A_687 = tpu.memref_slice %arg3[%dma_wait3A_686, %add3A_683] : memref<3x1048576xf32, #tpu.memory_space<hbm>> -> memref<3x1024xf32, #tpu.memory_space<hbm>>
        tpu.wait_dma2 semaphore(%arg12 : memref<!tpu.dma_semaphore, #tpu.memory_space<semaphore_mem>>) src(%arg6 : memref<3x1024xf32, #tpu.memory_space<vmem>>) dst(%dma_wait3A_687 : memref<3x1024xf32, #tpu.memory_space<hbm>>)
      } else {
      }
      %parallel_loop3A = arith.constant 0 : i32
      %parallel_loop3A_488 = arith.constant 64 : i32
      %parallel_loop3A_489 = arith.constant 1 : i32
      scf.for %parallel_loop3A_677 = %parallel_loop3A to %parallel_loop3A_488 step %parallel_loop3A_489  : i32 {
        %parallel_loop3A_678 = arith.constant 16 : i32
        %parallel_loop3A_679 = arith.muli %parallel_loop3A_677, %parallel_loop3A_678 : i32
        %parallel_loop3A_680 = arith.constant 128 : i32
        %parallel_loop3A_681 = arith.addi %parallel_loop3A_680, %parallel_loop3A_679 : i32
        %parallel_loop3A_682 = arith.constant 0 : i32
        %parallel_loop3A_683 = arith.index_cast %parallel_loop3A_682 : i32 to index
        %parallel_loop3A_684 = arith.index_cast %parallel_loop3A_681 : i32 to index
        %parallel_loop3A_685 = tpu.vector_load %arg4[%parallel_loop3A_683, %parallel_loop3A_684] {strides = array<i32>} : memref<19x1152xf32, #tpu.memory_space<vmem>>, vector<16xf32>,
        %parallel_loop3A_686 = arith.constant 1 : i32
        %parallel_loop3A_687 = arith.index_cast %parallel_loop3A_686 : i32 to index
        %parallel_loop3A_688 = arith.index_cast %parallel_loop3A_681 : i32 to index
        %parallel_loop3A_689 = tpu.vector_load %arg4[%parallel_loop3A_687, %parallel_loop3A_688] {strides = array<i32>} : memref<19x1152xf32, #tpu.memory_space<vmem>>, vector<16xf32>,
        %parallel_loop3A_690 = arith.constant 8 : i32
        %parallel_loop3A_691 = arith.index_cast %parallel_loop3A_690 : i32 to index
        %parallel_loop3A_692 = arith.index_cast %parallel_loop3A_681 : i32 to index
        %parallel_loop3A_693 = tpu.vector_load %arg4[%parallel_loop3A_691, %parallel_loop3A_692] {strides = array<i32>} : memref<19x1152xf32, #tpu.memory_space<vmem>>, vector<16xf32>,
        %parallel_loop3A_694 = arith.constant 9 : i32
        %parallel_loop3A_695 = arith.index_cast %parallel_loop3A_694 : i32 to index
        %parallel_loop3A_696 = arith.index_cast %parallel_loop3A_681 : i32 to index
        %parallel_loop3A_697 = tpu.vector_load %arg4[%parallel_loop3A_695, %parallel_loop3A_696] {strides = array<i32>} : memref<19x1152xf32, #tpu.memory_space<vmem>>, vector<16xf32>,
        %parallel_loop3A_698 = arith.constant 10 : i32
        %parallel_loop3A_699 = arith.index_cast %parallel_loop3A_698 : i32 to index
        %parallel_loop3A_700 = arith.index_cast %parallel_loop3A_681 : i32 to index
        %parallel_loop3A_701 = tpu.vector_load %arg4[%parallel_loop3A_699, %parallel_loop3A_700] {strides = array<i32>} : memref<19x1152xf32, #tpu.memory_space<vmem>>, vector<16xf32>,
        %parallel_loop3A_702 = arith.constant 11 : i32
        %parallel_loop3A_703 = arith.index_cast %parallel_loop3A_702 : i32 to index
        %parallel_loop3A_704 = arith.index_cast %parallel_loop3A_681 : i32 to index
        %parallel_loop3A_705 = tpu.vector_load %arg4[%parallel_loop3A_703, %parallel_loop3A_704] {strides = array<i32>} : memref<19x1152xf32, #tpu.memory_space<vmem>>, vector<16xf32>,
        %parallel_loop3A_706 = arith.constant 1 : i32
        %parallel_loop3A_707 = arith.subi %parallel_loop3A_681, %parallel_loop3A_706 : i32
        %parallel_loop3A_708 = vector.broadcast %parallel_loop3A_707 : i32 to vector<16xi32>
        %parallel_loop3A_709 = arith.addi %iota3A, %parallel_loop3A_708 : vector<16xi32>
        %parallel_loop3A_710 = tpu.vector_load_idx %arg4[%broadcast_in_dim3A_1, %parallel_loop3A_709] : memref<19x1152xf32, #tpu.memory_space<vmem>>[vector<16xi32>, vector<16xi32>], vector<16xf32>,
        %parallel_loop3A_711 = arith.constant 12 : i32
        %parallel_loop3A_712 = arith.index_cast %parallel_loop3A_711 : i32 to index
        %parallel_loop3A_713 = arith.index_cast %parallel_loop3A_681 : i32 to index
        %parallel_loop3A_714 = tpu.vector_load %arg4[%parallel_loop3A_712, %parallel_loop3A_713] {strides = array<i32>} : memref<19x1152xf32, #tpu.memory_space<vmem>>, vector<16xf32>,
        %parallel_loop3A_715 = arith.constant 13 : i32
        %parallel_loop3A_716 = arith.index_cast %parallel_loop3A_715 : i32 to index
        %parallel_loop3A_717 = arith.index_cast %parallel_loop3A_681 : i32 to index
        %parallel_loop3A_718 = tpu.vector_load %arg4[%parallel_loop3A_716, %parallel_loop3A_717] {strides = array<i32>} : memref<19x1152xf32, #tpu.memory_space<vmem>>, vector<16xf32>,
        %parallel_loop3A_719 = arith.constant 14 : i32
        %parallel_loop3A_720 = arith.index_cast %parallel_loop3A_719 : i32 to index
        %parallel_loop3A_721 = arith.index_cast %parallel_loop3A_681 : i32 to index
        %parallel_loop3A_722 = tpu.vector_load %arg4[%parallel_loop3A_720, %parallel_loop3A_721] {strides = array<i32>} : memref<19x1152xf32, #tpu.memory_space<vmem>>, vector<16xf32>,
        %parallel_loop3A_723 = arith.constant 16 : i32
        %parallel_loop3A_724 = arith.index_cast %parallel_loop3A_723 : i32 to index
        %parallel_loop3A_725 = arith.index_cast %parallel_loop3A_681 : i32 to index
        %parallel_loop3A_726 = tpu.vector_load %arg4[%parallel_loop3A_724, %parallel_loop3A_725] {strides = array<i32>} : memref<19x1152xf32, #tpu.memory_space<vmem>>, vector<16xf32>,
        %parallel_loop3A_727 = arith.constant 17 : i32
        %parallel_loop3A_728 = arith.index_cast %parallel_loop3A_727 : i32 to index
        %parallel_loop3A_729 = arith.index_cast %parallel_loop3A_681 : i32 to index
        %parallel_loop3A_730 = tpu.vector_load %arg4[%parallel_loop3A_728, %parallel_loop3A_729] {strides = array<i32>} : memref<19x1152xf32, #tpu.memory_space<vmem>>, vector<16xf32>,
        %parallel_loop3A_731 = arith.subf %parallel_loop3A_689, %parallel_loop3A_685 : vector<16xf32>
        %parallel_loop3A_732 = math.absf %parallel_loop3A_731 : vector<16xf32>
        %parallel_loop3A_733 = arith.constant 5.000000e-01 : f32
        %parallel_loop3A_734 = vector.broadcast %parallel_loop3A_733 : f32 to vector<16xf32>
        %parallel_loop3A_735 = arith.cmpf ogt, %parallel_loop3A_732, %parallel_loop3A_734 : vector<16xf32>
        %parallel_loop3A_736 = arith.cmpf ogt, %parallel_loop3A_689, %parallel_loop3A_685 : vector<16xf32>
        %parallel_loop3A_737 = arith.constant 0.000000e+00 : f32
        %parallel_loop3A_738 = vector.broadcast %parallel_loop3A_737 : f32 to vector<16xf32>
        %parallel_loop3A_739 = arith.cmpf ogt, %parallel_loop3A_701, %parallel_loop3A_738 : vector<16xf32>
        %parallel_loop3A_740 = arith.andi %parallel_loop3A_736, %parallel_loop3A_739 : vector<16xi1>
        %parallel_loop3A_741 = arith.andi %parallel_loop3A_740, %parallel_loop3A_735 : vector<16xi1>
        %parallel_loop3A_742 = arith.constant 0.000000e+00 : f32
        %parallel_loop3A_743 = vector.broadcast %parallel_loop3A_742 : f32 to vector<16xf32>
        %parallel_loop3A_744 = arith.cmpf ogt, %parallel_loop3A_693, %parallel_loop3A_743 : vector<16xf32>
        %parallel_loop3A_745 = arith.andi %parallel_loop3A_741, %parallel_loop3A_744 : vector<16xi1>
        %parallel_loop3A_746 = arith.constant 0.000000e+00 : f32
        %parallel_loop3A_747 = vector.broadcast %parallel_loop3A_746 : f32 to vector<16xf32>
        %parallel_loop3A_748 = arith.cmpf ogt, %parallel_loop3A_697, %parallel_loop3A_747 : vector<16xf32>
        %parallel_loop3A_749 = arith.andi %parallel_loop3A_745, %parallel_loop3A_748 : vector<16xi1>
        %parallel_loop3A_750 = arith.cmpf olt, %parallel_loop3A_689, %parallel_loop3A_685 : vector<16xf32>
        %parallel_loop3A_751 = arith.constant 0.000000e+00 : f32
        %parallel_loop3A_752 = vector.broadcast %parallel_loop3A_751 : f32 to vector<16xf32>
        %parallel_loop3A_753 = arith.cmpf olt, %parallel_loop3A_701, %parallel_loop3A_752 : vector<16xf32>
        %parallel_loop3A_754 = arith.andi %parallel_loop3A_750, %parallel_loop3A_753 : vector<16xi1>
        %parallel_loop3A_755 = arith.andi %parallel_loop3A_754, %parallel_loop3A_735 : vector<16xi1>
        %parallel_loop3A_756 = arith.constant 0.000000e+00 : f32
        %parallel_loop3A_757 = vector.broadcast %parallel_loop3A_756 : f32 to vector<16xf32>
        %parallel_loop3A_758 = arith.cmpf olt, %parallel_loop3A_693, %parallel_loop3A_757 : vector<16xf32>
        %parallel_loop3A_759 = arith.andi %parallel_loop3A_755, %parallel_loop3A_758 : vector<16xi1>
        %parallel_loop3A_760 = arith.constant 0.000000e+00 : f32
        %parallel_loop3A_761 = vector.broadcast %parallel_loop3A_760 : f32 to vector<16xf32>
        %parallel_loop3A_762 = arith.cmpf olt, %parallel_loop3A_697, %parallel_loop3A_761 : vector<16xf32>
        %parallel_loop3A_763 = arith.andi %parallel_loop3A_759, %parallel_loop3A_762 : vector<16xi1>
        %parallel_loop3A_764 = arith.subf %parallel_loop3A_705, %parallel_loop3A_710 : vector<16xf32>
        %parallel_loop3A_765 = arith.constant 0.000000e+00 : f32
        %parallel_loop3A_766 = vector.broadcast %parallel_loop3A_765 : f32 to vector<16xf32>
        %parallel_loop3A_767 = arith.cmpf ogt, %parallel_loop3A_705, %parallel_loop3A_766 : vector<16xf32>
        %parallel_loop3A_768 = arith.constant 0.000000e+00 : f32
        %parallel_loop3A_769 = vector.broadcast %parallel_loop3A_768 : f32 to vector<16xf32>
        %parallel_loop3A_770 = arith.cmpf olt, %parallel_loop3A_705, %parallel_loop3A_769 : vector<16xf32>
        %parallel_loop3A_771 = arith.constant 0.000000e+00 : f32
        %parallel_loop3A_772 = vector.broadcast %parallel_loop3A_771 : f32 to vector<16xf32>
        %parallel_loop3A_773 = arith.cmpf ogt, %parallel_loop3A_764, %parallel_loop3A_772 : vector<16xf32>
        %parallel_loop3A_774 = arith.constant 0.000000e+00 : f32
        %parallel_loop3A_775 = vector.broadcast %parallel_loop3A_774 : f32 to vector<16xf32>
        %parallel_loop3A_776 = arith.cmpf olt, %parallel_loop3A_764, %parallel_loop3A_775 : vector<16xf32>
        %parallel_loop3A_777 = arith.andi %parallel_loop3A_773, %parallel_loop3A_767 : vector<16xi1>
        %parallel_loop3A_778 = arith.andi %parallel_loop3A_776, %parallel_loop3A_770 : vector<16xi1>
        %parallel_loop3A_779 = arith.ori %parallel_loop3A_777, %parallel_loop3A_778 : vector<16xi1>
        %parallel_loop3A_780 = arith.andi %parallel_loop3A_776, %parallel_loop3A_767 : vector<16xi1>
        %parallel_loop3A_781 = arith.andi %parallel_loop3A_773, %parallel_loop3A_770 : vector<16xi1>
        %parallel_loop3A_782 = arith.ori %parallel_loop3A_780, %parallel_loop3A_781 : vector<16xi1>
        %parallel_loop3A_783 = arith.subf %parallel_loop3A_689, %parallel_loop3A_730 : vector<16xf32>
        %parallel_loop3A_784 = arith.subf %parallel_loop3A_726, %parallel_loop3A_730 : vector<16xf32>
        %parallel_loop3A_785 = arith.constant 0.000000e+00 : f32
        %parallel_loop3A_786 = vector.broadcast %parallel_loop3A_785 : f32 to vector<16xf32>
        %parallel_loop3A_787 = arith.cmpf ogt, %parallel_loop3A_784, %parallel_loop3A_786 : vector<16xf32>
        %parallel_loop3A_788 = arith.constant 0.000000e+00 : f32
        %parallel_loop3A_789 = vector.broadcast %parallel_loop3A_788 : f32 to vector<16xf32>
        %parallel_loop3A_790 = arith.cmpf olt, %parallel_loop3A_784, %parallel_loop3A_789 : vector<16xf32>
        %parallel_loop3A_791 = arith.constant 2.000000e-01 : f32
        %parallel_loop3A_792 = vector.broadcast %parallel_loop3A_791 : f32 to vector<16xf32>
        %parallel_loop3A_793 = arith.mulf %parallel_loop3A_792, %parallel_loop3A_784 : vector<16xf32>
        %parallel_loop3A_794 = arith.constant 8.000000e-01 : f32
        %parallel_loop3A_795 = vector.broadcast %parallel_loop3A_794 : f32 to vector<16xf32>
        %parallel_loop3A_796 = arith.mulf %parallel_loop3A_795, %parallel_loop3A_784 : vector<16xf32>
        %parallel_loop3A_797 = arith.cmpf olt, %parallel_loop3A_783, %parallel_loop3A_793 : vector<16xf32>
        %parallel_loop3A_798 = arith.andi %parallel_loop3A_797, %parallel_loop3A_787 : vector<16xi1>
        %parallel_loop3A_799 = arith.cmpf ogt, %parallel_loop3A_783, %parallel_loop3A_793 : vector<16xf32>
        %parallel_loop3A_800 = arith.andi %parallel_loop3A_799, %parallel_loop3A_790 : vector<16xi1>
        %parallel_loop3A_801 = arith.ori %parallel_loop3A_798, %parallel_loop3A_800 : vector<16xi1>
        %parallel_loop3A_802 = arith.cmpf ogt, %parallel_loop3A_783, %parallel_loop3A_796 : vector<16xf32>
        %parallel_loop3A_803 = arith.andi %parallel_loop3A_802, %parallel_loop3A_787 : vector<16xi1>
        %parallel_loop3A_804 = arith.cmpf olt, %parallel_loop3A_783, %parallel_loop3A_796 : vector<16xf32>
        %parallel_loop3A_805 = arith.andi %parallel_loop3A_804, %parallel_loop3A_790 : vector<16xi1>
        %parallel_loop3A_806 = arith.ori %parallel_loop3A_803, %parallel_loop3A_805 : vector<16xi1>
        %parallel_loop3A_807 = arith.andi %parallel_loop3A_806, %parallel_loop3A_782 : vector<16xi1>
        %parallel_loop3A_808 = arith.andi %parallel_loop3A_801, %parallel_loop3A_779 : vector<16xi1>
        %parallel_loop3A_809 = arith.constant 8.000000e-01 : f32
        %parallel_loop3A_810 = vector.broadcast %parallel_loop3A_809 : f32 to vector<16xf32>
        %parallel_loop3A_811 = arith.cmpf ogt, %parallel_loop3A_718, %parallel_loop3A_810 : vector<16xf32>
        %parallel_loop3A_812 = arith.andi %parallel_loop3A_811, %parallel_loop3A_782 : vector<16xi1>
        %parallel_loop3A_813 = arith.constant 2.000000e-01 : f32
        %parallel_loop3A_814 = vector.broadcast %parallel_loop3A_813 : f32 to vector<16xf32>
        %parallel_loop3A_815 = arith.cmpf olt, %parallel_loop3A_718, %parallel_loop3A_814 : vector<16xf32>
        %parallel_loop3A_816 = arith.andi %parallel_loop3A_815, %parallel_loop3A_779 : vector<16xi1>
        %parallel_loop3A_817 = arith.constant 1.000000e-01 : f32
        %parallel_loop3A_818 = vector.broadcast %parallel_loop3A_817 : f32 to vector<16xf32>
        %parallel_loop3A_819 = arith.cmpf ogt, %parallel_loop3A_714, %parallel_loop3A_818 : vector<16xf32>
        %parallel_loop3A_820 = arith.constant -1.000000e-01 : f32
        %parallel_loop3A_821 = vector.broadcast %parallel_loop3A_820 : f32 to vector<16xf32>
        %parallel_loop3A_822 = arith.cmpf olt, %parallel_loop3A_714, %parallel_loop3A_821 : vector<16xf32>
        %parallel_loop3A_823 = arith.constant 1.000000e-01 : f32
        %parallel_loop3A_824 = vector.broadcast %parallel_loop3A_823 : f32 to vector<16xf32>
        %parallel_loop3A_825 = arith.cmpf ogt, %parallel_loop3A_722, %parallel_loop3A_824 : vector<16xf32>
        %parallel_loop3A_826 = arith.constant -1.000000e-01 : f32
        %parallel_loop3A_827 = vector.broadcast %parallel_loop3A_826 : f32 to vector<16xf32>
        %parallel_loop3A_828 = arith.cmpf olt, %parallel_loop3A_722, %parallel_loop3A_827 : vector<16xf32>
        %parallel_loop3A_829 = arith.andi %parallel_loop3A_822, %parallel_loop3A_782 : vector<16xi1>
        %parallel_loop3A_830 = arith.andi %parallel_loop3A_819, %parallel_loop3A_779 : vector<16xi1>
        %parallel_loop3A_831 = arith.andi %parallel_loop3A_749, %parallel_loop3A_779 : vector<16xi1>
        %parallel_loop3A_832 = arith.andi %parallel_loop3A_819, %parallel_loop3A_828 : vector<16xi1>
        %parallel_loop3A_833 = arith.andi %parallel_loop3A_819, %parallel_loop3A_801 : vector<16xi1>
        %parallel_loop3A_834 = arith.ori %parallel_loop3A_832, %parallel_loop3A_833 : vector<16xi1>
        %parallel_loop3A_835 = arith.andi %parallel_loop3A_828, %parallel_loop3A_801 : vector<16xi1>
        %parallel_loop3A_836 = arith.ori %parallel_loop3A_834, %parallel_loop3A_835 : vector<16xi1>
        %parallel_loop3A_837 = arith.andi %parallel_loop3A_831, %parallel_loop3A_836 : vector<16xi1>
        %parallel_loop3A_838 = arith.andi %parallel_loop3A_763, %parallel_loop3A_782 : vector<16xi1>
        %parallel_loop3A_839 = arith.andi %parallel_loop3A_822, %parallel_loop3A_825 : vector<16xi1>
        %parallel_loop3A_840 = arith.andi %parallel_loop3A_822, %parallel_loop3A_806 : vector<16xi1>
        %parallel_loop3A_841 = arith.ori %parallel_loop3A_839, %parallel_loop3A_840 : vector<16xi1>
        %parallel_loop3A_842 = arith.andi %parallel_loop3A_825, %parallel_loop3A_806 : vector<16xi1>
        %parallel_loop3A_843 = arith.ori %parallel_loop3A_841, %parallel_loop3A_842 : vector<16xi1>
        %parallel_loop3A_844 = arith.andi %parallel_loop3A_838, %parallel_loop3A_843 : vector<16xi1>
        %parallel_loop3A_845 = arith.constant 0.839999973 : f32
        %parallel_loop3A_846 = arith.constant 0.000000e+00 : f32
        %parallel_loop3A_847 = vector.broadcast %parallel_loop3A_845 : f32 to vector<16xf32>
        %parallel_loop3A_848 = vector.broadcast %parallel_loop3A_846 : f32 to vector<16xf32>
        %parallel_loop3A_849 = arith.select %parallel_loop3A_763, %parallel_loop3A_847, %parallel_loop3A_848 : vector<16xi1>, vector<16xf32>
        %parallel_loop3A_850 = arith.constant 1.050000e+00 : f32
        %parallel_loop3A_851 = arith.constant 0.000000e+00 : f32
        %parallel_loop3A_852 = vector.broadcast %parallel_loop3A_850 : f32 to vector<16xf32>
        %parallel_loop3A_853 = vector.broadcast %parallel_loop3A_851 : f32 to vector<16xf32>
        %parallel_loop3A_854 = arith.select %parallel_loop3A_829, %parallel_loop3A_852, %parallel_loop3A_853 : vector<16xi1>, vector<16xf32>
        %parallel_loop3A_855 = arith.addf %parallel_loop3A_849, %parallel_loop3A_854 : vector<16xf32>
        %parallel_loop3A_856 = arith.constant 0.699999988 : f32
        %parallel_loop3A_857 = arith.constant 0.000000e+00 : f32
        %parallel_loop3A_858 = vector.broadcast %parallel_loop3A_856 : f32 to vector<16xf32>
        %parallel_loop3A_859 = vector.broadcast %parallel_loop3A_857 : f32 to vector<16xf32>
        %parallel_loop3A_860 = arith.select %parallel_loop3A_812, %parallel_loop3A_858, %parallel_loop3A_859 : vector<16xi1>, vector<16xf32>
        %parallel_loop3A_861 = arith.addf %parallel_loop3A_855, %parallel_loop3A_860 : vector<16xf32>
        %parallel_loop3A_862 = arith.constant 0.839999973 : f32
        %parallel_loop3A_863 = arith.constant 0.000000e+00 : f32
        %parallel_loop3A_864 = vector.broadcast %parallel_loop3A_862 : f32 to vector<16xf32>
        %parallel_loop3A_865 = vector.broadcast %parallel_loop3A_863 : f32 to vector<16xf32>
        %parallel_loop3A_866 = arith.select %parallel_loop3A_807, %parallel_loop3A_864, %parallel_loop3A_865 : vector<16xi1>, vector<16xf32>
        %parallel_loop3A_867 = arith.addf %parallel_loop3A_861, %parallel_loop3A_866 : vector<16xf32>
        %parallel_loop3A_868 = arith.constant 1.440000e+00 : f32
        %parallel_loop3A_869 = arith.constant 0.000000e+00 : f32
        %parallel_loop3A_870 = vector.broadcast %parallel_loop3A_868 : f32 to vector<16xf32>
        %parallel_loop3A_871 = vector.broadcast %parallel_loop3A_869 : f32 to vector<16xf32>
        %parallel_loop3A_872 = arith.select %parallel_loop3A_844, %parallel_loop3A_870, %parallel_loop3A_871 : vector<16xi1>, vector<16xf32>
        %parallel_loop3A_873 = arith.addf %parallel_loop3A_867, %parallel_loop3A_872 : vector<16xf32>
        %parallel_loop3A_874 = arith.constant 0.839999973 : f32
        %parallel_loop3A_875 = arith.constant 0.000000e+00 : f32
        %parallel_loop3A_876 = vector.broadcast %parallel_loop3A_874 : f32 to vector<16xf32>
        %parallel_loop3A_877 = vector.broadcast %parallel_loop3A_875 : f32 to vector<16xf32>
        %parallel_loop3A_878 = arith.select %parallel_loop3A_749, %parallel_loop3A_876, %parallel_loop3A_877 : vector<16xi1>, vector<16xf32>
        %parallel_loop3A_879 = arith.constant 1.050000e+00 : f32
        %parallel_loop3A_880 = arith.constant 0.000000e+00 : f32
        %parallel_loop3A_881 = vector.broadcast %parallel_loop3A_879 : f32 to vector<16xf32>
        %parallel_loop3A_882 = vector.broadcast %parallel_loop3A_880 : f32 to vector<16xf32>
        %parallel_loop3A_883 = arith.select %parallel_loop3A_830, %parallel_loop3A_881, %parallel_loop3A_882 : vector<16xi1>, vector<16xf32>
        %parallel_loop3A_884 = arith.addf %parallel_loop3A_878, %parallel_loop3A_883 : vector<16xf32>
        %parallel_loop3A_885 = arith.constant 0.699999988 : f32
        %parallel_loop3A_886 = arith.constant 0.000000e+00 : f32
        %parallel_loop3A_887 = vector.broadcast %parallel_loop3A_885 : f32 to vector<16xf32>
        %parallel_loop3A_888 = vector.broadcast %parallel_loop3A_886 : f32 to vector<16xf32>
        %parallel_loop3A_889 = arith.select %parallel_loop3A_816, %parallel_loop3A_887, %parallel_loop3A_888 : vector<16xi1>, vector<16xf32>
        %parallel_loop3A_890 = arith.addf %parallel_loop3A_884, %parallel_loop3A_889 : vector<16xf32>
        %parallel_loop3A_891 = arith.constant 0.839999973 : f32
        %parallel_loop3A_892 = arith.constant 0.000000e+00 : f32
        %parallel_loop3A_893 = vector.broadcast %parallel_loop3A_891 : f32 to vector<16xf32>
        %parallel_loop3A_894 = vector.broadcast %parallel_loop3A_892 : f32 to vector<16xf32>
        %parallel_loop3A_895 = arith.select %parallel_loop3A_808, %parallel_loop3A_893, %parallel_loop3A_894 : vector<16xi1>, vector<16xf32>
        %parallel_loop3A_896 = arith.addf %parallel_loop3A_890, %parallel_loop3A_895 : vector<16xf32>
        %parallel_loop3A_897 = arith.constant 1.440000e+00 : f32
        %parallel_loop3A_898 = arith.constant 0.000000e+00 : f32
        %parallel_loop3A_899 = vector.broadcast %parallel_loop3A_897 : f32 to vector<16xf32>
        %parallel_loop3A_900 = vector.broadcast %parallel_loop3A_898 : f32 to vector<16xf32>
        %parallel_loop3A_901 = arith.select %parallel_loop3A_837, %parallel_loop3A_899, %parallel_loop3A_900 : vector<16xi1>, vector<16xf32>
        %parallel_loop3A_902 = arith.addf %parallel_loop3A_896, %parallel_loop3A_901 : vector<16xf32>
        %parallel_loop3A_903 = arith.constant 2.000000e+00 : f32
        %parallel_loop3A_904 = vector.broadcast %parallel_loop3A_903 : f32 to vector<16xf32>
        %parallel_loop3A_905 = arith.mulf %parallel_loop3A_904, %parallel_loop3A_873 : vector<16xf32>
        %parallel_loop3A_906 = arith.constant 8.000000e-01 : f32
        %parallel_loop3A_907 = vector.broadcast %parallel_loop3A_906 : f32 to vector<16xf32>
        %parallel_loop3A_908 = arith.addf %parallel_loop3A_907, %parallel_loop3A_905 : vector<16xf32>
        %parallel_loop3A_909 = arith.constant 2.000000e+00 : f32
        %parallel_loop3A_910 = vector.broadcast %parallel_loop3A_909 : f32 to vector<16xf32>
        %parallel_loop3A_911 = arith.mulf %parallel_loop3A_910, %parallel_loop3A_902 : vector<16xf32>
        %parallel_loop3A_912 = arith.constant 8.000000e-01 : f32
        %parallel_loop3A_913 = vector.broadcast %parallel_loop3A_912 : f32 to vector<16xf32>
        %parallel_loop3A_914 = arith.addf %parallel_loop3A_913, %parallel_loop3A_911 : vector<16xf32>
        %parallel_loop3A_915 = arith.maximumf %parallel_loop3A_908, %parallel_loop3A_914 : vector<16xf32>
        %parallel_loop3A_916 = arith.subf %parallel_loop3A_908, %parallel_loop3A_915 : vector<16xf32>
        %parallel_loop3A_917 = math.exp %parallel_loop3A_916 : vector<16xf32>
        %parallel_loop3A_918 = arith.constant 4.000000e-01 : f32
        %parallel_loop3A_919 = vector.broadcast %parallel_loop3A_918 : f32 to vector<16xf32>
        %parallel_loop3A_920 = arith.subf %parallel_loop3A_919, %parallel_loop3A_915 : vector<16xf32>
        %parallel_loop3A_921 = math.exp %parallel_loop3A_920 : vector<16xf32>
        %parallel_loop3A_922 = arith.subf %parallel_loop3A_914, %parallel_loop3A_915 : vector<16xf32>
        %parallel_loop3A_923 = math.exp %parallel_loop3A_922 : vector<16xf32>
        %parallel_loop3A_924 = arith.addf %parallel_loop3A_917, %parallel_loop3A_921 : vector<16xf32>
        %parallel_loop3A_925 = arith.addf %parallel_loop3A_924, %parallel_loop3A_923 : vector<16xf32>
        %parallel_loop3A_926 = arith.constant 1.000000e+00 : f32
        %parallel_loop3A_927 = vector.broadcast %parallel_loop3A_926 : f32 to vector<16xf32>
        %parallel_loop3A_928 = arith.divf %parallel_loop3A_927, %parallel_loop3A_925 : vector<16xf32>
        %parallel_loop3A_929 = arith.constant 16 : i32
        %parallel_loop3A_930 = arith.muli %parallel_loop3A_677, %parallel_loop3A_929 : i32
        %parallel_loop3A_931 = arith.mulf %parallel_loop3A_917, %parallel_loop3A_928 : vector<16xf32>
        %parallel_loop3A_932 = arith.constant 0 : i32
        %parallel_loop3A_933 = arith.index_cast %parallel_loop3A_932 : i32 to index
        %parallel_loop3A_934 = arith.index_cast %parallel_loop3A_930 : i32 to index
        %parallel_loop3A_935 = tpu.vector_load %arg6[%parallel_loop3A_933, %parallel_loop3A_934] {strides = array<i32>} : memref<3x1024xf32, #tpu.memory_space<vmem>>, vector<16xf32>,
        tpu.vector_store %arg6[%parallel_loop3A_933, %parallel_loop3A_934], %parallel_loop3A_931 {strides = array<i32>} : memref<3x1024xf32, #tpu.memory_space<vmem>>, vector<16xf32>,
        %parallel_loop3A_936 = arith.mulf %parallel_loop3A_921, %parallel_loop3A_928 : vector<16xf32>
        %parallel_loop3A_937 = arith.constant 1 : i32
        %parallel_loop3A_938 = arith.index_cast %parallel_loop3A_937 : i32 to index
        %parallel_loop3A_939 = arith.index_cast %parallel_loop3A_930 : i32 to index
        %parallel_loop3A_940 = tpu.vector_load %arg6[%parallel_loop3A_938, %parallel_loop3A_939] {strides = array<i32>} : memref<3x1024xf32, #tpu.memory_space<vmem>>, vector<16xf32>,
        tpu.vector_store %arg6[%parallel_loop3A_938, %parallel_loop3A_939], %parallel_loop3A_936 {strides = array<i32>} : memref<3x1024xf32, #tpu.memory_space<vmem>>, vector<16xf32>,
        %parallel_loop3A_941 = arith.mulf %parallel_loop3A_923, %parallel_loop3A_928 : vector<16xf32>
        %parallel_loop3A_942 = arith.constant 2 : i32
        %parallel_loop3A_943 = arith.index_cast %parallel_loop3A_942 : i32 to index
        %parallel_loop3A_944 = arith.index_cast %parallel_loop3A_930 : i32 to index
        %parallel_loop3A_945 = tpu.vector_load %arg6[%parallel_loop3A_943, %parallel_loop3A_944] {strides = array<i32>} : memref<3x1024xf32, #tpu.memory_space<vmem>>, vector<16xf32>,
        tpu.vector_store %arg6[%parallel_loop3A_943, %parallel_loop3A_944], %parallel_loop3A_941 {strides = array<i32>} : memref<3x1024xf32, #tpu.memory_space<vmem>>, vector<16xf32>,
      } {sc.loop_unroll_factor = 8 : i64, sc.parallel_access}
      %mul3A_490 = arith.constant 32768 : i32
      %mul3A_491 = arith.muli %add3A, %mul3A_490 : i32
      %mul3A_492 = arith.constant 1024 : i32
      %mul3A_493 = arith.muli %mul3A_173, %mul3A_492 : i32
      %add3A_494 = arith.addi %mul3A_491, %mul3A_493 : i32
      %dma_start3A_495 = arith.constant 0 : i32
      %dma_start3A_496 = tpu.memref_slice %arg3[%dma_start3A_495, %add3A_494] : memref<3x1048576xf32, #tpu.memory_space<hbm>> -> memref<3x1024xf32, #tpu.memory_space<hbm>>
      %dma_start3A_497 = arith.constant 0 : i32
      %dma_start3A_498 = tpu.memref_slice %arg3[%dma_start3A_497, %add3A_494] : memref<3x1048576xf32, #tpu.memory_space<hbm>> -> memref<3x1024xf32, #tpu.memory_space<hbm>>
      tpu.enqueue_dma source(%arg6 : memref<3x1024xf32, #tpu.memory_space<vmem>>) target(%dma_start3A_498 : memref<3x1024xf32, #tpu.memory_space<hbm>>) target_semaphore(%arg12 : memref<!tpu.dma_semaphore, #tpu.memory_space<semaphore_mem>>)
      %add3A_499 = arith.constant 1 : i32
      %add3A_500 = arith.addi %scan3A_171, %add3A_499 : i32
      %lt3A = arith.constant 16 : i32
      %lt3A_501 = arith.cmpi slt, %add3A_500, %lt3A : i32
      %convert_element_type3A_502 = arith.extui %lt3A_501 : i1 to i32
      %cond3A_503 = arith.constant 0 : i32
      %cond3A_504 = arith.cmpi ne, %convert_element_type3A_502, %cond3A_503 : i32
      scf.if %cond3A_504 {
        %add3A_677 = arith.constant 2 : i32
        %add3A_678 = arith.addi %mul3A_173, %add3A_677 : i32
        %mul3A_679 = arith.constant 32768 : i32
        %mul3A_680 = arith.muli %add3A, %mul3A_679 : i32
        %mul3A_681 = arith.constant 1024 : i32
        %mul3A_682 = arith.muli %add3A_678, %mul3A_681 : i32
        %add3A_683 = arith.addi %mul3A_680, %mul3A_682 : i32
        %eq3A_684 = arith.constant 0 : i32
        %eq3A_685 = arith.cmpi eq, %add3A_683, %eq3A_684 : i32
        %sub3A_686 = arith.constant 128 : i32
        %sub3A_687 = arith.subi %add3A_683, %sub3A_686 : i32
        %jit3A_688 = arith.constant 1048448 : i32
        %select_n3A_689 = arith.select %eq3A_685, %jit3A_688, %sub3A_687 : i32
        %dma_start3A_690 = arith.constant 11 : i32
        %dma_start3A_691 = arith.constant 11 : i32
        %dma_start3A_692 = arith.constant 0 : i32
        %dma_start3A_693 = tpu.memref_slice %arg4[%dma_start3A_691, %dma_start3A_692] : memref<19x1152xf32, #tpu.memory_space<vmem>> -> memref<1x128xf32, #tpu.memory_space<vmem>>
        %dma_start3A_694 = tpu.memref_squeeze %dma_start3A_693 : memref<1x128xf32, #tpu.memory_space<vmem>> -> memref<128xf32, #tpu.memory_space<vmem>>
        %dma_start3A_695 = tpu.memref_slice %arg2[%dma_start3A_690, %select_n3A_689] : memref<19x1048576xf32, #tpu.memory_space<hbm>> -> memref<1x128xf32, #tpu.memory_space<hbm>>
        %dma_start3A_696 = tpu.memref_squeeze %dma_start3A_695 : memref<1x128xf32, #tpu.memory_space<hbm>> -> memref<128xf32, #tpu.memory_space<hbm>>
        %dma_start3A_697 = arith.constant 0 : i32
        %dma_start3A_698 = tpu.memref_slice %arg4[%dma_start3A_691, %dma_start3A_697] : memref<19x1152xf32, #tpu.memory_space<vmem>> -> memref<1x128xf32, #tpu.memory_space<vmem>>
        %dma_start3A_699 = tpu.memref_squeeze %dma_start3A_698 : memref<1x128xf32, #tpu.memory_space<vmem>> -> memref<128xf32, #tpu.memory_space<vmem>>
        %dma_start3A_700 = tpu.memref_slice %arg2[%dma_start3A_690, %select_n3A_689] : memref<19x1048576xf32, #tpu.memory_space<hbm>> -> memref<1x128xf32, #tpu.memory_space<hbm>>
        %dma_start3A_701 = tpu.memref_squeeze %dma_start3A_700 : memref<1x128xf32, #tpu.memory_space<hbm>> -> memref<128xf32, #tpu.memory_space<hbm>>
        tpu.enqueue_dma source(%dma_start3A_701 : memref<128xf32, #tpu.memory_space<hbm>>) target(%dma_start3A_699 : memref<128xf32, #tpu.memory_space<vmem>>) target_semaphore(%arg8 : memref<!tpu.dma_semaphore, #tpu.memory_space<semaphore_mem>>)
        %dma_start3A_702 = arith.constant 11 : i32
        %dma_start3A_703 = arith.constant 11 : i32
        %dma_start3A_704 = arith.constant 128 : i32
        %dma_start3A_705 = tpu.memref_slice %arg4[%dma_start3A_703, %dma_start3A_704] : memref<19x1152xf32, #tpu.memory_space<vmem>> -> memref<1x1024xf32, #tpu.memory_space<vmem>>
        %dma_start3A_706 = tpu.memref_squeeze %dma_start3A_705 : memref<1x1024xf32, #tpu.memory_space<vmem>> -> memref<1024xf32, #tpu.memory_space<vmem>>
        %dma_start3A_707 = tpu.memref_slice %arg2[%dma_start3A_702, %add3A_683] : memref<19x1048576xf32, #tpu.memory_space<hbm>> -> memref<1x1024xf32, #tpu.memory_space<hbm>>
        %dma_start3A_708 = tpu.memref_squeeze %dma_start3A_707 : memref<1x1024xf32, #tpu.memory_space<hbm>> -> memref<1024xf32, #tpu.memory_space<hbm>>
        %dma_start3A_709 = arith.constant 128 : i32
        %dma_start3A_710 = tpu.memref_slice %arg4[%dma_start3A_703, %dma_start3A_709] : memref<19x1152xf32, #tpu.memory_space<vmem>> -> memref<1x1024xf32, #tpu.memory_space<vmem>>
        %dma_start3A_711 = tpu.memref_squeeze %dma_start3A_710 : memref<1x1024xf32, #tpu.memory_space<vmem>> -> memref<1024xf32, #tpu.memory_space<vmem>>
        %dma_start3A_712 = tpu.memref_slice %arg2[%dma_start3A_702, %add3A_683] : memref<19x1048576xf32, #tpu.memory_space<hbm>> -> memref<1x1024xf32, #tpu.memory_space<hbm>>
        %dma_start3A_713 = tpu.memref_squeeze %dma_start3A_712 : memref<1x1024xf32, #tpu.memory_space<hbm>> -> memref<1024xf32, #tpu.memory_space<hbm>>
        tpu.enqueue_dma source(%dma_start3A_713 : memref<1024xf32, #tpu.memory_space<hbm>>) target(%dma_start3A_711 : memref<1024xf32, #tpu.memory_space<vmem>>) target_semaphore(%arg8 : memref<!tpu.dma_semaphore, #tpu.memory_space<semaphore_mem>>)
        %dma_start3A_714 = arith.constant 0 : i32
        %dma_start3A_715 = arith.constant 0 : i32
        %dma_start3A_716 = arith.constant 128 : i32
        %dma_start3A_717 = tpu.memref_slice %arg4[%dma_start3A_715, %dma_start3A_716] : memref<19x1152xf32, #tpu.memory_space<vmem>> -> memref<1x1024xf32, #tpu.memory_space<vmem>>
        %dma_start3A_718 = tpu.memref_squeeze %dma_start3A_717 : memref<1x1024xf32, #tpu.memory_space<vmem>> -> memref<1024xf32, #tpu.memory_space<vmem>>
        %dma_start3A_719 = tpu.memref_slice %arg2[%dma_start3A_714, %add3A_683] : memref<19x1048576xf32, #tpu.memory_space<hbm>> -> memref<1x1024xf32, #tpu.memory_space<hbm>>
        %dma_start3A_720 = tpu.memref_squeeze %dma_start3A_719 : memref<1x1024xf32, #tpu.memory_space<hbm>> -> memref<1024xf32, #tpu.memory_space<hbm>>
        %dma_start3A_721 = arith.constant 128 : i32
        %dma_start3A_722 = tpu.memref_slice %arg4[%dma_start3A_715, %dma_start3A_721] : memref<19x1152xf32, #tpu.memory_space<vmem>> -> memref<1x1024xf32, #tpu.memory_space<vmem>>
        %dma_start3A_723 = tpu.memref_squeeze %dma_start3A_722 : memref<1x1024xf32, #tpu.memory_space<vmem>> -> memref<1024xf32, #tpu.memory_space<vmem>>
        %dma_start3A_724 = tpu.memref_slice %arg2[%dma_start3A_714, %add3A_683] : memref<19x1048576xf32, #tpu.memory_space<hbm>> -> memref<1x1024xf32, #tpu.memory_space<hbm>>
        %dma_start3A_725 = tpu.memref_squeeze %dma_start3A_724 : memref<1x1024xf32, #tpu.memory_space<hbm>> -> memref<1024xf32, #tpu.memory_space<hbm>>
        tpu.enqueue_dma source(%dma_start3A_725 : memref<1024xf32, #tpu.memory_space<hbm>>) target(%dma_start3A_723 : memref<1024xf32, #tpu.memory_space<vmem>>) target_semaphore(%arg9 : memref<!tpu.dma_semaphore, #tpu.memory_space<semaphore_mem>>)
        %dma_start3A_726 = arith.constant 1 : i32
        %dma_start3A_727 = arith.constant 1 : i32
        %dma_start3A_728 = arith.constant 128 : i32
        %dma_start3A_729 = tpu.memref_slice %arg4[%dma_start3A_727, %dma_start3A_728] : memref<19x1152xf32, #tpu.memory_space<vmem>> -> memref<1x1024xf32, #tpu.memory_space<vmem>>
        %dma_start3A_730 = tpu.memref_squeeze %dma_start3A_729 : memref<1x1024xf32, #tpu.memory_space<vmem>> -> memref<1024xf32, #tpu.memory_space<vmem>>
        %dma_start3A_731 = tpu.memref_slice %arg2[%dma_start3A_726, %add3A_683] : memref<19x1048576xf32, #tpu.memory_space<hbm>> -> memref<1x1024xf32, #tpu.memory_space<hbm>>
        %dma_start3A_732 = tpu.memref_squeeze %dma_start3A_731 : memref<1x1024xf32, #tpu.memory_space<hbm>> -> memref<1024xf32, #tpu.memory_space<hbm>>
        %dma_start3A_733 = arith.constant 128 : i32
        %dma_start3A_734 = tpu.memref_slice %arg4[%dma_start3A_727, %dma_start3A_733] : memref<19x1152xf32, #tpu.memory_space<vmem>> -> memref<1x1024xf32, #tpu.memory_space<vmem>>
        %dma_start3A_735 = tpu.memref_squeeze %dma_start3A_734 : memref<1x1024xf32, #tpu.memory_space<vmem>> -> memref<1024xf32, #tpu.memory_space<vmem>>
        %dma_start3A_736 = tpu.memref_slice %arg2[%dma_start3A_726, %add3A_683] : memref<19x1048576xf32, #tpu.memory_space<hbm>> -> memref<1x1024xf32, #tpu.memory_space<hbm>>
        %dma_start3A_737 = tpu.memref_squeeze %dma_start3A_736 : memref<1x1024xf32, #tpu.memory_space<hbm>> -> memref<1024xf32, #tpu.memory_space<hbm>>
        tpu.enqueue_dma source(%dma_start3A_737 : memref<1024xf32, #tpu.memory_space<hbm>>) target(%dma_start3A_735 : memref<1024xf32, #tpu.memory_space<vmem>>) target_semaphore(%arg9 : memref<!tpu.dma_semaphore, #tpu.memory_space<semaphore_mem>>)
        %dma_start3A_738 = arith.constant 8 : i32
        %dma_start3A_739 = arith.constant 8 : i32
        %dma_start3A_740 = arith.constant 128 : i32
        %dma_start3A_741 = tpu.memref_slice %arg4[%dma_start3A_739, %dma_start3A_740] : memref<19x1152xf32, #tpu.memory_space<vmem>> -> memref<1x1024xf32, #tpu.memory_space<vmem>>
        %dma_start3A_742 = tpu.memref_squeeze %dma_start3A_741 : memref<1x1024xf32, #tpu.memory_space<vmem>> -> memref<1024xf32, #tpu.memory_space<vmem>>
        %dma_start3A_743 = tpu.memref_slice %arg2[%dma_start3A_738, %add3A_683] : memref<19x1048576xf32, #tpu.memory_space<hbm>> -> memref<1x1024xf32, #tpu.memory_space<hbm>>
        %dma_start3A_744 = tpu.memref_squeeze %dma_start3A_743 : memref<1x1024xf32, #tpu.memory_space<hbm>> -> memref<1024xf32, #tpu.memory_space<hbm>>
        %dma_start3A_745 = arith.constant 128 : i32
        %dma_start3A_746 = tpu.memref_slice %arg4[%dma_start3A_739, %dma_start3A_745] : memref<19x1152xf32, #tpu.memory_space<vmem>> -> memref<1x1024xf32, #tpu.memory_space<vmem>>
        %dma_start3A_747 = tpu.memref_squeeze %dma_start3A_746 : memref<1x1024xf32, #tpu.memory_space<vmem>> -> memref<1024xf32, #tpu.memory_space<vmem>>
        %dma_start3A_748 = tpu.memref_slice %arg2[%dma_start3A_738, %add3A_683] : memref<19x1048576xf32, #tpu.memory_space<hbm>> -> memref<1x1024xf32, #tpu.memory_space<hbm>>
        %dma_start3A_749 = tpu.memref_squeeze %dma_start3A_748 : memref<1x1024xf32, #tpu.memory_space<hbm>> -> memref<1024xf32, #tpu.memory_space<hbm>>
        tpu.enqueue_dma source(%dma_start3A_749 : memref<1024xf32, #tpu.memory_space<hbm>>) target(%dma_start3A_747 : memref<1024xf32, #tpu.memory_space<vmem>>) target_semaphore(%arg9 : memref<!tpu.dma_semaphore, #tpu.memory_space<semaphore_mem>>)
        %dma_start3A_750 = arith.constant 9 : i32
        %dma_start3A_751 = arith.constant 9 : i32
        %dma_start3A_752 = arith.constant 128 : i32
        %dma_start3A_753 = tpu.memref_slice %arg4[%dma_start3A_751, %dma_start3A_752] : memref<19x1152xf32, #tpu.memory_space<vmem>> -> memref<1x1024xf32, #tpu.memory_space<vmem>>
        %dma_start3A_754 = tpu.memref_squeeze %dma_start3A_753 : memref<1x1024xf32, #tpu.memory_space<vmem>> -> memref<1024xf32, #tpu.memory_space<vmem>>
        %dma_start3A_755 = tpu.memref_slice %arg2[%dma_start3A_750, %add3A_683] : memref<19x1048576xf32, #tpu.memory_space<hbm>> -> memref<1x1024xf32, #tpu.memory_space<hbm>>
        %dma_start3A_756 = tpu.memref_squeeze %dma_start3A_755 : memref<1x1024xf32, #tpu.memory_space<hbm>> -> memref<1024xf32, #tpu.memory_space<hbm>>
        %dma_start3A_757 = arith.constant 128 : i32
        %dma_start3A_758 = tpu.memref_slice %arg4[%dma_start3A_751, %dma_start3A_757] : memref<19x1152xf32, #tpu.memory_space<vmem>> -> memref<1x1024xf32, #tpu.memory_space<vmem>>
        %dma_start3A_759 = tpu.memref_squeeze %dma_start3A_758 : memref<1x1024xf32, #tpu.memory_space<vmem>> -> memref<1024xf32, #tpu.memory_space<vmem>>
        %dma_start3A_760 = tpu.memref_slice %arg2[%dma_start3A_750, %add3A_683] : memref<19x1048576xf32, #tpu.memory_space<hbm>> -> memref<1x1024xf32, #tpu.memory_space<hbm>>
        %dma_start3A_761 = tpu.memref_squeeze %dma_start3A_760 : memref<1x1024xf32, #tpu.memory_space<hbm>> -> memref<1024xf32, #tpu.memory_space<hbm>>
        tpu.enqueue_dma source(%dma_start3A_761 : memref<1024xf32, #tpu.memory_space<hbm>>) target(%dma_start3A_759 : memref<1024xf32, #tpu.memory_space<vmem>>) target_semaphore(%arg9 : memref<!tpu.dma_semaphore, #tpu.memory_space<semaphore_mem>>)
        %dma_start3A_762 = arith.constant 10 : i32
        %dma_start3A_763 = arith.constant 10 : i32
        %dma_start3A_764 = arith.constant 128 : i32
        %dma_start3A_765 = tpu.memref_slice %arg4[%dma_start3A_763, %dma_start3A_764] : memref<19x1152xf32, #tpu.memory_space<vmem>> -> memref<1x1024xf32, #tpu.memory_space<vmem>>
        %dma_start3A_766 = tpu.memref_squeeze %dma_start3A_765 : memref<1x1024xf32, #tpu.memory_space<vmem>> -> memref<1024xf32, #tpu.memory_space<vmem>>
        %dma_start3A_767 = tpu.memref_slice %arg2[%dma_start3A_762, %add3A_683] : memref<19x1048576xf32, #tpu.memory_space<hbm>> -> memref<1x1024xf32, #tpu.memory_space<hbm>>
        %dma_start3A_768 = tpu.memref_squeeze %dma_start3A_767 : memref<1x1024xf32, #tpu.memory_space<hbm>> -> memref<1024xf32, #tpu.memory_space<hbm>>
        %dma_start3A_769 = arith.constant 128 : i32
        %dma_start3A_770 = tpu.memref_slice %arg4[%dma_start3A_763, %dma_start3A_769] : memref<19x1152xf32, #tpu.memory_space<vmem>> -> memref<1x1024xf32, #tpu.memory_space<vmem>>
        %dma_start3A_771 = tpu.memref_squeeze %dma_start3A_770 : memref<1x1024xf32, #tpu.memory_space<vmem>> -> memref<1024xf32, #tpu.memory_space<vmem>>
        %dma_start3A_772 = tpu.memref_slice %arg2[%dma_start3A_762, %add3A_683] : memref<19x1048576xf32, #tpu.memory_space<hbm>> -> memref<1x1024xf32, #tpu.memory_space<hbm>>
        %dma_start3A_773 = tpu.memref_squeeze %dma_start3A_772 : memref<1x1024xf32, #tpu.memory_space<hbm>> -> memref<1024xf32, #tpu.memory_space<hbm>>
        tpu.enqueue_dma source(%dma_start3A_773 : memref<1024xf32, #tpu.memory_space<hbm>>) target(%dma_start3A_771 : memref<1024xf32, #tpu.memory_space<vmem>>) target_semaphore(%arg9 : memref<!tpu.dma_semaphore, #tpu.memory_space<semaphore_mem>>)
        %dma_start3A_774 = arith.constant 12 : i32
        %dma_start3A_775 = arith.constant 12 : i32
        %dma_start3A_776 = arith.constant 128 : i32
        %dma_start3A_777 = tpu.memref_slice %arg4[%dma_start3A_775, %dma_start3A_776] : memref<19x1152xf32, #tpu.memory_space<vmem>> -> memref<1x1024xf32, #tpu.memory_space<vmem>>
        %dma_start3A_778 = tpu.memref_squeeze %dma_start3A_777 : memref<1x1024xf32, #tpu.memory_space<vmem>> -> memref<1024xf32, #tpu.memory_space<vmem>>
        %dma_start3A_779 = tpu.memref_slice %arg2[%dma_start3A_774, %add3A_683] : memref<19x1048576xf32, #tpu.memory_space<hbm>> -> memref<1x1024xf32, #tpu.memory_space<hbm>>
        %dma_start3A_780 = tpu.memref_squeeze %dma_start3A_779 : memref<1x1024xf32, #tpu.memory_space<hbm>> -> memref<1024xf32, #tpu.memory_space<hbm>>
        %dma_start3A_781 = arith.constant 128 : i32
        %dma_start3A_782 = tpu.memref_slice %arg4[%dma_start3A_775, %dma_start3A_781] : memref<19x1152xf32, #tpu.memory_space<vmem>> -> memref<1x1024xf32, #tpu.memory_space<vmem>>
        %dma_start3A_783 = tpu.memref_squeeze %dma_start3A_782 : memref<1x1024xf32, #tpu.memory_space<vmem>> -> memref<1024xf32, #tpu.memory_space<vmem>>
        %dma_start3A_784 = tpu.memref_slice %arg2[%dma_start3A_774, %add3A_683] : memref<19x1048576xf32, #tpu.memory_space<hbm>> -> memref<1x1024xf32, #tpu.memory_space<hbm>>
        %dma_start3A_785 = tpu.memref_squeeze %dma_start3A_784 : memref<1x1024xf32, #tpu.memory_space<hbm>> -> memref<1024xf32, #tpu.memory_space<hbm>>
        tpu.enqueue_dma source(%dma_start3A_785 : memref<1024xf32, #tpu.memory_space<hbm>>) target(%dma_start3A_783 : memref<1024xf32, #tpu.memory_space<vmem>>) target_semaphore(%arg9 : memref<!tpu.dma_semaphore, #tpu.memory_space<semaphore_mem>>)
        %dma_start3A_786 = arith.constant 13 : i32
        %dma_start3A_787 = arith.constant 13 : i32
        %dma_start3A_788 = arith.constant 128 : i32
        %dma_start3A_789 = tpu.memref_slice %arg4[%dma_start3A_787, %dma_start3A_788] : memref<19x1152xf32, #tpu.memory_space<vmem>> -> memref<1x1024xf32, #tpu.memory_space<vmem>>
        %dma_start3A_790 = tpu.memref_squeeze %dma_start3A_789 : memref<1x1024xf32, #tpu.memory_space<vmem>> -> memref<1024xf32, #tpu.memory_space<vmem>>
        %dma_start3A_791 = tpu.memref_slice %arg2[%dma_start3A_786, %add3A_683] : memref<19x1048576xf32, #tpu.memory_space<hbm>> -> memref<1x1024xf32, #tpu.memory_space<hbm>>
        %dma_start3A_792 = tpu.memref_squeeze %dma_start3A_791 : memref<1x1024xf32, #tpu.memory_space<hbm>> -> memref<1024xf32, #tpu.memory_space<hbm>>
        %dma_start3A_793 = arith.constant 128 : i32
        %dma_start3A_794 = tpu.memref_slice %arg4[%dma_start3A_787, %dma_start3A_793] : memref<19x1152xf32, #tpu.memory_space<vmem>> -> memref<1x1024xf32, #tpu.memory_space<vmem>>
        %dma_start3A_795 = tpu.memref_squeeze %dma_start3A_794 : memref<1x1024xf32, #tpu.memory_space<vmem>> -> memref<1024xf32, #tpu.memory_space<vmem>>
        %dma_start3A_796 = tpu.memref_slice %arg2[%dma_start3A_786, %add3A_683] : memref<19x1048576xf32, #tpu.memory_space<hbm>> -> memref<1x1024xf32, #tpu.memory_space<hbm>>
        %dma_start3A_797 = tpu.memref_squeeze %dma_start3A_796 : memref<1x1024xf32, #tpu.memory_space<hbm>> -> memref<1024xf32, #tpu.memory_space<hbm>>
        tpu.enqueue_dma source(%dma_start3A_797 : memref<1024xf32, #tpu.memory_space<hbm>>) target(%dma_start3A_795 : memref<1024xf32, #tpu.memory_space<vmem>>) target_semaphore(%arg9 : memref<!tpu.dma_semaphore, #tpu.memory_space<semaphore_mem>>)
        %dma_start3A_798 = arith.constant 14 : i32
        %dma_start3A_799 = arith.constant 14 : i32
        %dma_start3A_800 = arith.constant 128 : i32
        %dma_start3A_801 = tpu.memref_slice %arg4[%dma_start3A_799, %dma_start3A_800] : memref<19x1152xf32, #tpu.memory_space<vmem>> -> memref<1x1024xf32, #tpu.memory_space<vmem>>
        %dma_start3A_802 = tpu.memref_squeeze %dma_start3A_801 : memref<1x1024xf32, #tpu.memory_space<vmem>> -> memref<1024xf32, #tpu.memory_space<vmem>>
        %dma_start3A_803 = tpu.memref_slice %arg2[%dma_start3A_798, %add3A_683] : memref<19x1048576xf32, #tpu.memory_space<hbm>> -> memref<1x1024xf32, #tpu.memory_space<hbm>>
        %dma_start3A_804 = tpu.memref_squeeze %dma_start3A_803 : memref<1x1024xf32, #tpu.memory_space<hbm>> -> memref<1024xf32, #tpu.memory_space<hbm>>
        %dma_start3A_805 = arith.constant 128 : i32
        %dma_start3A_806 = tpu.memref_slice %arg4[%dma_start3A_799, %dma_start3A_805] : memref<19x1152xf32, #tpu.memory_space<vmem>> -> memref<1x1024xf32, #tpu.memory_space<vmem>>
        %dma_start3A_807 = tpu.memref_squeeze %dma_start3A_806 : memref<1x1024xf32, #tpu.memory_space<vmem>> -> memref<1024xf32, #tpu.memory_space<vmem>>
        %dma_start3A_808 = tpu.memref_slice %arg2[%dma_start3A_798, %add3A_683] : memref<19x1048576xf32, #tpu.memory_space<hbm>> -> memref<1x1024xf32, #tpu.memory_space<hbm>>
        %dma_start3A_809 = tpu.memref_squeeze %dma_start3A_808 : memref<1x1024xf32, #tpu.memory_space<hbm>> -> memref<1024xf32, #tpu.memory_space<hbm>>
        tpu.enqueue_dma source(%dma_start3A_809 : memref<1024xf32, #tpu.memory_space<hbm>>) target(%dma_start3A_807 : memref<1024xf32, #tpu.memory_space<vmem>>) target_semaphore(%arg9 : memref<!tpu.dma_semaphore, #tpu.memory_space<semaphore_mem>>)
        %dma_start3A_810 = arith.constant 16 : i32
        %dma_start3A_811 = arith.constant 16 : i32
        %dma_start3A_812 = arith.constant 128 : i32
        %dma_start3A_813 = tpu.memref_slice %arg4[%dma_start3A_811, %dma_start3A_812] : memref<19x1152xf32, #tpu.memory_space<vmem>> -> memref<1x1024xf32, #tpu.memory_space<vmem>>
        %dma_start3A_814 = tpu.memref_squeeze %dma_start3A_813 : memref<1x1024xf32, #tpu.memory_space<vmem>> -> memref<1024xf32, #tpu.memory_space<vmem>>
        %dma_start3A_815 = tpu.memref_slice %arg2[%dma_start3A_810, %add3A_683] : memref<19x1048576xf32, #tpu.memory_space<hbm>> -> memref<1x1024xf32, #tpu.memory_space<hbm>>
        %dma_start3A_816 = tpu.memref_squeeze %dma_start3A_815 : memref<1x1024xf32, #tpu.memory_space<hbm>> -> memref<1024xf32, #tpu.memory_space<hbm>>
        %dma_start3A_817 = arith.constant 128 : i32
        %dma_start3A_818 = tpu.memref_slice %arg4[%dma_start3A_811, %dma_start3A_817] : memref<19x1152xf32, #tpu.memory_space<vmem>> -> memref<1x1024xf32, #tpu.memory_space<vmem>>
        %dma_start3A_819 = tpu.memref_squeeze %dma_start3A_818 : memref<1x1024xf32, #tpu.memory_space<vmem>> -> memref<1024xf32, #tpu.memory_space<vmem>>
        %dma_start3A_820 = tpu.memref_slice %arg2[%dma_start3A_810, %add3A_683] : memref<19x1048576xf32, #tpu.memory_space<hbm>> -> memref<1x1024xf32, #tpu.memory_space<hbm>>
        %dma_start3A_821 = tpu.memref_squeeze %dma_start3A_820 : memref<1x1024xf32, #tpu.memory_space<hbm>> -> memref<1024xf32, #tpu.memory_space<hbm>>
        tpu.enqueue_dma source(%dma_start3A_821 : memref<1024xf32, #tpu.memory_space<hbm>>) target(%dma_start3A_819 : memref<1024xf32, #tpu.memory_space<vmem>>) target_semaphore(%arg9 : memref<!tpu.dma_semaphore, #tpu.memory_space<semaphore_mem>>)
        %dma_start3A_822 = arith.constant 17 : i32
        %dma_start3A_823 = arith.constant 17 : i32
        %dma_start3A_824 = arith.constant 128 : i32
        %dma_start3A_825 = tpu.memref_slice %arg4[%dma_start3A_823, %dma_start3A_824] : memref<19x1152xf32, #tpu.memory_space<vmem>> -> memref<1x1024xf32, #tpu.memory_space<vmem>>
        %dma_start3A_826 = tpu.memref_squeeze %dma_start3A_825 : memref<1x1024xf32, #tpu.memory_space<vmem>> -> memref<1024xf32, #tpu.memory_space<vmem>>
        %dma_start3A_827 = tpu.memref_slice %arg2[%dma_start3A_822, %add3A_683] : memref<19x1048576xf32, #tpu.memory_space<hbm>> -> memref<1x1024xf32, #tpu.memory_space<hbm>>
        %dma_start3A_828 = tpu.memref_squeeze %dma_start3A_827 : memref<1x1024xf32, #tpu.memory_space<hbm>> -> memref<1024xf32, #tpu.memory_space<hbm>>
        %dma_start3A_829 = arith.constant 128 : i32
        %dma_start3A_830 = tpu.memref_slice %arg4[%dma_start3A_823, %dma_start3A_829] : memref<19x1152xf32, #tpu.memory_space<vmem>> -> memref<1x1024xf32, #tpu.memory_space<vmem>>
        %dma_start3A_831 = tpu.memref_squeeze %dma_start3A_830 : memref<1x1024xf32, #tpu.memory_space<vmem>> -> memref<1024xf32, #tpu.memory_space<vmem>>
        %dma_start3A_832 = tpu.memref_slice %arg2[%dma_start3A_822, %add3A_683] : memref<19x1048576xf32, #tpu.memory_space<hbm>> -> memref<1x1024xf32, #tpu.memory_space<hbm>>
        %dma_start3A_833 = tpu.memref_squeeze %dma_start3A_832 : memref<1x1024xf32, #tpu.memory_space<hbm>> -> memref<1024xf32, #tpu.memory_space<hbm>>
        tpu.enqueue_dma source(%dma_start3A_833 : memref<1024xf32, #tpu.memory_space<hbm>>) target(%dma_start3A_831 : memref<1024xf32, #tpu.memory_space<vmem>>) target_semaphore(%arg9 : memref<!tpu.dma_semaphore, #tpu.memory_space<semaphore_mem>>)
      } else {
      }
      %mul3A_505 = arith.constant 32768 : i32
      %mul3A_506 = arith.muli %add3A, %mul3A_505 : i32
      %mul3A_507 = arith.constant 1024 : i32
      %mul3A_508 = arith.muli %add3A_175, %mul3A_507 : i32
      %add3A_509 = arith.addi %mul3A_506, %mul3A_508 : i32
      %eq3A_510 = arith.constant 0 : i32
      %eq3A_511 = arith.cmpi eq, %add3A_509, %eq3A_510 : i32
      %sub3A_512 = arith.constant 128 : i32
      %sub3A_513 = arith.subi %add3A_509, %sub3A_512 : i32
      %jit3A_514 = arith.constant 1048448 : i32
      %select_n3A_515 = arith.select %eq3A_511, %jit3A_514, %sub3A_513 : i32
      %dma_wait3A_516 = arith.constant 11 : i32
      %dma_wait3A_517 = arith.constant 11 : i32
      %dma_wait3A_518 = arith.constant 0 : i32
      %dma_wait3A_519 = tpu.memref_slice %arg5[%dma_wait3A_517, %dma_wait3A_518] : memref<19x1152xf32, #tpu.memory_space<vmem>> -> memref<1x128xf32, #tpu.memory_space<vmem>>
      %dma_wait3A_520 = tpu.memref_squeeze %dma_wait3A_519 : memref<1x128xf32, #tpu.memory_space<vmem>> -> memref<128xf32, #tpu.memory_space<vmem>>
      %dma_wait3A_521 = tpu.memref_slice %arg2[%dma_wait3A_516, %select_n3A_515] : memref<19x1048576xf32, #tpu.memory_space<hbm>> -> memref<1x128xf32, #tpu.memory_space<hbm>>
      %dma_wait3A_522 = tpu.memref_squeeze %dma_wait3A_521 : memref<1x128xf32, #tpu.memory_space<hbm>> -> memref<128xf32, #tpu.memory_space<hbm>>
      %dma_wait3A_523 = arith.constant 0 : i32
      %dma_wait3A_524 = tpu.memref_slice %arg5[%dma_wait3A_517, %dma_wait3A_523] : memref<19x1152xf32, #tpu.memory_space<vmem>> -> memref<1x128xf32, #tpu.memory_space<vmem>>
      %dma_wait3A_525 = tpu.memref_squeeze %dma_wait3A_524 : memref<1x128xf32, #tpu.memory_space<vmem>> -> memref<128xf32, #tpu.memory_space<vmem>>
      %dma_wait3A_526 = tpu.memref_slice %arg2[%dma_wait3A_516, %select_n3A_515] : memref<19x1048576xf32, #tpu.memory_space<hbm>> -> memref<1x128xf32, #tpu.memory_space<hbm>>
      %dma_wait3A_527 = tpu.memref_squeeze %dma_wait3A_526 : memref<1x128xf32, #tpu.memory_space<hbm>> -> memref<128xf32, #tpu.memory_space<hbm>>
      tpu.wait_dma2 semaphore(%arg10 : memref<!tpu.dma_semaphore, #tpu.memory_space<semaphore_mem>>) src(%dma_wait3A_527 : memref<128xf32, #tpu.memory_space<hbm>>) dst(%dma_wait3A_525 : memref<128xf32, #tpu.memory_space<vmem>>)
      %dma_wait3A_528 = arith.constant 11 : i32
      %dma_wait3A_529 = arith.constant 11 : i32
      %dma_wait3A_530 = arith.constant 128 : i32
      %dma_wait3A_531 = tpu.memref_slice %arg5[%dma_wait3A_529, %dma_wait3A_530] : memref<19x1152xf32, #tpu.memory_space<vmem>> -> memref<1x1024xf32, #tpu.memory_space<vmem>>
      %dma_wait3A_532 = tpu.memref_squeeze %dma_wait3A_531 : memref<1x1024xf32, #tpu.memory_space<vmem>> -> memref<1024xf32, #tpu.memory_space<vmem>>
      %dma_wait3A_533 = tpu.memref_slice %arg2[%dma_wait3A_528, %add3A_509] : memref<19x1048576xf32, #tpu.memory_space<hbm>> -> memref<1x1024xf32, #tpu.memory_space<hbm>>
      %dma_wait3A_534 = tpu.memref_squeeze %dma_wait3A_533 : memref<1x1024xf32, #tpu.memory_space<hbm>> -> memref<1024xf32, #tpu.memory_space<hbm>>
      %dma_wait3A_535 = arith.constant 128 : i32
      %dma_wait3A_536 = tpu.memref_slice %arg5[%dma_wait3A_529, %dma_wait3A_535] : memref<19x1152xf32, #tpu.memory_space<vmem>> -> memref<1x1024xf32, #tpu.memory_space<vmem>>
      %dma_wait3A_537 = tpu.memref_squeeze %dma_wait3A_536 : memref<1x1024xf32, #tpu.memory_space<vmem>> -> memref<1024xf32, #tpu.memory_space<vmem>>
      %dma_wait3A_538 = tpu.memref_slice %arg2[%dma_wait3A_528, %add3A_509] : memref<19x1048576xf32, #tpu.memory_space<hbm>> -> memref<1x1024xf32, #tpu.memory_space<hbm>>
      %dma_wait3A_539 = tpu.memref_squeeze %dma_wait3A_538 : memref<1x1024xf32, #tpu.memory_space<hbm>> -> memref<1024xf32, #tpu.memory_space<hbm>>
      tpu.wait_dma2 semaphore(%arg10 : memref<!tpu.dma_semaphore, #tpu.memory_space<semaphore_mem>>) src(%dma_wait3A_539 : memref<1024xf32, #tpu.memory_space<hbm>>) dst(%dma_wait3A_537 : memref<1024xf32, #tpu.memory_space<vmem>>)
      %dma_wait3A_540 = arith.constant 0 : i32
      %dma_wait3A_541 = arith.constant 0 : i32
      %dma_wait3A_542 = arith.constant 128 : i32
      %dma_wait3A_543 = tpu.memref_slice %arg5[%dma_wait3A_541, %dma_wait3A_542] : memref<19x1152xf32, #tpu.memory_space<vmem>> -> memref<1x1024xf32, #tpu.memory_space<vmem>>
      %dma_wait3A_544 = tpu.memref_squeeze %dma_wait3A_543 : memref<1x1024xf32, #tpu.memory_space<vmem>> -> memref<1024xf32, #tpu.memory_space<vmem>>
      %dma_wait3A_545 = tpu.memref_slice %arg2[%dma_wait3A_540, %add3A_509] : memref<19x1048576xf32, #tpu.memory_space<hbm>> -> memref<1x1024xf32, #tpu.memory_space<hbm>>
      %dma_wait3A_546 = tpu.memref_squeeze %dma_wait3A_545 : memref<1x1024xf32, #tpu.memory_space<hbm>> -> memref<1024xf32, #tpu.memory_space<hbm>>
      %dma_wait3A_547 = arith.constant 128 : i32
      %dma_wait3A_548 = tpu.memref_slice %arg5[%dma_wait3A_541, %dma_wait3A_547] : memref<19x1152xf32, #tpu.memory_space<vmem>> -> memref<1x1024xf32, #tpu.memory_space<vmem>>
      %dma_wait3A_549 = tpu.memref_squeeze %dma_wait3A_548 : memref<1x1024xf32, #tpu.memory_space<vmem>> -> memref<1024xf32, #tpu.memory_space<vmem>>
      %dma_wait3A_550 = tpu.memref_slice %arg2[%dma_wait3A_540, %add3A_509] : memref<19x1048576xf32, #tpu.memory_space<hbm>> -> memref<1x1024xf32, #tpu.memory_space<hbm>>
      %dma_wait3A_551 = tpu.memref_squeeze %dma_wait3A_550 : memref<1x1024xf32, #tpu.memory_space<hbm>> -> memref<1024xf32, #tpu.memory_space<hbm>>
      tpu.wait_dma2 semaphore(%arg11 : memref<!tpu.dma_semaphore, #tpu.memory_space<semaphore_mem>>) src(%dma_wait3A_551 : memref<1024xf32, #tpu.memory_space<hbm>>) dst(%dma_wait3A_549 : memref<1024xf32, #tpu.memory_space<vmem>>)
      %dma_wait3A_552 = arith.constant 1 : i32
      %dma_wait3A_553 = arith.constant 1 : i32
      %dma_wait3A_554 = arith.constant 128 : i32
      %dma_wait3A_555 = tpu.memref_slice %arg5[%dma_wait3A_553, %dma_wait3A_554] : memref<19x1152xf32, #tpu.memory_space<vmem>> -> memref<1x1024xf32, #tpu.memory_space<vmem>>
      %dma_wait3A_556 = tpu.memref_squeeze %dma_wait3A_555 : memref<1x1024xf32, #tpu.memory_space<vmem>> -> memref<1024xf32, #tpu.memory_space<vmem>>
      %dma_wait3A_557 = tpu.memref_slice %arg2[%dma_wait3A_552, %add3A_509] : memref<19x1048576xf32, #tpu.memory_space<hbm>> -> memref<1x1024xf32, #tpu.memory_space<hbm>>
      %dma_wait3A_558 = tpu.memref_squeeze %dma_wait3A_557 : memref<1x1024xf32, #tpu.memory_space<hbm>> -> memref<1024xf32, #tpu.memory_space<hbm>>
      %dma_wait3A_559 = arith.constant 128 : i32
      %dma_wait3A_560 = tpu.memref_slice %arg5[%dma_wait3A_553, %dma_wait3A_559] : memref<19x1152xf32, #tpu.memory_space<vmem>> -> memref<1x1024xf32, #tpu.memory_space<vmem>>
      %dma_wait3A_561 = tpu.memref_squeeze %dma_wait3A_560 : memref<1x1024xf32, #tpu.memory_space<vmem>> -> memref<1024xf32, #tpu.memory_space<vmem>>
      %dma_wait3A_562 = tpu.memref_slice %arg2[%dma_wait3A_552, %add3A_509] : memref<19x1048576xf32, #tpu.memory_space<hbm>> -> memref<1x1024xf32, #tpu.memory_space<hbm>>
      %dma_wait3A_563 = tpu.memref_squeeze %dma_wait3A_562 : memref<1x1024xf32, #tpu.memory_space<hbm>> -> memref<1024xf32, #tpu.memory_space<hbm>>
      tpu.wait_dma2 semaphore(%arg11 : memref<!tpu.dma_semaphore, #tpu.memory_space<semaphore_mem>>) src(%dma_wait3A_563 : memref<1024xf32, #tpu.memory_space<hbm>>) dst(%dma_wait3A_561 : memref<1024xf32, #tpu.memory_space<vmem>>)
      %dma_wait3A_564 = arith.constant 8 : i32
      %dma_wait3A_565 = arith.constant 8 : i32
      %dma_wait3A_566 = arith.constant 128 : i32
      %dma_wait3A_567 = tpu.memref_slice %arg5[%dma_wait3A_565, %dma_wait3A_566] : memref<19x1152xf32, #tpu.memory_space<vmem>> -> memref<1x1024xf32, #tpu.memory_space<vmem>>
      %dma_wait3A_568 = tpu.memref_squeeze %dma_wait3A_567 : memref<1x1024xf32, #tpu.memory_space<vmem>> -> memref<1024xf32, #tpu.memory_space<vmem>>
      %dma_wait3A_569 = tpu.memref_slice %arg2[%dma_wait3A_564, %add3A_509] : memref<19x1048576xf32, #tpu.memory_space<hbm>> -> memref<1x1024xf32, #tpu.memory_space<hbm>>
      %dma_wait3A_570 = tpu.memref_squeeze %dma_wait3A_569 : memref<1x1024xf32, #tpu.memory_space<hbm>> -> memref<1024xf32, #tpu.memory_space<hbm>>
      %dma_wait3A_571 = arith.constant 128 : i32
      %dma_wait3A_572 = tpu.memref_slice %arg5[%dma_wait3A_565, %dma_wait3A_571] : memref<19x1152xf32, #tpu.memory_space<vmem>> -> memref<1x1024xf32, #tpu.memory_space<vmem>>
      %dma_wait3A_573 = tpu.memref_squeeze %dma_wait3A_572 : memref<1x1024xf32, #tpu.memory_space<vmem>> -> memref<1024xf32, #tpu.memory_space<vmem>>
      %dma_wait3A_574 = tpu.memref_slice %arg2[%dma_wait3A_564, %add3A_509] : memref<19x1048576xf32, #tpu.memory_space<hbm>> -> memref<1x1024xf32, #tpu.memory_space<hbm>>
      %dma_wait3A_575 = tpu.memref_squeeze %dma_wait3A_574 : memref<1x1024xf32, #tpu.memory_space<hbm>> -> memref<1024xf32, #tpu.memory_space<hbm>>
      tpu.wait_dma2 semaphore(%arg11 : memref<!tpu.dma_semaphore, #tpu.memory_space<semaphore_mem>>) src(%dma_wait3A_575 : memref<1024xf32, #tpu.memory_space<hbm>>) dst(%dma_wait3A_573 : memref<1024xf32, #tpu.memory_space<vmem>>)
      %dma_wait3A_576 = arith.constant 9 : i32
      %dma_wait3A_577 = arith.constant 9 : i32
      %dma_wait3A_578 = arith.constant 128 : i32
      %dma_wait3A_579 = tpu.memref_slice %arg5[%dma_wait3A_577, %dma_wait3A_578] : memref<19x1152xf32, #tpu.memory_space<vmem>> -> memref<1x1024xf32, #tpu.memory_space<vmem>>
      %dma_wait3A_580 = tpu.memref_squeeze %dma_wait3A_579 : memref<1x1024xf32, #tpu.memory_space<vmem>> -> memref<1024xf32, #tpu.memory_space<vmem>>
      %dma_wait3A_581 = tpu.memref_slice %arg2[%dma_wait3A_576, %add3A_509] : memref<19x1048576xf32, #tpu.memory_space<hbm>> -> memref<1x1024xf32, #tpu.memory_space<hbm>>
      %dma_wait3A_582 = tpu.memref_squeeze %dma_wait3A_581 : memref<1x1024xf32, #tpu.memory_space<hbm>> -> memref<1024xf32, #tpu.memory_space<hbm>>
      %dma_wait3A_583 = arith.constant 128 : i32
      %dma_wait3A_584 = tpu.memref_slice %arg5[%dma_wait3A_577, %dma_wait3A_583] : memref<19x1152xf32, #tpu.memory_space<vmem>> -> memref<1x1024xf32, #tpu.memory_space<vmem>>
      %dma_wait3A_585 = tpu.memref_squeeze %dma_wait3A_584 : memref<1x1024xf32, #tpu.memory_space<vmem>> -> memref<1024xf32, #tpu.memory_space<vmem>>
      %dma_wait3A_586 = tpu.memref_slice %arg2[%dma_wait3A_576, %add3A_509] : memref<19x1048576xf32, #tpu.memory_space<hbm>> -> memref<1x1024xf32, #tpu.memory_space<hbm>>
      %dma_wait3A_587 = tpu.memref_squeeze %dma_wait3A_586 : memref<1x1024xf32, #tpu.memory_space<hbm>> -> memref<1024xf32, #tpu.memory_space<hbm>>
      tpu.wait_dma2 semaphore(%arg11 : memref<!tpu.dma_semaphore, #tpu.memory_space<semaphore_mem>>) src(%dma_wait3A_587 : memref<1024xf32, #tpu.memory_space<hbm>>) dst(%dma_wait3A_585 : memref<1024xf32, #tpu.memory_space<vmem>>)
      %dma_wait3A_588 = arith.constant 10 : i32
      %dma_wait3A_589 = arith.constant 10 : i32
      %dma_wait3A_590 = arith.constant 128 : i32
      %dma_wait3A_591 = tpu.memref_slice %arg5[%dma_wait3A_589, %dma_wait3A_590] : memref<19x1152xf32, #tpu.memory_space<vmem>> -> memref<1x1024xf32, #tpu.memory_space<vmem>>
      %dma_wait3A_592 = tpu.memref_squeeze %dma_wait3A_591 : memref<1x1024xf32, #tpu.memory_space<vmem>> -> memref<1024xf32, #tpu.memory_space<vmem>>
      %dma_wait3A_593 = tpu.memref_slice %arg2[%dma_wait3A_588, %add3A_509] : memref<19x1048576xf32, #tpu.memory_space<hbm>> -> memref<1x1024xf32, #tpu.memory_space<hbm>>
      %dma_wait3A_594 = tpu.memref_squeeze %dma_wait3A_593 : memref<1x1024xf32, #tpu.memory_space<hbm>> -> memref<1024xf32, #tpu.memory_space<hbm>>
      %dma_wait3A_595 = arith.constant 128 : i32
      %dma_wait3A_596 = tpu.memref_slice %arg5[%dma_wait3A_589, %dma_wait3A_595] : memref<19x1152xf32, #tpu.memory_space<vmem>> -> memref<1x1024xf32, #tpu.memory_space<vmem>>
      %dma_wait3A_597 = tpu.memref_squeeze %dma_wait3A_596 : memref<1x1024xf32, #tpu.memory_space<vmem>> -> memref<1024xf32, #tpu.memory_space<vmem>>
      %dma_wait3A_598 = tpu.memref_slice %arg2[%dma_wait3A_588, %add3A_509] : memref<19x1048576xf32, #tpu.memory_space<hbm>> -> memref<1x1024xf32, #tpu.memory_space<hbm>>
      %dma_wait3A_599 = tpu.memref_squeeze %dma_wait3A_598 : memref<1x1024xf32, #tpu.memory_space<hbm>> -> memref<1024xf32, #tpu.memory_space<hbm>>
      tpu.wait_dma2 semaphore(%arg11 : memref<!tpu.dma_semaphore, #tpu.memory_space<semaphore_mem>>) src(%dma_wait3A_599 : memref<1024xf32, #tpu.memory_space<hbm>>) dst(%dma_wait3A_597 : memref<1024xf32, #tpu.memory_space<vmem>>)
      %dma_wait3A_600 = arith.constant 12 : i32
      %dma_wait3A_601 = arith.constant 12 : i32
      %dma_wait3A_602 = arith.constant 128 : i32
      %dma_wait3A_603 = tpu.memref_slice %arg5[%dma_wait3A_601, %dma_wait3A_602] : memref<19x1152xf32, #tpu.memory_space<vmem>> -> memref<1x1024xf32, #tpu.memory_space<vmem>>
      %dma_wait3A_604 = tpu.memref_squeeze %dma_wait3A_603 : memref<1x1024xf32, #tpu.memory_space<vmem>> -> memref<1024xf32, #tpu.memory_space<vmem>>
      %dma_wait3A_605 = tpu.memref_slice %arg2[%dma_wait3A_600, %add3A_509] : memref<19x1048576xf32, #tpu.memory_space<hbm>> -> memref<1x1024xf32, #tpu.memory_space<hbm>>
      %dma_wait3A_606 = tpu.memref_squeeze %dma_wait3A_605 : memref<1x1024xf32, #tpu.memory_space<hbm>> -> memref<1024xf32, #tpu.memory_space<hbm>>
      %dma_wait3A_607 = arith.constant 128 : i32
      %dma_wait3A_608 = tpu.memref_slice %arg5[%dma_wait3A_601, %dma_wait3A_607] : memref<19x1152xf32, #tpu.memory_space<vmem>> -> memref<1x1024xf32, #tpu.memory_space<vmem>>
      %dma_wait3A_609 = tpu.memref_squeeze %dma_wait3A_608 : memref<1x1024xf32, #tpu.memory_space<vmem>> -> memref<1024xf32, #tpu.memory_space<vmem>>
      %dma_wait3A_610 = tpu.memref_slice %arg2[%dma_wait3A_600, %add3A_509] : memref<19x1048576xf32, #tpu.memory_space<hbm>> -> memref<1x1024xf32, #tpu.memory_space<hbm>>
      %dma_wait3A_611 = tpu.memref_squeeze %dma_wait3A_610 : memref<1x1024xf32, #tpu.memory_space<hbm>> -> memref<1024xf32, #tpu.memory_space<hbm>>
      tpu.wait_dma2 semaphore(%arg11 : memref<!tpu.dma_semaphore, #tpu.memory_space<semaphore_mem>>) src(%dma_wait3A_611 : memref<1024xf32, #tpu.memory_space<hbm>>) dst(%dma_wait3A_609 : memref<1024xf32, #tpu.memory_space<vmem>>)
      %dma_wait3A_612 = arith.constant 13 : i32
      %dma_wait3A_613 = arith.constant 13 : i32
      %dma_wait3A_614 = arith.constant 128 : i32
      %dma_wait3A_615 = tpu.memref_slice %arg5[%dma_wait3A_613, %dma_wait3A_614] : memref<19x1152xf32, #tpu.memory_space<vmem>> -> memref<1x1024xf32, #tpu.memory_space<vmem>>
      %dma_wait3A_616 = tpu.memref_squeeze %dma_wait3A_615 : memref<1x1024xf32, #tpu.memory_space<vmem>> -> memref<1024xf32, #tpu.memory_space<vmem>>
      %dma_wait3A_617 = tpu.memref_slice %arg2[%dma_wait3A_612, %add3A_509] : memref<19x1048576xf32, #tpu.memory_space<hbm>> -> memref<1x1024xf32, #tpu.memory_space<hbm>>
      %dma_wait3A_618 = tpu.memref_squeeze %dma_wait3A_617 : memref<1x1024xf32, #tpu.memory_space<hbm>> -> memref<1024xf32, #tpu.memory_space<hbm>>
      %dma_wait3A_619 = arith.constant 128 : i32
      %dma_wait3A_620 = tpu.memref_slice %arg5[%dma_wait3A_613, %dma_wait3A_619] : memref<19x1152xf32, #tpu.memory_space<vmem>> -> memref<1x1024xf32, #tpu.memory_space<vmem>>
      %dma_wait3A_621 = tpu.memref_squeeze %dma_wait3A_620 : memref<1x1024xf32, #tpu.memory_space<vmem>> -> memref<1024xf32, #tpu.memory_space<vmem>>
      %dma_wait3A_622 = tpu.memref_slice %arg2[%dma_wait3A_612, %add3A_509] : memref<19x1048576xf32, #tpu.memory_space<hbm>> -> memref<1x1024xf32, #tpu.memory_space<hbm>>
      %dma_wait3A_623 = tpu.memref_squeeze %dma_wait3A_622 : memref<1x1024xf32, #tpu.memory_space<hbm>> -> memref<1024xf32, #tpu.memory_space<hbm>>
      tpu.wait_dma2 semaphore(%arg11 : memref<!tpu.dma_semaphore, #tpu.memory_space<semaphore_mem>>) src(%dma_wait3A_623 : memref<1024xf32, #tpu.memory_space<hbm>>) dst(%dma_wait3A_621 : memref<1024xf32, #tpu.memory_space<vmem>>)
      %dma_wait3A_624 = arith.constant 14 : i32
      %dma_wait3A_625 = arith.constant 14 : i32
      %dma_wait3A_626 = arith.constant 128 : i32
      %dma_wait3A_627 = tpu.memref_slice %arg5[%dma_wait3A_625, %dma_wait3A_626] : memref<19x1152xf32, #tpu.memory_space<vmem>> -> memref<1x1024xf32, #tpu.memory_space<vmem>>
      %dma_wait3A_628 = tpu.memref_squeeze %dma_wait3A_627 : memref<1x1024xf32, #tpu.memory_space<vmem>> -> memref<1024xf32, #tpu.memory_space<vmem>>
      %dma_wait3A_629 = tpu.memref_slice %arg2[%dma_wait3A_624, %add3A_509] : memref<19x1048576xf32, #tpu.memory_space<hbm>> -> memref<1x1024xf32, #tpu.memory_space<hbm>>
      %dma_wait3A_630 = tpu.memref_squeeze %dma_wait3A_629 : memref<1x1024xf32, #tpu.memory_space<hbm>> -> memref<1024xf32, #tpu.memory_space<hbm>>
      %dma_wait3A_631 = arith.constant 128 : i32
      %dma_wait3A_632 = tpu.memref_slice %arg5[%dma_wait3A_625, %dma_wait3A_631] : memref<19x1152xf32, #tpu.memory_space<vmem>> -> memref<1x1024xf32, #tpu.memory_space<vmem>>
      %dma_wait3A_633 = tpu.memref_squeeze %dma_wait3A_632 : memref<1x1024xf32, #tpu.memory_space<vmem>> -> memref<1024xf32, #tpu.memory_space<vmem>>
      %dma_wait3A_634 = tpu.memref_slice %arg2[%dma_wait3A_624, %add3A_509] : memref<19x1048576xf32, #tpu.memory_space<hbm>> -> memref<1x1024xf32, #tpu.memory_space<hbm>>
      %dma_wait3A_635 = tpu.memref_squeeze %dma_wait3A_634 : memref<1x1024xf32, #tpu.memory_space<hbm>> -> memref<1024xf32, #tpu.memory_space<hbm>>
      tpu.wait_dma2 semaphore(%arg11 : memref<!tpu.dma_semaphore, #tpu.memory_space<semaphore_mem>>) src(%dma_wait3A_635 : memref<1024xf32, #tpu.memory_space<hbm>>) dst(%dma_wait3A_633 : memref<1024xf32, #tpu.memory_space<vmem>>)
      %dma_wait3A_636 = arith.constant 16 : i32
      %dma_wait3A_637 = arith.constant 16 : i32
      %dma_wait3A_638 = arith.constant 128 : i32
      %dma_wait3A_639 = tpu.memref_slice %arg5[%dma_wait3A_637, %dma_wait3A_638] : memref<19x1152xf32, #tpu.memory_space<vmem>> -> memref<1x1024xf32, #tpu.memory_space<vmem>>
      %dma_wait3A_640 = tpu.memref_squeeze %dma_wait3A_639 : memref<1x1024xf32, #tpu.memory_space<vmem>> -> memref<1024xf32, #tpu.memory_space<vmem>>
      %dma_wait3A_641 = tpu.memref_slice %arg2[%dma_wait3A_636, %add3A_509] : memref<19x1048576xf32, #tpu.memory_space<hbm>> -> memref<1x1024xf32, #tpu.memory_space<hbm>>
      %dma_wait3A_642 = tpu.memref_squeeze %dma_wait3A_641 : memref<1x1024xf32, #tpu.memory_space<hbm>> -> memref<1024xf32, #tpu.memory_space<hbm>>
      %dma_wait3A_643 = arith.constant 128 : i32
      %dma_wait3A_644 = tpu.memref_slice %arg5[%dma_wait3A_637, %dma_wait3A_643] : memref<19x1152xf32, #tpu.memory_space<vmem>> -> memref<1x1024xf32, #tpu.memory_space<vmem>>
      %dma_wait3A_645 = tpu.memref_squeeze %dma_wait3A_644 : memref<1x1024xf32, #tpu.memory_space<vmem>> -> memref<1024xf32, #tpu.memory_space<vmem>>
      %dma_wait3A_646 = tpu.memref_slice %arg2[%dma_wait3A_636, %add3A_509] : memref<19x1048576xf32, #tpu.memory_space<hbm>> -> memref<1x1024xf32, #tpu.memory_space<hbm>>
      %dma_wait3A_647 = tpu.memref_squeeze %dma_wait3A_646 : memref<1x1024xf32, #tpu.memory_space<hbm>> -> memref<1024xf32, #tpu.memory_space<hbm>>
      tpu.wait_dma2 semaphore(%arg11 : memref<!tpu.dma_semaphore, #tpu.memory_space<semaphore_mem>>) src(%dma_wait3A_647 : memref<1024xf32, #tpu.memory_space<hbm>>) dst(%dma_wait3A_645 : memref<1024xf32, #tpu.memory_space<vmem>>)
      %dma_wait3A_648 = arith.constant 17 : i32
      %dma_wait3A_649 = arith.constant 17 : i32
      %dma_wait3A_650 = arith.constant 128 : i32
      %dma_wait3A_651 = tpu.memref_slice %arg5[%dma_wait3A_649, %dma_wait3A_650] : memref<19x1152xf32, #tpu.memory_space<vmem>> -> memref<1x1024xf32, #tpu.memory_space<vmem>>
      %dma_wait3A_652 = tpu.memref_squeeze %dma_wait3A_651 : memref<1x1024xf32, #tpu.memory_space<vmem>> -> memref<1024xf32, #tpu.memory_space<vmem>>
      %dma_wait3A_653 = tpu.memref_slice %arg2[%dma_wait3A_648, %add3A_509] : memref<19x1048576xf32, #tpu.memory_space<hbm>> -> memref<1x1024xf32, #tpu.memory_space<hbm>>
      %dma_wait3A_654 = tpu.memref_squeeze %dma_wait3A_653 : memref<1x1024xf32, #tpu.memory_space<hbm>> -> memref<1024xf32, #tpu.memory_space<hbm>>
      %dma_wait3A_655 = arith.constant 128 : i32
      %dma_wait3A_656 = tpu.memref_slice %arg5[%dma_wait3A_649, %dma_wait3A_655] : memref<19x1152xf32, #tpu.memory_space<vmem>> -> memref<1x1024xf32, #tpu.memory_space<vmem>>
      %dma_wait3A_657 = tpu.memref_squeeze %dma_wait3A_656 : memref<1x1024xf32, #tpu.memory_space<vmem>> -> memref<1024xf32, #tpu.memory_space<vmem>>
      %dma_wait3A_658 = tpu.memref_slice %arg2[%dma_wait3A_648, %add3A_509] : memref<19x1048576xf32, #tpu.memory_space<hbm>> -> memref<1x1024xf32, #tpu.memory_space<hbm>>
      %dma_wait3A_659 = tpu.memref_squeeze %dma_wait3A_658 : memref<1x1024xf32, #tpu.memory_space<hbm>> -> memref<1024xf32, #tpu.memory_space<hbm>>
      tpu.wait_dma2 semaphore(%arg11 : memref<!tpu.dma_semaphore, #tpu.memory_space<semaphore_mem>>) src(%dma_wait3A_659 : memref<1024xf32, #tpu.memory_space<hbm>>) dst(%dma_wait3A_657 : memref<1024xf32, #tpu.memory_space<vmem>>)
      %gt3A_660 = arith.constant 1 : i32
      %gt3A_661 = arith.cmpi sgt, %add3A_175, %gt3A_660 : i32
      %convert_element_type3A_662 = arith.extui %gt3A_661 : i1 to i32
      %cond3A_663 = arith.constant 0 : i32
      %cond3A_664 = arith.cmpi ne, %convert_element_type3A_662, %cond3A_663 : i32
      scf.if %cond3A_664 {
        %sub3A_677 = arith.constant 2 : i32
        %sub3A_678 = arith.subi %add3A_175, %sub3A_677 : i32
        %mul3A_679 = arith.constant 32768 : i32
        %mul3A_680 = arith.muli %add3A, %mul3A_679 : i32
        %mul3A_681 = arith.constant 1024 : i32
        %mul3A_682 = arith.muli %sub3A_678, %mul3A_681 : i32
        %add3A_683 = arith.addi %mul3A_680, %mul3A_682 : i32
        %dma_wait3A_684 = arith.constant 0 : i32
        %dma_wait3A_685 = tpu.memref_slice %arg3[%dma_wait3A_684, %add3A_683] : memref<3x1048576xf32, #tpu.memory_space<hbm>> -> memref<3x1024xf32, #tpu.memory_space<hbm>>
        %dma_wait3A_686 = arith.constant 0 : i32
        %dma_wait3A_687 = tpu.memref_slice %arg3[%dma_wait3A_686, %add3A_683] : memref<3x1048576xf32, #tpu.memory_space<hbm>> -> memref<3x1024xf32, #tpu.memory_space<hbm>>
        tpu.wait_dma2 semaphore(%arg13 : memref<!tpu.dma_semaphore, #tpu.memory_space<semaphore_mem>>) src(%arg7 : memref<3x1024xf32, #tpu.memory_space<vmem>>) dst(%dma_wait3A_687 : memref<3x1024xf32, #tpu.memory_space<hbm>>)
      } else {
      }
      %parallel_loop3A_665 = arith.constant 0 : i32
      %parallel_loop3A_666 = arith.constant 64 : i32
      %parallel_loop3A_667 = arith.constant 1 : i32
      scf.for %parallel_loop3A_677 = %parallel_loop3A_665 to %parallel_loop3A_666 step %parallel_loop3A_667  : i32 {
        %parallel_loop3A_678 = arith.constant 16 : i32
        %parallel_loop3A_679 = arith.muli %parallel_loop3A_677, %parallel_loop3A_678 : i32
        %parallel_loop3A_680 = arith.constant 128 : i32
        %parallel_loop3A_681 = arith.addi %parallel_loop3A_680, %parallel_loop3A_679 : i32
        %parallel_loop3A_682 = arith.constant 0 : i32
        %parallel_loop3A_683 = arith.index_cast %parallel_loop3A_682 : i32 to index
        %parallel_loop3A_684 = arith.index_cast %parallel_loop3A_681 : i32 to index
        %parallel_loop3A_685 = tpu.vector_load %arg5[%parallel_loop3A_683, %parallel_loop3A_684] {strides = array<i32>} : memref<19x1152xf32, #tpu.memory_space<vmem>>, vector<16xf32>,
        %parallel_loop3A_686 = arith.constant 1 : i32
        %parallel_loop3A_687 = arith.index_cast %parallel_loop3A_686 : i32 to index
        %parallel_loop3A_688 = arith.index_cast %parallel_loop3A_681 : i32 to index
        %parallel_loop3A_689 = tpu.vector_load %arg5[%parallel_loop3A_687, %parallel_loop3A_688] {strides = array<i32>} : memref<19x1152xf32, #tpu.memory_space<vmem>>, vector<16xf32>,
        %parallel_loop3A_690 = arith.constant 8 : i32
        %parallel_loop3A_691 = arith.index_cast %parallel_loop3A_690 : i32 to index
        %parallel_loop3A_692 = arith.index_cast %parallel_loop3A_681 : i32 to index
        %parallel_loop3A_693 = tpu.vector_load %arg5[%parallel_loop3A_691, %parallel_loop3A_692] {strides = array<i32>} : memref<19x1152xf32, #tpu.memory_space<vmem>>, vector<16xf32>,
        %parallel_loop3A_694 = arith.constant 9 : i32
        %parallel_loop3A_695 = arith.index_cast %parallel_loop3A_694 : i32 to index
        %parallel_loop3A_696 = arith.index_cast %parallel_loop3A_681 : i32 to index
        %parallel_loop3A_697 = tpu.vector_load %arg5[%parallel_loop3A_695, %parallel_loop3A_696] {strides = array<i32>} : memref<19x1152xf32, #tpu.memory_space<vmem>>, vector<16xf32>,
        %parallel_loop3A_698 = arith.constant 10 : i32
        %parallel_loop3A_699 = arith.index_cast %parallel_loop3A_698 : i32 to index
        %parallel_loop3A_700 = arith.index_cast %parallel_loop3A_681 : i32 to index
        %parallel_loop3A_701 = tpu.vector_load %arg5[%parallel_loop3A_699, %parallel_loop3A_700] {strides = array<i32>} : memref<19x1152xf32, #tpu.memory_space<vmem>>, vector<16xf32>,
        %parallel_loop3A_702 = arith.constant 11 : i32
        %parallel_loop3A_703 = arith.index_cast %parallel_loop3A_702 : i32 to index
        %parallel_loop3A_704 = arith.index_cast %parallel_loop3A_681 : i32 to index
        %parallel_loop3A_705 = tpu.vector_load %arg5[%parallel_loop3A_703, %parallel_loop3A_704] {strides = array<i32>} : memref<19x1152xf32, #tpu.memory_space<vmem>>, vector<16xf32>,
        %parallel_loop3A_706 = arith.constant 1 : i32
        %parallel_loop3A_707 = arith.subi %parallel_loop3A_681, %parallel_loop3A_706 : i32
        %parallel_loop3A_708 = vector.broadcast %parallel_loop3A_707 : i32 to vector<16xi32>
        %parallel_loop3A_709 = arith.addi %iota3A, %parallel_loop3A_708 : vector<16xi32>
        %parallel_loop3A_710 = tpu.vector_load_idx %arg5[%broadcast_in_dim3A_1, %parallel_loop3A_709] : memref<19x1152xf32, #tpu.memory_space<vmem>>[vector<16xi32>, vector<16xi32>], vector<16xf32>,
        %parallel_loop3A_711 = arith.constant 12 : i32
        %parallel_loop3A_712 = arith.index_cast %parallel_loop3A_711 : i32 to index
        %parallel_loop3A_713 = arith.index_cast %parallel_loop3A_681 : i32 to index
        %parallel_loop3A_714 = tpu.vector_load %arg5[%parallel_loop3A_712, %parallel_loop3A_713] {strides = array<i32>} : memref<19x1152xf32, #tpu.memory_space<vmem>>, vector<16xf32>,
        %parallel_loop3A_715 = arith.constant 13 : i32
        %parallel_loop3A_716 = arith.index_cast %parallel_loop3A_715 : i32 to index
        %parallel_loop3A_717 = arith.index_cast %parallel_loop3A_681 : i32 to index
        %parallel_loop3A_718 = tpu.vector_load %arg5[%parallel_loop3A_716, %parallel_loop3A_717] {strides = array<i32>} : memref<19x1152xf32, #tpu.memory_space<vmem>>, vector<16xf32>,
        %parallel_loop3A_719 = arith.constant 14 : i32
        %parallel_loop3A_720 = arith.index_cast %parallel_loop3A_719 : i32 to index
        %parallel_loop3A_721 = arith.index_cast %parallel_loop3A_681 : i32 to index
        %parallel_loop3A_722 = tpu.vector_load %arg5[%parallel_loop3A_720, %parallel_loop3A_721] {strides = array<i32>} : memref<19x1152xf32, #tpu.memory_space<vmem>>, vector<16xf32>,
        %parallel_loop3A_723 = arith.constant 16 : i32
        %parallel_loop3A_724 = arith.index_cast %parallel_loop3A_723 : i32 to index
        %parallel_loop3A_725 = arith.index_cast %parallel_loop3A_681 : i32 to index
        %parallel_loop3A_726 = tpu.vector_load %arg5[%parallel_loop3A_724, %parallel_loop3A_725] {strides = array<i32>} : memref<19x1152xf32, #tpu.memory_space<vmem>>, vector<16xf32>,
        %parallel_loop3A_727 = arith.constant 17 : i32
        %parallel_loop3A_728 = arith.index_cast %parallel_loop3A_727 : i32 to index
        %parallel_loop3A_729 = arith.index_cast %parallel_loop3A_681 : i32 to index
        %parallel_loop3A_730 = tpu.vector_load %arg5[%parallel_loop3A_728, %parallel_loop3A_729] {strides = array<i32>} : memref<19x1152xf32, #tpu.memory_space<vmem>>, vector<16xf32>,
        %parallel_loop3A_731 = arith.subf %parallel_loop3A_689, %parallel_loop3A_685 : vector<16xf32>
        %parallel_loop3A_732 = math.absf %parallel_loop3A_731 : vector<16xf32>
        %parallel_loop3A_733 = arith.constant 5.000000e-01 : f32
        %parallel_loop3A_734 = vector.broadcast %parallel_loop3A_733 : f32 to vector<16xf32>
        %parallel_loop3A_735 = arith.cmpf ogt, %parallel_loop3A_732, %parallel_loop3A_734 : vector<16xf32>
        %parallel_loop3A_736 = arith.cmpf ogt, %parallel_loop3A_689, %parallel_loop3A_685 : vector<16xf32>
        %parallel_loop3A_737 = arith.constant 0.000000e+00 : f32
        %parallel_loop3A_738 = vector.broadcast %parallel_loop3A_737 : f32 to vector<16xf32>
        %parallel_loop3A_739 = arith.cmpf ogt, %parallel_loop3A_701, %parallel_loop3A_738 : vector<16xf32>
        %parallel_loop3A_740 = arith.andi %parallel_loop3A_736, %parallel_loop3A_739 : vector<16xi1>
        %parallel_loop3A_741 = arith.andi %parallel_loop3A_740, %parallel_loop3A_735 : vector<16xi1>
        %parallel_loop3A_742 = arith.constant 0.000000e+00 : f32
        %parallel_loop3A_743 = vector.broadcast %parallel_loop3A_742 : f32 to vector<16xf32>
        %parallel_loop3A_744 = arith.cmpf ogt, %parallel_loop3A_693, %parallel_loop3A_743 : vector<16xf32>
        %parallel_loop3A_745 = arith.andi %parallel_loop3A_741, %parallel_loop3A_744 : vector<16xi1>
        %parallel_loop3A_746 = arith.constant 0.000000e+00 : f32
        %parallel_loop3A_747 = vector.broadcast %parallel_loop3A_746 : f32 to vector<16xf32>
        %parallel_loop3A_748 = arith.cmpf ogt, %parallel_loop3A_697, %parallel_loop3A_747 : vector<16xf32>
        %parallel_loop3A_749 = arith.andi %parallel_loop3A_745, %parallel_loop3A_748 : vector<16xi1>
        %parallel_loop3A_750 = arith.cmpf olt, %parallel_loop3A_689, %parallel_loop3A_685 : vector<16xf32>
        %parallel_loop3A_751 = arith.constant 0.000000e+00 : f32
        %parallel_loop3A_752 = vector.broadcast %parallel_loop3A_751 : f32 to vector<16xf32>
        %parallel_loop3A_753 = arith.cmpf olt, %parallel_loop3A_701, %parallel_loop3A_752 : vector<16xf32>
        %parallel_loop3A_754 = arith.andi %parallel_loop3A_750, %parallel_loop3A_753 : vector<16xi1>
        %parallel_loop3A_755 = arith.andi %parallel_loop3A_754, %parallel_loop3A_735 : vector<16xi1>
        %parallel_loop3A_756 = arith.constant 0.000000e+00 : f32
        %parallel_loop3A_757 = vector.broadcast %parallel_loop3A_756 : f32 to vector<16xf32>
        %parallel_loop3A_758 = arith.cmpf olt, %parallel_loop3A_693, %parallel_loop3A_757 : vector<16xf32>
        %parallel_loop3A_759 = arith.andi %parallel_loop3A_755, %parallel_loop3A_758 : vector<16xi1>
        %parallel_loop3A_760 = arith.constant 0.000000e+00 : f32
        %parallel_loop3A_761 = vector.broadcast %parallel_loop3A_760 : f32 to vector<16xf32>
        %parallel_loop3A_762 = arith.cmpf olt, %parallel_loop3A_697, %parallel_loop3A_761 : vector<16xf32>
        %parallel_loop3A_763 = arith.andi %parallel_loop3A_759, %parallel_loop3A_762 : vector<16xi1>
        %parallel_loop3A_764 = arith.subf %parallel_loop3A_705, %parallel_loop3A_710 : vector<16xf32>
        %parallel_loop3A_765 = arith.constant 0.000000e+00 : f32
        %parallel_loop3A_766 = vector.broadcast %parallel_loop3A_765 : f32 to vector<16xf32>
        %parallel_loop3A_767 = arith.cmpf ogt, %parallel_loop3A_705, %parallel_loop3A_766 : vector<16xf32>
        %parallel_loop3A_768 = arith.constant 0.000000e+00 : f32
        %parallel_loop3A_769 = vector.broadcast %parallel_loop3A_768 : f32 to vector<16xf32>
        %parallel_loop3A_770 = arith.cmpf olt, %parallel_loop3A_705, %parallel_loop3A_769 : vector<16xf32>
        %parallel_loop3A_771 = arith.constant 0.000000e+00 : f32
        %parallel_loop3A_772 = vector.broadcast %parallel_loop3A_771 : f32 to vector<16xf32>
        %parallel_loop3A_773 = arith.cmpf ogt, %parallel_loop3A_764, %parallel_loop3A_772 : vector<16xf32>
        %parallel_loop3A_774 = arith.constant 0.000000e+00 : f32
        %parallel_loop3A_775 = vector.broadcast %parallel_loop3A_774 : f32 to vector<16xf32>
        %parallel_loop3A_776 = arith.cmpf olt, %parallel_loop3A_764, %parallel_loop3A_775 : vector<16xf32>
        %parallel_loop3A_777 = arith.andi %parallel_loop3A_773, %parallel_loop3A_767 : vector<16xi1>
        %parallel_loop3A_778 = arith.andi %parallel_loop3A_776, %parallel_loop3A_770 : vector<16xi1>
        %parallel_loop3A_779 = arith.ori %parallel_loop3A_777, %parallel_loop3A_778 : vector<16xi1>
        %parallel_loop3A_780 = arith.andi %parallel_loop3A_776, %parallel_loop3A_767 : vector<16xi1>
        %parallel_loop3A_781 = arith.andi %parallel_loop3A_773, %parallel_loop3A_770 : vector<16xi1>
        %parallel_loop3A_782 = arith.ori %parallel_loop3A_780, %parallel_loop3A_781 : vector<16xi1>
        %parallel_loop3A_783 = arith.subf %parallel_loop3A_689, %parallel_loop3A_730 : vector<16xf32>
        %parallel_loop3A_784 = arith.subf %parallel_loop3A_726, %parallel_loop3A_730 : vector<16xf32>
        %parallel_loop3A_785 = arith.constant 0.000000e+00 : f32
        %parallel_loop3A_786 = vector.broadcast %parallel_loop3A_785 : f32 to vector<16xf32>
        %parallel_loop3A_787 = arith.cmpf ogt, %parallel_loop3A_784, %parallel_loop3A_786 : vector<16xf32>
        %parallel_loop3A_788 = arith.constant 0.000000e+00 : f32
        %parallel_loop3A_789 = vector.broadcast %parallel_loop3A_788 : f32 to vector<16xf32>
        %parallel_loop3A_790 = arith.cmpf olt, %parallel_loop3A_784, %parallel_loop3A_789 : vector<16xf32>
        %parallel_loop3A_791 = arith.constant 2.000000e-01 : f32
        %parallel_loop3A_792 = vector.broadcast %parallel_loop3A_791 : f32 to vector<16xf32>
        %parallel_loop3A_793 = arith.mulf %parallel_loop3A_792, %parallel_loop3A_784 : vector<16xf32>
        %parallel_loop3A_794 = arith.constant 8.000000e-01 : f32
        %parallel_loop3A_795 = vector.broadcast %parallel_loop3A_794 : f32 to vector<16xf32>
        %parallel_loop3A_796 = arith.mulf %parallel_loop3A_795, %parallel_loop3A_784 : vector<16xf32>
        %parallel_loop3A_797 = arith.cmpf olt, %parallel_loop3A_783, %parallel_loop3A_793 : vector<16xf32>
        %parallel_loop3A_798 = arith.andi %parallel_loop3A_797, %parallel_loop3A_787 : vector<16xi1>
        %parallel_loop3A_799 = arith.cmpf ogt, %parallel_loop3A_783, %parallel_loop3A_793 : vector<16xf32>
        %parallel_loop3A_800 = arith.andi %parallel_loop3A_799, %parallel_loop3A_790 : vector<16xi1>
        %parallel_loop3A_801 = arith.ori %parallel_loop3A_798, %parallel_loop3A_800 : vector<16xi1>
        %parallel_loop3A_802 = arith.cmpf ogt, %parallel_loop3A_783, %parallel_loop3A_796 : vector<16xf32>
        %parallel_loop3A_803 = arith.andi %parallel_loop3A_802, %parallel_loop3A_787 : vector<16xi1>
        %parallel_loop3A_804 = arith.cmpf olt, %parallel_loop3A_783, %parallel_loop3A_796 : vector<16xf32>
        %parallel_loop3A_805 = arith.andi %parallel_loop3A_804, %parallel_loop3A_790 : vector<16xi1>
        %parallel_loop3A_806 = arith.ori %parallel_loop3A_803, %parallel_loop3A_805 : vector<16xi1>
        %parallel_loop3A_807 = arith.andi %parallel_loop3A_806, %parallel_loop3A_782 : vector<16xi1>
        %parallel_loop3A_808 = arith.andi %parallel_loop3A_801, %parallel_loop3A_779 : vector<16xi1>
        %parallel_loop3A_809 = arith.constant 8.000000e-01 : f32
        %parallel_loop3A_810 = vector.broadcast %parallel_loop3A_809 : f32 to vector<16xf32>
        %parallel_loop3A_811 = arith.cmpf ogt, %parallel_loop3A_718, %parallel_loop3A_810 : vector<16xf32>
        %parallel_loop3A_812 = arith.andi %parallel_loop3A_811, %parallel_loop3A_782 : vector<16xi1>
        %parallel_loop3A_813 = arith.constant 2.000000e-01 : f32
        %parallel_loop3A_814 = vector.broadcast %parallel_loop3A_813 : f32 to vector<16xf32>
        %parallel_loop3A_815 = arith.cmpf olt, %parallel_loop3A_718, %parallel_loop3A_814 : vector<16xf32>
        %parallel_loop3A_816 = arith.andi %parallel_loop3A_815, %parallel_loop3A_779 : vector<16xi1>
        %parallel_loop3A_817 = arith.constant 1.000000e-01 : f32
        %parallel_loop3A_818 = vector.broadcast %parallel_loop3A_817 : f32 to vector<16xf32>
        %parallel_loop3A_819 = arith.cmpf ogt, %parallel_loop3A_714, %parallel_loop3A_818 : vector<16xf32>
        %parallel_loop3A_820 = arith.constant -1.000000e-01 : f32
        %parallel_loop3A_821 = vector.broadcast %parallel_loop3A_820 : f32 to vector<16xf32>
        %parallel_loop3A_822 = arith.cmpf olt, %parallel_loop3A_714, %parallel_loop3A_821 : vector<16xf32>
        %parallel_loop3A_823 = arith.constant 1.000000e-01 : f32
        %parallel_loop3A_824 = vector.broadcast %parallel_loop3A_823 : f32 to vector<16xf32>
        %parallel_loop3A_825 = arith.cmpf ogt, %parallel_loop3A_722, %parallel_loop3A_824 : vector<16xf32>
        %parallel_loop3A_826 = arith.constant -1.000000e-01 : f32
        %parallel_loop3A_827 = vector.broadcast %parallel_loop3A_826 : f32 to vector<16xf32>
        %parallel_loop3A_828 = arith.cmpf olt, %parallel_loop3A_722, %parallel_loop3A_827 : vector<16xf32>
        %parallel_loop3A_829 = arith.andi %parallel_loop3A_822, %parallel_loop3A_782 : vector<16xi1>
        %parallel_loop3A_830 = arith.andi %parallel_loop3A_819, %parallel_loop3A_779 : vector<16xi1>
        %parallel_loop3A_831 = arith.andi %parallel_loop3A_749, %parallel_loop3A_779 : vector<16xi1>
        %parallel_loop3A_832 = arith.andi %parallel_loop3A_819, %parallel_loop3A_828 : vector<16xi1>
        %parallel_loop3A_833 = arith.andi %parallel_loop3A_819, %parallel_loop3A_801 : vector<16xi1>
        %parallel_loop3A_834 = arith.ori %parallel_loop3A_832, %parallel_loop3A_833 : vector<16xi1>
        %parallel_loop3A_835 = arith.andi %parallel_loop3A_828, %parallel_loop3A_801 : vector<16xi1>
        %parallel_loop3A_836 = arith.ori %parallel_loop3A_834, %parallel_loop3A_835 : vector<16xi1>
        %parallel_loop3A_837 = arith.andi %parallel_loop3A_831, %parallel_loop3A_836 : vector<16xi1>
        %parallel_loop3A_838 = arith.andi %parallel_loop3A_763, %parallel_loop3A_782 : vector<16xi1>
        %parallel_loop3A_839 = arith.andi %parallel_loop3A_822, %parallel_loop3A_825 : vector<16xi1>
        %parallel_loop3A_840 = arith.andi %parallel_loop3A_822, %parallel_loop3A_806 : vector<16xi1>
        %parallel_loop3A_841 = arith.ori %parallel_loop3A_839, %parallel_loop3A_840 : vector<16xi1>
        %parallel_loop3A_842 = arith.andi %parallel_loop3A_825, %parallel_loop3A_806 : vector<16xi1>
        %parallel_loop3A_843 = arith.ori %parallel_loop3A_841, %parallel_loop3A_842 : vector<16xi1>
        %parallel_loop3A_844 = arith.andi %parallel_loop3A_838, %parallel_loop3A_843 : vector<16xi1>
        %parallel_loop3A_845 = arith.constant 0.839999973 : f32
        %parallel_loop3A_846 = arith.constant 0.000000e+00 : f32
        %parallel_loop3A_847 = vector.broadcast %parallel_loop3A_845 : f32 to vector<16xf32>
        %parallel_loop3A_848 = vector.broadcast %parallel_loop3A_846 : f32 to vector<16xf32>
        %parallel_loop3A_849 = arith.select %parallel_loop3A_763, %parallel_loop3A_847, %parallel_loop3A_848 : vector<16xi1>, vector<16xf32>
        %parallel_loop3A_850 = arith.constant 1.050000e+00 : f32
        %parallel_loop3A_851 = arith.constant 0.000000e+00 : f32
        %parallel_loop3A_852 = vector.broadcast %parallel_loop3A_850 : f32 to vector<16xf32>
        %parallel_loop3A_853 = vector.broadcast %parallel_loop3A_851 : f32 to vector<16xf32>
        %parallel_loop3A_854 = arith.select %parallel_loop3A_829, %parallel_loop3A_852, %parallel_loop3A_853 : vector<16xi1>, vector<16xf32>
        %parallel_loop3A_855 = arith.addf %parallel_loop3A_849, %parallel_loop3A_854 : vector<16xf32>
        %parallel_loop3A_856 = arith.constant 0.699999988 : f32
        %parallel_loop3A_857 = arith.constant 0.000000e+00 : f32
        %parallel_loop3A_858 = vector.broadcast %parallel_loop3A_856 : f32 to vector<16xf32>
        %parallel_loop3A_859 = vector.broadcast %parallel_loop3A_857 : f32 to vector<16xf32>
        %parallel_loop3A_860 = arith.select %parallel_loop3A_812, %parallel_loop3A_858, %parallel_loop3A_859 : vector<16xi1>, vector<16xf32>
        %parallel_loop3A_861 = arith.addf %parallel_loop3A_855, %parallel_loop3A_860 : vector<16xf32>
        %parallel_loop3A_862 = arith.constant 0.839999973 : f32
        %parallel_loop3A_863 = arith.constant 0.000000e+00 : f32
        %parallel_loop3A_864 = vector.broadcast %parallel_loop3A_862 : f32 to vector<16xf32>
        %parallel_loop3A_865 = vector.broadcast %parallel_loop3A_863 : f32 to vector<16xf32>
        %parallel_loop3A_866 = arith.select %parallel_loop3A_807, %parallel_loop3A_864, %parallel_loop3A_865 : vector<16xi1>, vector<16xf32>
        %parallel_loop3A_867 = arith.addf %parallel_loop3A_861, %parallel_loop3A_866 : vector<16xf32>
        %parallel_loop3A_868 = arith.constant 1.440000e+00 : f32
        %parallel_loop3A_869 = arith.constant 0.000000e+00 : f32
        %parallel_loop3A_870 = vector.broadcast %parallel_loop3A_868 : f32 to vector<16xf32>
        %parallel_loop3A_871 = vector.broadcast %parallel_loop3A_869 : f32 to vector<16xf32>
        %parallel_loop3A_872 = arith.select %parallel_loop3A_844, %parallel_loop3A_870, %parallel_loop3A_871 : vector<16xi1>, vector<16xf32>
        %parallel_loop3A_873 = arith.addf %parallel_loop3A_867, %parallel_loop3A_872 : vector<16xf32>
        %parallel_loop3A_874 = arith.constant 0.839999973 : f32
        %parallel_loop3A_875 = arith.constant 0.000000e+00 : f32
        %parallel_loop3A_876 = vector.broadcast %parallel_loop3A_874 : f32 to vector<16xf32>
        %parallel_loop3A_877 = vector.broadcast %parallel_loop3A_875 : f32 to vector<16xf32>
        %parallel_loop3A_878 = arith.select %parallel_loop3A_749, %parallel_loop3A_876, %parallel_loop3A_877 : vector<16xi1>, vector<16xf32>
        %parallel_loop3A_879 = arith.constant 1.050000e+00 : f32
        %parallel_loop3A_880 = arith.constant 0.000000e+00 : f32
        %parallel_loop3A_881 = vector.broadcast %parallel_loop3A_879 : f32 to vector<16xf32>
        %parallel_loop3A_882 = vector.broadcast %parallel_loop3A_880 : f32 to vector<16xf32>
        %parallel_loop3A_883 = arith.select %parallel_loop3A_830, %parallel_loop3A_881, %parallel_loop3A_882 : vector<16xi1>, vector<16xf32>
        %parallel_loop3A_884 = arith.addf %parallel_loop3A_878, %parallel_loop3A_883 : vector<16xf32>
        %parallel_loop3A_885 = arith.constant 0.699999988 : f32
        %parallel_loop3A_886 = arith.constant 0.000000e+00 : f32
        %parallel_loop3A_887 = vector.broadcast %parallel_loop3A_885 : f32 to vector<16xf32>
        %parallel_loop3A_888 = vector.broadcast %parallel_loop3A_886 : f32 to vector<16xf32>
        %parallel_loop3A_889 = arith.select %parallel_loop3A_816, %parallel_loop3A_887, %parallel_loop3A_888 : vector<16xi1>, vector<16xf32>
        %parallel_loop3A_890 = arith.addf %parallel_loop3A_884, %parallel_loop3A_889 : vector<16xf32>
        %parallel_loop3A_891 = arith.constant 0.839999973 : f32
        %parallel_loop3A_892 = arith.constant 0.000000e+00 : f32
        %parallel_loop3A_893 = vector.broadcast %parallel_loop3A_891 : f32 to vector<16xf32>
        %parallel_loop3A_894 = vector.broadcast %parallel_loop3A_892 : f32 to vector<16xf32>
        %parallel_loop3A_895 = arith.select %parallel_loop3A_808, %parallel_loop3A_893, %parallel_loop3A_894 : vector<16xi1>, vector<16xf32>
        %parallel_loop3A_896 = arith.addf %parallel_loop3A_890, %parallel_loop3A_895 : vector<16xf32>
        %parallel_loop3A_897 = arith.constant 1.440000e+00 : f32
        %parallel_loop3A_898 = arith.constant 0.000000e+00 : f32
        %parallel_loop3A_899 = vector.broadcast %parallel_loop3A_897 : f32 to vector<16xf32>
        %parallel_loop3A_900 = vector.broadcast %parallel_loop3A_898 : f32 to vector<16xf32>
        %parallel_loop3A_901 = arith.select %parallel_loop3A_837, %parallel_loop3A_899, %parallel_loop3A_900 : vector<16xi1>, vector<16xf32>
        %parallel_loop3A_902 = arith.addf %parallel_loop3A_896, %parallel_loop3A_901 : vector<16xf32>
        %parallel_loop3A_903 = arith.constant 2.000000e+00 : f32
        %parallel_loop3A_904 = vector.broadcast %parallel_loop3A_903 : f32 to vector<16xf32>
        %parallel_loop3A_905 = arith.mulf %parallel_loop3A_904, %parallel_loop3A_873 : vector<16xf32>
        %parallel_loop3A_906 = arith.constant 8.000000e-01 : f32
        %parallel_loop3A_907 = vector.broadcast %parallel_loop3A_906 : f32 to vector<16xf32>
        %parallel_loop3A_908 = arith.addf %parallel_loop3A_907, %parallel_loop3A_905 : vector<16xf32>
        %parallel_loop3A_909 = arith.constant 2.000000e+00 : f32
        %parallel_loop3A_910 = vector.broadcast %parallel_loop3A_909 : f32 to vector<16xf32>
        %parallel_loop3A_911 = arith.mulf %parallel_loop3A_910, %parallel_loop3A_902 : vector<16xf32>
        %parallel_loop3A_912 = arith.constant 8.000000e-01 : f32
        %parallel_loop3A_913 = vector.broadcast %parallel_loop3A_912 : f32 to vector<16xf32>
        %parallel_loop3A_914 = arith.addf %parallel_loop3A_913, %parallel_loop3A_911 : vector<16xf32>
        %parallel_loop3A_915 = arith.maximumf %parallel_loop3A_908, %parallel_loop3A_914 : vector<16xf32>
        %parallel_loop3A_916 = arith.subf %parallel_loop3A_908, %parallel_loop3A_915 : vector<16xf32>
        %parallel_loop3A_917 = math.exp %parallel_loop3A_916 : vector<16xf32>
        %parallel_loop3A_918 = arith.constant 4.000000e-01 : f32
        %parallel_loop3A_919 = vector.broadcast %parallel_loop3A_918 : f32 to vector<16xf32>
        %parallel_loop3A_920 = arith.subf %parallel_loop3A_919, %parallel_loop3A_915 : vector<16xf32>
        %parallel_loop3A_921 = math.exp %parallel_loop3A_920 : vector<16xf32>
        %parallel_loop3A_922 = arith.subf %parallel_loop3A_914, %parallel_loop3A_915 : vector<16xf32>
        %parallel_loop3A_923 = math.exp %parallel_loop3A_922 : vector<16xf32>
        %parallel_loop3A_924 = arith.addf %parallel_loop3A_917, %parallel_loop3A_921 : vector<16xf32>
        %parallel_loop3A_925 = arith.addf %parallel_loop3A_924, %parallel_loop3A_923 : vector<16xf32>
        %parallel_loop3A_926 = arith.constant 1.000000e+00 : f32
        %parallel_loop3A_927 = vector.broadcast %parallel_loop3A_926 : f32 to vector<16xf32>
        %parallel_loop3A_928 = arith.divf %parallel_loop3A_927, %parallel_loop3A_925 : vector<16xf32>
        %parallel_loop3A_929 = arith.constant 16 : i32
        %parallel_loop3A_930 = arith.muli %parallel_loop3A_677, %parallel_loop3A_929 : i32
        %parallel_loop3A_931 = arith.mulf %parallel_loop3A_917, %parallel_loop3A_928 : vector<16xf32>
        %parallel_loop3A_932 = arith.constant 0 : i32
        %parallel_loop3A_933 = arith.index_cast %parallel_loop3A_932 : i32 to index
        %parallel_loop3A_934 = arith.index_cast %parallel_loop3A_930 : i32 to index
        %parallel_loop3A_935 = tpu.vector_load %arg7[%parallel_loop3A_933, %parallel_loop3A_934] {strides = array<i32>} : memref<3x1024xf32, #tpu.memory_space<vmem>>, vector<16xf32>,
        tpu.vector_store %arg7[%parallel_loop3A_933, %parallel_loop3A_934], %parallel_loop3A_931 {strides = array<i32>} : memref<3x1024xf32, #tpu.memory_space<vmem>>, vector<16xf32>,
        %parallel_loop3A_936 = arith.mulf %parallel_loop3A_921, %parallel_loop3A_928 : vector<16xf32>
        %parallel_loop3A_937 = arith.constant 1 : i32
        %parallel_loop3A_938 = arith.index_cast %parallel_loop3A_937 : i32 to index
        %parallel_loop3A_939 = arith.index_cast %parallel_loop3A_930 : i32 to index
        %parallel_loop3A_940 = tpu.vector_load %arg7[%parallel_loop3A_938, %parallel_loop3A_939] {strides = array<i32>} : memref<3x1024xf32, #tpu.memory_space<vmem>>, vector<16xf32>,
        tpu.vector_store %arg7[%parallel_loop3A_938, %parallel_loop3A_939], %parallel_loop3A_936 {strides = array<i32>} : memref<3x1024xf32, #tpu.memory_space<vmem>>, vector<16xf32>,
        %parallel_loop3A_941 = arith.mulf %parallel_loop3A_923, %parallel_loop3A_928 : vector<16xf32>
        %parallel_loop3A_942 = arith.constant 2 : i32
        %parallel_loop3A_943 = arith.index_cast %parallel_loop3A_942 : i32 to index
        %parallel_loop3A_944 = arith.index_cast %parallel_loop3A_930 : i32 to index
        %parallel_loop3A_945 = tpu.vector_load %arg7[%parallel_loop3A_943, %parallel_loop3A_944] {strides = array<i32>} : memref<3x1024xf32, #tpu.memory_space<vmem>>, vector<16xf32>,
        tpu.vector_store %arg7[%parallel_loop3A_943, %parallel_loop3A_944], %parallel_loop3A_941 {strides = array<i32>} : memref<3x1024xf32, #tpu.memory_space<vmem>>, vector<16xf32>,
      } {sc.loop_unroll_factor = 8 : i64, sc.parallel_access}
      %mul3A_668 = arith.constant 32768 : i32
      %mul3A_669 = arith.muli %add3A, %mul3A_668 : i32
      %mul3A_670 = arith.constant 1024 : i32
      %mul3A_671 = arith.muli %add3A_175, %mul3A_670 : i32
      %add3A_672 = arith.addi %mul3A_669, %mul3A_671 : i32
      %dma_start3A_673 = arith.constant 0 : i32
      %dma_start3A_674 = tpu.memref_slice %arg3[%dma_start3A_673, %add3A_672] : memref<3x1048576xf32, #tpu.memory_space<hbm>> -> memref<3x1024xf32, #tpu.memory_space<hbm>>
      %dma_start3A_675 = arith.constant 0 : i32
      %dma_start3A_676 = tpu.memref_slice %arg3[%dma_start3A_675, %add3A_672] : memref<3x1048576xf32, #tpu.memory_space<hbm>> -> memref<3x1024xf32, #tpu.memory_space<hbm>>
      tpu.enqueue_dma source(%arg7 : memref<3x1024xf32, #tpu.memory_space<vmem>>) target(%dma_start3A_676 : memref<3x1024xf32, #tpu.memory_space<hbm>>) target_semaphore(%arg13 : memref<!tpu.dma_semaphore, #tpu.memory_space<semaphore_mem>>)
    }
    %scan3A_155 = arith.constant 16 : i32
    %mul3A_156 = arith.constant 32768 : i32
    %mul3A_157 = arith.muli %add3A, %mul3A_156 : i32
    %add3A_158 = arith.constant 30720 : i32
    %add3A_159 = arith.addi %mul3A_157, %add3A_158 : i32
    %dma_wait3A = arith.constant 0 : i32
    %dma_wait3A_160 = tpu.memref_slice %arg3[%dma_wait3A, %add3A_159] : memref<3x1048576xf32, #tpu.memory_space<hbm>> -> memref<3x1024xf32, #tpu.memory_space<hbm>>
    %dma_wait3A_161 = arith.constant 0 : i32
    %dma_wait3A_162 = tpu.memref_slice %arg3[%dma_wait3A_161, %add3A_159] : memref<3x1048576xf32, #tpu.memory_space<hbm>> -> memref<3x1024xf32, #tpu.memory_space<hbm>>
    tpu.wait_dma2 semaphore(%arg12 : memref<!tpu.dma_semaphore, #tpu.memory_space<semaphore_mem>>) src(%arg6 : memref<3x1024xf32, #tpu.memory_space<vmem>>) dst(%dma_wait3A_162 : memref<3x1024xf32, #tpu.memory_space<hbm>>)
    %mul3A_163 = arith.constant 32768 : i32
    %mul3A_164 = arith.muli %add3A, %mul3A_163 : i32
    %add3A_165 = arith.constant 31744 : i32
    %add3A_166 = arith.addi %mul3A_164, %add3A_165 : i32
    %dma_wait3A_167 = arith.constant 0 : i32
    %dma_wait3A_168 = tpu.memref_slice %arg3[%dma_wait3A_167, %add3A_166] : memref<3x1048576xf32, #tpu.memory_space<hbm>> -> memref<3x1024xf32, #tpu.memory_space<hbm>>
    %dma_wait3A_169 = arith.constant 0 : i32
    %dma_wait3A_170 = tpu.memref_slice %arg3[%dma_wait3A_169, %add3A_166] : memref<3x1048576xf32, #tpu.memory_space<hbm>> -> memref<3x1024xf32, #tpu.memory_space<hbm>>
    tpu.wait_dma2 semaphore(%arg13 : memref<!tpu.dma_semaphore, #tpu.memory_space<semaphore_mem>>) src(%arg7 : memref<3x1024xf32, #tpu.memory_space<vmem>>) dst(%dma_wait3A_170 : memref<3x1024xf32, #tpu.memory_space<hbm>>)
    return
  }
}

</mosaic_0001>

<sc_bundles>
// kernel: kernel.3.cloned.1.call-start
scs
__scs_entry_jumppad:
0x0: {  	(pc) =	sbr.rel $0x88, $3  }
0x1: {  	(tag) =	ssettag $0x0;
	lr =	simm.s32 $0x1  }
0x2: {  	[smem:$0x3FA0] =	sst lr;
	_ =	strace $0xD0000000  }
0x3: {  	_ = 	snop  }
0x4: {  	_ = 	snop  }
0x5: {  	_ = 	snop  }
0x6: {  	_ = 	snop  }
0x7: {  	_ = 	snop  }
__scs_overlays_trampoline_lowered:
0x8: {  	[smem:$0x3FAF] =	sst s0  }
0x9: {  	[smem:$0x3FB0] =	sst s1  }
0xa: {  	[smem:$0x3FB1] =	sst s2  }
0xb: {  	[smem:$0x3FB2] =	sst s3  }
0xc: {  	[smem:$0x3FB3] =	sst s4  }
0xd: {  	[smem:$0x3FB4] =	sst s5  }
0xe: {  	[smem:$0x3FB5] =	sst s6  }
0xf: {  	[smem:$0x3FB6] =	sst s7  }
0x10: {  	[smem:$0x3FB7] =	sst s8  }
0x11: {  	[smem:$0x3FB8] =	sst s9;
	s0 =	simm.s32 @!p0 $0x0  }
0x12: {  	s1 =	sld [smem:$0x3F9E];
	s0 =	simm.s32 @p0 $0x1  }
0x13: {  	[smem:$0x3FB9] =	sst s0;
	s0 =	simm.s32 @!p1 $0x0  }
0x14: {  	s2 =	sld [smem:$0x3F9D];
	s0 =	simm.s32 @p1 $0x1  }
0x15: {  	[smem:$0x3FBA] =	sst s0;
	s0 =	simm.s32 @!p2 $0x0  }
0x16: {  	s3 =	sld [smem:$0x3FDB];
	s0 =	simm.s32 @p2 $0x1  }
0x17: {  	s4 =	simm.s32 $0x1BF5;
	[smem:$0x3FBC] =	sst s0  }
0x18: {  	s0 =	sld [smem:$0x3F9F];
	_ =	swait.ge [sflag:s4], $0x0  }
0x19: {  	s7 =	sld [smem:$0x3FA0]  }
0x1a: {  	s8 =	sadd.s32 $0xFFFFE003, lr  }
0x1b: {  	s9 =	sadd.s32 $0xFFFFFEF7, lr;
	s5 =	simm.s32 $0xFFFFFFFF;
	p2 =	slt.u32 s8, $0xFFFFF086  }
0x1c: {  	p1 =	slt.u32 s9, $0xF7A;
	s5 =	simm.s32 @!p2 $0x0  }
0x1d: {  	s5 =	simm.s32 @p1 $0x1;
	p0 =	seq.s32 s7, s2  }
0x1e: {  	s7 =	smul.u32 @!p0 $0xF7A, s2;
	p2 =	seq.s32 @!p0 s5, $0x0  }
0x1f: {  	s9 =	smul.u32 $0xF7A, s1;
	s8 =	simm.s32 @!p0 $0x1BF5;
	p2 =	por !p2, p0  }
0x20: {  	[sflag:s8] =	ssyncset.s32 @!p0 $0xFFFFF086;
	s6 =	sadd.s32 @!p0 s3, s7;
	s7 =	simm.s32 @!p0 $0x108  }
0x21: {  	s3 =	sadd.s32 s3, s9;
	s6 =	sadd.s32 @!p0 $0x88, s6;
	s7 =	simm.s32 @p2 $0x1082  }
0x22: {  	[simem:s7], [sflag:s8] =	dma.local @!p0 [hbm:s6], $0xF7A  }
0x23: {  	s9 =	sor.u32 $0xD0000000, s2;
	s6 =	simm.s32 $0x108;
	_ =	swait.ge @!p0 [sflag:s8], $0x0  }
0x24: {  	s3 =	sadd.s32 $0x88, s3;
	s6 =	simm.s32 @!p1 $0x1082;
	[sflag:s4] =	ssyncset.s32 $0xFFFFF086  }
0x25: {  	[simem:s6], [sflag:s4] =	dma.local [hbm:s3], $0xF7A  }
0x26: {  	[smem:$0x3FA0] =	sst s1;
	(tag) =	ssettag s2;
	_ =	strace s9  }
0x27: {  	s1 =	sld [smem:$0x3FB0]  }
0x28: {  	s2 =	sld [smem:$0x3FB1]  }
0x29: {  	s4 =	sld [smem:$0x3FB3]  }
0x2a: {  	p0 =	seq.s32 s5, $0x0;
	s5 =	sld [smem:$0x3FB4]  }
0x2b: {  	s6 =	sld [smem:$0x3FB5]  }
0x2c: {  	s7 =	sld [smem:$0x3FB6]  }
0x2d: {  	s3 =	simm.s32 $0x108;
	s8 =	sld [smem:$0x3FB7]  }
0x2e: {  	s3 =	simm.s32 @!p0 $0x1082;
	s9 =	sld [smem:$0x3FB8]  }
0x2f: {  	lr =	sadd.s32 s0, s3;
	s0 =	sld [smem:$0x3FAF]  }
0x30: {  	s3 =	sld [smem:$0x3FB2]  }
0x31: {  	[smem:$0x3FBB] =	sst s10  }
0x32: {  	s10 =	sld [smem:$0x3FB9];
	_ =	sdelay $0x3  }
0x33: {  	p0 =	seq.s32 s10, $0x1;
	s10 =	sld [smem:$0x3FBB];
	_ =	sdelay $0x3  }
0x34: {  	[smem:$0x3FBB] =	sst s10  }
0x35: {  	s10 =	sld [smem:$0x3FBA];
	_ =	sdelay $0x3  }
0x36: {  	p1 =	seq.s32 s10, $0x1;
	s10 =	sld [smem:$0x3FBB];
	_ =	sdelay $0x3  }
0x37: {  	[smem:$0x3FBB] =	sst s10  }
0x38: {  	s10 =	sld [smem:$0x3FBC]  }
0x39: {  	_ = 	snop;
	(pc) =	sbr.ind lr, $3  }
0x3a: {  	_ = 	snop  }
0x3b: {  	_ = 	snop  }
0x3c: {  	p2 =	seq.s32 s10, $0x1;
	s10 =	sld [smem:$0x3FBB]  }
0x3d: {  	_ =	shalt  }
0x3e: {  	_ =	shalt  }
0x3f: {  	_ =	shalt  }
0x40: {  	_ =	shalt  }
0x41: {  	_ =	shalt  }
0x42: {  	_ =	shalt  }
0x43: {  	_ =	shalt  }
0x44: {  	_ =	shalt  }
0x45: {  	_ =	shalt  }
0x46: {  	_ =	shalt  }
0x47: {  	_ =	shalt  }
0x48: {  	_ =	shalt  }
0x49: {  	_ =	shalt  }
0x4a: {  	_ =	shalt  }
0x4b: {  	_ =	shalt  }
0x4c: {  	_ =	shalt  }
0x4d: {  	_ =	shalt  }
0x4e: {  	_ =	shalt  }
0x4f: {  	_ =	shalt  }
0x50: {  	_ =	shalt  }
0x51: {  	_ =	shalt  }
0x52: {  	_ =	shalt  }
0x53: {  	_ =	shalt  }
0x54: {  	_ =	shalt  }
0x55: {  	_ =	shalt  }
0x56: {  	_ =	shalt  }
0x57: {  	_ =	shalt  }
0x58: {  	_ =	shalt  }
0x59: {  	_ =	shalt  }
0x5a: {  	_ =	shalt  }
0x5b: {  	_ =	shalt  }
0x5c: {  	_ =	shalt  }
0x5d: {  	_ =	shalt  }
0x5e: {  	_ =	shalt  }
0x5f: {  	_ =	shalt  }
0x60: {  	_ =	shalt  }
0x61: {  	_ =	shalt  }
0x62: {  	_ =	shalt  }
0x63: {  	_ =	shalt  }
0x64: {  	_ =	shalt  }
0x65: {  	_ =	shalt  }
0x66: {  	_ =	shalt  }
0x67: {  	_ =	shalt  }
0x68: {  	_ =	shalt  }
0x69: {  	_ =	shalt  }
0x6a: {  	_ =	shalt  }
0x6b: {  	_ =	shalt  }
0x6c: {  	_ =	shalt  }
0x6d: {  	_ =	shalt  }
0x6e: {  	_ =	shalt  }
0x6f: {  	_ =	shalt  }
0x70: {  	_ =	shalt  }
0x71: {  	_ =	shalt  }
0x72: {  	_ =	shalt  }
0x73: {  	_ =	shalt  }
0x74: {  	_ =	shalt  }
0x75: {  	_ =	shalt  }
0x76: {  	_ =	shalt  }
0x77: {  	_ =	shalt  }
0x78: {  	_ =	shalt  }
0x79: {  	_ =	shalt  }
0x7a: {  	_ =	shalt  }
0x7b: {  	_ =	shalt  }
0x7c: {  	_ =	shalt  }
0x7d: {  	_ =	shalt  }
0x7e: {  	_ =	shalt  }
0x7f: {  	_ =	shalt  }
0x80: {  	_ =	shalt  }
0x81: {  	_ =	shalt  }
0x82: {  	_ =	shalt  }
0x83: {  	_ =	shalt  }
0x84: {  	_ =	shalt  }
0x85: {  	_ =	shalt  }
0x86: {  	_ =	shalt  }
0x87: {  	_ =	shalt  }
.Lfunc_end0:
.L_simem_size_0:
called_computation_lowered:
.L_overlay_start_0:
0x88: {  	s2 =	sld [smem:$0x3FD9]  }
0x89: {  	s3 =	sld [smem:$0x3FFE];
	_ =	sdelay $0x1  }
0x8a: {  	s1 =	srdreg.scid  }
0x8b: {  	s0 =	sand.u32 $0x1, s1  }
0x8c: {  	s18 =	sshll.u32 s0, $0xA;
	s2 =	sadd.s32 s3, s2  }
0x8d: {  	s2 =	sadd.s32 s2, s18  }
0x8e: {  	[smem:$0x3FC7] =	sst s2  }
0x8f: {  	_ = 	snop  }
0x90: {  	s2 =	sld [smem:$0x3FC9]  }
0x91: {  	s19 =	sld [smem:$0x3FD0];
	(tm) =	ssettm $0x1  }
0x92: {  	s4 =	sld [smem:$0x3FFB];
	_ =	sdelay $0x3  }
0x93: {  	_ =	strace s4  }
0x94: {  	s4 =	sld [smem:$0x3FFC];
	_ =	sdelay $0x3  }
0x95: {  	_ =	strace s4  }
0x96: {  	s4 =	sld [smem:$0x3FFD];
	_ =	sdelay $0x3  }
0x97: {  	_ =	strace s4  }
0x98: {  	_ =	strace $0x8FFFFFFF  }
0x99: {  	s20 =	sld [smem:$0x3FDB];
	_ =	sdelay $0x1  }
0x9a: {  	s5 =	simm.s32 $_scs_section_size  }
0x9b: {  	s6 =	simm.s32 $_size__tile_overlayer_lowered;
	s7 =	simm.s32 $_tile_overlayer_lowered  }
0x9c: {  	s23 =	simm.s32 $0x1BFF;
	s22 =	sshll.u32 s7, $0x1;
	s4 =	sadd.s32 s5, s20  }
0x9d: {  	s8 =	simm.s32 $0x0;
	s21 =	sshll.u32 s6, $0x1;
	s6 =	sadd.s32 s22, s4  }
0x9e: {  	[timem:s8], [sflag:s23] =	dma.local [hbm:s6], s21  }
0x9f: {  	_ =	swait.ge [sflag:s23], s21  }
0xa0: {  	s5 =	ssub.s32 $0x0, s21;
	[sflag:s23] =	ssyncset.done $0x0  }
0xa1: {  	[sflag:s23] =	ssyncadd.s32 s5;
	_ =	sdelay $0x1  }
0xa2: {  	s24 =	simm.s32 $0x1B8B  }
0xa3: {  	_ =	swait.ge [sflag:s24], $0x1  }
0xa4: {  	[sflag:s24] =	ssyncset.done $0x0  }
0xa5: {  	s25 =	simm.s32 $0x1B8E;
	[sflag:s24] =	ssyncadd.s32 $0xFFFFFFFF  }
0xa6: {  	s26 =	simm.s32 $execute0_lowered;
	[smem:$0x3FD2] =	sst s25  }
0xa7: {  	s5 =	sshll.u32 s26, $0x1;
	_ =	strace $0x80000046;
	[dreg:$0x1] =	wrdreg $0xFFFFFFFF  }
0xa8: {  	s28 =	simm.s32 $_size_execute0_lowered;
	s4 =	sadd.s32 s4, s5;
	[dreg:$0x0] =	wrdreg $0x0  }
0xa9: {  	s5 =	sshll.u32 s28, $0x1;
	[dreg:$0x2] =	wrdreg s4  }
0xaa: {  	[dreg:$0x3] =	wrdreg s5  }
0xab: {  	[dreg:$0x4] =	wrdreg $0xC0  }
0xac: {  	_ =	task [dreg:s8], $0x5FFFF  }
0xad: {  	[dreg:$0x1] =	wrdreg $0xFFFFFFFF  }
0xae: {  	[dreg:$0x0] =	wrdreg $0x60  }
0xaf: {  	[dreg:$0x2] =	wrdreg s2  }
0xb0: {  	[dreg:$0x3] =	wrdreg s19  }
0xb1: {  	[dreg:$0x4] =	wrdreg $0x9  }
0xb2: {  	_ =	task.clear_ibuf [dreg:s8], $0x5FFFF;
	_ =	strace $0x90000046  }
0xb3: {  	s29 =	simm.s32 $0x9;
	_ =	strace $0x80000048  }
0xb4: {  	_ =	swait.ge [sflag:s29], $0x1  }
0xb5: {  	[sflag:s29] =	ssyncadd.s32 $0xFFFFFFFF  }
0xb6: {  	_ =	strace $0x90000048  }
0xb7: {  	_ =	sfence  }
0xb8: {  	s30 =	sld [smem:$0x0];
	_ =	sdelay $0x2  }
0xb9: {  	s31 =	sshll.u32 s1, $0xD;
	s1 =	sshrl.u32 s1, $0x2  }
0xba: {  	s3 =	sand.u32 $0x4000, s31;
	s1 =	sadd.s32 s1, s30  }
0xbb: {  	s0 =	sor.u32 s3, s0;
	s1 =	sshll.u32 s1, $0x11  }
0xbc: {  	s0 =	sor.u32 s1, s0  }
0xbd: {  	s0 =	sadd.s32 $0x8F2B, s0  }
0xbe: {  	[sflag:s0] =	ssyncadd.remote.s32 $0x1  }
0xbf: {  	_ =	sfence.sel $0xFFFF  }
0xc0: {  	[dreg:$0x0] =	wrdreg $0xFFFFFFFF;
	(pc) =	sbr.abs _section_cstart, $3  }
0xc1: {  	[dreg:$0x1] =	wrdreg $0xFFFFFFFF  }
0xc2: {  	_ =	task.clear_ibuf [dreg:s8], $0x2FFFF;
	_ =	strace $0x9FFFFFFF  }
0xc3: {  	(tm) =	ssettm $0x7FFFFFFF  }
tec
execute0_lowered:
.L_overlay_start_1:
0x0: {  	(tag) =	ssettag $0x1  }
0x1: {  	s1 =	rddreg [dreg:$0x0]  }
0x2: {  	s3 =	rddreg [dreg:$0x1];
	s0 =	srdreg.scid;
	s4 =	simm.s32 $0x0  }
0x3: {  	s2 =	stileid.u32;
	s0 =	sand.u32 $0x1, s0;
	[smem:$0x7FF] =	sst s4  }
0x4: {  	s2 =	sshll.u32 s2, $0x10;
	s8 =	sadd.s32 $0x10, s1;
	s5 =	sshll.u32 s0, $0xF  }
0x5: {  	s13 =	sadd.s32 $0x100010, s1;
	s14 =	sadd.s32 $0x100020, s1;
	s2 =	sor.u32 s5, s2  }
0x6: {  	s11 =	sadd.s32 $0x100000, s1;
	s17 =	sadd.s32 $0x100040, s1;
	s28 =	sor.u32 $0x800, s2  }
0x7: {  	_ =	strace $0x80000047;
	s7 =	sadd.s32 s1, s2;
	[dreg:$0x10] =	wrdreg s28  }
0x8: {  	s19 =	sadd.s32 $0x100050, s1;
	s9 =	sadd.s32 s2, s8;
	[dreg:$0x5] =	wrdreg s7  }
0x9: {  	s20 =	sadd.s32 $0x100060, s1;
	s10 =	sadd.s32 s2, s11;
	[dreg:$0x6] =	wrdreg s9  }
0xa: {  	s23 =	sadd.s32 $0x200000, s1;
	s12 =	sadd.s32 s2, s13;
	[dreg:$0x7] =	wrdreg s10  }
0xb: {  	s0 =	ssub.s32 $0x2, s0;
	s15 =	sadd.s32 s2, s14;
	[dreg:$0x8] =	wrdreg s12  }
0xc: {  	s26 =	sshrl.u32 s0, $0x1;
	s16 =	sadd.s32 s2, s17;
	[dreg:$0x9] =	wrdreg s15  }
0xd: {  	p0 =	seq.s32 s2, $0x0;
	s18 =	sadd.s32 s2, s19;
	[dreg:$0xa] =	wrdreg s16  }
0xe: {  	s6 =	sadd.s32 $0xFFFB0, s2;
	s21 =	sadd.s32 s2, s20;
	[dreg:$0xb] =	wrdreg s18  }
0xf: {  	s0 =	ssub.s32 s0, s26;
	s22 =	sadd.s32 s2, s23;
	[dreg:$0xc] =	wrdreg s21  }
0x10: {  	s26 =	sadd.s32 $0x200010, s1;
	s0 =	smax.u32 s0, $0x1;
	[dreg:$0xe] =	wrdreg s22  }
0x11: {  	s6 =	simm.s32 @p0 $0x1FFFB0;
	s24 =	sadd.s32 s2, s26;
	[dreg:$0xd] =	wrdreg s0  }
0x12: {  	s5 =	sadd.s32 $0x100030, s1;
	s6 =	sadd.s32 s1, s6;
	[dreg:$0xf] =	wrdreg s24  }
0x13: {  	[dreg:$0x3] =	wrdreg s6;
	s6 =	sadd.s32 s2, s5  }
0x14: {  	s25 =	sadd.s32 $0x80, s6;
	[dreg:$0x4] =	wrdreg s6  }
0x15: {  	s28 =	sadd.s32 $0x100, s6;
	[dreg:$0x11] =	wrdreg s25  }
0x16: {  	[dreg:$0x12] =	wrdreg s28;
	s25 =	sadd.s32 $0x180, s6  }
0x17: {  	s28 =	sadd.s32 $0x200, s6;
	[dreg:$0x13] =	wrdreg s25  }
0x18: {  	[dreg:$0x14] =	wrdreg s28;
	s25 =	sadd.s32 $0x280, s6  }
0x19: {  	s28 =	sadd.s32 $0x300, s6;
	[dreg:$0x15] =	wrdreg s25  }
0x1a: {  	s6 =	sadd.s32 $0x380, s6;
	[dreg:$0x16] =	wrdreg s28  }
0x1b: {  	[dreg:$0x17] =	wrdreg s6;
	s25 =	sadd.s32 $0x80, s7  }
0x1c: {  	s28 =	sadd.s32 $0x100, s7;
	[dreg:$0x18] =	wrdreg s25  }
0x1d: {  	s6 =	sadd.s32 $0x180, s7;
	[dreg:$0x19] =	wrdreg s28  }
0x1e: {  	[dreg:$0x1a] =	wrdreg s6;
	s25 =	sadd.s32 $0x200, s7  }
0x1f: {  	s28 =	sadd.s32 $0x280, s7;
	[dreg:$0x1b] =	wrdreg s25  }
0x20: {  	s6 =	sadd.s32 $0x300, s7;
	[dreg:$0x1c] =	wrdreg s28  }
0x21: {  	[dreg:$0x1d] =	wrdreg s6;
	s25 =	sadd.s32 $0x380, s7  }
0x22: {  	s28 =	sadd.s32 $0x80, s9;
	[dreg:$0x1e] =	wrdreg s25  }
0x23: {  	s6 =	sadd.s32 $0x100, s9;
	[dreg:$0x1f] =	wrdreg s28  }
0x24: {  	s7 =	sadd.s32 $0x180, s9;
	[smem:$0x7C0] =	sst s6  }
0x25: {  	[smem:$0x7C1] =	sst s7;
	s25 =	sadd.s32 $0x200, s9  }
0x26: {  	s28 =	sadd.s32 $0x280, s9;
	[smem:$0x7C2] =	sst s25  }
0x27: {  	s6 =	sadd.s32 $0x300, s9;
	[smem:$0x7C3] =	sst s28  }
0x28: {  	s7 =	sadd.s32 $0x380, s9;
	[smem:$0x7C4] =	sst s6  }
0x29: {  	s9 =	sadd.s32 $0x80, s10;
	[smem:$0x7C5] =	sst s7  }
0x2a: {  	[smem:$0x7C6] =	sst s9;
	s25 =	sadd.s32 $0x100, s10  }
0x2b: {  	s28 =	sadd.s32 $0x180, s10;
	[smem:$0x7C7] =	sst s25  }
0x2c: {  	s6 =	sadd.s32 $0x200, s10;
	[smem:$0x7C8] =	sst s28  }
0x2d: {  	s7 =	sadd.s32 $0x280, s10;
	[smem:$0x7C9] =	sst s6  }
0x2e: {  	s9 =	sadd.s32 $0x300, s10;
	[smem:$0x7CA] =	sst s7  }
0x2f: {  	s10 =	sadd.s32 $0x380, s10;
	[smem:$0x7CB] =	sst s9  }
0x30: {  	[smem:$0x7CC] =	sst s10;
	s25 =	sadd.s32 $0x80, s12  }
0x31: {  	s28 =	sadd.s32 $0x100, s12;
	[smem:$0x7CD] =	sst s25  }
0x32: {  	s6 =	sadd.s32 $0x180, s12;
	[smem:$0x7CE] =	sst s28  }
0x33: {  	s7 =	sadd.s32 $0x200, s12;
	[smem:$0x7CF] =	sst s6  }
0x34: {  	s9 =	sadd.s32 $0x280, s12;
	[smem:$0x7D0] =	sst s7  }
0x35: {  	s10 =	sadd.s32 $0x300, s12;
	[smem:$0x7D1] =	sst s9  }
0x36: {  	s12 =	sadd.s32 $0x380, s12;
	[smem:$0x7D2] =	sst s10  }
0x37: {  	[smem:$0x7D3] =	sst s12;
	s25 =	sadd.s32 $0x80, s15  }
0x38: {  	s28 =	sadd.s32 $0x100, s15;
	[smem:$0x7D4] =	sst s25  }
0x39: {  	s6 =	sadd.s32 $0x180, s15;
	[smem:$0x7D5] =	sst s28  }
0x3a: {  	s7 =	sadd.s32 $0x200, s15;
	[smem:$0x7D6] =	sst s6  }
0x3b: {  	s9 =	sadd.s32 $0x280, s15;
	[smem:$0x7D7] =	sst s7  }
0x3c: {  	s10 =	sadd.s32 $0x300, s15;
	[smem:$0x7D8] =	sst s9  }
0x3d: {  	s12 =	sadd.s32 $0x380, s15;
	[smem:$0x7D9] =	sst s10  }
0x3e: {  	s15 =	sadd.s32 $0x80, s16;
	[smem:$0x7DA] =	sst s12  }
0x3f: {  	[smem:$0x7DB] =	sst s15;
	s25 =	sadd.s32 $0x100, s16  }
0x40: {  	s28 =	sadd.s32 $0x180, s16;
	[smem:$0x7DC] =	sst s25  }
0x41: {  	s6 =	sadd.s32 $0x200, s16;
	[smem:$0x7DD] =	sst s28  }
0x42: {  	s7 =	sadd.s32 $0x280, s16;
	[smem:$0x7DE] =	sst s6  }
0x43: {  	s9 =	sadd.s32 $0x300, s16;
	[smem:$0x7DF] =	sst s7  }
0x44: {  	s10 =	sadd.s32 $0x380, s16;
	[smem:$0x7E0] =	sst s9  }
0x45: {  	s12 =	sadd.s32 $0x80, s18;
	[smem:$0x7E1] =	sst s10  }
0x46: {  	s15 =	sadd.s32 $0x100, s18;
	[smem:$0x7E2] =	sst s12  }
0x47: {  	s16 =	sadd.s32 $0x180, s18;
	[smem:$0x7E3] =	sst s15  }
0x48: {  	[smem:$0x7E4] =	sst s16;
	s25 =	sadd.s32 $0x200, s18  }
0x49: {  	s28 =	sadd.s32 $0x280, s18;
	[smem:$0x7E5] =	sst s25  }
0x4a: {  	s6 =	sadd.s32 $0x300, s18;
	[smem:$0x7E6] =	sst s28  }
0x4b: {  	s7 =	sadd.s32 $0x380, s18;
	[smem:$0x7E7] =	sst s6  }
0x4c: {  	s9 =	sadd.s32 $0x80, s21;
	[smem:$0x7E8] =	sst s7  }
0x4d: {  	s10 =	sadd.s32 $0x100, s21;
	[smem:$0x7E9] =	sst s9  }
0x4e: {  	s12 =	sadd.s32 $0x180, s21;
	[smem:$0x7EA] =	sst s10  }
0x4f: {  	s15 =	sadd.s32 $0x200, s21;
	[smem:$0x7EB] =	sst s12  }
0x50: {  	s16 =	sadd.s32 $0x280, s21;
	[smem:$0x7EC] =	sst s15  }
0x51: {  	s18 =	sadd.s32 $0x300, s21;
	[smem:$0x7ED] =	sst s16  }
0x52: {  	s21 =	sadd.s32 $0x380, s21;
	[smem:$0x7EE] =	sst s18  }
0x53: {  	[smem:$0x7EF] =	sst s21;
	s25 =	sadd.s32 $0x80, s22  }
0x54: {  	s28 =	sadd.s32 $0x100, s22;
	[smem:$0x7F0] =	sst s25  }
0x55: {  	s6 =	sadd.s32 $0x180, s22;
	[smem:$0x7F1] =	sst s28  }
0x56: {  	s7 =	sadd.s32 $0x200, s22;
	[smem:$0x7F2] =	sst s6  }
0x57: {  	s9 =	sadd.s32 $0x280, s22;
	[smem:$0x7F3] =	sst s7  }
0x58: {  	s10 =	sadd.s32 $0x300, s22;
	[smem:$0x7F4] =	sst s9  }
0x59: {  	s12 =	sadd.s32 $0x380, s22;
	[smem:$0x7F5] =	sst s10  }
0x5a: {  	s15 =	sadd.s32 $0x80, s24;
	[smem:$0x7F6] =	sst s12  }
0x5b: {  	s16 =	sadd.s32 $0x100, s24;
	[smem:$0x7F7] =	sst s15  }
0x5c: {  	s30 =	simm.s32 $0x1;
	s18 =	sadd.s32 $0x180, s24;
	[smem:$0x7F8] =	sst s16  }
0x5d: {  	s29 =	sshll.u32 s2, $0x2;
	s21 =	sadd.s32 $0x200, s24;
	[smem:$0x7F9] =	sst s18  }
0x5e: {  	s31 =	sor.u32 $0x400, s2;
	s22 =	sadd.s32 $0x280, s24;
	[smem:$0x7FA] =	sst s21  }
0x5f: {  	s0 =	sadd.s32 $0xFFFB0, s1;
	[smem:$0x7FB] =	sst s22;
	s25 =	sadd.s32 $0x300, s24  }
0x60: {  	s28 =	sadd.s32 $0x380, s24;
	s10 =	simm.s32 $0x2;
	s15 =	simm.s32 $0x3  }
0x61: {  	s16 =	simm.s32 $0x4;
	s18 =	simm.s32 $0x6C00;
	[smem:$0x7FC] =	sst s25  }
0x62: {  	v0 =	vlaneseq.u32;
	v1 =	vimm.f32 $0.0e+00;
	s21 =	simm.s32 $0xE800;
	s7 =	simm.s32 $0x0;
	[smem:$0x7FD] =	sst s28  }
.LBB2_1:
0x63: {  	[smem:$0x7BF] =	sst s7  }
0x64: {  	s2 =	rddreg [dreg:$0x3]  }
0x65: {  	s6 =	simm.s32 $0x2580;
	s9 =	rddreg [dreg:$0x11]  }
0x66: {  	[tilespmem:s6], [sflag:$0x1] =	stream.linear.gather [hbm4b:s2+s4], $0x80, $0x38;
	[tilespmem:$0xF800] =	vst v63  }
0x67: {  	s7 =	simm.s32 $0x2980;
	s6 =	rddreg [dreg:$0x4]  }
0x68: {  	[tilespmem:s7], [sflag:$0x1] =	stream.linear.gather [hbm4b:s6+s4], $0x80, $0x38;
	[tilespmem:$0xF800] =	vst v63  }
0x69: {  	s12 =	simm.s32 $0x2D80;
	s22 =	rddreg [dreg:$0x12]  }
0x6a: {  	[tilespmem:s12], [sflag:$0x1] =	stream.linear.gather [hbm4b:s9+s4], $0x80, $0x38;
	[tilespmem:$0xF800] =	vst v63  }
0x6b: {  	s24 =	simm.s32 $0x3180;
	s25 =	rddreg [dreg:$0x13]  }
0x6c: {  	[tilespmem:s24], [sflag:$0x1] =	stream.linear.gather [hbm4b:s22+s4], $0x80, $0x38;
	[tilespmem:$0xF800] =	vst v63  }
0x6d: {  	s28 =	simm.s32 $0x3580;
	s6 =	rddreg [dreg:$0x14]  }
0x6e: {  	[tilespmem:s28], [sflag:$0x1] =	stream.linear.gather [hbm4b:s25+s4], $0x80, $0x38;
	[tilespmem:$0xF800] =	vst v63  }
0x6f: {  	s7 =	simm.s32 $0x3980;
	s9 =	rddreg [dreg:$0x15]  }
0x70: {  	[tilespmem:s7], [sflag:$0x1] =	stream.linear.gather [hbm4b:s6+s4], $0x80, $0x38;
	[tilespmem:$0xF800] =	vst v63  }
0x71: {  	s12 =	simm.s32 $0x3D80;
	s22 =	rddreg [dreg:$0x16]  }
0x72: {  	[tilespmem:s12], [sflag:$0x1] =	stream.linear.gather [hbm4b:s9+s4], $0x80, $0x38;
	[tilespmem:$0xF800] =	vst v63  }
0x73: {  	s24 =	simm.s32 $0x4180;
	s25 =	rddreg [dreg:$0x17]  }
0x74: {  	[tilespmem:s24], [sflag:$0x1] =	stream.linear.gather [hbm4b:s22+s4], $0x80, $0x38;
	[tilespmem:$0xF800] =	vst v63  }
0x75: {  	s28 =	simm.s32 $0x4580;
	s6 =	rddreg [dreg:$0x5]  }
0x76: {  	[tilespmem:s28], [sflag:$0x1] =	stream.linear.gather [hbm4b:s25+s4], $0x80, $0x38;
	[tilespmem:$0xF800] =	vst v63  }
0x77: {  	s7 =	simm.s32 $0x400;
	s9 =	rddreg [dreg:$0x18]  }
0x78: {  	[tilespmem:s7], [sflag:$0x2] =	stream.linear.gather [hbm4b:s6+s4], $0x80, $0x38;
	[tilespmem:$0xF800] =	vst v63  }
0x79: {  	s12 =	simm.s32 $0x800;
	s22 =	rddreg [dreg:$0x19]  }
0x7a: {  	[tilespmem:s12], [sflag:$0x2] =	stream.linear.gather [hbm4b:s9+s4], $0x80, $0x38;
	[tilespmem:$0xF800] =	vst v63  }
0x7b: {  	s24 =	simm.s32 $0xC00;
	s25 =	rddreg [dreg:$0x1a]  }
0x7c: {  	[tilespmem:s24], [sflag:$0x2] =	stream.linear.gather [hbm4b:s22+s4], $0x80, $0x38;
	[tilespmem:$0xF800] =	vst v63  }
0x7d: {  	s28 =	simm.s32 $0x1000;
	s6 =	rddreg [dreg:$0x1b]  }
0x7e: {  	[tilespmem:s28], [sflag:$0x2] =	stream.linear.gather [hbm4b:s25+s4], $0x80, $0x38;
	[tilespmem:$0xF800] =	vst v63  }
0x7f: {  	s7 =	simm.s32 $0x1400;
	s9 =	rddreg [dreg:$0x1c]  }
0x80: {  	[tilespmem:s7], [sflag:$0x2] =	stream.linear.gather [hbm4b:s6+s4], $0x80, $0x38;
	[tilespmem:$0xF800] =	vst v63  }
0x81: {  	s12 =	simm.s32 $0x1800;
	s22 =	rddreg [dreg:$0x1d]  }
0x82: {  	[tilespmem:s12], [sflag:$0x2] =	stream.linear.gather [hbm4b:s9+s4], $0x80, $0x38;
	[tilespmem:$0xF800] =	vst v63  }
0x83: {  	s24 =	simm.s32 $0x1C00;
	s25 =	rddreg [dreg:$0x1e]  }
0x84: {  	[tilespmem:s24], [sflag:$0x2] =	stream.linear.gather [hbm4b:s22+s4], $0x80, $0x38;
	[tilespmem:$0xF800] =	vst v63  }
0x85: {  	s28 =	simm.s32 $0x2000;
	s6 =	rddreg [dreg:$0x6]  }
0x86: {  	[tilespmem:s28], [sflag:$0x2] =	stream.linear.gather [hbm4b:s25+s4], $0x80, $0x38;
	[tilespmem:$0xF800] =	vst v63  }
0x87: {  	s7 =	simm.s32 $0x480;
	s9 =	rddreg [dreg:$0x1f]  }
0x88: {  	[tilespmem:s7], [sflag:$0x2] =	stream.linear.gather [hbm4b:s6+s4], $0x80, $0x38;
	[tilespmem:$0xF800] =	vst v63  }
0x89: {  	s12 =	simm.s32 $0x880;
	s22 =	sld [smem:$0x7C0]  }
0x8a: {  	[tilespmem:s12], [sflag:$0x2] =	stream.linear.gather [hbm4b:s9+s4], $0x80, $0x38;
	[tilespmem:$0xF800] =	vst v63  }
0x8b: {  	s24 =	simm.s32 $0xC80;
	s25 =	sld [smem:$0x7C1]  }
0x8c: {  	[tilespmem:s24], [sflag:$0x2] =	stream.linear.gather [hbm4b:s22+s4], $0x80, $0x38;
	[tilespmem:$0xF800] =	vst v63  }
0x8d: {  	s28 =	simm.s32 $0x1080;
	s6 =	sld [smem:$0x7C2]  }
0x8e: {  	[tilespmem:s28], [sflag:$0x2] =	stream.linear.gather [hbm4b:s25+s4], $0x80, $0x38;
	[tilespmem:$0xF800] =	vst v63  }
0x8f: {  	s7 =	simm.s32 $0x1480;
	s9 =	sld [smem:$0x7C3]  }
0x90: {  	[tilespmem:s7], [sflag:$0x2] =	stream.linear.gather [hbm4b:s6+s4], $0x80, $0x38;
	[tilespmem:$0xF800] =	vst v63  }
0x91: {  	s12 =	simm.s32 $0x1880;
	s22 =	sld [smem:$0x7C4]  }
0x92: {  	[tilespmem:s12], [sflag:$0x2] =	stream.linear.gather [hbm4b:s9+s4], $0x80, $0x38;
	[tilespmem:$0xF800] =	vst v63  }
0x93: {  	s24 =	simm.s32 $0x1C80;
	s25 =	sld [smem:$0x7C5]  }
0x94: {  	[tilespmem:s24], [sflag:$0x2] =	stream.linear.gather [hbm4b:s22+s4], $0x80, $0x38;
	[tilespmem:$0xF800] =	vst v63  }
0x95: {  	s28 =	simm.s32 $0x2080;
	s6 =	rddreg [dreg:$0x7]  }
0x96: {  	[tilespmem:s28], [sflag:$0x2] =	stream.linear.gather [hbm4b:s25+s4], $0x80, $0x38;
	[tilespmem:$0xF800] =	vst v63  }
0x97: {  	s7 =	simm.s32 $0x2800;
	s9 =	sld [smem:$0x7C6]  }
0x98: {  	[tilespmem:s7], [sflag:$0x2] =	stream.linear.gather [hbm4b:s6+s4], $0x80, $0x38;
	[tilespmem:$0xF800] =	vst v63  }
0x99: {  	s12 =	simm.s32 $0x2C00;
	s22 =	sld [smem:$0x7C7]  }
0x9a: {  	[tilespmem:s12], [sflag:$0x2] =	stream.linear.gather [hbm4b:s9+s4], $0x80, $0x38;
	[tilespmem:$0xF800] =	vst v63  }
0x9b: {  	s24 =	simm.s32 $0x3000;
	s25 =	sld [smem:$0x7C8]  }
0x9c: {  	[tilespmem:s24], [sflag:$0x2] =	stream.linear.gather [hbm4b:s22+s4], $0x80, $0x38;
	[tilespmem:$0xF800] =	vst v63  }
0x9d: {  	s28 =	simm.s32 $0x3400;
	s6 =	sld [smem:$0x7C9]  }
0x9e: {  	[tilespmem:s28], [sflag:$0x2] =	stream.linear.gather [hbm4b:s25+s4], $0x80, $0x38;
	[tilespmem:$0xF800] =	vst v63  }
0x9f: {  	s7 =	simm.s32 $0x3800;
	s9 =	sld [smem:$0x7CA]  }
0xa0: {  	[tilespmem:s7], [sflag:$0x2] =	stream.linear.gather [hbm4b:s6+s4], $0x80, $0x38;
	[tilespmem:$0xF800] =	vst v63  }
0xa1: {  	s12 =	simm.s32 $0x3C00;
	s22 =	sld [smem:$0x7CB]  }
0xa2: {  	[tilespmem:s12], [sflag:$0x2] =	stream.linear.gather [hbm4b:s9+s4], $0x80, $0x38;
	[tilespmem:$0xF800] =	vst v63  }
0xa3: {  	s24 =	simm.s32 $0x4000;
	s25 =	sld [smem:$0x7CC]  }
0xa4: {  	[tilespmem:s24], [sflag:$0x2] =	stream.linear.gather [hbm4b:s22+s4], $0x80, $0x38;
	[tilespmem:$0xF800] =	vst v63  }
0xa5: {  	s28 =	simm.s32 $0x4400;
	s6 =	rddreg [dreg:$0x8]  }
0xa6: {  	[tilespmem:s28], [sflag:$0x2] =	stream.linear.gather [hbm4b:s25+s4], $0x80, $0x38;
	[tilespmem:$0xF800] =	vst v63  }
0xa7: {  	s7 =	simm.s32 $0x2880;
	s9 =	sld [smem:$0x7CD]  }
0xa8: {  	[tilespmem:s7], [sflag:$0x2] =	stream.linear.gather [hbm4b:s6+s4], $0x80, $0x38;
	[tilespmem:$0xF800] =	vst v63  }
0xa9: {  	s12 =	simm.s32 $0x2C80;
	s22 =	sld [smem:$0x7CE]  }
0xaa: {  	[tilespmem:s12], [sflag:$0x2] =	stream.linear.gather [hbm4b:s9+s4], $0x80, $0x38;
	[tilespmem:$0xF800] =	vst v63  }
0xab: {  	s24 =	simm.s32 $0x3080;
	s25 =	sld [smem:$0x7CF]  }
0xac: {  	[tilespmem:s24], [sflag:$0x2] =	stream.linear.gather [hbm4b:s22+s4], $0x80, $0x38;
	[tilespmem:$0xF800] =	vst v63  }
0xad: {  	s28 =	simm.s32 $0x3480;
	s6 =	sld [smem:$0x7D0]  }
0xae: {  	[tilespmem:s28], [sflag:$0x2] =	stream.linear.gather [hbm4b:s25+s4], $0x80, $0x38;
	[tilespmem:$0xF800] =	vst v63  }
0xaf: {  	s7 =	simm.s32 $0x3880;
	s9 =	sld [smem:$0x7D1]  }
0xb0: {  	[tilespmem:s7], [sflag:$0x2] =	stream.linear.gather [hbm4b:s6+s4], $0x80, $0x38;
	[tilespmem:$0xF800] =	vst v63  }
0xb1: {  	s12 =	simm.s32 $0x3C80;
	s22 =	sld [smem:$0x7D2]  }
0xb2: {  	[tilespmem:s12], [sflag:$0x2] =	stream.linear.gather [hbm4b:s9+s4], $0x80, $0x38;
	[tilespmem:$0xF800] =	vst v63  }
0xb3: {  	s24 =	simm.s32 $0x4080;
	s25 =	sld [smem:$0x7D3]  }
0xb4: {  	[tilespmem:s24], [sflag:$0x2] =	stream.linear.gather [hbm4b:s22+s4], $0x80, $0x38;
	[tilespmem:$0xF800] =	vst v63  }
0xb5: {  	s28 =	simm.s32 $0x4480;
	s6 =	rddreg [dreg:$0x9]  }
0xb6: {  	[tilespmem:s28], [sflag:$0x2] =	stream.linear.gather [hbm4b:s25+s4], $0x80, $0x38;
	[tilespmem:$0xF800] =	vst v63  }
0xb7: {  	s7 =	simm.s32 $0x2900;
	s9 =	sld [smem:$0x7D4]  }
0xb8: {  	[tilespmem:s7], [sflag:$0x2] =	stream.linear.gather [hbm4b:s6+s4], $0x80, $0x38;
	[tilespmem:$0xF800] =	vst v63  }
0xb9: {  	s12 =	simm.s32 $0x2D00;
	s22 =	sld [smem:$0x7D5]  }
0xba: {  	[tilespmem:s12], [sflag:$0x2] =	stream.linear.gather [hbm4b:s9+s4], $0x80, $0x38;
	[tilespmem:$0xF800] =	vst v63  }
0xbb: {  	s24 =	simm.s32 $0x3100;
	s25 =	sld [smem:$0x7D6]  }
0xbc: {  	[tilespmem:s24], [sflag:$0x2] =	stream.linear.gather [hbm4b:s22+s4], $0x80, $0x38;
	[tilespmem:$0xF800] =	vst v63  }
0xbd: {  	s28 =	simm.s32 $0x3500;
	s6 =	sld [smem:$0x7D7]  }
0xbe: {  	[tilespmem:s28], [sflag:$0x2] =	stream.linear.gather [hbm4b:s25+s4], $0x80, $0x38;
	[tilespmem:$0xF800] =	vst v63  }
0xbf: {  	s7 =	simm.s32 $0x3900;
	s9 =	sld [smem:$0x7D8]  }
0xc0: {  	[tilespmem:s7], [sflag:$0x2] =	stream.linear.gather [hbm4b:s6+s4], $0x80, $0x38;
	[tilespmem:$0xF800] =	vst v63  }
0xc1: {  	s12 =	simm.s32 $0x3D00;
	s22 =	sld [smem:$0x7D9]  }
0xc2: {  	[tilespmem:s12], [sflag:$0x2] =	stream.linear.gather [hbm4b:s9+s4], $0x80, $0x38;
	[tilespmem:$0xF800] =	vst v63  }
0xc3: {  	s24 =	simm.s32 $0x4100;
	s25 =	sld [smem:$0x7DA]  }
0xc4: {  	[tilespmem:s24], [sflag:$0x2] =	stream.linear.gather [hbm4b:s22+s4], $0x80, $0x38;
	[tilespmem:$0xF800] =	vst v63  }
0xc5: {  	s28 =	simm.s32 $0x4500;
	s6 =	rddreg [dreg:$0xa]  }
0xc6: {  	[tilespmem:s28], [sflag:$0x2] =	stream.linear.gather [hbm4b:s25+s4], $0x80, $0x38;
	[tilespmem:$0xF800] =	vst v63  }
0xc7: {  	s7 =	simm.s32 $0x2A00;
	s9 =	sld [smem:$0x7DB]  }
0xc8: {  	[tilespmem:s7], [sflag:$0x2] =	stream.linear.gather [hbm4b:s6+s4], $0x80, $0x38;
	[tilespmem:$0xF800] =	vst v63  }
0xc9: {  	s12 =	simm.s32 $0x2E00;
	s22 =	sld [smem:$0x7DC]  }
0xca: {  	[tilespmem:s12], [sflag:$0x2] =	stream.linear.gather [hbm4b:s9+s4], $0x80, $0x38;
	[tilespmem:$0xF800] =	vst v63  }
0xcb: {  	s24 =	simm.s32 $0x3200;
	s25 =	sld [smem:$0x7DD]  }
0xcc: {  	[tilespmem:s24], [sflag:$0x2] =	stream.linear.gather [hbm4b:s22+s4], $0x80, $0x38;
	[tilespmem:$0xF800] =	vst v63  }
0xcd: {  	s28 =	simm.s32 $0x3600;
	s6 =	sld [smem:$0x7DE]  }
0xce: {  	[tilespmem:s28], [sflag:$0x2] =	stream.linear.gather [hbm4b:s25+s4], $0x80, $0x38;
	[tilespmem:$0xF800] =	vst v63  }
0xcf: {  	s7 =	simm.s32 $0x3A00;
	s9 =	sld [smem:$0x7DF]  }
0xd0: {  	[tilespmem:s7], [sflag:$0x2] =	stream.linear.gather [hbm4b:s6+s4], $0x80, $0x38;
	[tilespmem:$0xF800] =	vst v63  }
0xd1: {  	s12 =	simm.s32 $0x3E00;
	s22 =	sld [smem:$0x7E0]  }
0xd2: {  	[tilespmem:s12], [sflag:$0x2] =	stream.linear.gather [hbm4b:s9+s4], $0x80, $0x38;
	[tilespmem:$0xF800] =	vst v63  }
0xd3: {  	s24 =	simm.s32 $0x4200;
	s25 =	sld [smem:$0x7E1]  }
0xd4: {  	[tilespmem:s24], [sflag:$0x2] =	stream.linear.gather [hbm4b:s22+s4], $0x80, $0x38;
	[tilespmem:$0xF800] =	vst v63  }
0xd5: {  	s28 =	simm.s32 $0x4600;
	s6 =	rddreg [dreg:$0xb]  }
0xd6: {  	[tilespmem:s28], [sflag:$0x2] =	stream.linear.gather [hbm4b:s25+s4], $0x80, $0x38;
	[tilespmem:$0xF800] =	vst v63  }
0xd7: {  	s7 =	simm.s32 $0x2A80;
	s9 =	sld [smem:$0x7E2]  }
0xd8: {  	[tilespmem:s7], [sflag:$0x2] =	stream.linear.gather [hbm4b:s6+s4], $0x80, $0x38;
	[tilespmem:$0xF800] =	vst v63  }
0xd9: {  	s12 =	simm.s32 $0x2E80;
	s22 =	sld [smem:$0x7E3]  }
0xda: {  	[tilespmem:s12], [sflag:$0x2] =	stream.linear.gather [hbm4b:s9+s4], $0x80, $0x38;
	[tilespmem:$0xF800] =	vst v63  }
0xdb: {  	s24 =	simm.s32 $0x3280;
	s25 =	sld [smem:$0x7E4]  }
0xdc: {  	[tilespmem:s24], [sflag:$0x2] =	stream.linear.gather [hbm4b:s22+s4], $0x80, $0x38;
	[tilespmem:$0xF800] =	vst v63  }
0xdd: {  	s28 =	simm.s32 $0x3680;
	s6 =	sld [smem:$0x7E5]  }
0xde: {  	[tilespmem:s28], [sflag:$0x2] =	stream.linear.gather [hbm4b:s25+s4], $0x80, $0x38;
	[tilespmem:$0xF800] =	vst v63  }
0xdf: {  	s7 =	simm.s32 $0x3A80;
	s9 =	sld [smem:$0x7E6]  }
0xe0: {  	[tilespmem:s7], [sflag:$0x2] =	stream.linear.gather [hbm4b:s6+s4], $0x80, $0x38;
	[tilespmem:$0xF800] =	vst v63  }
0xe1: {  	s12 =	simm.s32 $0x3E80;
	s22 =	sld [smem:$0x7E7]  }
0xe2: {  	[tilespmem:s12], [sflag:$0x2] =	stream.linear.gather [hbm4b:s9+s4], $0x80, $0x38;
	[tilespmem:$0xF800] =	vst v63  }
0xe3: {  	s24 =	simm.s32 $0x4280;
	s25 =	sld [smem:$0x7E8]  }
0xe4: {  	[tilespmem:s24], [sflag:$0x2] =	stream.linear.gather [hbm4b:s22+s4], $0x80, $0x38;
	[tilespmem:$0xF800] =	vst v63  }
0xe5: {  	s28 =	simm.s32 $0x4680;
	s6 =	rddreg [dreg:$0xc]  }
0xe6: {  	[tilespmem:s28], [sflag:$0x2] =	stream.linear.gather [hbm4b:s25+s4], $0x80, $0x38;
	[tilespmem:$0xF800] =	vst v63  }
0xe7: {  	s7 =	simm.s32 $0x2B00;
	s9 =	sld [smem:$0x7E9]  }
0xe8: {  	[tilespmem:s7], [sflag:$0x2] =	stream.linear.gather [hbm4b:s6+s4], $0x80, $0x38;
	[tilespmem:$0xF800] =	vst v63  }
0xe9: {  	s12 =	simm.s32 $0x2F00;
	s22 =	sld [smem:$0x7EA]  }
0xea: {  	[tilespmem:s12], [sflag:$0x2] =	stream.linear.gather [hbm4b:s9+s4], $0x80, $0x38;
	[tilespmem:$0xF800] =	vst v63  }
0xeb: {  	s24 =	simm.s32 $0x3300;
	s25 =	sld [smem:$0x7EB]  }
0xec: {  	[tilespmem:s24], [sflag:$0x2] =	stream.linear.gather [hbm4b:s22+s4], $0x80, $0x38;
	[tilespmem:$0xF800] =	vst v63  }
0xed: {  	s28 =	simm.s32 $0x3700;
	s6 =	sld [smem:$0x7EC]  }
0xee: {  	[tilespmem:s28], [sflag:$0x2] =	stream.linear.gather [hbm4b:s25+s4], $0x80, $0x38;
	[tilespmem:$0xF800] =	vst v63  }
0xef: {  	s7 =	simm.s32 $0x3B00;
	s9 =	sld [smem:$0x7ED]  }
0xf0: {  	[tilespmem:s7], [sflag:$0x2] =	stream.linear.gather [hbm4b:s6+s4], $0x80, $0x38;
	[tilespmem:$0xF800] =	vst v63  }
0xf1: {  	s12 =	simm.s32 $0x3F00;
	s22 =	sld [smem:$0x7EE]  }
0xf2: {  	[tilespmem:s12], [sflag:$0x2] =	stream.linear.gather [hbm4b:s9+s4], $0x80, $0x38;
	[tilespmem:$0xF800] =	vst v63  }
0xf3: {  	s24 =	simm.s32 $0x4300;
	s25 =	sld [smem:$0x7EF]  }
0xf4: {  	[tilespmem:s24], [sflag:$0x2] =	stream.linear.gather [hbm4b:s22+s4], $0x80, $0x38;
	[tilespmem:$0xF800] =	vst v63  }
0xf5: {  	s28 =	simm.s32 $0x4700;
	s6 =	rddreg [dreg:$0xe]  }
0xf6: {  	[tilespmem:s28], [sflag:$0x2] =	stream.linear.gather [hbm4b:s25+s4], $0x80, $0x38;
	[tilespmem:$0xF800] =	vst v63  }
0xf7: {  	s7 =	simm.s32 $0x4C00;
	s9 =	sld [smem:$0x7F0]  }
0xf8: {  	[tilespmem:s7], [sflag:$0x2] =	stream.linear.gather [hbm4b:s6+s4], $0x80, $0x38;
	[tilespmem:$0xF800] =	vst v63  }
0xf9: {  	s12 =	simm.s32 $0x5000;
	s22 =	sld [smem:$0x7F1]  }
0xfa: {  	[tilespmem:s12], [sflag:$0x2] =	stream.linear.gather [hbm4b:s9+s4], $0x80, $0x38;
	[tilespmem:$0xF800] =	vst v63  }
0xfb: {  	s24 =	simm.s32 $0x5400;
	s25 =	sld [smem:$0x7F2]  }
0xfc: {  	[tilespmem:s24], [sflag:$0x2] =	stream.linear.gather [hbm4b:s22+s4], $0x80, $0x38;
	[tilespmem:$0xF800] =	vst v63  }
0xfd: {  	s28 =	simm.s32 $0x5800;
	s6 =	sld [smem:$0x7F3]  }
0xfe: {  	[tilespmem:s28], [sflag:$0x2] =	stream.linear.gather [hbm4b:s25+s4], $0x80, $0x38;
	[tilespmem:$0xF800] =	vst v63  }
0xff: {  	s7 =	simm.s32 $0x5C00;
	s9 =	sld [smem:$0x7F4]  }
0x100: {  	[tilespmem:s7], [sflag:$0x2] =	stream.linear.gather [hbm4b:s6+s4], $0x80, $0x38;
	[tilespmem:$0xF800] =	vst v63  }
0x101: {  	s12 =	simm.s32 $0x6000;
	s22 =	sld [smem:$0x7F5]  }
0x102: {  	[tilespmem:s12], [sflag:$0x2] =	stream.linear.gather [hbm4b:s9+s4], $0x80, $0x38;
	[tilespmem:$0xF800] =	vst v63  }
0x103: {  	s24 =	simm.s32 $0x6400;
	s25 =	sld [smem:$0x7F6]  }
0x104: {  	[tilespmem:s24], [sflag:$0x2] =	stream.linear.gather [hbm4b:s22+s4], $0x80, $0x38;
	[tilespmem:$0xF800] =	vst v63  }
0x105: {  	s28 =	simm.s32 $0x6800;
	s6 =	rddreg [dreg:$0xf]  }
0x106: {  	[tilespmem:s28], [sflag:$0x2] =	stream.linear.gather [hbm4b:s25+s4], $0x80, $0x38;
	[tilespmem:$0xF800] =	vst v63  }
0x107: {  	s7 =	simm.s32 $0x4C80;
	s9 =	sld [smem:$0x7F7]  }
0x108: {  	[tilespmem:s7], [sflag:$0x2] =	stream.linear.gather [hbm4b:s6+s4], $0x80, $0x38;
	[tilespmem:$0xF800] =	vst v63  }
0x109: {  	s12 =	simm.s32 $0x5080;
	s22 =	sld [smem:$0x7F8]  }
0x10a: {  	[tilespmem:s12], [sflag:$0x2] =	stream.linear.gather [hbm4b:s9+s4], $0x80, $0x38;
	[tilespmem:$0xF800] =	vst v63  }
0x10b: {  	s24 =	simm.s32 $0x5480;
	s25 =	sld [smem:$0x7F9]  }
0x10c: {  	[tilespmem:s24], [sflag:$0x2] =	stream.linear.gather [hbm4b:s22+s4], $0x80, $0x38;
	[tilespmem:$0xF800] =	vst v63  }
0x10d: {  	s28 =	simm.s32 $0x5880;
	s6 =	sld [smem:$0x7FA]  }
0x10e: {  	[tilespmem:s28], [sflag:$0x2] =	stream.linear.gather [hbm4b:s25+s4], $0x80, $0x38;
	[tilespmem:$0xF800] =	vst v63  }
0x10f: {  	s7 =	simm.s32 $0x5C80;
	s9 =	sld [smem:$0x7FB]  }
0x110: {  	[tilespmem:s7], [sflag:$0x2] =	stream.linear.gather [hbm4b:s6+s4], $0x80, $0x38;
	[tilespmem:$0xF800] =	vst v63  }
0x111: {  	s12 =	simm.s32 $0x6080;
	s22 =	sld [smem:$0x7FC]  }
0x112: {  	[tilespmem:s12], [sflag:$0x2] =	stream.linear.gather [hbm4b:s9+s4], $0x80, $0x38;
	[tilespmem:$0xF800] =	vst v63  }
0x113: {  	s24 =	simm.s32 $0x6480;
	s25 =	sld [smem:$0x7FD]  }
0x114: {  	[tilespmem:s24], [sflag:$0x2] =	stream.linear.gather [hbm4b:s22+s4], $0x80, $0x38;
	[tilespmem:$0xF800] =	vst v63  }
0x115: {  	s28 =	simm.s32 $0x6880;
	s22 =	simm.s32 $0x0  }
0x116: {  	[tilespmem:s28], [sflag:$0x2] =	stream.linear.gather [hbm4b:s25+s4], $0x80, $0x38;
	[tilespmem:$0xF800] =	vst v63  }
.LBB2_2:
0x117: {  	s28 =	sshll.u32 s22, $0xB  }
0x118: {  	s25 =	sor.u32 s31, s28  }
0x119: {  	s6 =	simm.s32 $0x9180;
	s2 =	sadd.s32 s25, s0  }
0x11a: {  	[tilespmem:s6], [sflag:$0x3] =	stream.linear.gather [hbm4b:s2+s4], $0x80, $0x38;
	[tilespmem:$0xF800] =	vst v63  }
0x11b: {  	s12 =	simm.s32 $0x9580;
	s2 =	sadd.s32 s25, s5  }
0x11c: {  	[tilespmem:s12], [sflag:$0x3] =	stream.linear.gather [hbm4b:s2+s4], $0x80, $0x38;
	[tilespmem:$0xF800] =	vst v63  }
0x11d: {  	s7 =	simm.s32 $0x9980;
	s24 =	sadd.s32 $0x80, s2  }
0x11e: {  	[tilespmem:s7], [sflag:$0x3] =	stream.linear.gather [hbm4b:s24+s4], $0x80, $0x38;
	[tilespmem:$0xF800] =	vst v63  }
0x11f: {  	s9 =	simm.s32 $0x9D80;
	s7 =	sadd.s32 $0x100, s2  }
0x120: {  	[tilespmem:s9], [sflag:$0x3] =	stream.linear.gather [hbm4b:s7+s4], $0x80, $0x38;
	[tilespmem:$0xF800] =	vst v63  }
0x121: {  	s12 =	sadd.s32 $0x180, s2;
	s24 =	simm.s32 $0xA180  }
0x122: {  	[tilespmem:s24], [sflag:$0x3] =	stream.linear.gather [hbm4b:s12+s4], $0x80, $0x38;
	[tilespmem:$0xF800] =	vst v63  }
0x123: {  	s7 =	sadd.s32 $0x200, s2;
	s9 =	simm.s32 $0xA580  }
0x124: {  	[tilespmem:s9], [sflag:$0x3] =	stream.linear.gather [hbm4b:s7+s4], $0x80, $0x38;
	[tilespmem:$0xF800] =	vst v63  }
0x125: {  	s12 =	sadd.s32 $0x280, s2;
	s24 =	simm.s32 $0xA980  }
0x126: {  	[tilespmem:s24], [sflag:$0x3] =	stream.linear.gather [hbm4b:s12+s4], $0x80, $0x38;
	[tilespmem:$0xF800] =	vst v63  }
0x127: {  	s7 =	sadd.s32 $0x300, s2;
	s9 =	simm.s32 $0xAD80  }
0x128: {  	[tilespmem:s9], [sflag:$0x3] =	stream.linear.gather [hbm4b:s7+s4], $0x80, $0x38;
	[tilespmem:$0xF800] =	vst v63  }
0x129: {  	s2 =	sadd.s32 $0x380, s2;
	s12 =	simm.s32 $0xB180  }
0x12a: {  	[tilespmem:s12], [sflag:$0x3] =	stream.linear.gather [hbm4b:s2+s4], $0x80, $0x38;
	[tilespmem:$0xF800] =	vst v63  }
0x12b: {  	s24 =	simm.s32 $0x7000;
	s2 =	sadd.s32 s1, s25  }
0x12c: {  	[tilespmem:s24], [sflag:$0x4] =	stream.linear.gather [hbm4b:s2+s4], $0x80, $0x38;
	[tilespmem:$0xF800] =	vst v63  }
0x12d: {  	s9 =	simm.s32 $0x7400;
	s7 =	sadd.s32 $0x80, s2  }
0x12e: {  	[tilespmem:s9], [sflag:$0x4] =	stream.linear.gather [hbm4b:s7+s4], $0x80, $0x38;
	[tilespmem:$0xF800] =	vst v63  }
0x12f: {  	s12 =	sadd.s32 $0x100, s2;
	s24 =	simm.s32 $0x7800  }
0x130: {  	[tilespmem:s24], [sflag:$0x4] =	stream.linear.gather [hbm4b:s12+s4], $0x80, $0x38;
	[tilespmem:$0xF800] =	vst v63  }
0x131: {  	s7 =	sadd.s32 $0x180, s2;
	s9 =	simm.s32 $0x7C00  }
0x132: {  	[tilespmem:s9], [sflag:$0x4] =	stream.linear.gather [hbm4b:s7+s4], $0x80, $0x38;
	[tilespmem:$0xF800] =	vst v63  }
0x133: {  	s12 =	sadd.s32 $0x200, s2;
	s24 =	simm.s32 $0x8000  }
0x134: {  	[tilespmem:s24], [sflag:$0x4] =	stream.linear.gather [hbm4b:s12+s4], $0x80, $0x38;
	[tilespmem:$0xF800] =	vst v63  }
0x135: {  	s7 =	sadd.s32 $0x280, s2;
	s9 =	simm.s32 $0x8400  }
0x136: {  	[tilespmem:s9], [sflag:$0x4] =	stream.linear.gather [hbm4b:s7+s4], $0x80, $0x38;
	[tilespmem:$0xF800] =	vst v63  }
0x137: {  	s12 =	sadd.s32 $0x300, s2;
	s24 =	simm.s32 $0x8800  }
0x138: {  	[tilespmem:s24], [sflag:$0x4] =	stream.linear.gather [hbm4b:s12+s4], $0x80, $0x38;
	[tilespmem:$0xF800] =	vst v63  }
0x139: {  	s2 =	sadd.s32 $0x380, s2;
	s7 =	simm.s32 $0x8C00  }
0x13a: {  	[tilespmem:s7], [sflag:$0x4] =	stream.linear.gather [hbm4b:s2+s4], $0x80, $0x38;
	[tilespmem:$0xF800] =	vst v63  }
0x13b: {  	s9 =	simm.s32 $0x7080;
	s2 =	sadd.s32 s25, s8  }
0x13c: {  	[tilespmem:s9], [sflag:$0x4] =	stream.linear.gather [hbm4b:s2+s4], $0x80, $0x38;
	[tilespmem:$0xF800] =	vst v63  }
0x13d: {  	s24 =	simm.s32 $0x7480;
	s12 =	sadd.s32 $0x80, s2  }
0x13e: {  	[tilespmem:s24], [sflag:$0x4] =	stream.linear.gather [hbm4b:s12+s4], $0x80, $0x38;
	[tilespmem:$0xF800] =	vst v63  }
0x13f: {  	s7 =	sadd.s32 $0x100, s2;
	s9 =	simm.s32 $0x7880  }
0x140: {  	[tilespmem:s9], [sflag:$0x4] =	stream.linear.gather [hbm4b:s7+s4], $0x80, $0x38;
	[tilespmem:$0xF800] =	vst v63  }
0x141: {  	s12 =	sadd.s32 $0x180, s2;
	s24 =	simm.s32 $0x7C80  }
0x142: {  	[tilespmem:s24], [sflag:$0x4] =	stream.linear.gather [hbm4b:s12+s4], $0x80, $0x38;
	[tilespmem:$0xF800] =	vst v63  }
0x143: {  	s7 =	sadd.s32 $0x200, s2;
	s9 =	simm.s32 $0x8080  }
0x144: {  	[tilespmem:s9], [sflag:$0x4] =	stream.linear.gather [hbm4b:s7+s4], $0x80, $0x38;
	[tilespmem:$0xF800] =	vst v63  }
0x145: {  	s12 =	sadd.s32 $0x280, s2;
	s24 =	simm.s32 $0x8480  }
0x146: {  	[tilespmem:s24], [sflag:$0x4] =	stream.linear.gather [hbm4b:s12+s4], $0x80, $0x38;
	[tilespmem:$0xF800] =	vst v63  }
0x147: {  	s7 =	sadd.s32 $0x300, s2;
	s9 =	simm.s32 $0x8880  }
0x148: {  	[tilespmem:s9], [sflag:$0x4] =	stream.linear.gather [hbm4b:s7+s4], $0x80, $0x38;
	[tilespmem:$0xF800] =	vst v63  }
0x149: {  	s2 =	sadd.s32 $0x380, s2;
	s12 =	simm.s32 $0x8C80  }
0x14a: {  	[tilespmem:s12], [sflag:$0x4] =	stream.linear.gather [hbm4b:s2+s4], $0x80, $0x38;
	[tilespmem:$0xF800] =	vst v63  }
0x14b: {  	s24 =	simm.s32 $0x9400;
	s2 =	sadd.s32 s25, s11  }
0x14c: {  	[tilespmem:s24], [sflag:$0x4] =	stream.linear.gather [hbm4b:s2+s4], $0x80, $0x38;
	[tilespmem:$0xF800] =	vst v63  }
0x14d: {  	s9 =	simm.s32 $0x9800;
	s7 =	sadd.s32 $0x80, s2  }
0x14e: {  	[tilespmem:s9], [sflag:$0x4] =	stream.linear.gather [hbm4b:s7+s4], $0x80, $0x38;
	[tilespmem:$0xF800] =	vst v63  }
0x14f: {  	s12 =	sadd.s32 $0x100, s2;
	s24 =	simm.s32 $0x9C00  }
0x150: {  	[tilespmem:s24], [sflag:$0x4] =	stream.linear.gather [hbm4b:s12+s4], $0x80, $0x38;
	[tilespmem:$0xF800] =	vst v63  }
0x151: {  	s7 =	sadd.s32 $0x180, s2;
	s9 =	simm.s32 $0xA000  }
0x152: {  	[tilespmem:s9], [sflag:$0x4] =	stream.linear.gather [hbm4b:s7+s4], $0x80, $0x38;
	[tilespmem:$0xF800] =	vst v63  }
0x153: {  	s12 =	sadd.s32 $0x200, s2;
	s24 =	simm.s32 $0xA400  }
0x154: {  	[tilespmem:s24], [sflag:$0x4] =	stream.linear.gather [hbm4b:s12+s4], $0x80, $0x38;
	[tilespmem:$0xF800] =	vst v63  }
0x155: {  	s7 =	sadd.s32 $0x280, s2;
	s9 =	simm.s32 $0xA800  }
0x156: {  	[tilespmem:s9], [sflag:$0x4] =	stream.linear.gather [hbm4b:s7+s4], $0x80, $0x38;
	[tilespmem:$0xF800] =	vst v63  }
0x157: {  	s12 =	sadd.s32 $0x300, s2;
	s24 =	simm.s32 $0xAC00  }
0x158: {  	[tilespmem:s24], [sflag:$0x4] =	stream.linear.gather [hbm4b:s12+s4], $0x80, $0x38;
	[tilespmem:$0xF800] =	vst v63  }
0x159: {  	s2 =	sadd.s32 $0x380, s2;
	s7 =	simm.s32 $0xB000  }
0x15a: {  	[tilespmem:s7], [sflag:$0x4] =	stream.linear.gather [hbm4b:s2+s4], $0x80, $0x38;
	[tilespmem:$0xF800] =	vst v63  }
0x15b: {  	s9 =	simm.s32 $0x9480;
	s2 =	sadd.s32 s25, s13  }
0x15c: {  	[tilespmem:s9], [sflag:$0x4] =	stream.linear.gather [hbm4b:s2+s4], $0x80, $0x38;
	[tilespmem:$0xF800] =	vst v63  }
0x15d: {  	s24 =	simm.s32 $0x9880;
	s12 =	sadd.s32 $0x80, s2  }
0x15e: {  	[tilespmem:s24], [sflag:$0x4] =	stream.linear.gather [hbm4b:s12+s4], $0x80, $0x38;
	[tilespmem:$0xF800] =	vst v63  }
0x15f: {  	s7 =	sadd.s32 $0x100, s2;
	s9 =	simm.s32 $0x9C80  }
0x160: {  	[tilespmem:s9], [sflag:$0x4] =	stream.linear.gather [hbm4b:s7+s4], $0x80, $0x38;
	[tilespmem:$0xF800] =	vst v63  }
0x161: {  	s12 =	sadd.s32 $0x180, s2;
	s24 =	simm.s32 $0xA080  }
0x162: {  	[tilespmem:s24], [sflag:$0x4] =	stream.linear.gather [hbm4b:s12+s4], $0x80, $0x38;
	[tilespmem:$0xF800] =	vst v63  }
0x163: {  	s7 =	sadd.s32 $0x200, s2;
	s9 =	simm.s32 $0xA480  }
0x164: {  	[tilespmem:s9], [sflag:$0x4] =	stream.linear.gather [hbm4b:s7+s4], $0x80, $0x38;
	[tilespmem:$0xF800] =	vst v63  }
0x165: {  	s12 =	sadd.s32 $0x280, s2;
	s24 =	simm.s32 $0xA880  }
0x166: {  	[tilespmem:s24], [sflag:$0x4] =	stream.linear.gather [hbm4b:s12+s4], $0x80, $0x38;
	[tilespmem:$0xF800] =	vst v63  }
0x167: {  	s7 =	sadd.s32 $0x300, s2;
	s9 =	simm.s32 $0xAC80  }
0x168: {  	[tilespmem:s9], [sflag:$0x4] =	stream.linear.gather [hbm4b:s7+s4], $0x80, $0x38;
	[tilespmem:$0xF800] =	vst v63  }
0x169: {  	s2 =	sadd.s32 $0x380, s2;
	s12 =	simm.s32 $0xB080  }
0x16a: {  	[tilespmem:s12], [sflag:$0x4] =	stream.linear.gather [hbm4b:s2+s4], $0x80, $0x38;
	[tilespmem:$0xF800] =	vst v63  }
0x16b: {  	s24 =	simm.s32 $0x9500;
	s2 =	sadd.s32 s25, s14  }
0x16c: {  	[tilespmem:s24], [sflag:$0x4] =	stream.linear.gather [hbm4b:s2+s4], $0x80, $0x38;
	[tilespmem:$0xF800] =	vst v63  }
0x16d: {  	s9 =	simm.s32 $0x9900;
	s7 =	sadd.s32 $0x80, s2  }
0x16e: {  	[tilespmem:s9], [sflag:$0x4] =	stream.linear.gather [hbm4b:s7+s4], $0x80, $0x38;
	[tilespmem:$0xF800] =	vst v63  }
0x16f: {  	s12 =	sadd.s32 $0x100, s2;
	s24 =	simm.s32 $0x9D00  }
0x170: {  	[tilespmem:s24], [sflag:$0x4] =	stream.linear.gather [hbm4b:s12+s4], $0x80, $0x38;
	[tilespmem:$0xF800] =	vst v63  }
0x171: {  	s7 =	sadd.s32 $0x180, s2;
	s9 =	simm.s32 $0xA100  }
0x172: {  	[tilespmem:s9], [sflag:$0x4] =	stream.linear.gather [hbm4b:s7+s4], $0x80, $0x38;
	[tilespmem:$0xF800] =	vst v63  }
0x173: {  	s12 =	sadd.s32 $0x200, s2;
	s24 =	simm.s32 $0xA500  }
0x174: {  	[tilespmem:s24], [sflag:$0x4] =	stream.linear.gather [hbm4b:s12+s4], $0x80, $0x38;
	[tilespmem:$0xF800] =	vst v63  }
0x175: {  	s7 =	sadd.s32 $0x280, s2;
	s9 =	simm.s32 $0xA900  }
0x176: {  	[tilespmem:s9], [sflag:$0x4] =	stream.linear.gather [hbm4b:s7+s4], $0x80, $0x38;
	[tilespmem:$0xF800] =	vst v63  }
0x177: {  	s12 =	sadd.s32 $0x300, s2;
	s24 =	simm.s32 $0xAD00  }
0x178: {  	[tilespmem:s24], [sflag:$0x4] =	stream.linear.gather [hbm4b:s12+s4], $0x80, $0x38;
	[tilespmem:$0xF800] =	vst v63  }
0x179: {  	s2 =	sadd.s32 $0x380, s2;
	s7 =	simm.s32 $0xB100  }
0x17a: {  	[tilespmem:s7], [sflag:$0x4] =	stream.linear.gather [hbm4b:s2+s4], $0x80, $0x38;
	[tilespmem:$0xF800] =	vst v63  }
0x17b: {  	s9 =	simm.s32 $0x9600;
	s2 =	sadd.s32 s25, s17  }
0x17c: {  	[tilespmem:s9], [sflag:$0x4] =	stream.linear.gather [hbm4b:s2+s4], $0x80, $0x38;
	[tilespmem:$0xF800] =	vst v63  }
0x17d: {  	s24 =	simm.s32 $0x9A00;
	s12 =	sadd.s32 $0x80, s2  }
0x17e: {  	[tilespmem:s24], [sflag:$0x4] =	stream.linear.gather [hbm4b:s12+s4], $0x80, $0x38;
	[tilespmem:$0xF800] =	vst v63  }
0x17f: {  	s7 =	sadd.s32 $0x100, s2;
	s9 =	simm.s32 $0x9E00  }
0x180: {  	[tilespmem:s9], [sflag:$0x4] =	stream.linear.gather [hbm4b:s7+s4], $0x80, $0x38;
	[tilespmem:$0xF800] =	vst v63  }
0x181: {  	s12 =	sadd.s32 $0x180, s2;
	s24 =	simm.s32 $0xA200  }
0x182: {  	[tilespmem:s24], [sflag:$0x4] =	stream.linear.gather [hbm4b:s12+s4], $0x80, $0x38;
	[tilespmem:$0xF800] =	vst v63  }
0x183: {  	s7 =	sadd.s32 $0x200, s2;
	s9 =	simm.s32 $0xA600  }
0x184: {  	[tilespmem:s9], [sflag:$0x4] =	stream.linear.gather [hbm4b:s7+s4], $0x80, $0x38;
	[tilespmem:$0xF800] =	vst v63  }
0x185: {  	s12 =	sadd.s32 $0x280, s2;
	s24 =	simm.s32 $0xAA00  }
0x186: {  	[tilespmem:s24], [sflag:$0x4] =	stream.linear.gather [hbm4b:s12+s4], $0x80, $0x38;
	[tilespmem:$0xF800] =	vst v63  }
0x187: {  	s7 =	sadd.s32 $0x300, s2;
	s9 =	simm.s32 $0xAE00  }
0x188: {  	[tilespmem:s9], [sflag:$0x4] =	stream.linear.gather [hbm4b:s7+s4], $0x80, $0x38;
	[tilespmem:$0xF800] =	vst v63  }
0x189: {  	s2 =	sadd.s32 $0x380, s2;
	s12 =	simm.s32 $0xB200  }
0x18a: {  	[tilespmem:s12], [sflag:$0x4] =	stream.linear.gather [hbm4b:s2+s4], $0x80, $0x38;
	[tilespmem:$0xF800] =	vst v63  }
0x18b: {  	s24 =	simm.s32 $0x9680;
	s2 =	sadd.s32 s25, s19  }
0x18c: {  	[tilespmem:s24], [sflag:$0x4] =	stream.linear.gather [hbm4b:s2+s4], $0x80, $0x38;
	[tilespmem:$0xF800] =	vst v63  }
0x18d: {  	s9 =	simm.s32 $0x9A80;
	s7 =	sadd.s32 $0x80, s2  }
0x18e: {  	[tilespmem:s9], [sflag:$0x4] =	stream.linear.gather [hbm4b:s7+s4], $0x80, $0x38;
	[tilespmem:$0xF800] =	vst v63  }
0x18f: {  	s12 =	sadd.s32 $0x100, s2;
	s24 =	simm.s32 $0x9E80  }
0x190: {  	[tilespmem:s24], [sflag:$0x4] =	stream.linear.gather [hbm4b:s12+s4], $0x80, $0x38;
	[tilespmem:$0xF800] =	vst v63  }
0x191: {  	s7 =	sadd.s32 $0x180, s2;
	s9 =	simm.s32 $0xA280  }
0x192: {  	[tilespmem:s9], [sflag:$0x4] =	stream.linear.gather [hbm4b:s7+s4], $0x80, $0x38;
	[tilespmem:$0xF800] =	vst v63  }
0x193: {  	s12 =	sadd.s32 $0x200, s2;
	s24 =	simm.s32 $0xA680  }
0x194: {  	[tilespmem:s24], [sflag:$0x4] =	stream.linear.gather [hbm4b:s12+s4], $0x80, $0x38;
	[tilespmem:$0xF800] =	vst v63  }
0x195: {  	s7 =	sadd.s32 $0x280, s2;
	s9 =	simm.s32 $0xAA80  }
0x196: {  	[tilespmem:s9], [sflag:$0x4] =	stream.linear.gather [hbm4b:s7+s4], $0x80, $0x38;
	[tilespmem:$0xF800] =	vst v63  }
0x197: {  	s12 =	sadd.s32 $0x300, s2;
	s24 =	simm.s32 $0xAE80  }
0x198: {  	[tilespmem:s24], [sflag:$0x4] =	stream.linear.gather [hbm4b:s12+s4], $0x80, $0x38;
	[tilespmem:$0xF800] =	vst v63  }
0x199: {  	s2 =	sadd.s32 $0x380, s2;
	s7 =	simm.s32 $0xB280  }
0x19a: {  	[tilespmem:s7], [sflag:$0x4] =	stream.linear.gather [hbm4b:s2+s4], $0x80, $0x38;
	[tilespmem:$0xF800] =	vst v63  }
0x19b: {  	s9 =	simm.s32 $0x9700;
	s2 =	sadd.s32 s25, s20  }
0x19c: {  	[tilespmem:s9], [sflag:$0x4] =	stream.linear.gather [hbm4b:s2+s4], $0x80, $0x38;
	[tilespmem:$0xF800] =	vst v63  }
0x19d: {  	s24 =	simm.s32 $0x9B00;
	s12 =	sadd.s32 $0x80, s2  }
0x19e: {  	[tilespmem:s24], [sflag:$0x4] =	stream.linear.gather [hbm4b:s12+s4], $0x80, $0x38;
	[tilespmem:$0xF800] =	vst v63  }
0x19f: {  	s7 =	sadd.s32 $0x100, s2;
	s9 =	simm.s32 $0x9F00  }
0x1a0: {  	[tilespmem:s9], [sflag:$0x4] =	stream.linear.gather [hbm4b:s7+s4], $0x80, $0x38;
	[tilespmem:$0xF800] =	vst v63  }
0x1a1: {  	s12 =	sadd.s32 $0x180, s2;
	s24 =	simm.s32 $0xA300  }
0x1a2: {  	[tilespmem:s24], [sflag:$0x4] =	stream.linear.gather [hbm4b:s12+s4], $0x80, $0x38;
	[tilespmem:$0xF800] =	vst v63  }
0x1a3: {  	s7 =	sadd.s32 $0x200, s2;
	s9 =	simm.s32 $0xA700  }
0x1a4: {  	[tilespmem:s9], [sflag:$0x4] =	stream.linear.gather [hbm4b:s7+s4], $0x80, $0x38;
	[tilespmem:$0xF800] =	vst v63  }
0x1a5: {  	s12 =	sadd.s32 $0x280, s2;
	s24 =	simm.s32 $0xAB00  }
0x1a6: {  	[tilespmem:s24], [sflag:$0x4] =	stream.linear.gather [hbm4b:s12+s4], $0x80, $0x38;
	[tilespmem:$0xF800] =	vst v63  }
0x1a7: {  	s7 =	sadd.s32 $0x300, s2;
	s9 =	simm.s32 $0xAF00  }
0x1a8: {  	[tilespmem:s9], [sflag:$0x4] =	stream.linear.gather [hbm4b:s7+s4], $0x80, $0x38;
	[tilespmem:$0xF800] =	vst v63  }
0x1a9: {  	s2 =	sadd.s32 $0x380, s2;
	s12 =	simm.s32 $0xB300  }
0x1aa: {  	[tilespmem:s12], [sflag:$0x4] =	stream.linear.gather [hbm4b:s2+s4], $0x80, $0x38;
	[tilespmem:$0xF800] =	vst v63  }
0x1ab: {  	s24 =	simm.s32 $0xB800;
	s2 =	sadd.s32 s25, s23  }
0x1ac: {  	[tilespmem:s24], [sflag:$0x4] =	stream.linear.gather [hbm4b:s2+s4], $0x80, $0x38;
	[tilespmem:$0xF800] =	vst v63  }
0x1ad: {  	s9 =	simm.s32 $0xBC00;
	s7 =	sadd.s32 $0x80, s2  }
0x1ae: {  	[tilespmem:s9], [sflag:$0x4] =	stream.linear.gather [hbm4b:s7+s4], $0x80, $0x38;
	[tilespmem:$0xF800] =	vst v63  }
0x1af: {  	s12 =	sadd.s32 $0x100, s2;
	s24 =	simm.s32 $0xC000  }
0x1b0: {  	[tilespmem:s24], [sflag:$0x4] =	stream.linear.gather [hbm4b:s12+s4], $0x80, $0x38;
	[tilespmem:$0xF800] =	vst v63  }
0x1b1: {  	s7 =	sadd.s32 $0x180, s2;
	s9 =	simm.s32 $0xC400  }
0x1b2: {  	[tilespmem:s9], [sflag:$0x4] =	stream.linear.gather [hbm4b:s7+s4], $0x80, $0x38;
	[tilespmem:$0xF800] =	vst v63  }
0x1b3: {  	s12 =	sadd.s32 $0x200, s2;
	s24 =	simm.s32 $0xC800  }
0x1b4: {  	[tilespmem:s24], [sflag:$0x4] =	stream.linear.gather [hbm4b:s12+s4], $0x80, $0x38;
	[tilespmem:$0xF800] =	vst v63  }
0x1b5: {  	s7 =	sadd.s32 $0x280, s2;
	s9 =	simm.s32 $0xCC00  }
0x1b6: {  	[tilespmem:s9], [sflag:$0x4] =	stream.linear.gather [hbm4b:s7+s4], $0x80, $0x38;
	[tilespmem:$0xF800] =	vst v63  }
0x1b7: {  	s12 =	sadd.s32 $0x300, s2;
	s24 =	simm.s32 $0xD000  }
0x1b8: {  	[tilespmem:s24], [sflag:$0x4] =	stream.linear.gather [hbm4b:s12+s4], $0x80, $0x38;
	[tilespmem:$0xF800] =	vst v63  }
0x1b9: {  	s2 =	sadd.s32 $0x380, s2;
	s7 =	simm.s32 $0xD400  }
0x1ba: {  	[tilespmem:s7], [sflag:$0x4] =	stream.linear.gather [hbm4b:s2+s4], $0x80, $0x38;
	[tilespmem:$0xF800] =	vst v63  }
0x1bb: {  	s9 =	simm.s32 $0xB880;
	s2 =	sadd.s32 s25, s26  }
0x1bc: {  	[tilespmem:s9], [sflag:$0x4] =	stream.linear.gather [hbm4b:s2+s4], $0x80, $0x38;
	[tilespmem:$0xF800] =	vst v63  }
0x1bd: {  	s24 =	simm.s32 $0xBC80;
	s12 =	sadd.s32 $0x80, s2  }
0x1be: {  	[tilespmem:s24], [sflag:$0x4] =	stream.linear.gather [hbm4b:s12+s4], $0x80, $0x38;
	[tilespmem:$0xF800] =	vst v63  }
0x1bf: {  	s7 =	sadd.s32 $0x100, s2;
	s9 =	simm.s32 $0xC080  }
0x1c0: {  	[tilespmem:s9], [sflag:$0x4] =	stream.linear.gather [hbm4b:s7+s4], $0x80, $0x38;
	[tilespmem:$0xF800] =	vst v63  }
0x1c1: {  	s12 =	sadd.s32 $0x180, s2;
	s24 =	simm.s32 $0xC480  }
0x1c2: {  	[tilespmem:s24], [sflag:$0x4] =	stream.linear.gather [hbm4b:s12+s4], $0x80, $0x38;
	[tilespmem:$0xF800] =	vst v63  }
0x1c3: {  	s7 =	sadd.s32 $0x200, s2;
	s9 =	simm.s32 $0xC880  }
0x1c4: {  	[tilespmem:s9], [sflag:$0x4] =	stream.linear.gather [hbm4b:s7+s4], $0x80, $0x38;
	[tilespmem:$0xF800] =	vst v63  }
0x1c5: {  	s12 =	sadd.s32 $0x280, s2;
	s24 =	simm.s32 $0xCC80  }
0x1c6: {  	[tilespmem:s24], [sflag:$0x4] =	stream.linear.gather [hbm4b:s12+s4], $0x80, $0x38;
	[tilespmem:$0xF800] =	vst v63  }
0x1c7: {  	s9 =	sadd.s32 $0x300, s2;
	s12 =	simm.s32 $0xD080  }
0x1c8: {  	[tilespmem:s12], [sflag:$0x4] =	stream.linear.gather [hbm4b:s9+s4], $0x80, $0x38;
	[tilespmem:$0xF800] =	vst v63  }
0x1c9: {  	s2 =	sadd.s32 $0x380, s2;
	s24 =	simm.s32 $0xD480  }
0x1ca: {  	[tilespmem:s24], [sflag:$0x4] =	stream.linear.gather [hbm4b:s2+s4], $0x80, $0x38;
	[tilespmem:$0xF800] =	vst v63  }
0x1cb: {  	_ =	swait.ge [sflag:s30], $0x80  }
0x1cc: {  	[sflag:s30] =	ssyncset.done $0x0  }
0x1cd: {  	[sflag:s30] =	ssyncadd.s32 $0xFFFFFF80  }
0x1ce: {  	_ =	swait.ge [sflag:s30], $0x400  }
0x1cf: {  	[sflag:s30] =	ssyncset.done $0x0  }
0x1d0: {  	[sflag:s30] =	ssyncadd.s32 $0xFFFFFC00  }
0x1d1: {  	_ =	swait.ge [sflag:s10], $0x400  }
0x1d2: {  	[sflag:s10] =	ssyncset.done $0x0  }
0x1d3: {  	[sflag:s10] =	ssyncadd.s32 $0xFFFFFC00  }
0x1d4: {  	_ =	swait.ge [sflag:s10], $0x400  }
0x1d5: {  	[sflag:s10] =	ssyncset.done $0x0  }
0x1d6: {  	[sflag:s10] =	ssyncadd.s32 $0xFFFFFC00  }
0x1d7: {  	_ =	swait.ge [sflag:s10], $0x400  }
0x1d8: {  	[sflag:s10] =	ssyncset.done $0x0  }
0x1d9: {  	[sflag:s10] =	ssyncadd.s32 $0xFFFFFC00  }
0x1da: {  	_ =	swait.ge [sflag:s10], $0x400  }
0x1db: {  	[sflag:s10] =	ssyncset.done $0x0  }
0x1dc: {  	[sflag:s10] =	ssyncadd.s32 $0xFFFFFC00  }
0x1dd: {  	_ =	swait.ge [sflag:s10], $0x400  }
0x1de: {  	[sflag:s10] =	ssyncset.done $0x0  }
0x1df: {  	[sflag:s10] =	ssyncadd.s32 $0xFFFFFC00  }
0x1e0: {  	_ =	swait.ge [sflag:s10], $0x400  }
0x1e1: {  	[sflag:s10] =	ssyncset.done $0x0  }
0x1e2: {  	[sflag:s10] =	ssyncadd.s32 $0xFFFFFC00  }
0x1e3: {  	_ =	swait.ge [sflag:s10], $0x400  }
0x1e4: {  	[sflag:s10] =	ssyncset.done $0x0  }
0x1e5: {  	[sflag:s10] =	ssyncadd.s32 $0xFFFFFC00  }
0x1e6: {  	_ =	swait.ge [sflag:s10], $0x400  }
0x1e7: {  	[sflag:s10] =	ssyncset.done $0x0  }
0x1e8: {  	[sflag:s10] =	ssyncadd.s32 $0xFFFFFC00  }
0x1e9: {  	_ =	swait.ge [sflag:s10], $0x400  }
0x1ea: {  	[sflag:s10] =	ssyncset.done $0x0  }
0x1eb: {  	[sflag:s10] =	ssyncadd.s32 $0xFFFFFC00  }
0x1ec: {  	_ =	swait.ge [sflag:s10], $0x400  }
0x1ed: {  	p0 =	seq.s32 s22, $0x0;
	[sflag:s10] =	ssyncset.done $0x0  }
0x1ee: {  	s2 =	simm.s32 @!p0 $0x5;
	[sflag:s10] =	ssyncadd.s32 $0xFFFFFC00  }
0x1ef: {  	_ =	swait.ge @!p0 [sflag:s2], $0x1000  }
0x1f0: {  	s6 =	simm.s32 $0xD8C0;
	s7 =	simm.s32 $0x0;
	[sflag:s2] =	ssyncset.done @!p0 $0x0  }
0x1f1: {  	s24 =	simm.s32 $0xFFFFFFF8;
	[sflag:s2] =	ssyncadd.s32 @!p0 $0xFFFFF000;
	s2 =	simm.s32 $0xEF  }
.LBB2_3:
0x1f2: {  	s9 =	sadd.s32 $0xFFFFFF90, s2  }
0x1f3: {  	v2 =	vadd.s32 s9, v0;
	s9 =	sshra.s32 s7, $0x2  }
0x1f4: {  	v3 =	vshll.u32 v2, $0x3;
	v4 =	vld [tilespmem:s9+$0x400]  }
0x1f5: {  	v2 =	vand.u32 $0x7F, v2;
	v5 =	vld [tilespmem:s9+$0x480];
	v3 =	vand.u32 $0x7FFFFC00, v3  }
0x1f6: {  	v6 =	vld [tilespmem:s9+$0x2800];
	v2 =	vor.u32 v2, v3  }
0x1f7: {  	v7 =	vld [tilespmem:s9+$0x2880];
	v2 =	vadd.s32 $0x2580, v2  }
0x1f8: {  	v3 =	vld [tilespmem:s9+$0x2900]  }
0x1f9: {  	v8 =	vld [tilespmem:s9+$0x2980];
	_ =	sdelay $0x1  }
0x1fa: {  	v9 =	vsub.f32 v5, v4;
	vm0 =	vgt.f32 v5, v4;
	vm7 =	vgt.f32 v6, $0.0e+00  }
0x1fb: {  	vm8 =	vgt.f32 v7, $0.0e+00;
	vm9 =	vlt.f32 v5, v4;
	vm10 =	vlt.f32 v6, $0.0e+00;
	v2 =	vld.idx.msk [tilespmem:v2+s4+$0x0], $0xffff  }
0x1fc: {  	v11 =	vld [tilespmem:s9+$0x4C80];
	vm11 =	vlt.f32 v7, $0.0e+00;
	vm1 =	vgt.f32 v3, $0.0e+00;
	vm3 =	vlt.f32 v3, $0.0e+00  }
0x1fd: {  	v10 =	vld [tilespmem:s9+$0x4C00];
	vm12 =	vgt.f32 v8, $0.0e+00;
	vm0 =	vmand vm0, vm1;
	vm1 =	vmand vm9, vm3  }
0x1fe: {  	vm4 =	vlt.f32 v8, $0.0e+00;
	v9 =	vand.u32 $0x7FFFFFFF, v9;
	vm1 =	vmand vm10, vm1  }
0x1ff: {  	vm2 =	vgt.f32 v9, $5.000000000e-01;
	vm0 =	vmand vm7, vm0;
	vm1 =	vmand vm11, vm1  }
0x200: {  	v61 =	vld [tilespmem:s9+$0x2A80];
	vm0 =	vmand vm8, vm0;
	vm1 =	vmand vm2, vm1;
	v2 =	vsub.f32 v8, v2  }
0x201: {  	v58 =	vsub.f32 v5, v11;
	vm0 =	vmand vm2, vm0;
	v8 =	vsel vm1, $0x3F570A3D, v1  }
0x202: {  	vm5 =	vgt.f32 v2, $0.0e+00;
	vm6 =	vlt.f32 v2, $0.0e+00;
	v2 =	vsub.f32 v10, v11  }
0x203: {  	vm7 =	vmand vm12, vm5;
	vm8 =	vmand vm4, vm6;
	vm3 =	vmand vm12, vm6  }
0x204: {  	v60 =	vld [tilespmem:s9+$0x2B00];
	vm4 =	vmand vm4, vm5;
	v59 =	vmul.f32 $2.000000030e-01, v2;
	vm5 =	vmor vm7, vm8  }
0x205: {  	v3 =	vld [tilespmem:s9+$0x2A00];
	vm2 =	vmor vm3, vm4;
	v62 =	vmul.f32 $8.000000110e-01, v2;
	vm8 =	vgt.f32 v61, $8.000000110e-01  }
0x206: {  	vm13 =	vgt.f32 v2, $0.0e+00;
	vm15 =	vlt.f32 v2, $0.0e+00;
	vm8 =	vmand vm8, vm2  }
0x207: {  	vm14 =	vlt.f32 v58, v59;
	vm11 =	vgt.f32 v58, v59;
	vm12 =	vgt.f32 v58, v62  }
0x208: {  	vm9 =	vlt.f32 v58, v62;
	v9 =	vsel vm8, $0x3F333333, v1;
	vm4 =	vmand vm13, vm14  }
0x209: {  	vm7 =	vmand vm15, vm11;
	vm3 =	vmand vm13, vm12;
	vm6 =	vmand vm15, vm9  }
0x20a: {  	vm13 =	vlt.f32 v60, $-1.000000010e-01;
	vm14 =	vgt.f32 v3, $1.000000010e-01;
	vm15 =	vlt.f32 v61, $2.000000030e-01  }
0x20b: {  	vm4 =	vmor vm4, vm7;
	vm6 =	vmor vm3, vm6;
	vm7 =	vmand vm15, vm5  }
0x20c: {  	vm9 =	vmand vm14, vm5;
	vm3 =	vmand vm5, vm4;
	vm10 =	vmor vm13, vm4  }
0x20d: {  	vm4 =	vmand vm13, vm4;
	vm13 =	vmand vm2, vm6;
	vm10 =	vmand vm14, vm10  }
0x20e: {  	v63 =	vsel vm9, $0x3F866666, v1;
	vm4 =	vmor vm4, vm10;
	vm10 =	vlt.f32 v3, $-1.000000010e-01  }
0x20f: {  	v10 =	vsel vm7, $0x3F333333, v1;
	vm14 =	vgt.f32 v60, $1.000000010e-01;
	vm12 =	vmand vm10, vm2  }
0x210: {  	v3 =	vsel vm0, $0x3F570A3D, v1;
	vm15 =	vmor vm14, vm6;
	v2 =	vsel vm12, $0x3F866666, v1  }
0x211: {  	vm4 =	vmand vm5, vm4;
	v3 =	vadd.f32 v63, v3;
	v2 =	vadd.f32 v2, v8  }
0x212: {  	vm9 =	vmand vm10, vm15;
	vm4 =	vmand vm0, vm4;
	vm0 =	vmand vm14, vm6  }
0x213: {  	vm0 =	vmor vm0, vm9;
	v3 =	vadd.f32 v3, v10;
	v2 =	vadd.f32 v2, v9  }
0x214: {  	v11 =	vsel vm13, $0x3F570A3D, v1;
	v12 =	vsel vm3, $0x3F570A3D, v1;
	vm0 =	vmand vm2, vm0  }
0x215: {  	vm0 =	vmand vm1, vm0;
	v3 =	vadd.f32 v12, v3;
	v2 =	vadd.f32 v11, v2  }
0x216: {  	v14 =	vsel vm4, $0x3FB851EC, v1;
	v13 =	vsel vm0, $0x3FB851EC, v1  }
0x217: {  	v18 =	vld [tilespmem:s9+$0x410];
	v3 =	vadd.f32 v14, v3;
	v2 =	vadd.f32 v13, v2  }
0x218: {  	s12 =	sadd.s32 $0xFFFFFFA0, s2;
	v19 =	vld [tilespmem:s9+$0x490]  }
0x219: {  	v15 =	vadd.s32 s12, v0;
	s12 =	sadd.s32 $0xFFFFFFB0, s2;
	v26 =	vld [tilespmem:s9+$0x4C90];
	v3 =	vadd.f32 v3, v3;
	v2 =	vadd.f32 v2, v2  }
0x21a: {  	v16 =	vshll.u32 v15, $0x3;
	v23 =	vld [tilespmem:s9+$0x2890];
	v41 =	vadd.s32 s12, v0  }
0x21b: {  	v21 =	vld [tilespmem:s9+$0x2910];
	v43 =	vshll.u32 v41, $0x3;
	v3 =	vadd.f32 $8.000000110e-01, v3;
	v2 =	vadd.f32 $8.000000110e-01, v2  }
0x21c: {  	v22 =	vld [tilespmem:s9+$0x2810];
	v46 =	vand.u32 $0x3F, v41;
	v4 =	vand.u32 $0x1F, v15;
	v5 =	vand.u32 $0x7FFFFC00, v16  }
0x21d: {  	v24 =	vsub.f32 v19, v18;
	v4 =	vor.u32 v4, v5;
	v17 =	vmax.f32 v2, v3  }
0x21e: {  	v30 =	vld [tilespmem:s9+$0x2A90];
	v27 =	vsub.f32 v19, v26;
	v4 =	vadd.s32 $0x2580, v4;
	v2 =	vsub.f32 v2, v17  }
0x21f: {  	v45 =	vld [tilespmem:s9+$0x420];
	vm8 =	vlt.f32 v19, v18;
	vm11 =	vlt.f32 v23, $0.0e+00;
	v20 =	vsub.f32 $4.000000060e-01, v17  }
0x220: {  	v54 =	vld [tilespmem:s9+$0x4C20];
	vm7 =	vgt.f32 v23, $0.0e+00;
	v3 =	vsub.f32 v3, v17;
	v2 =	vmul.f32 $1.442695020e+00, v2  }
0x221: {  	vm5 =	vgt.f32 v21, $0.0e+00;
	vm10 =	vlt.f32 v22, $0.0e+00;
	v12 =	vld [tilespmem:s9+$0x4A0];
	v5 =	vmul.f32 $1.442695020e+00, v20  }
0x222: {  	s12 =	sadd.s32 $0xFFFFFFC0, s2;
	vm6 =	vgt.f32 v22, $0.0e+00;
	v14 =	vld [tilespmem:s9+$0x4CA0];
	(erf) = vpow2.f32 v2;
	v2 =	vmul.f32 $1.442695020e+00, v3  }
0x223: {  	v22 =	vadd.s32 s12, v0;
	vm4 =	vgt.f32 v19, v18;
	v3 =	vld [tilespmem:s9+$0x2990];
	(erf) = vpow2.f32 v5  }
0x224: {  	vm9 =	vlt.f32 v21, $0.0e+00;
	v8 =	vand.u32 $0x7FFFFC00, v43;
	(erf) = vpow2.f32 v2;
	v2 =	vld.idx.msk [tilespmem:v4+s4+$0x0], $0xffff  }
0x225: {  	v8 =	vor.u32 v46, v8;
	vm1 =	vmand vm8, vm9;
	vm8 =	vgt.f32 v30, $8.000000110e-01  }
0x226: {  	v25 =	vld [tilespmem:s9+$0x4C10];
	v8 =	vadd.s32 $0x2580, v8;
	vm0 =	vmand vm4, vm5;
	vm1 =	vmand vm10, vm1  }
0x227: {  	vm0 =	vmand vm6, vm0;
	vm1 =	vmand vm11, vm1;
	v5 =	vand.u32 $0x7FFFFFFF, v24  }
0x228: {  	vm0 =	vmand vm7, vm0;
	v52 =	vsub.f32 v12, v45;
	vm2 =	vgt.f32 v5, $5.000000000e-01  }
0x229: {  	v55 =	vsub.f32 v54, v14;
	vm0 =	vmand vm2, vm0;
	v2 =	vsub.f32 v3, v2  }
0x22a: {  	vm1 =	vmand vm2, vm1;
	vm3 =	vgt.f32 v3, $0.0e+00;
	vm4 =	vlt.f32 v3, $0.0e+00  }
0x22b: {  	vm12 =	vgt.f32 v2, $0.0e+00;
	vm13 =	vlt.f32 v2, $0.0e+00;
	v2 =	vsub.f32 v25, v26  }
0x22c: {  	v33 =	vsel vm1, $0x3F570A3D, v1;
	vm14 =	vmand vm3, vm12;
	vm15 =	vmand vm4, vm13  }
0x22d: {  	v29 =	vld [tilespmem:s9+$0x2B10];
	vm3 =	vmand vm3, vm13;
	vm4 =	vmand vm4, vm12;
	v28 =	vmul.f32 $2.000000030e-01, v2  }
0x22e: {  	v3 =	vld [tilespmem:s9+$0x2A10];
	vm5 =	vmor vm14, vm15;
	vm2 =	vmor vm3, vm4;
	v31 =	vmul.f32 $8.000000110e-01, v2  }
0x22f: {  	vm3 =	vgt.f32 v2, $0.0e+00;
	vm12 =	vlt.f32 v2, $0.0e+00;
	vm8 =	vmand vm8, vm2  }
0x230: {  	vm11 =	vlt.f32 v27, v28;
	vm13 =	vgt.f32 v27, v28;
	vm14 =	vgt.f32 v27, v31  }
0x231: {  	vm15 =	vlt.f32 v27, v31;
	v34 =	vsel vm8, $0x3F333333, v1;
	vm4 =	vmand vm3, vm11  }
0x232: {  	vm7 =	vmand vm12, vm13;
	vm3 =	vmand vm3, vm14;
	vm6 =	vmand vm12, vm15  }
0x233: {  	vm12 =	vlt.f32 v29, $-1.000000010e-01;
	vm13 =	vgt.f32 v3, $1.000000010e-01;
	vm15 =	vlt.f32 v30, $2.000000030e-01  }
0x234: {  	vm4 =	vmor vm4, vm7;
	vm6 =	vmor vm3, vm6;
	vm7 =	vmand vm15, vm5  }
0x235: {  	vm9 =	vmand vm13, vm5;
	vm3 =	vmand vm5, vm4;
	vm14 =	vmor vm12, vm4  }
0x236: {  	vm4 =	vmand vm12, vm4;
	v32 =	vsel vm9, $0x3F866666, v1;
	vm10 =	vmand vm13, vm14  }
0x237: {  	v35 =	vsel vm7, $0x3F333333, v1;
	vm4 =	vmor vm4, vm10;
	vm10 =	vlt.f32 v3, $-1.000000010e-01  }
0x238: {  	vm13 =	vmand vm2, vm6;
	vm14 =	vgt.f32 v29, $1.000000010e-01;
	vm12 =	vmand vm10, vm2  }
0x239: {  	v3 =	vsel vm0, $0x3F570A3D, v1;
	vm15 =	vmor vm14, vm6;
	v2 =	vsel vm12, $0x3F866666, v1  }
0x23a: {  	vm4 =	vmand vm5, vm4;
	v3 =	vadd.f32 v32, v3;
	v2 =	vadd.f32 v2, v33  }
0x23b: {  	vm9 =	vmand vm10, vm15;
	vm4 =	vmand vm0, vm4;
	vm0 =	vmand vm14, vm6  }
0x23c: {  	vm0 =	vmor vm0, vm9;
	v3 =	vadd.f32 v3, v35;
	v2 =	vadd.f32 v2, v34  }
0x23d: {  	v50 =	vld [tilespmem:s9+$0x28A0];
	v37 =	vsel vm3, $0x3F570A3D, v1;
	v36 =	vsel vm13, $0x3F570A3D, v1;
	vm0 =	vmand vm2, vm0  }
0x23e: {  	v51 =	vld [tilespmem:s9+$0x29A0];
	vm0 =	vmand vm1, vm0;
	v3 =	vadd.f32 v37, v3;
	v2 =	vadd.f32 v36, v2  }
0x23f: {  	s12 =	sadd.s32 $0xFFFFFFD0, s2;
	v13 =	vld [tilespmem:s9+$0x2920];
	v57 =	vsub.f32 v12, v14;
	v39 =	vsel vm4, $0x3FB851EC, v1;
	v38 =	vsel vm0, $0x3FB851EC, v1  }
0x240: {  	v48 =	vld [tilespmem:s9+$0x2820];
	v54 =	vadd.s32 s12, v0;
	v3 =	vadd.f32 v39, v3;
	v2 =	vadd.f32 v38, v2  }
0x241: {  	v53 =	vld.idx.msk [tilespmem:v8+s4+$0x0], $0xffff;
	v8 =	vmul.f32 $2.000000030e-01, v55;
	v60 =	vmul.f32 $8.000000110e-01, v55;
	v24 =	vshll.u32 v22, $0x3  }
0x242: {  	v59 =	vld [tilespmem:s9+$0x2AA0];
	vm8 =	vlt.f32 v12, v45;
	v5 =	vadd.f32 v3, v3;
	v4 =	vadd.f32 v2, v2  }
0x243: {  	vm11 =	vlt.f32 v50, $0.0e+00;
	vm7 =	vgt.f32 v50, $0.0e+00;
	vm3 =	vgt.f32 v51, $0.0e+00  }
0x244: {  	vm5 =	vgt.f32 v13, $0.0e+00;
	v5 =	vadd.f32 $8.000000110e-01, v5;
	v2 =	vpop (erf);
	v40 =	vadd.f32 $8.000000110e-01, v4  }
0x245: {  	vm10 =	vlt.f32 v48, $0.0e+00;
	vm6 =	vgt.f32 v48, $0.0e+00;
	vm4 =	vgt.f32 v12, v45;
	v3 =	vpop (erf)  }
0x246: {  	vm9 =	vlt.f32 v13, $0.0e+00;
	v42 =	vadd.f32 v3, v2;
	v44 =	vmax.f32 v40, v5  }
0x247: {  	vm1 =	vmand vm8, vm9;
	vm8 =	vgt.f32 v59, $8.000000110e-01;
	v4 =	vpop (erf);
	v6 =	vsub.f32 v40, v44  }
0x248: {  	vm0 =	vmand vm4, vm5;
	v47 =	vsub.f32 $4.000000060e-01, v44;
	v7 =	vadd.f32 v42, v4  }
0x249: {  	vm1 =	vmand vm10, vm1;
	v5 =	vsub.f32 v5, v44;
	v6 =	vmul.f32 $1.442695020e+00, v6  }
0x24a: {  	vm4 =	vlt.f32 v51, $0.0e+00;
	v49 =	vmul.f32 $1.442695020e+00, v47;
	(erf) = vrcp.f32 v7  }
0x24b: {  	vm0 =	vmand vm6, vm0;
	v5 =	vmul.f32 $1.442695020e+00, v5;
	(erf) = vpow2.f32 v6  }
0x24c: {  	vm0 =	vmand vm7, vm0;
	v7 =	vand.u32 $0x7FFFFFFF, v52;
	(erf) = vpow2.f32 v49  }
0x24d: {  	vm2 =	vgt.f32 v7, $5.000000000e-01;
	(erf) = vpow2.f32 v5;
	v5 =	vsub.f32 v51, v53  }
0x24e: {  	vm1 =	vmand vm11, vm1;
	vm11 =	vlt.f32 v57, v8;
	vm0 =	vmand vm2, vm0  }
0x24f: {  	v56 =	vld [tilespmem:s9+$0x2A20];
	vm1 =	vmand vm2, vm1;
	v62 =	vsel vm0, $0x3F570A3D, v1;
	vm12 =	vgt.f32 v5, $0.0e+00  }
0x250: {  	v12 =	vsel vm1, $0x3F570A3D, v1;
	vm13 =	vlt.f32 v5, $0.0e+00;
	vm14 =	vmand vm3, vm12  }
0x251: {  	v58 =	vld [tilespmem:s9+$0x2B20];
	vm15 =	vmand vm4, vm13;
	vm3 =	vmand vm3, vm13;
	vm4 =	vmand vm4, vm12  }
0x252: {  	v30 =	vld [tilespmem:s9+$0x28B0];
	vm12 =	vlt.f32 v55, $0.0e+00;
	vm13 =	vgt.f32 v57, v8;
	vm5 =	vmor vm14, vm15  }
0x253: {  	vm2 =	vmor vm3, vm4;
	vm3 =	vgt.f32 v55, $0.0e+00;
	vm7 =	vmand vm12, vm13  }
0x254: {  	vm14 =	vgt.f32 v57, v60;
	vm15 =	vlt.f32 v57, v60;
	vm13 =	vgt.f32 v56, $1.000000010e-01  }
0x255: {  	vm4 =	vmand vm3, vm11;
	vm3 =	vmand vm3, vm14;
	vm6 =	vmand vm12, vm15  }
0x256: {  	vm12 =	vlt.f32 v58, $-1.000000010e-01;
	vm15 =	vlt.f32 v59, $2.000000030e-01;
	vm9 =	vmand vm13, vm5  }
0x257: {  	v31 =	vld [tilespmem:s9+$0x29B0];
	vm8 =	vmand vm8, vm2;
	vm11 =	vlt.f32 v30, $0.0e+00;
	vm4 =	vmor vm4, vm7  }
0x258: {  	vm6 =	vmor vm3, vm6;
	vm7 =	vmand vm15, vm5;
	v63 =	vsel vm9, $0x3F866666, v1  }
0x259: {  	v13 =	vsel vm8, $0x3F333333, v1;
	vm3 =	vmand vm5, vm4;
	vm14 =	vmor vm12, vm4  }
0x25a: {  	vm4 =	vmand vm12, vm4;
	v6 =	vadd.f32 v63, v62;
	v14 =	vsel vm7, $0x3F333333, v1  }
0x25b: {  	vm7 =	vgt.f32 v30, $0.0e+00;
	vm10 =	vmand vm13, vm14;
	vm13 =	vmand vm2, vm6  }
0x25c: {  	vm14 =	vgt.f32 v58, $1.000000010e-01;
	v16 =	vsel vm3, $0x3F570A3D, v1;
	vm3 =	vgt.f32 v31, $0.0e+00  }
0x25d: {  	vm4 =	vmor vm4, vm10;
	vm10 =	vlt.f32 v56, $-1.000000010e-01;
	v6 =	vadd.f32 v6, v14  }
0x25e: {  	v26 =	vld [tilespmem:s9+$0x430];
	vm15 =	vmor vm14, vm6;
	vm4 =	vmand vm5, vm4;
	vm12 =	vmand vm10, vm2  }
0x25f: {  	v28 =	vld [tilespmem:s9+$0x2830];
	v61 =	vsel vm12, $0x3F866666, v1;
	vm4 =	vmand vm0, vm4;
	v6 =	vadd.f32 v16, v6  }
0x260: {  	v34 =	vld [tilespmem:s9+$0x4C30];
	v15 =	vsel vm13, $0x3F570A3D, v1;
	v5 =	vadd.f32 v61, v12;
	v18 =	vsel vm4, $0x3FB851EC, v1  }
0x261: {  	vm9 =	vmand vm10, vm15;
	vm0 =	vmand vm14, vm6;
	v16 =	vld [tilespmem:s9+$0x4B0];
	v6 =	vadd.f32 v18, v6  }
0x262: {  	v56 =	vshll.u32 v54, $0x3;
	vm0 =	vmor vm0, vm9;
	v18 =	vld [tilespmem:s9+$0x4CB0];
	v5 =	vadd.f32 v5, v13  }
0x263: {  	v12 =	vand.u32 $0x7FFFFC00, v24;
	vm0 =	vmand vm2, vm0;
	v20 =	vadd.f32 v6, v6  }
0x264: {  	v58 =	vld [tilespmem:s9+$0x440];
	vm0 =	vmand vm1, vm0;
	v5 =	vadd.f32 v15, v5;
	v15 =	vand.u32 $0x3F, v22  }
0x265: {  	v17 =	vsel vm0, $0x3FB851EC, v1;
	v9 =	vadd.f32 $8.000000110e-01, v20;
	v12 =	vor.u32 v15, v12;
	v20 =	vld [tilespmem:s9+$0x4C0]  }
0x266: {  	vm10 =	vlt.f32 v28, $0.0e+00;
	v7 =	vadd.f32 v17, v5;
	v17 =	vld [tilespmem:s9+$0x2930];
	v12 =	vadd.s32 $0x2580, v12  }
0x267: {  	vm6 =	vgt.f32 v28, $0.0e+00;
	v32 =	vsub.f32 v16, v26;
	v35 =	vsub.f32 v34, v18  }
0x268: {  	vm4 =	vgt.f32 v16, v26;
	vm8 =	vlt.f32 v16, v26;
	v19 =	vadd.f32 v7, v7  }
0x269: {  	v39 =	vld [tilespmem:s9+$0x2AB0];
	v37 =	vsub.f32 v16, v18;
	v16 =	vand.u32 $0x7FFFFC00, v56;
	v5 =	vpop (erf);
	v40 =	vmul.f32 $8.000000110e-01, v35  }
0x26a: {  	v7 =	vpop (erf);
	v21 =	vadd.f32 $8.000000110e-01, v19;
	v19 =	vand.u32 $0x7F, v54;
	v24 =	vsub.f32 v20, v58  }
0x26b: {  	v6 =	vpop (erf);
	v33 =	vld.idx.msk [tilespmem:v12+s4+$0x0], $0xffff;
	vm5 =	vgt.f32 v17, $0.0e+00;
	vm9 =	vlt.f32 v17, $0.0e+00;
	v12 =	vmul.f32 $2.000000030e-01, v35  }
0x26c: {  	v26 =	vld [tilespmem:s9+$0x4C40];
	v16 =	vor.u32 v19, v16;
	v23 =	vadd.f32 v6, v7;
	v25 =	vmax.f32 v21, v9  }
0x26d: {  	v22 =	vld [tilespmem:s9+$0x4CC0];
	vm0 =	vmand vm4, vm5;
	vm1 =	vmand vm8, vm9;
	vm4 =	vlt.f32 v31, $0.0e+00  }
0x26e: {  	vm8 =	vgt.f32 v39, $8.000000110e-01;
	v16 =	vadd.s32 $0x2580, v16;
	v10 =	vsub.f32 v21, v25  }
0x26f: {  	v8 =	vpop (erf);
	v27 =	vsub.f32 $4.000000060e-01, v25;
	v9 =	vsub.f32 v9, v25;
	vm0 =	vmand vm6, vm0  }
0x270: {  	vm1 =	vmand vm10, vm1;
	v11 =	vadd.f32 v23, v8;
	vm0 =	vmand vm7, vm0  }
0x271: {  	vm1 =	vmand vm11, vm1;
	vm11 =	vlt.f32 v37, v12;
	v10 =	vmul.f32 $1.442695020e+00, v10  }
0x272: {  	v29 =	vmul.f32 $1.442695020e+00, v27;
	v27 =	vsub.f32 v26, v22;
	(erf) = vrcp.f32 v11  }
0x273: {  	v9 =	vmul.f32 $1.442695020e+00, v9;
	v11 =	vand.u32 $0x7FFFFFFF, v32;
	(erf) = vpow2.f32 v10  }
0x274: {  	vm2 =	vgt.f32 v11, $5.000000000e-01;
	v25 =	vld.idx.msk [tilespmem:v16+s4+$0x0], $0xffff;
	v16 =	vmul.f32 $2.000000030e-01, v27;
	(erf) = vpow2.f32 v29  }
0x275: {  	v32 =	vmul.f32 $8.000000110e-01, v27;
	(erf) = vpow2.f32 v9;
	v9 =	vsub.f32 v31, v33  }
0x276: {  	vm0 =	vmand vm2, vm0;
	vm1 =	vmand vm2, vm1;
	v29 =	vsub.f32 v20, v22  }
0x277: {  	v36 =	vld [tilespmem:s9+$0x2A30];
	v42 =	vsel vm0, $0x3F570A3D, v1;
	vm12 =	vgt.f32 v9, $0.0e+00;
	vm13 =	vlt.f32 v9, $0.0e+00  }
0x278: {  	v38 =	vld [tilespmem:s9+$0x2B30];
	v44 =	vsel vm1, $0x3F570A3D, v1;
	vm14 =	vmand vm3, vm12;
	vm15 =	vmand vm4, vm13  }
0x279: {  	vm3 =	vmand vm3, vm13;
	vm4 =	vmand vm4, vm12;
	vm12 =	vlt.f32 v35, $0.0e+00  }
0x27a: {  	v62 =	vld [tilespmem:s9+$0x28C0];
	vm13 =	vgt.f32 v37, v12;
	vm5 =	vmor vm14, vm15;
	vm2 =	vmor vm3, vm4  }
0x27b: {  	vm3 =	vgt.f32 v35, $0.0e+00;
	vm7 =	vmand vm12, vm13;
	vm14 =	vgt.f32 v37, v40  }
0x27c: {  	vm15 =	vlt.f32 v37, v40;
	vm13 =	vgt.f32 v36, $1.000000010e-01;
	vm4 =	vmand vm3, vm11  }
0x27d: {  	vm3 =	vmand vm3, vm14;
	vm6 =	vmand vm12, vm15;
	vm12 =	vlt.f32 v38, $-1.000000010e-01  }
0x27e: {  	vm15 =	vlt.f32 v39, $2.000000030e-01;
	vm9 =	vmand vm13, vm5;
	vm8 =	vmand vm8, vm2  }
0x27f: {  	vm11 =	vlt.f32 v62, $0.0e+00;
	vm4 =	vmor vm4, vm7;
	vm6 =	vmor vm3, vm6  }
0x280: {  	vm7 =	vmand vm15, vm5;
	v43 =	vsel vm9, $0x3F866666, v1;
	v45 =	vsel vm8, $0x3F333333, v1  }
0x281: {  	vm8 =	vlt.f32 v20, v58;
	vm3 =	vmand vm5, vm4;
	vm14 =	vmor vm12, vm4  }
0x282: {  	vm4 =	vmand vm12, vm4;
	v10 =	vadd.f32 v43, v42;
	vm10 =	vmand vm13, vm14  }
0x283: {  	v46 =	vsel vm7, $0x3F333333, v1;
	vm4 =	vmor vm4, vm10;
	vm10 =	vlt.f32 v36, $-1.000000010e-01  }
0x284: {  	vm7 =	vgt.f32 v62, $0.0e+00;
	vm14 =	vgt.f32 v38, $1.000000010e-01;
	vm12 =	vmand vm10, vm2  }
0x285: {  	v60 =	vld [tilespmem:s9+$0x2840];
	vm13 =	vmand vm2, vm6;
	vm15 =	vmor vm14, vm6;
	v41 =	vsel vm12, $0x3F866666, v1  }
0x286: {  	v63 =	vld [tilespmem:s9+$0x29C0];
	v10 =	vadd.f32 v10, v46;
	vm4 =	vmand vm5, vm4;
	v9 =	vadd.f32 v41, v44  }
0x287: {  	v21 =	vld [tilespmem:s9+$0x2940];
	vm9 =	vmand vm10, vm15;
	vm4 =	vmand vm0, vm4;
	vm0 =	vmand vm14, vm6  }
0x288: {  	v48 =	vsel vm3, $0x3F570A3D, v1;
	vm0 =	vmor vm0, vm9;
	v9 =	vadd.f32 v9, v45  }
0x289: {  	v31 =	vld [tilespmem:s9+$0x2AC0];
	v47 =	vsel vm13, $0x3F570A3D, v1;
	v10 =	vadd.f32 v48, v10;
	vm0 =	vmand vm2, vm0  }
0x28a: {  	v50 =	vsel vm4, $0x3FB851EC, v1;
	vm0 =	vmand vm1, vm0;
	v9 =	vadd.f32 v47, v9  }
0x28b: {  	vm3 =	vgt.f32 v63, $0.0e+00;
	v10 =	vadd.f32 v50, v10;
	v49 =	vsel vm0, $0x3FB851EC, v1  }
0x28c: {  	vm5 =	vgt.f32 v21, $0.0e+00;
	vm10 =	vlt.f32 v60, $0.0e+00;
	v11 =	vadd.f32 v49, v9  }
0x28d: {  	vm6 =	vgt.f32 v60, $0.0e+00;
	vm4 =	vgt.f32 v20, v58;
	vm9 =	vlt.f32 v21, $0.0e+00  }
0x28e: {  	vm1 =	vmand vm8, vm9;
	vm8 =	vgt.f32 v31, $8.000000110e-01;
	v52 =	vadd.f32 v10, v10;
	v9 =	vpop (erf)  }
0x28f: {  	vm0 =	vmand vm4, vm5;
	vm1 =	vmand vm10, vm1;
	v51 =	vadd.f32 v11, v11;
	v10 =	vpop (erf)  }
0x290: {  	s12 =	sadd.s32 $0xFFFFFFE0, s2;
	vm4 =	vlt.f32 v63, $0.0e+00;
	vm0 =	vmand vm6, vm0;
	v13 =	vadd.f32 $8.000000110e-01, v52;
	v11 =	vpop (erf)  }
0x291: {  	v47 =	vadd.s32 s12, v0;
	v53 =	vadd.f32 $8.000000110e-01, v51;
	v55 =	vadd.f32 v11, v10  }
0x292: {  	vm1 =	vmand vm11, vm1;
	vm11 =	vlt.f32 v29, v16;
	v23 =	vand.u32 $0x5F, v47;
	v12 =	vpop (erf)  }
0x293: {  	v26 =	vld [tilespmem:s9+$0x4CD0];
	v49 =	vshll.u32 v47, $0x3;
	v57 =	vmax.f32 v53, v13;
	v15 =	vadd.f32 v55, v12  }
0x294: {  	v20 =	vand.u32 $0x7FFFFC00, v49;
	v51 =	vld [tilespmem:s9+$0x450];
	v14 =	vsub.f32 v53, v57;
	v59 =	vsub.f32 $4.000000060e-01, v57  }
0x295: {  	v20 =	vor.u32 v23, v20;
	(erf) = vrcp.f32 v15;
	v15 =	vand.u32 $0x7FFFFFFF, v24;
	v24 =	vld [tilespmem:s9+$0x4D0]  }
0x296: {  	v13 =	vsub.f32 v13, v57;
	v14 =	vmul.f32 $1.442695020e+00, v14;
	v61 =	vmul.f32 $1.442695020e+00, v59;
	v59 =	vld [tilespmem:s9+$0x4C50]  }
0x297: {  	vm0 =	vmand vm7, vm0;
	v20 =	vadd.s32 $0x2580, v20;
	vm2 =	vgt.f32 v15, $5.000000000e-01  }
0x298: {  	v13 =	vmul.f32 $1.442695020e+00, v13;
	(erf) = vpow2.f32 v14;
	vm0 =	vmand vm2, vm0  }
0x299: {  	vm1 =	vmand vm2, vm1;
	(erf) = vpow2.f32 v61;
	v34 =	vsel vm0, $0x3F570A3D, v1  }
0x29a: {  	(erf) = vpow2.f32 v13;
	v13 =	vsub.f32 v63, v25;
	v57 =	vsub.f32 v24, v51  }
0x29b: {  	v36 =	vsel vm1, $0x3F570A3D, v1;
	v60 =	vsub.f32 v59, v26;
	v62 =	vsub.f32 v24, v26  }
0x29c: {  	v28 =	vld [tilespmem:s9+$0x2A40];
	v59 =	vadd.s32 s2, v0;
	vm12 =	vgt.f32 v13, $0.0e+00;
	vm13 =	vlt.f32 v13, $0.0e+00  }
0x29d: {  	v30 =	vld [tilespmem:s9+$0x2B40];
	vm14 =	vmand vm3, vm12;
	vm15 =	vmand vm4, vm13;
	vm3 =	vmand vm3, vm13  }
0x29e: {  	v55 =	vld [tilespmem:s9+$0x28D0];
	vm4 =	vmand vm4, vm12;
	vm12 =	vlt.f32 v27, $0.0e+00;
	vm13 =	vgt.f32 v29, v16  }
0x29f: {  	v58 =	vld.idx.msk [tilespmem:v20+s4+$0x0], $0xffff;
	v20 =	vmul.f32 $2.000000030e-01, v60;
	vm5 =	vmor vm14, vm15;
	vm2 =	vmor vm3, vm4  }
0x2a0: {  	vm3 =	vgt.f32 v27, $0.0e+00;
	vm7 =	vmand vm12, vm13;
	vm14 =	vgt.f32 v29, v32  }
0x2a1: {  	vm15 =	vlt.f32 v29, v32;
	vm13 =	vgt.f32 v28, $1.000000010e-01;
	vm4 =	vmand vm3, vm11  }
0x2a2: {  	vm3 =	vmand vm3, vm14;
	vm6 =	vmand vm12, vm15;
	vm12 =	vlt.f32 v30, $-1.000000010e-01  }
0x2a3: {  	vm15 =	vlt.f32 v31, $2.000000030e-01;
	vm9 =	vmand vm13, vm5;
	vm8 =	vmand vm8, vm2  }
0x2a4: {  	vm11 =	vlt.f32 v55, $0.0e+00;
	vm4 =	vmor vm4, vm7;
	vm6 =	vmor vm3, vm6  }
0x2a5: {  	vm7 =	vmand vm15, vm5;
	v35 =	vsel vm9, $0x3F866666, v1;
	vm14 =	vmor vm12, vm4  }
0x2a6: {  	vm3 =	vmand vm5, vm4;
	vm4 =	vmand vm12, vm4;
	vm10 =	vmand vm13, vm14  }
0x2a7: {  	v37 =	vsel vm8, $0x3F333333, v1;
	vm4 =	vmor vm4, vm10;
	vm10 =	vlt.f32 v28, $-1.000000010e-01  }
0x2a8: {  	v14 =	vadd.f32 v35, v34;
	v38 =	vsel vm7, $0x3F333333, v1;
	vm12 =	vmand vm10, vm2  }
0x2a9: {  	vm13 =	vmand vm2, vm6;
	vm14 =	vgt.f32 v30, $1.000000010e-01;
	v33 =	vsel vm12, $0x3F866666, v1  }
0x2aa: {  	v56 =	vld [tilespmem:s9+$0x29D0];
	vm15 =	vmor vm14, vm6;
	vm4 =	vmand vm5, vm4;
	v13 =	vadd.f32 v33, v36  }
0x2ab: {  	v53 =	vld [tilespmem:s9+$0x2850];
	vm9 =	vmand vm10, vm15;
	vm4 =	vmand vm0, vm4;
	vm0 =	vmand vm14, vm6  }
0x2ac: {  	v25 =	vld [tilespmem:s9+$0x2950];
	v14 =	vadd.f32 v14, v38;
	vm0 =	vmor vm0, vm9;
	v13 =	vadd.f32 v13, v37  }
0x2ad: {  	v40 =	vsel vm3, $0x3F570A3D, v1;
	v39 =	vsel vm13, $0x3F570A3D, v1;
	vm0 =	vmand vm2, vm0  }
0x2ae: {  	v14 =	vadd.f32 v40, v14;
	vm0 =	vmand vm1, vm0;
	v13 =	vadd.f32 v39, v13  }
0x2af: {  	vm8 =	vlt.f32 v24, v51;
	v42 =	vsel vm4, $0x3FB851EC, v1;
	v41 =	vsel vm0, $0x3FB851EC, v1  }
0x2b0: {  	vm7 =	vgt.f32 v55, $0.0e+00;
	v43 =	vadd.f32 v42, v14;
	v13 =	vadd.f32 v41, v13  }
0x2b1: {  	vm3 =	vgt.f32 v56, $0.0e+00;
	vm5 =	vgt.f32 v25, $0.0e+00;
	vm10 =	vlt.f32 v53, $0.0e+00  }
0x2b2: {  	vm6 =	vgt.f32 v53, $0.0e+00;
	v45 =	vadd.f32 v43, v43;
	v44 =	vadd.f32 v13, v13  }
0x2b3: {  	s12 =	sadd.s32 $0xFFFFFFF0, s2;
	vm4 =	vgt.f32 v24, v51;
	vm9 =	vlt.f32 v25, $0.0e+00;
	v25 =	vmul.f32 $8.000000110e-01, v60;
	v14 =	vpop (erf)  }
0x2b4: {  	v36 =	vadd.s32 s12, v0;
	v15 =	vpop (erf);
	v17 =	vadd.f32 $8.000000110e-01, v45;
	v46 =	vadd.f32 $8.000000110e-01, v44  }
0x2b5: {  	v21 =	vand.u32 $0x7F, v36;
	vm1 =	vmand vm8, vm9;
	vm0 =	vmand vm4, vm5;
	v13 =	vpop (erf)  }
0x2b6: {  	vm1 =	vmand vm10, vm1;
	v48 =	vadd.f32 v13, v15;
	v50 =	vmax.f32 v46, v17  }
0x2b7: {  	vm4 =	vlt.f32 v56, $0.0e+00;
	vm0 =	vmand vm6, vm0;
	v16 =	vpop (erf);
	v18 =	vsub.f32 v46, v50  }
0x2b8: {  	vm1 =	vmand vm11, vm1;
	v19 =	vadd.f32 v48, v16;
	v52 =	vsub.f32 $4.000000060e-01, v50  }
0x2b9: {  	v24 =	vld [tilespmem:s9+$0x2AD0];
	vm11 =	vlt.f32 v62, v20;
	v17 =	vsub.f32 v17, v50;
	v18 =	vmul.f32 $1.442695020e+00, v18  }
0x2ba: {  	v39 =	vshll.u32 v36, $0x3;
	(erf) = vrcp.f32 v19;
	v54 =	vmul.f32 $1.442695020e+00, v52  }
0x2bb: {  	v17 =	vmul.f32 $1.442695020e+00, v17;
	v19 =	vand.u32 $0x7FFFFFFF, v57;
	(erf) = vpow2.f32 v18  }
0x2bc: {  	vm0 =	vmand vm7, vm0;
	vm2 =	vgt.f32 v19, $5.000000000e-01;
	(erf) = vpow2.f32 v54  }
0x2bd: {  	vm0 =	vmand vm2, vm0;
	(erf) = vpow2.f32 v17;
	v17 =	vsub.f32 v56, v58  }
0x2be: {  	vm8 =	vgt.f32 v24, $8.000000110e-01;
	vm1 =	vmand vm2, vm1;
	v27 =	vsel vm0, $0x3F570A3D, v1  }
0x2bf: {  	v61 =	vld [tilespmem:s9+$0x2A50];
	v29 =	vsel vm1, $0x3F570A3D, v1;
	vm12 =	vgt.f32 v17, $0.0e+00;
	vm13 =	vlt.f32 v17, $0.0e+00  }
0x2c0: {  	v63 =	vld [tilespmem:s9+$0x2B50];
	vm14 =	vmand vm3, vm12;
	vm15 =	vmand vm4, vm13;
	vm3 =	vmand vm3, vm13  }
0x2c1: {  	vm4 =	vmand vm4, vm12;
	vm12 =	vlt.f32 v60, $0.0e+00;
	vm13 =	vgt.f32 v62, v20  }
0x2c2: {  	vm5 =	vmor vm14, vm15;
	vm2 =	vmor vm3, vm4;
	vm3 =	vgt.f32 v60, $0.0e+00  }
0x2c3: {  	vm7 =	vmand vm12, vm13;
	vm14 =	vgt.f32 v62, v25;
	vm15 =	vlt.f32 v62, v25  }
0x2c4: {  	vm13 =	vgt.f32 v61, $1.000000010e-01;
	vm4 =	vmand vm3, vm11;
	vm3 =	vmand vm3, vm14  }
0x2c5: {  	vm6 =	vmand vm12, vm15;
	vm12 =	vlt.f32 v63, $-1.000000010e-01;
	vm15 =	vlt.f32 v24, $2.000000030e-01  }
0x2c6: {  	vm9 =	vmand vm13, vm5;
	vm8 =	vmand vm8, vm2;
	vm4 =	vmor vm4, vm7  }
0x2c7: {  	v43 =	vld [tilespmem:s9+$0x29E0];
	vm6 =	vmor vm3, vm6;
	vm7 =	vmand vm15, vm5;
	v28 =	vsel vm9, $0x3F866666, v1  }
0x2c8: {  	v30 =	vsel vm8, $0x3F333333, v1;
	vm3 =	vmand vm5, vm4;
	vm14 =	vmor vm12, vm4  }
0x2c9: {  	vm4 =	vmand vm12, vm4;
	v18 =	vadd.f32 v28, v27;
	v31 =	vsel vm7, $0x3F333333, v1  }
0x2ca: {  	vm10 =	vmand vm13, vm14;
	vm13 =	vmand vm2, vm6;
	vm14 =	vgt.f32 v63, $1.000000010e-01  }
0x2cb: {  	v33 =	vsel vm3, $0x3F570A3D, v1;
	vm4 =	vmor vm4, vm10;
	vm10 =	vlt.f32 v61, $-1.000000010e-01  }
0x2cc: {  	vm3 =	vgt.f32 v43, $0.0e+00;
	v18 =	vadd.f32 v18, v31;
	vm12 =	vmand vm10, vm2  }
0x2cd: {  	v40 =	vld [tilespmem:s9+$0x460];
	vm15 =	vmor vm14, vm6;
	vm4 =	vmand vm5, vm4;
	v26 =	vsel vm12, $0x3F866666, v1  }
0x2ce: {  	v27 =	vld [tilespmem:s9+$0x4E0];
	vm4 =	vmand vm0, vm4;
	v18 =	vadd.f32 v33, v18;
	v17 =	vadd.f32 v26, v29  }
0x2cf: {  	vm9 =	vmand vm10, vm15;
	vm0 =	vmand vm14, vm6;
	v35 =	vsel vm4, $0x3FB851EC, v1  }
0x2d0: {  	v28 =	vld [tilespmem:s9+$0x2960];
	vm0 =	vmor vm0, vm9;
	v18 =	vadd.f32 v35, v18;
	v17 =	vadd.f32 v17, v30  }
0x2d1: {  	v32 =	vsel vm13, $0x3F570A3D, v1;
	v61 =	vshll.u32 v59, $0x3;
	vm0 =	vmand vm2, vm0  }
0x2d2: {  	v33 =	vld [tilespmem:s9+$0x4CE0];
	vm0 =	vmand vm1, vm0;
	v20 =	vadd.f32 v18, v18;
	v17 =	vadd.f32 v32, v17  }
0x2d3: {  	v29 =	vld [tilespmem:s9+$0x2860];
	v44 =	vsub.f32 v27, v40;
	vm4 =	vgt.f32 v27, v40;
	v34 =	vsel vm0, $0x3FB851EC, v1  }
0x2d4: {  	v30 =	vld [tilespmem:s9+$0x28E0];
	v38 =	vadd.f32 $8.000000110e-01, v20;
	v20 =	vand.u32 $0x7FFFFC00, v39;
	v17 =	vadd.f32 v34, v17  }
0x2d5: {  	vm5 =	vgt.f32 v28, $0.0e+00;
	vm8 =	vlt.f32 v27, v40;
	v32 =	vld [tilespmem:s9+$0x4C60];
	v21 =	vor.u32 v21, v20  }
0x2d6: {  	vm9 =	vlt.f32 v28, $0.0e+00;
	v21 =	vadd.s32 $0x2580, v21;
	v19 =	vadd.f32 v17, v17  }
0x2d7: {  	vm1 =	vmand vm8, vm9;
	vm0 =	vmand vm4, vm5;
	vm4 =	vlt.f32 v43, $0.0e+00  }
0x2d8: {  	v47 =	vsub.f32 v27, v33;
	v27 =	vand.u32 $0x7F, v59;
	v18 =	vpop (erf);
	vm6 =	vgt.f32 v29, $0.0e+00  }
0x2d9: {  	vm10 =	vlt.f32 v29, $0.0e+00;
	vm0 =	vmand vm6, vm0;
	v17 =	vpop (erf);
	v37 =	vadd.f32 $8.000000110e-01, v19  }
0x2da: {  	vm1 =	vmand vm10, vm1;
	vm7 =	vgt.f32 v30, $0.0e+00;
	v45 =	vsub.f32 v32, v33;
	v19 =	vpop (erf)  }
0x2db: {  	vm11 =	vlt.f32 v30, $0.0e+00;
	v42 =	vmax.f32 v37, v38;
	v21 =	vld.idx.msk [tilespmem:v21+s4+$0x0], $0xffff;
	v41 =	vadd.f32 v19, v17  }
0x2dc: {  	vm0 =	vmand vm7, vm0;
	v48 =	vmul.f32 $2.000000030e-01, v45;
	v20 =	vpop (erf);
	v22 =	vsub.f32 v37, v42  }
0x2dd: {  	vm1 =	vmand vm11, vm1;
	v31 =	vsub.f32 $4.000000060e-01, v42;
	v25 =	vadd.f32 v41, v20  }
0x2de: {  	v51 =	vmul.f32 $8.000000110e-01, v45;
	vm11 =	vlt.f32 v47, v48;
	v22 =	vmul.f32 $1.442695020e+00, v22  }
0x2df: {  	v53 =	vsub.f32 v38, v42;
	v52 =	vmul.f32 $1.442695020e+00, v31;
	(erf) = vrcp.f32 v25  }
0x2e0: {  	v25 =	vand.u32 $0x7FFFFFFF, v44;
	v21 =	vsub.f32 v43, v21;
	(erf) = vpow2.f32 v22  }
0x2e1: {  	vm2 =	vgt.f32 v25, $5.000000000e-01;
	v25 =	vand.u32 $0x7FFFFC00, v61;
	v22 =	vmul.f32 $1.442695020e+00, v53  }
0x2e2: {  	v50 =	vld [tilespmem:s9+$0x2AE0];
	vm0 =	vmand vm2, vm0;
	vm12 =	vgt.f32 v21, $0.0e+00;
	vm13 =	vlt.f32 v21, $0.0e+00  }
0x2e3: {  	v63 =	vld [tilespmem:s9+$0x470];
	vm2 =	vmand vm2, vm1;
	vm1 =	vgt.f32 v45, $0.0e+00;
	v25 =	vor.u32 v27, v25  }
0x2e4: {  	v39 =	vld [tilespmem:s9+$0x2970];
	(erf) = vpow2.f32 v52;
	vm14 =	vmand vm3, vm12;
	vm15 =	vmand vm4, vm13  }
0x2e5: {  	v37 =	vld [tilespmem:s9+$0x4F0];
	vm3 =	vmand vm3, vm13;
	vm4 =	vmand vm4, vm12;
	vm12 =	vlt.f32 v45, $0.0e+00  }
0x2e6: {  	v49 =	vld [tilespmem:s9+$0x2B60];
	vm13 =	vgt.f32 v47, v48;
	v54 =	vsel vm2, $0x3F570A3D, v1;
	v57 =	vsel vm0, $0x3F570A3D, v1  }
0x2e7: {  	v46 =	vld [tilespmem:s9+$0x2A60];
	v25 =	vadd.s32 $0x2580, v25;
	(erf) = vpow2.f32 v22;
	vm5 =	vmor vm14, vm15  }
0x2e8: {  	vm3 =	vmor vm3, vm4;
	vm4 =	vmand vm1, vm11;
	vm7 =	vmand vm12, vm13  }
0x2e9: {  	vm14 =	vgt.f32 v47, v51;
	vm15 =	vlt.f32 v47, v51;
	vm13 =	vlt.f32 v50, $2.000000030e-01  }
0x2ea: {  	v41 =	vld [tilespmem:s9+$0x2870];
	v47 =	vsub.f32 v37, v63;
	vm11 =	vlt.f32 v39, $0.0e+00;
	vm4 =	vmor vm4, vm7  }
0x2eb: {  	vm1 =	vmand vm1, vm14;
	vm6 =	vmand vm12, vm15;
	vm12 =	vlt.f32 v49, $-1.000000010e-01  }
0x2ec: {  	v43 =	vld [tilespmem:s9+$0x28F0];
	vm14 =	vgt.f32 v46, $1.000000010e-01;
	vm8 =	vmand vm13, vm5;
	vm13 =	vgt.f32 v49, $1.000000010e-01  }
0x2ed: {  	vm6 =	vmor vm1, vm6;
	vm1 =	vmand vm5, vm4;
	vm15 =	vmor vm12, vm4  }
0x2ee: {  	vm4 =	vmand vm12, vm4;
	vm12 =	vlt.f32 v46, $-1.000000010e-01;
	vm9 =	vmand vm14, vm5  }
0x2ef: {  	v62 =	vsel vm8, $0x3F333333, v1;
	vm8 =	vgt.f32 v41, $0.0e+00;
	vm10 =	vmand vm14, vm15  }
0x2f0: {  	vm14 =	vmor vm13, vm6;
	vm15 =	vgt.f32 v50, $8.000000110e-01;
	vm7 =	vmand vm12, vm3  }
0x2f1: {  	v48 =	vld [tilespmem:s9+$0x4C70];
	v58 =	vsel vm9, $0x3F866666, v1;
	v38 =	vsel vm1, $0x3F570A3D, v1;
	vm9 =	vgt.f32 v43, $0.0e+00  }
0x2f2: {  	v49 =	vld [tilespmem:s9+$0x4CF0];
	vm4 =	vmor vm4, vm10;
	vm10 =	vmand vm13, vm6;
	vm6 =	vmand vm3, vm6  }
0x2f3: {  	v55 =	vsel vm7, $0x3F866666, v1;
	v60 =	vadd.f32 v58, v57;
	vm7 =	vgt.f32 v39, $0.0e+00  }
0x2f4: {  	vm13 =	vlt.f32 v43, $0.0e+00;
	vm4 =	vmand vm5, vm4;
	vm5 =	vmand vm12, vm14  }
0x2f5: {  	v46 =	vld [tilespmem:s9+$0x29F0];
	v23 =	vadd.f32 v55, v54;
	v36 =	vsel vm6, $0x3F570A3D, v1;
	vm6 =	vgt.f32 v37, v63  }
0x2f6: {  	vm12 =	vlt.f32 v41, $0.0e+00;
	vm5 =	vmor vm10, vm5;
	vm10 =	vmand vm15, vm3  }
0x2f7: {  	v24 =	vadd.f32 v60, v62;
	vm0 =	vmand vm0, vm4;
	v51 =	vsub.f32 v48, v49  }
0x2f8: {  	v25 =	vld.idx.msk [tilespmem:v25+s4+$0x0], $0xffff;
	v53 =	vsub.f32 v37, v49;
	vm3 =	vmand vm3, vm5;
	v56 =	vsel vm10, $0x3F333333, v1  }
0x2f9: {  	v42 =	vsel vm0, $0x3FB851EC, v1;
	vm0 =	vmand vm6, vm7;
	vm10 =	vlt.f32 v37, v63  }
0x2fa: {  	vm4 =	vlt.f32 v46, $0.0e+00;
	vm2 =	vmand vm2, vm3;
	v23 =	vadd.f32 v23, v56  }
0x2fb: {  	v24 =	vadd.f32 v38, v24;
	vm0 =	vmand vm8, vm0;
	vm1 =	vmand vm10, vm11  }
0x2fc: {  	vm3 =	vgt.f32 v46, $0.0e+00;
	v54 =	vmul.f32 $2.000000030e-01, v51;
	v57 =	vmul.f32 $8.000000110e-01, v51  }
0x2fd: {  	v40 =	vsel vm2, $0x3FB851EC, v1;
	vm0 =	vmand vm9, vm0;
	v50 =	vsub.f32 v46, v25  }
0x2fe: {  	vm1 =	vmand vm12, vm1;
	v23 =	vadd.f32 v36, v23;
	v44 =	vadd.f32 v42, v24  }
0x2ff: {  	v24 =	vand.u32 $0x7FFFFFFF, v47;
	vm1 =	vmand vm13, vm1;
	vm11 =	vgt.f32 v53, v54  }
0x300: {  	vm2 =	vgt.f32 v24, $5.000000000e-01;
	vm14 =	vgt.f32 v50, $0.0e+00;
	vm15 =	vlt.f32 v50, $0.0e+00  }
0x301: {  	v23 =	vadd.f32 v40, v23;
	v21 =	vadd.f32 v44, v44;
	vm0 =	vmand vm2, vm0  }
0x302: {  	v52 =	vld [tilespmem:s9+$0x2A70];
	vm12 =	vmand vm3, vm14;
	vm13 =	vmand vm4, vm15;
	vm3 =	vmand vm3, vm15  }
0x303: {  	v55 =	vld [tilespmem:s9+$0x2B70];
	vm4 =	vmand vm4, vm14;
	vm1 =	vmand vm2, vm1;
	vm2 =	vgt.f32 v51, $0.0e+00  }
0x304: {  	v56 =	vld [tilespmem:s9+$0x2AF0];
	vm14 =	vlt.f32 v53, v54;
	vm15 =	vlt.f32 v51, $0.0e+00;
	vm5 =	vmor vm12, vm13  }
0x305: {  	vm3 =	vmor vm3, vm4;
	vm4 =	vmand vm2, vm14;
	vm7 =	vmand vm15, vm11  }
0x306: {  	vm12 =	vgt.f32 v53, v57;
	vm13 =	vlt.f32 v53, v57;
	v61 =	vsel vm0, $0x3F570A3D, v1  }
0x307: {  	v37 =	vsel vm1, $0x3F570A3D, v1;
	v45 =	vadd.f32 v23, v23;
	vm7 =	vmor vm4, vm7  }
0x308: {  	vm2 =	vmand vm2, vm12;
	vm14 =	vmand vm15, vm13;
	vm15 =	vlt.f32 v55, $-1.000000010e-01  }
0x309: {  	vm12 =	vlt.f32 v56, $2.000000030e-01;
	vm13 =	vgt.f32 v52, $1.000000010e-01;
	v21 =	vadd.f32 $8.000000110e-01, v21  }
0x30a: {  	vm6 =	vmor vm2, vm14;
	vm2 =	vmand vm5, vm7;
	vm14 =	vmor vm15, vm7  }
0x30b: {  	vm4 =	vmand vm12, vm5;
	vm7 =	vmand vm15, vm7;
	vm15 =	vlt.f32 v52, $-1.000000010e-01  }
0x30c: {  	vm12 =	vgt.f32 v55, $1.000000010e-01;
	vm9 =	vmand vm13, vm5;
	vm10 =	vmand vm13, vm14  }
0x30d: {  	vm13 =	vmor vm12, vm6;
	v22 =	vadd.f32 $8.000000110e-01, v45;
	vm14 =	vgt.f32 v56, $8.000000110e-01  }
0x30e: {  	v23 =	vpop (erf);
	vm8 =	vmand vm15, vm3;
	v63 =	vsel vm9, $0x3F866666, v1;
	v41 =	vsel vm4, $0x3F333333, v1  }
0x30f: {  	v44 =	vsel vm2, $0x3F570A3D, v1;
	vm7 =	vmor vm7, vm10;
	v24 =	vpop (erf);
	vm10 =	vmand vm12, vm6  }
0x310: {  	vm6 =	vmand vm3, vm6;
	v60 =	vsel vm8, $0x3F866666, v1;
	v39 =	vadd.f32 v63, v61;
	v25 =	vpop (erf)  }
0x311: {  	vm5 =	vmand vm5, vm7;
	v59 =	vmax.f32 v22, v21;
	v58 =	vadd.f32 v25, v24  }
0x312: {  	vm7 =	vmand vm15, vm13;
	v38 =	vadd.f32 v60, v37;
	v27 =	vpop (erf);
	v22 =	vsub.f32 v22, v59  }
0x313: {  	vm7 =	vmor vm10, vm7;
	v62 =	vsub.f32 $4.000000060e-01, v59;
	v26 =	vadd.f32 v58, v27  }
0x314: {  	vm10 =	vmand vm14, vm3;
	v21 =	vsub.f32 v21, v59;
	v22 =	vmul.f32 $1.442695020e+00, v22  }
0x315: {  	v42 =	vadd.f32 v39, v41;
	v36 =	vmul.f32 $1.442695020e+00, v62;
	(erf) = vrcp.f32 v26  }
0x316: {  	vm3 =	vmand vm3, vm7;
	v40 =	vsel vm10, $0x3F333333, v1;
	(erf) = vpow2.f32 v22  }
0x317: {  	v21 =	vmul.f32 $1.442695020e+00, v21;
	v22 =	vadd.f32 v38, v40;
	(erf) = vpow2.f32 v36  }
0x318: {  	v43 =	vsel vm6, $0x3F570A3D, v1;
	vm5 =	vmand vm0, vm5;
	vm15 =	vmand vm1, vm3  }
0x319: {  	v46 =	vadd.f32 v44, v42;
	(erf) = vpow2.f32 v21;
	v45 =	vadd.f32 v43, v22  }
0x31a: {  	v48 =	vsel vm5, $0x3FB851EC, v1;
	v47 =	vsel vm15, $0x3FB851EC, v1  }
0x31b: {  	v22 =	vadd.f32 v48, v46;
	v21 =	vadd.f32 v47, v45;
	_ =	sdelay $0x1  }
0x31c: {  	v22 =	vadd.f32 v22, v22;
	v21 =	vadd.f32 v21, v21  }
0x31d: {  	v49 =	vpop (erf)  }
0x31e: {  	v22 =	vadd.f32 $8.000000110e-01, v22;
	v21 =	vadd.f32 $8.000000110e-01, v21;
	v50 =	vpop (erf)  }
0x31f: {  	v51 =	vpop (erf)  }
0x320: {  	v53 =	vmax.f32 v21, v22;
	v52 =	vadd.f32 v51, v50  }
0x321: {  	v54 =	vpop (erf);
	v21 =	vsub.f32 v21, v53  }
0x322: {  	v55 =	vsub.f32 $4.000000060e-01, v53;
	v30 =	vadd.f32 v52, v54  }
0x323: {  	v21 =	vmul.f32 $1.442695020e+00, v21  }
0x324: {  	v22 =	vsub.f32 v22, v53;
	v56 =	vmul.f32 $1.442695020e+00, v55;
	(erf) = vrcp.f32 v30  }
0x325: {  	(erf) = vpow2.f32 v21  }
0x326: {  	v57 =	vmul.f32 $1.442695020e+00, v22;
	(erf) = vpow2.f32 v56;
	_ =	sdelay $0x1  }
0x327: {  	(erf) = vpow2.f32 v57  }
0x328: {  	v2 =	vmul.f32 v5, v2  }
0x329: {  	v3 =	vmul.f32 v5, v3  }
0x32a: {  	[tilespmem:s6+$0xFFFFFF40] =	vst v2;
	v2 =	vmul.f32 v5, v4  }
0x32b: {  	[tilespmem:s6+$0xFFFFFFC0] =	vst v3;
	v3 =	vmul.f32 v9, v7  }
0x32c: {  	[tilespmem:s6+$0x40] =	vst v2;
	v2 =	vmul.f32 v9, v6;
	v58 =	vpop (erf)  }
0x32d: {  	[tilespmem:s6+$0xFFFFFF50] =	vst v3;
	v3 =	vmul.f32 v9, v8;
	v59 =	vpop (erf)  }
0x32e: {  	[tilespmem:s6+$0xFFFFFFD0] =	vst v2;
	v2 =	vmul.f32 v14, v10;
	v60 =	vpop (erf)  }
0x32f: {  	[tilespmem:s6+$0x50] =	vst v3;
	v3 =	vmul.f32 v14, v11;
	v61 =	vadd.f32 v60, v59  }
0x330: {  	[tilespmem:s6+$0xFFFFFF60] =	vst v2;
	v2 =	vmul.f32 v14, v12;
	v62 =	vpop (erf)  }
0x331: {  	[tilespmem:s6+$0xFFFFFFE0] =	vst v3;
	v3 =	vmul.f32 v18, v15;
	v7 =	vadd.f32 v61, v62  }
0x332: {  	[tilespmem:s6+$0x60] =	vst v2;
	v2 =	vmul.f32 v18, v13  }
0x333: {  	[tilespmem:s6+$0xFFFFFF70] =	vst v3;
	v3 =	vmul.f32 v18, v16;
	(erf) = vrcp.f32 v7  }
0x334: {  	[tilespmem:s6+$0xFFFFFFF0] =	vst v2;
	v2 =	vmul.f32 v23, v17  }
0x335: {  	[tilespmem:s6+$0x70] =	vst v3;
	v3 =	vmul.f32 v23, v19  }
0x336: {  	[tilespmem:s6+$0xFFFFFF80] =	vst v2;
	v2 =	vmul.f32 v23, v20  }
0x337: {  	[tilespmem:s6+$0x0] =	vst v3;
	v3 =	vmul.f32 v49, v24  }
0x338: {  	[tilespmem:s6+$0x80] =	vst v2;
	v2 =	vmul.f32 v49, v25  }
0x339: {  	[tilespmem:s6+$0xFFFFFF90] =	vst v3;
	v3 =	vmul.f32 v49, v27  }
0x33a: {  	[tilespmem:s6+$0x10] =	vst v2;
	v2 =	vmul.f32 v58, v50  }
0x33b: {  	s24 =	sadd.s32 $0x8, s24;
	[tilespmem:s6+$0x90] =	vst v3;
	v3 =	vmul.f32 v58, v51  }
0x33c: {  	p1 =	slt.u32 s24, $0x38;
	[tilespmem:s6+$0xFFFFFFA0] =	vst v2;
	v2 =	vmul.f32 v58, v54;
	v63 =	vpop (erf)  }
.Ltmp0:
0x33d: {  	[tilespmem:s6+$0x20] =	vst v3;
	v3 =	vmul.f32 v63, v59;
	(pc) =	sbr.rel @p1 .LBB2_3-.Ltmp0, $4  }
0x33e: {  	[tilespmem:s6+$0xA0] =	vst v2;
	v2 =	vmul.f32 v63, v60  }
0x33f: {  	[tilespmem:s6+$0xFFFFFFB0] =	vst v3;
	v3 =	vmul.f32 v63, v62  }
0x340: {  	[tilespmem:s6+$0x30] =	vst v2  }
0x341: {  	s7 =	sadd.s32 $0x1000, s7;
	s2 =	sadd.s32 $0x80, s2;
	[tilespmem:s6+$0xB0] =	vst v3;
	s6 =	sadd.s32 $0x200, s6  }
0x342: {  	p1 =	seq.s32 s22, $0xF  }
.Ltmp1:
0x343: {  	s2 =	sshll.u32 s22, $0xD;
	(pc) =	sbr.rel @p1 .LBB2_6-.Ltmp1, $4  }
0x344: {  	s2 =	sadd.s32 s29, s2  }
0x345: {  	s2 =	sshrl.u32 s2, $0x3  }
0x346: {  	s6 =	simm.s32 $0xD800;
	s2 =	sadd.s32 s3, s2  }
0x347: {  	[hbm4b:s2+s4] =	stream.linear.scatter [tilespmem:s6], [sflag:$0x5], $0x1000, $0x38;
	[tilespmem:$0xF800] =	vst v63  }
0x348: {  	s2 =	rddreg [dreg:$0x10]  }
0x349: {  	s2 =	sadd.s32 s28, s2  }
0x34a: {  	s7 =	simm.s32 $0x2580;
	s6 =	sadd.s32 s2, s0  }
0x34b: {  	[tilespmem:s7], [sflag:$0x1] =	stream.linear.gather [hbm4b:s6+s4], $0x80, $0x38;
	[tilespmem:$0xF800] =	vst v63  }
0x34c: {  	s9 =	simm.s32 $0x2980;
	s6 =	sadd.s32 s2, s5  }
0x34d: {  	[tilespmem:s9], [sflag:$0x1] =	stream.linear.gather [hbm4b:s6+s4], $0x80, $0x38;
	[tilespmem:$0xF800] =	vst v63  }
0x34e: {  	s12 =	sadd.s32 $0x80, s6;
	s9 =	simm.s32 $0x2D80  }
0x34f: {  	[tilespmem:s9], [sflag:$0x1] =	stream.linear.gather [hbm4b:s12+s4], $0x80, $0x38;
	[tilespmem:$0xF800] =	vst v63  }
0x350: {  	s28 =	simm.s32 $0x3180;
	s24 =	sadd.s32 $0x100, s6  }
0x351: {  	[tilespmem:s28], [sflag:$0x1] =	stream.linear.gather [hbm4b:s24+s4], $0x80, $0x38;
	[tilespmem:$0xF800] =	vst v63  }
0x352: {  	s9 =	sadd.s32 $0x180, s6;
	s12 =	simm.s32 $0x3580  }
0x353: {  	[tilespmem:s12], [sflag:$0x1] =	stream.linear.gather [hbm4b:s9+s4], $0x80, $0x38;
	[tilespmem:$0xF800] =	vst v63  }
0x354: {  	s24 =	sadd.s32 $0x200, s6;
	s28 =	simm.s32 $0x3980  }
0x355: {  	[tilespmem:s28], [sflag:$0x1] =	stream.linear.gather [hbm4b:s24+s4], $0x80, $0x38;
	[tilespmem:$0xF800] =	vst v63  }
0x356: {  	s9 =	sadd.s32 $0x280, s6;
	s12 =	simm.s32 $0x3D80  }
0x357: {  	[tilespmem:s12], [sflag:$0x1] =	stream.linear.gather [hbm4b:s9+s4], $0x80, $0x38;
	[tilespmem:$0xF800] =	vst v63  }
0x358: {  	s24 =	sadd.s32 $0x300, s6;
	s28 =	simm.s32 $0x4180  }
0x359: {  	[tilespmem:s28], [sflag:$0x1] =	stream.linear.gather [hbm4b:s24+s4], $0x80, $0x38;
	[tilespmem:$0xF800] =	vst v63  }
0x35a: {  	s6 =	sadd.s32 $0x380, s6;
	s9 =	simm.s32 $0x4580  }
0x35b: {  	[tilespmem:s9], [sflag:$0x1] =	stream.linear.gather [hbm4b:s6+s4], $0x80, $0x38;
	[tilespmem:$0xF800] =	vst v63  }
0x35c: {  	s12 =	simm.s32 $0x400;
	s6 =	sadd.s32 s1, s2  }
0x35d: {  	[tilespmem:s12], [sflag:$0x2] =	stream.linear.gather [hbm4b:s6+s4], $0x80, $0x38;
	[tilespmem:$0xF800] =	vst v63  }
0x35e: {  	s28 =	simm.s32 $0x800;
	s24 =	sadd.s32 $0x80, s6  }
0x35f: {  	[tilespmem:s28], [sflag:$0x2] =	stream.linear.gather [hbm4b:s24+s4], $0x80, $0x38;
	[tilespmem:$0xF800] =	vst v63  }
0x360: {  	s9 =	sadd.s32 $0x100, s6;
	s12 =	simm.s32 $0xC00  }
0x361: {  	[tilespmem:s12], [sflag:$0x2] =	stream.linear.gather [hbm4b:s9+s4], $0x80, $0x38;
	[tilespmem:$0xF800] =	vst v63  }
0x362: {  	s24 =	sadd.s32 $0x180, s6;
	s28 =	simm.s32 $0x1000  }
0x363: {  	[tilespmem:s28], [sflag:$0x2] =	stream.linear.gather [hbm4b:s24+s4], $0x80, $0x38;
	[tilespmem:$0xF800] =	vst v63  }
0x364: {  	s9 =	sadd.s32 $0x200, s6;
	s12 =	simm.s32 $0x1400  }
0x365: {  	[tilespmem:s12], [sflag:$0x2] =	stream.linear.gather [hbm4b:s9+s4], $0x80, $0x38;
	[tilespmem:$0xF800] =	vst v63  }
0x366: {  	s24 =	sadd.s32 $0x280, s6;
	s28 =	simm.s32 $0x1800  }
0x367: {  	[tilespmem:s28], [sflag:$0x2] =	stream.linear.gather [hbm4b:s24+s4], $0x80, $0x38;
	[tilespmem:$0xF800] =	vst v63  }
0x368: {  	s9 =	sadd.s32 $0x300, s6;
	s12 =	simm.s32 $0x1C00  }
0x369: {  	[tilespmem:s12], [sflag:$0x2] =	stream.linear.gather [hbm4b:s9+s4], $0x80, $0x38;
	[tilespmem:$0xF800] =	vst v63  }
0x36a: {  	s6 =	sadd.s32 $0x380, s6;
	s24 =	simm.s32 $0x2000  }
0x36b: {  	[tilespmem:s24], [sflag:$0x2] =	stream.linear.gather [hbm4b:s6+s4], $0x80, $0x38;
	[tilespmem:$0xF800] =	vst v63  }
0x36c: {  	s28 =	simm.s32 $0x480;
	s6 =	sadd.s32 s2, s8  }
0x36d: {  	[tilespmem:s28], [sflag:$0x2] =	stream.linear.gather [hbm4b:s6+s4], $0x80, $0x38;
	[tilespmem:$0xF800] =	vst v63  }
0x36e: {  	s12 =	simm.s32 $0x880;
	s9 =	sadd.s32 $0x80, s6  }
0x36f: {  	[tilespmem:s12], [sflag:$0x2] =	stream.linear.gather [hbm4b:s9+s4], $0x80, $0x38;
	[tilespmem:$0xF800] =	vst v63  }
0x370: {  	s24 =	sadd.s32 $0x100, s6;
	s28 =	simm.s32 $0xC80  }
0x371: {  	[tilespmem:s28], [sflag:$0x2] =	stream.linear.gather [hbm4b:s24+s4], $0x80, $0x38;
	[tilespmem:$0xF800] =	vst v63  }
0x372: {  	s9 =	sadd.s32 $0x180, s6;
	s12 =	simm.s32 $0x1080  }
0x373: {  	[tilespmem:s12], [sflag:$0x2] =	stream.linear.gather [hbm4b:s9+s4], $0x80, $0x38;
	[tilespmem:$0xF800] =	vst v63  }
0x374: {  	s24 =	sadd.s32 $0x200, s6;
	s28 =	simm.s32 $0x1480  }
0x375: {  	[tilespmem:s28], [sflag:$0x2] =	stream.linear.gather [hbm4b:s24+s4], $0x80, $0x38;
	[tilespmem:$0xF800] =	vst v63  }
0x376: {  	s9 =	sadd.s32 $0x280, s6;
	s12 =	simm.s32 $0x1880  }
0x377: {  	[tilespmem:s12], [sflag:$0x2] =	stream.linear.gather [hbm4b:s9+s4], $0x80, $0x38;
	[tilespmem:$0xF800] =	vst v63  }
0x378: {  	s24 =	sadd.s32 $0x300, s6;
	s28 =	simm.s32 $0x1C80  }
0x379: {  	[tilespmem:s28], [sflag:$0x2] =	stream.linear.gather [hbm4b:s24+s4], $0x80, $0x38;
	[tilespmem:$0xF800] =	vst v63  }
0x37a: {  	s6 =	sadd.s32 $0x380, s6;
	s9 =	simm.s32 $0x2080  }
0x37b: {  	[tilespmem:s9], [sflag:$0x2] =	stream.linear.gather [hbm4b:s6+s4], $0x80, $0x38;
	[tilespmem:$0xF800] =	vst v63  }
0x37c: {  	s12 =	simm.s32 $0x2800;
	s6 =	sadd.s32 s2, s11  }
0x37d: {  	[tilespmem:s12], [sflag:$0x2] =	stream.linear.gather [hbm4b:s6+s4], $0x80, $0x38;
	[tilespmem:$0xF800] =	vst v63  }
0x37e: {  	s28 =	simm.s32 $0x2C00;
	s24 =	sadd.s32 $0x80, s6  }
0x37f: {  	[tilespmem:s28], [sflag:$0x2] =	stream.linear.gather [hbm4b:s24+s4], $0x80, $0x38;
	[tilespmem:$0xF800] =	vst v63  }
0x380: {  	s9 =	sadd.s32 $0x100, s6;
	s12 =	simm.s32 $0x3000  }
0x381: {  	[tilespmem:s12], [sflag:$0x2] =	stream.linear.gather [hbm4b:s9+s4], $0x80, $0x38;
	[tilespmem:$0xF800] =	vst v63  }
0x382: {  	s24 =	sadd.s32 $0x180, s6;
	s28 =	simm.s32 $0x3400  }
0x383: {  	[tilespmem:s28], [sflag:$0x2] =	stream.linear.gather [hbm4b:s24+s4], $0x80, $0x38;
	[tilespmem:$0xF800] =	vst v63  }
0x384: {  	s9 =	sadd.s32 $0x200, s6;
	s12 =	simm.s32 $0x3800  }
0x385: {  	[tilespmem:s12], [sflag:$0x2] =	stream.linear.gather [hbm4b:s9+s4], $0x80, $0x38;
	[tilespmem:$0xF800] =	vst v63  }
0x386: {  	s24 =	sadd.s32 $0x280, s6;
	s28 =	simm.s32 $0x3C00  }
0x387: {  	[tilespmem:s28], [sflag:$0x2] =	stream.linear.gather [hbm4b:s24+s4], $0x80, $0x38;
	[tilespmem:$0xF800] =	vst v63  }
0x388: {  	s9 =	sadd.s32 $0x300, s6;
	s12 =	simm.s32 $0x4000  }
0x389: {  	[tilespmem:s12], [sflag:$0x2] =	stream.linear.gather [hbm4b:s9+s4], $0x80, $0x38;
	[tilespmem:$0xF800] =	vst v63  }
0x38a: {  	s6 =	sadd.s32 $0x380, s6;
	s24 =	simm.s32 $0x4400  }
0x38b: {  	[tilespmem:s24], [sflag:$0x2] =	stream.linear.gather [hbm4b:s6+s4], $0x80, $0x38;
	[tilespmem:$0xF800] =	vst v63  }
0x38c: {  	s28 =	simm.s32 $0x2880;
	s6 =	sadd.s32 s2, s13  }
0x38d: {  	[tilespmem:s28], [sflag:$0x2] =	stream.linear.gather [hbm4b:s6+s4], $0x80, $0x38;
	[tilespmem:$0xF800] =	vst v63  }
0x38e: {  	s12 =	simm.s32 $0x2C80;
	s9 =	sadd.s32 $0x80, s6  }
0x38f: {  	[tilespmem:s12], [sflag:$0x2] =	stream.linear.gather [hbm4b:s9+s4], $0x80, $0x38;
	[tilespmem:$0xF800] =	vst v63  }
0x390: {  	s24 =	sadd.s32 $0x100, s6;
	s28 =	simm.s32 $0x3080  }
0x391: {  	[tilespmem:s28], [sflag:$0x2] =	stream.linear.gather [hbm4b:s24+s4], $0x80, $0x38;
	[tilespmem:$0xF800] =	vst v63  }
0x392: {  	s9 =	sadd.s32 $0x180, s6;
	s12 =	simm.s32 $0x3480  }
0x393: {  	[tilespmem:s12], [sflag:$0x2] =	stream.linear.gather [hbm4b:s9+s4], $0x80, $0x38;
	[tilespmem:$0xF800] =	vst v63  }
0x394: {  	s24 =	sadd.s32 $0x200, s6;
	s28 =	simm.s32 $0x3880  }
0x395: {  	[tilespmem:s28], [sflag:$0x2] =	stream.linear.gather [hbm4b:s24+s4], $0x80, $0x38;
	[tilespmem:$0xF800] =	vst v63  }
0x396: {  	s9 =	sadd.s32 $0x280, s6;
	s12 =	simm.s32 $0x3C80  }
0x397: {  	[tilespmem:s12], [sflag:$0x2] =	stream.linear.gather [hbm4b:s9+s4], $0x80, $0x38;
	[tilespmem:$0xF800] =	vst v63  }
0x398: {  	s24 =	sadd.s32 $0x300, s6;
	s28 =	simm.s32 $0x4080  }
0x399: {  	[tilespmem:s28], [sflag:$0x2] =	stream.linear.gather [hbm4b:s24+s4], $0x80, $0x38;
	[tilespmem:$0xF800] =	vst v63  }
0x39a: {  	s6 =	sadd.s32 $0x380, s6;
	s9 =	simm.s32 $0x4480  }
0x39b: {  	[tilespmem:s9], [sflag:$0x2] =	stream.linear.gather [hbm4b:s6+s4], $0x80, $0x38;
	[tilespmem:$0xF800] =	vst v63  }
0x39c: {  	s12 =	simm.s32 $0x2900;
	s6 =	sadd.s32 s2, s14  }
0x39d: {  	[tilespmem:s12], [sflag:$0x2] =	stream.linear.gather [hbm4b:s6+s4], $0x80, $0x38;
	[tilespmem:$0xF800] =	vst v63  }
0x39e: {  	s28 =	simm.s32 $0x2D00;
	s24 =	sadd.s32 $0x80, s6  }
0x39f: {  	[tilespmem:s28], [sflag:$0x2] =	stream.linear.gather [hbm4b:s24+s4], $0x80, $0x38;
	[tilespmem:$0xF800] =	vst v63  }
0x3a0: {  	s9 =	sadd.s32 $0x100, s6;
	s12 =	simm.s32 $0x3100  }
0x3a1: {  	[tilespmem:s12], [sflag:$0x2] =	stream.linear.gather [hbm4b:s9+s4], $0x80, $0x38;
	[tilespmem:$0xF800] =	vst v63  }
0x3a2: {  	s24 =	sadd.s32 $0x180, s6;
	s28 =	simm.s32 $0x3500  }
0x3a3: {  	[tilespmem:s28], [sflag:$0x2] =	stream.linear.gather [hbm4b:s24+s4], $0x80, $0x38;
	[tilespmem:$0xF800] =	vst v63  }
0x3a4: {  	s9 =	sadd.s32 $0x200, s6;
	s12 =	simm.s32 $0x3900  }
0x3a5: {  	[tilespmem:s12], [sflag:$0x2] =	stream.linear.gather [hbm4b:s9+s4], $0x80, $0x38;
	[tilespmem:$0xF800] =	vst v63  }
0x3a6: {  	s24 =	sadd.s32 $0x280, s6;
	s28 =	simm.s32 $0x3D00  }
0x3a7: {  	[tilespmem:s28], [sflag:$0x2] =	stream.linear.gather [hbm4b:s24+s4], $0x80, $0x38;
	[tilespmem:$0xF800] =	vst v63  }
0x3a8: {  	s9 =	sadd.s32 $0x300, s6;
	s12 =	simm.s32 $0x4100  }
0x3a9: {  	[tilespmem:s12], [sflag:$0x2] =	stream.linear.gather [hbm4b:s9+s4], $0x80, $0x38;
	[tilespmem:$0xF800] =	vst v63  }
0x3aa: {  	s6 =	sadd.s32 $0x380, s6;
	s24 =	simm.s32 $0x4500  }
0x3ab: {  	[tilespmem:s24], [sflag:$0x2] =	stream.linear.gather [hbm4b:s6+s4], $0x80, $0x38;
	[tilespmem:$0xF800] =	vst v63  }
0x3ac: {  	s28 =	simm.s32 $0x2A00;
	s6 =	sadd.s32 s2, s17  }
0x3ad: {  	[tilespmem:s28], [sflag:$0x2] =	stream.linear.gather [hbm4b:s6+s4], $0x80, $0x38;
	[tilespmem:$0xF800] =	vst v63  }
0x3ae: {  	s12 =	simm.s32 $0x2E00;
	s9 =	sadd.s32 $0x80, s6  }
0x3af: {  	[tilespmem:s12], [sflag:$0x2] =	stream.linear.gather [hbm4b:s9+s4], $0x80, $0x38;
	[tilespmem:$0xF800] =	vst v63  }
0x3b0: {  	s24 =	sadd.s32 $0x100, s6;
	s28 =	simm.s32 $0x3200  }
0x3b1: {  	[tilespmem:s28], [sflag:$0x2] =	stream.linear.gather [hbm4b:s24+s4], $0x80, $0x38;
	[tilespmem:$0xF800] =	vst v63  }
0x3b2: {  	s9 =	sadd.s32 $0x180, s6;
	s12 =	simm.s32 $0x3600  }
0x3b3: {  	[tilespmem:s12], [sflag:$0x2] =	stream.linear.gather [hbm4b:s9+s4], $0x80, $0x38;
	[tilespmem:$0xF800] =	vst v63  }
0x3b4: {  	s24 =	sadd.s32 $0x200, s6;
	s28 =	simm.s32 $0x3A00  }
0x3b5: {  	[tilespmem:s28], [sflag:$0x2] =	stream.linear.gather [hbm4b:s24+s4], $0x80, $0x38;
	[tilespmem:$0xF800] =	vst v63  }
0x3b6: {  	s9 =	sadd.s32 $0x280, s6;
	s12 =	simm.s32 $0x3E00  }
0x3b7: {  	[tilespmem:s12], [sflag:$0x2] =	stream.linear.gather [hbm4b:s9+s4], $0x80, $0x38;
	[tilespmem:$0xF800] =	vst v63  }
0x3b8: {  	s24 =	sadd.s32 $0x300, s6;
	s28 =	simm.s32 $0x4200  }
0x3b9: {  	[tilespmem:s28], [sflag:$0x2] =	stream.linear.gather [hbm4b:s24+s4], $0x80, $0x38;
	[tilespmem:$0xF800] =	vst v63  }
0x3ba: {  	s6 =	sadd.s32 $0x380, s6;
	s9 =	simm.s32 $0x4600  }
0x3bb: {  	[tilespmem:s9], [sflag:$0x2] =	stream.linear.gather [hbm4b:s6+s4], $0x80, $0x38;
	[tilespmem:$0xF800] =	vst v63  }
0x3bc: {  	s12 =	simm.s32 $0x2A80;
	s6 =	sadd.s32 s2, s19  }
0x3bd: {  	[tilespmem:s12], [sflag:$0x2] =	stream.linear.gather [hbm4b:s6+s4], $0x80, $0x38;
	[tilespmem:$0xF800] =	vst v63  }
0x3be: {  	s28 =	simm.s32 $0x2E80;
	s24 =	sadd.s32 $0x80, s6  }
0x3bf: {  	[tilespmem:s28], [sflag:$0x2] =	stream.linear.gather [hbm4b:s24+s4], $0x80, $0x38;
	[tilespmem:$0xF800] =	vst v63  }
0x3c0: {  	s9 =	sadd.s32 $0x100, s6;
	s12 =	simm.s32 $0x3280  }
0x3c1: {  	[tilespmem:s12], [sflag:$0x2] =	stream.linear.gather [hbm4b:s9+s4], $0x80, $0x38;
	[tilespmem:$0xF800] =	vst v63  }
0x3c2: {  	s24 =	sadd.s32 $0x180, s6;
	s28 =	simm.s32 $0x3680  }
0x3c3: {  	[tilespmem:s28], [sflag:$0x2] =	stream.linear.gather [hbm4b:s24+s4], $0x80, $0x38;
	[tilespmem:$0xF800] =	vst v63  }
0x3c4: {  	s9 =	sadd.s32 $0x200, s6;
	s12 =	simm.s32 $0x3A80  }
0x3c5: {  	[tilespmem:s12], [sflag:$0x2] =	stream.linear.gather [hbm4b:s9+s4], $0x80, $0x38;
	[tilespmem:$0xF800] =	vst v63  }
0x3c6: {  	s24 =	sadd.s32 $0x280, s6;
	s28 =	simm.s32 $0x3E80  }
0x3c7: {  	[tilespmem:s28], [sflag:$0x2] =	stream.linear.gather [hbm4b:s24+s4], $0x80, $0x38;
	[tilespmem:$0xF800] =	vst v63  }
0x3c8: {  	s9 =	sadd.s32 $0x300, s6;
	s12 =	simm.s32 $0x4280  }
0x3c9: {  	[tilespmem:s12], [sflag:$0x2] =	stream.linear.gather [hbm4b:s9+s4], $0x80, $0x38;
	[tilespmem:$0xF800] =	vst v63  }
0x3ca: {  	s6 =	sadd.s32 $0x380, s6;
	s24 =	simm.s32 $0x4680  }
0x3cb: {  	[tilespmem:s24], [sflag:$0x2] =	stream.linear.gather [hbm4b:s6+s4], $0x80, $0x38;
	[tilespmem:$0xF800] =	vst v63  }
0x3cc: {  	s28 =	simm.s32 $0x2B00;
	s6 =	sadd.s32 s2, s20  }
0x3cd: {  	[tilespmem:s28], [sflag:$0x2] =	stream.linear.gather [hbm4b:s6+s4], $0x80, $0x38;
	[tilespmem:$0xF800] =	vst v63  }
0x3ce: {  	s12 =	simm.s32 $0x2F00;
	s9 =	sadd.s32 $0x80, s6  }
0x3cf: {  	[tilespmem:s12], [sflag:$0x2] =	stream.linear.gather [hbm4b:s9+s4], $0x80, $0x38;
	[tilespmem:$0xF800] =	vst v63  }
0x3d0: {  	s24 =	sadd.s32 $0x100, s6;
	s28 =	simm.s32 $0x3300  }
0x3d1: {  	[tilespmem:s28], [sflag:$0x2] =	stream.linear.gather [hbm4b:s24+s4], $0x80, $0x38;
	[tilespmem:$0xF800] =	vst v63  }
0x3d2: {  	s9 =	sadd.s32 $0x180, s6;
	s12 =	simm.s32 $0x3700  }
0x3d3: {  	[tilespmem:s12], [sflag:$0x2] =	stream.linear.gather [hbm4b:s9+s4], $0x80, $0x38;
	[tilespmem:$0xF800] =	vst v63  }
0x3d4: {  	s24 =	sadd.s32 $0x200, s6;
	s28 =	simm.s32 $0x3B00  }
0x3d5: {  	[tilespmem:s28], [sflag:$0x2] =	stream.linear.gather [hbm4b:s24+s4], $0x80, $0x38;
	[tilespmem:$0xF800] =	vst v63  }
0x3d6: {  	s9 =	sadd.s32 $0x280, s6;
	s12 =	simm.s32 $0x3F00  }
0x3d7: {  	[tilespmem:s12], [sflag:$0x2] =	stream.linear.gather [hbm4b:s9+s4], $0x80, $0x38;
	[tilespmem:$0xF800] =	vst v63  }
0x3d8: {  	s24 =	sadd.s32 $0x300, s6;
	s28 =	simm.s32 $0x4300  }
0x3d9: {  	[tilespmem:s28], [sflag:$0x2] =	stream.linear.gather [hbm4b:s24+s4], $0x80, $0x38;
	[tilespmem:$0xF800] =	vst v63  }
0x3da: {  	s6 =	sadd.s32 $0x380, s6;
	s9 =	simm.s32 $0x4700  }
0x3db: {  	[tilespmem:s9], [sflag:$0x2] =	stream.linear.gather [hbm4b:s6+s4], $0x80, $0x38;
	[tilespmem:$0xF800] =	vst v63  }
0x3dc: {  	s12 =	simm.s32 $0x4C00;
	s6 =	sadd.s32 s2, s23  }
0x3dd: {  	[tilespmem:s12], [sflag:$0x2] =	stream.linear.gather [hbm4b:s6+s4], $0x80, $0x38;
	[tilespmem:$0xF800] =	vst v63  }
0x3de: {  	s28 =	simm.s32 $0x5000;
	s24 =	sadd.s32 $0x80, s6  }
0x3df: {  	[tilespmem:s28], [sflag:$0x2] =	stream.linear.gather [hbm4b:s24+s4], $0x80, $0x38;
	[tilespmem:$0xF800] =	vst v63  }
0x3e0: {  	s9 =	sadd.s32 $0x100, s6;
	s12 =	simm.s32 $0x5400  }
0x3e1: {  	[tilespmem:s12], [sflag:$0x2] =	stream.linear.gather [hbm4b:s9+s4], $0x80, $0x38;
	[tilespmem:$0xF800] =	vst v63  }
0x3e2: {  	s24 =	sadd.s32 $0x180, s6;
	s28 =	simm.s32 $0x5800  }
0x3e3: {  	[tilespmem:s28], [sflag:$0x2] =	stream.linear.gather [hbm4b:s24+s4], $0x80, $0x38;
	[tilespmem:$0xF800] =	vst v63  }
0x3e4: {  	s9 =	sadd.s32 $0x200, s6;
	s12 =	simm.s32 $0x5C00  }
0x3e5: {  	[tilespmem:s12], [sflag:$0x2] =	stream.linear.gather [hbm4b:s9+s4], $0x80, $0x38;
	[tilespmem:$0xF800] =	vst v63  }
0x3e6: {  	s24 =	sadd.s32 $0x280, s6;
	s28 =	simm.s32 $0x6000  }
0x3e7: {  	[tilespmem:s28], [sflag:$0x2] =	stream.linear.gather [hbm4b:s24+s4], $0x80, $0x38;
	[tilespmem:$0xF800] =	vst v63  }
0x3e8: {  	s12 =	sadd.s32 $0x300, s6;
	s24 =	simm.s32 $0x6400  }
0x3e9: {  	[tilespmem:s24], [sflag:$0x2] =	stream.linear.gather [hbm4b:s12+s4], $0x80, $0x38;
	[tilespmem:$0xF800] =	vst v63  }
0x3ea: {  	s6 =	sadd.s32 $0x380, s6;
	s28 =	simm.s32 $0x6800  }
0x3eb: {  	[tilespmem:s28], [sflag:$0x2] =	stream.linear.gather [hbm4b:s6+s4], $0x80, $0x38;
	[tilespmem:$0xF800] =	vst v63  }
0x3ec: {  	s7 =	simm.s32 $0x4C80;
	s2 =	sadd.s32 s2, s26  }
0x3ed: {  	[tilespmem:s7], [sflag:$0x2] =	stream.linear.gather [hbm4b:s2+s4], $0x80, $0x38;
	[tilespmem:$0xF800] =	vst v63  }
0x3ee: {  	s9 =	sadd.s32 $0x80, s2;
	s12 =	simm.s32 $0x5080  }
0x3ef: {  	[tilespmem:s12], [sflag:$0x2] =	stream.linear.gather [hbm4b:s9+s4], $0x80, $0x38;
	[tilespmem:$0xF800] =	vst v63  }
0x3f0: {  	s24 =	sadd.s32 $0x100, s2;
	s28 =	simm.s32 $0x5480  }
0x3f1: {  	[tilespmem:s28], [sflag:$0x2] =	stream.linear.gather [hbm4b:s24+s4], $0x80, $0x38;
	[tilespmem:$0xF800] =	vst v63  }
0x3f2: {  	s9 =	sadd.s32 $0x180, s2;
	s12 =	simm.s32 $0x5880  }
0x3f3: {  	[tilespmem:s12], [sflag:$0x2] =	stream.linear.gather [hbm4b:s9+s4], $0x80, $0x38;
	[tilespmem:$0xF800] =	vst v63  }
0x3f4: {  	s24 =	sadd.s32 $0x200, s2;
	s28 =	simm.s32 $0x5C80  }
0x3f5: {  	[tilespmem:s28], [sflag:$0x2] =	stream.linear.gather [hbm4b:s24+s4], $0x80, $0x38;
	[tilespmem:$0xF800] =	vst v63  }
0x3f6: {  	s7 =	sadd.s32 $0x280, s2;
	s9 =	simm.s32 $0x6080  }
0x3f7: {  	[tilespmem:s9], [sflag:$0x2] =	stream.linear.gather [hbm4b:s7+s4], $0x80, $0x38;
	[tilespmem:$0xF800] =	vst v63  }
0x3f8: {  	s12 =	sadd.s32 $0x300, s2;
	s24 =	simm.s32 $0x6480  }
0x3f9: {  	[tilespmem:s24], [sflag:$0x2] =	stream.linear.gather [hbm4b:s12+s4], $0x80, $0x38;
	[tilespmem:$0xF800] =	vst v63  }
0x3fa: {  	s2 =	sadd.s32 $0x380, s2;
	s28 =	simm.s32 $0x6880  }
0x3fb: {  	[tilespmem:s28], [sflag:$0x2] =	stream.linear.gather [hbm4b:s2+s4], $0x80, $0x38;
	[tilespmem:$0xF800] =	vst v63  }
.LBB2_6:
0x3fc: {  	_ =	swait.ge [sflag:s15], $0x80  }
0x3fd: {  	[sflag:s15] =	ssyncset.done $0x0  }
0x3fe: {  	[sflag:s15] =	ssyncadd.s32 $0xFFFFFF80  }
0x3ff: {  	_ =	swait.ge [sflag:s15], $0x400  }
0x400: {  	[sflag:s15] =	ssyncset.done $0x0  }
0x401: {  	[sflag:s15] =	ssyncadd.s32 $0xFFFFFC00  }
0x402: {  	_ =	swait.ge [sflag:s16], $0x400  }
0x403: {  	[sflag:s16] =	ssyncset.done $0x0  }
0x404: {  	[sflag:s16] =	ssyncadd.s32 $0xFFFFFC00  }
0x405: {  	_ =	swait.ge [sflag:s16], $0x400  }
0x406: {  	[sflag:s16] =	ssyncset.done $0x0  }
0x407: {  	[sflag:s16] =	ssyncadd.s32 $0xFFFFFC00  }
0x408: {  	_ =	swait.ge [sflag:s16], $0x400  }
0x409: {  	[sflag:s16] =	ssyncset.done $0x0  }
0x40a: {  	[sflag:s16] =	ssyncadd.s32 $0xFFFFFC00  }
0x40b: {  	_ =	swait.ge [sflag:s16], $0x400  }
0x40c: {  	[sflag:s16] =	ssyncset.done $0x0  }
0x40d: {  	[sflag:s16] =	ssyncadd.s32 $0xFFFFFC00  }
0x40e: {  	_ =	swait.ge [sflag:s16], $0x400  }
0x40f: {  	[sflag:s16] =	ssyncset.done $0x0  }
0x410: {  	[sflag:s16] =	ssyncadd.s32 $0xFFFFFC00  }
0x411: {  	_ =	swait.ge [sflag:s16], $0x400  }
0x412: {  	[sflag:s16] =	ssyncset.done $0x0  }
0x413: {  	[sflag:s16] =	ssyncadd.s32 $0xFFFFFC00  }
0x414: {  	_ =	swait.ge [sflag:s16], $0x400  }
0x415: {  	[sflag:s16] =	ssyncset.done $0x0  }
0x416: {  	[sflag:s16] =	ssyncadd.s32 $0xFFFFFC00  }
0x417: {  	_ =	swait.ge [sflag:s16], $0x400  }
0x418: {  	[sflag:s16] =	ssyncset.done $0x0  }
0x419: {  	[sflag:s16] =	ssyncadd.s32 $0xFFFFFC00  }
0x41a: {  	_ =	swait.ge [sflag:s16], $0x400  }
0x41b: {  	[sflag:s16] =	ssyncset.done $0x0  }
0x41c: {  	[sflag:s16] =	ssyncadd.s32 $0xFFFFFC00  }
0x41d: {  	_ =	swait.ge [sflag:s16], $0x400  }
0x41e: {  	[sflag:s16] =	ssyncset.done $0x0  }
0x41f: {  	s2 =	simm.s32 @!p0 $0x6;
	[sflag:s16] =	ssyncadd.s32 $0xFFFFFC00  }
0x420: {  	s22 =	sadd.s32 $0x1, s22;
	_ =	swait.ge @!p0 [sflag:s2], $0x1000  }
0x421: {  	s24 =	simm.s32 $0xFFFFFFF8;
	s6 =	simm.s32 $0xE8C0;
	[sflag:s2] =	ssyncset.done @!p0 $0x0  }
0x422: {  	s7 =	simm.s32 $0x0;
	[sflag:s2] =	ssyncadd.s32 @!p0 $0xFFFFF000;
	s2 =	simm.s32 $0xEF  }
.LBB2_7:
0x423: {  	s9 =	sadd.s32 $0xFFFFFF90, s2  }
0x424: {  	v2 =	vadd.s32 s9, v0;
	s9 =	sshra.s32 s7, $0x2  }
0x425: {  	v3 =	vshll.u32 v2, $0x3;
	v4 =	vld [tilespmem:s9+$0x7000]  }
0x426: {  	v2 =	vand.u32 $0x7F, v2;
	v5 =	vld [tilespmem:s9+$0x7080];
	v3 =	vand.u32 $0x7FFFFC00, v3  }
0x427: {  	v6 =	vld [tilespmem:s9+$0x9400];
	v2 =	vor.u32 v2, v3  }
0x428: {  	v7 =	vld [tilespmem:s9+$0x9480];
	v2 =	vadd.s32 $0x2580, v2  }
0x429: {  	v3 =	vld [tilespmem:s9+$0x9500]  }
0x42a: {  	v8 =	vld [tilespmem:s9+$0x9580];
	_ =	sdelay $0x1  }
0x42b: {  	v9 =	vsub.f32 v5, v4;
	vm0 =	vgt.f32 v5, v4;
	vm7 =	vgt.f32 v6, $0.0e+00  }
0x42c: {  	vm8 =	vgt.f32 v7, $0.0e+00;
	vm9 =	vlt.f32 v5, v4;
	vm10 =	vlt.f32 v6, $0.0e+00;
	v2 =	vld.idx.msk [tilespmem:v2+s18+$0x0], $0xffff  }
0x42d: {  	v11 =	vld [tilespmem:s9+$0xB880];
	vm11 =	vlt.f32 v7, $0.0e+00;
	vm1 =	vgt.f32 v3, $0.0e+00;
	vm3 =	vlt.f32 v3, $0.0e+00  }
0x42e: {  	v10 =	vld [tilespmem:s9+$0xB800];
	vm12 =	vgt.f32 v8, $0.0e+00;
	vm0 =	vmand vm0, vm1;
	vm1 =	vmand vm9, vm3  }
0x42f: {  	vm4 =	vlt.f32 v8, $0.0e+00;
	v9 =	vand.u32 $0x7FFFFFFF, v9;
	vm1 =	vmand vm10, vm1  }
0x430: {  	vm2 =	vgt.f32 v9, $5.000000000e-01;
	vm0 =	vmand vm7, vm0;
	vm1 =	vmand vm11, vm1  }
0x431: {  	v61 =	vld [tilespmem:s9+$0x9680];
	vm0 =	vmand vm8, vm0;
	vm1 =	vmand vm2, vm1;
	v2 =	vsub.f32 v8, v2  }
0x432: {  	v58 =	vsub.f32 v5, v11;
	vm0 =	vmand vm2, vm0;
	v8 =	vsel vm1, $0x3F570A3D, v1  }
0x433: {  	vm5 =	vgt.f32 v2, $0.0e+00;
	vm6 =	vlt.f32 v2, $0.0e+00;
	v2 =	vsub.f32 v10, v11  }
0x434: {  	vm7 =	vmand vm12, vm5;
	vm8 =	vmand vm4, vm6;
	vm3 =	vmand vm12, vm6  }
0x435: {  	v60 =	vld [tilespmem:s9+$0x9700];
	vm4 =	vmand vm4, vm5;
	v59 =	vmul.f32 $2.000000030e-01, v2;
	vm5 =	vmor vm7, vm8  }
0x436: {  	v3 =	vld [tilespmem:s9+$0x9600];
	vm2 =	vmor vm3, vm4;
	v62 =	vmul.f32 $8.000000110e-01, v2;
	vm8 =	vgt.f32 v61, $8.000000110e-01  }
0x437: {  	vm13 =	vgt.f32 v2, $0.0e+00;
	vm15 =	vlt.f32 v2, $0.0e+00;
	vm8 =	vmand vm8, vm2  }
0x438: {  	vm14 =	vlt.f32 v58, v59;
	vm11 =	vgt.f32 v58, v59;
	vm12 =	vgt.f32 v58, v62  }
0x439: {  	vm9 =	vlt.f32 v58, v62;
	v9 =	vsel vm8, $0x3F333333, v1;
	vm4 =	vmand vm13, vm14  }
0x43a: {  	vm7 =	vmand vm15, vm11;
	vm3 =	vmand vm13, vm12;
	vm6 =	vmand vm15, vm9  }
0x43b: {  	vm13 =	vlt.f32 v60, $-1.000000010e-01;
	vm14 =	vgt.f32 v3, $1.000000010e-01;
	vm15 =	vlt.f32 v61, $2.000000030e-01  }
0x43c: {  	vm4 =	vmor vm4, vm7;
	vm6 =	vmor vm3, vm6;
	vm7 =	vmand vm15, vm5  }
0x43d: {  	vm9 =	vmand vm14, vm5;
	vm3 =	vmand vm5, vm4;
	vm10 =	vmor vm13, vm4  }
0x43e: {  	vm4 =	vmand vm13, vm4;
	vm13 =	vmand vm2, vm6;
	vm10 =	vmand vm14, vm10  }
0x43f: {  	v63 =	vsel vm9, $0x3F866666, v1;
	vm4 =	vmor vm4, vm10;
	vm10 =	vlt.f32 v3, $-1.000000010e-01  }
0x440: {  	v10 =	vsel vm7, $0x3F333333, v1;
	vm14 =	vgt.f32 v60, $1.000000010e-01;
	vm12 =	vmand vm10, vm2  }
0x441: {  	v3 =	vsel vm0, $0x3F570A3D, v1;
	vm15 =	vmor vm14, vm6;
	v2 =	vsel vm12, $0x3F866666, v1  }
0x442: {  	vm4 =	vmand vm5, vm4;
	v3 =	vadd.f32 v63, v3;
	v2 =	vadd.f32 v2, v8  }
0x443: {  	vm9 =	vmand vm10, vm15;
	vm4 =	vmand vm0, vm4;
	vm0 =	vmand vm14, vm6  }
0x444: {  	vm0 =	vmor vm0, vm9;
	v3 =	vadd.f32 v3, v10;
	v2 =	vadd.f32 v2, v9  }
0x445: {  	v11 =	vsel vm13, $0x3F570A3D, v1;
	v12 =	vsel vm3, $0x3F570A3D, v1;
	vm0 =	vmand vm2, vm0  }
0x446: {  	vm0 =	vmand vm1, vm0;
	v3 =	vadd.f32 v12, v3;
	v2 =	vadd.f32 v11, v2  }
0x447: {  	v14 =	vsel vm4, $0x3FB851EC, v1;
	v13 =	vsel vm0, $0x3FB851EC, v1  }
0x448: {  	v18 =	vld [tilespmem:s9+$0x7010];
	v3 =	vadd.f32 v14, v3;
	v2 =	vadd.f32 v13, v2  }
0x449: {  	s12 =	sadd.s32 $0xFFFFFFA0, s2;
	v19 =	vld [tilespmem:s9+$0x7090]  }
0x44a: {  	s28 =	sadd.s32 $0xFFFFFFB0, s2;
	v15 =	vadd.s32 s12, v0;
	v26 =	vld [tilespmem:s9+$0xB890];
	v3 =	vadd.f32 v3, v3;
	v2 =	vadd.f32 v2, v2  }
0x44b: {  	v41 =	vadd.s32 s28, v0;
	v16 =	vshll.u32 v15, $0x3;
	v23 =	vld [tilespmem:s9+$0x9490]  }
0x44c: {  	v21 =	vld [tilespmem:s9+$0x9510];
	v43 =	vshll.u32 v41, $0x3;
	v3 =	vadd.f32 $8.000000110e-01, v3;
	v2 =	vadd.f32 $8.000000110e-01, v2  }
0x44d: {  	v22 =	vld [tilespmem:s9+$0x9410];
	v46 =	vand.u32 $0x3F, v41;
	v4 =	vand.u32 $0x1F, v15;
	v5 =	vand.u32 $0x7FFFFC00, v16  }
0x44e: {  	v24 =	vsub.f32 v19, v18;
	v4 =	vor.u32 v4, v5;
	v17 =	vmax.f32 v2, v3  }
0x44f: {  	v30 =	vld [tilespmem:s9+$0x9690];
	v27 =	vsub.f32 v19, v26;
	v4 =	vadd.s32 $0x2580, v4;
	v2 =	vsub.f32 v2, v17  }
0x450: {  	v45 =	vld [tilespmem:s9+$0x7020];
	vm8 =	vlt.f32 v19, v18;
	vm11 =	vlt.f32 v23, $0.0e+00;
	v20 =	vsub.f32 $4.000000060e-01, v17  }
0x451: {  	v54 =	vld [tilespmem:s9+$0xB820];
	vm7 =	vgt.f32 v23, $0.0e+00;
	v3 =	vsub.f32 v3, v17;
	v2 =	vmul.f32 $1.442695020e+00, v2  }
0x452: {  	vm5 =	vgt.f32 v21, $0.0e+00;
	vm10 =	vlt.f32 v22, $0.0e+00;
	v12 =	vld [tilespmem:s9+$0x70A0];
	v5 =	vmul.f32 $1.442695020e+00, v20  }
0x453: {  	s28 =	sadd.s32 $0xFFFFFFC0, s2;
	vm6 =	vgt.f32 v22, $0.0e+00;
	v14 =	vld [tilespmem:s9+$0xB8A0];
	(erf) = vpow2.f32 v2;
	v2 =	vmul.f32 $1.442695020e+00, v3  }
0x454: {  	v22 =	vadd.s32 s28, v0;
	vm4 =	vgt.f32 v19, v18;
	v3 =	vld [tilespmem:s9+$0x9590];
	(erf) = vpow2.f32 v5  }
0x455: {  	vm9 =	vlt.f32 v21, $0.0e+00;
	v8 =	vand.u32 $0x7FFFFC00, v43;
	(erf) = vpow2.f32 v2;
	v2 =	vld.idx.msk [tilespmem:v4+s18+$0x0], $0xffff  }
0x456: {  	v8 =	vor.u32 v46, v8;
	vm1 =	vmand vm8, vm9;
	vm8 =	vgt.f32 v30, $8.000000110e-01  }
0x457: {  	v25 =	vld [tilespmem:s9+$0xB810];
	v8 =	vadd.s32 $0x2580, v8;
	vm0 =	vmand vm4, vm5;
	vm1 =	vmand vm10, vm1  }
0x458: {  	vm0 =	vmand vm6, vm0;
	vm1 =	vmand vm11, vm1;
	v5 =	vand.u32 $0x7FFFFFFF, v24  }
0x459: {  	vm0 =	vmand vm7, vm0;
	v52 =	vsub.f32 v12, v45;
	vm2 =	vgt.f32 v5, $5.000000000e-01  }
0x45a: {  	v55 =	vsub.f32 v54, v14;
	vm0 =	vmand vm2, vm0;
	v2 =	vsub.f32 v3, v2  }
0x45b: {  	vm1 =	vmand vm2, vm1;
	vm3 =	vgt.f32 v3, $0.0e+00;
	vm4 =	vlt.f32 v3, $0.0e+00  }
0x45c: {  	vm12 =	vgt.f32 v2, $0.0e+00;
	vm13 =	vlt.f32 v2, $0.0e+00;
	v2 =	vsub.f32 v25, v26  }
0x45d: {  	v33 =	vsel vm1, $0x3F570A3D, v1;
	vm14 =	vmand vm3, vm12;
	vm15 =	vmand vm4, vm13  }
0x45e: {  	v29 =	vld [tilespmem:s9+$0x9710];
	vm3 =	vmand vm3, vm13;
	vm4 =	vmand vm4, vm12;
	v28 =	vmul.f32 $2.000000030e-01, v2  }
0x45f: {  	v3 =	vld [tilespmem:s9+$0x9610];
	vm5 =	vmor vm14, vm15;
	vm2 =	vmor vm3, vm4;
	v31 =	vmul.f32 $8.000000110e-01, v2  }
0x460: {  	vm3 =	vgt.f32 v2, $0.0e+00;
	vm12 =	vlt.f32 v2, $0.0e+00;
	vm8 =	vmand vm8, vm2  }
0x461: {  	vm11 =	vlt.f32 v27, v28;
	vm13 =	vgt.f32 v27, v28;
	vm14 =	vgt.f32 v27, v31  }
0x462: {  	vm15 =	vlt.f32 v27, v31;
	v34 =	vsel vm8, $0x3F333333, v1;
	vm4 =	vmand vm3, vm11  }
0x463: {  	vm7 =	vmand vm12, vm13;
	vm3 =	vmand vm3, vm14;
	vm6 =	vmand vm12, vm15  }
0x464: {  	vm12 =	vlt.f32 v29, $-1.000000010e-01;
	vm13 =	vgt.f32 v3, $1.000000010e-01;
	vm15 =	vlt.f32 v30, $2.000000030e-01  }
0x465: {  	vm4 =	vmor vm4, vm7;
	vm6 =	vmor vm3, vm6;
	vm7 =	vmand vm15, vm5  }
0x466: {  	vm9 =	vmand vm13, vm5;
	vm3 =	vmand vm5, vm4;
	vm14 =	vmor vm12, vm4  }
0x467: {  	vm4 =	vmand vm12, vm4;
	v32 =	vsel vm9, $0x3F866666, v1;
	vm10 =	vmand vm13, vm14  }
0x468: {  	v35 =	vsel vm7, $0x3F333333, v1;
	vm4 =	vmor vm4, vm10;
	vm10 =	vlt.f32 v3, $-1.000000010e-01  }
0x469: {  	vm13 =	vmand vm2, vm6;
	vm14 =	vgt.f32 v29, $1.000000010e-01;
	vm12 =	vmand vm10, vm2  }
0x46a: {  	v3 =	vsel vm0, $0x3F570A3D, v1;
	vm15 =	vmor vm14, vm6;
	v2 =	vsel vm12, $0x3F866666, v1  }
0x46b: {  	vm4 =	vmand vm5, vm4;
	v3 =	vadd.f32 v32, v3;
	v2 =	vadd.f32 v2, v33  }
0x46c: {  	vm9 =	vmand vm10, vm15;
	vm4 =	vmand vm0, vm4;
	vm0 =	vmand vm14, vm6  }
0x46d: {  	vm0 =	vmor vm0, vm9;
	v3 =	vadd.f32 v3, v35;
	v2 =	vadd.f32 v2, v34  }
0x46e: {  	v50 =	vld [tilespmem:s9+$0x94A0];
	v37 =	vsel vm3, $0x3F570A3D, v1;
	v36 =	vsel vm13, $0x3F570A3D, v1;
	vm0 =	vmand vm2, vm0  }
0x46f: {  	v51 =	vld [tilespmem:s9+$0x95A0];
	vm0 =	vmand vm1, vm0;
	v3 =	vadd.f32 v37, v3;
	v2 =	vadd.f32 v36, v2  }
0x470: {  	s28 =	sadd.s32 $0xFFFFFFD0, s2;
	v13 =	vld [tilespmem:s9+$0x9520];
	v57 =	vsub.f32 v12, v14;
	v39 =	vsel vm4, $0x3FB851EC, v1;
	v38 =	vsel vm0, $0x3FB851EC, v1  }
0x471: {  	v48 =	vld [tilespmem:s9+$0x9420];
	v54 =	vadd.s32 s28, v0;
	v3 =	vadd.f32 v39, v3;
	v2 =	vadd.f32 v38, v2  }
0x472: {  	v53 =	vld.idx.msk [tilespmem:v8+s18+$0x0], $0xffff;
	v8 =	vmul.f32 $2.000000030e-01, v55;
	v60 =	vmul.f32 $8.000000110e-01, v55;
	v24 =	vshll.u32 v22, $0x3  }
0x473: {  	v59 =	vld [tilespmem:s9+$0x96A0];
	vm8 =	vlt.f32 v12, v45;
	v5 =	vadd.f32 v3, v3;
	v4 =	vadd.f32 v2, v2  }
0x474: {  	vm11 =	vlt.f32 v50, $0.0e+00;
	vm7 =	vgt.f32 v50, $0.0e+00;
	vm3 =	vgt.f32 v51, $0.0e+00  }
0x475: {  	vm5 =	vgt.f32 v13, $0.0e+00;
	v5 =	vadd.f32 $8.000000110e-01, v5;
	v2 =	vpop (erf);
	v40 =	vadd.f32 $8.000000110e-01, v4  }
0x476: {  	vm10 =	vlt.f32 v48, $0.0e+00;
	vm6 =	vgt.f32 v48, $0.0e+00;
	vm4 =	vgt.f32 v12, v45;
	v3 =	vpop (erf)  }
0x477: {  	vm9 =	vlt.f32 v13, $0.0e+00;
	v42 =	vadd.f32 v3, v2;
	v44 =	vmax.f32 v40, v5  }
0x478: {  	vm1 =	vmand vm8, vm9;
	vm8 =	vgt.f32 v59, $8.000000110e-01;
	v4 =	vpop (erf);
	v6 =	vsub.f32 v40, v44  }
0x479: {  	vm0 =	vmand vm4, vm5;
	v47 =	vsub.f32 $4.000000060e-01, v44;
	v7 =	vadd.f32 v42, v4  }
0x47a: {  	vm1 =	vmand vm10, vm1;
	v5 =	vsub.f32 v5, v44;
	v6 =	vmul.f32 $1.442695020e+00, v6  }
0x47b: {  	vm4 =	vlt.f32 v51, $0.0e+00;
	v49 =	vmul.f32 $1.442695020e+00, v47;
	(erf) = vrcp.f32 v7  }
0x47c: {  	vm0 =	vmand vm6, vm0;
	v5 =	vmul.f32 $1.442695020e+00, v5;
	(erf) = vpow2.f32 v6  }
0x47d: {  	vm0 =	vmand vm7, vm0;
	v7 =	vand.u32 $0x7FFFFFFF, v52;
	(erf) = vpow2.f32 v49  }
0x47e: {  	vm2 =	vgt.f32 v7, $5.000000000e-01;
	(erf) = vpow2.f32 v5;
	v5 =	vsub.f32 v51, v53  }
0x47f: {  	vm1 =	vmand vm11, vm1;
	vm11 =	vlt.f32 v57, v8;
	vm0 =	vmand vm2, vm0  }
0x480: {  	v56 =	vld [tilespmem:s9+$0x9620];
	vm1 =	vmand vm2, vm1;
	v62 =	vsel vm0, $0x3F570A3D, v1;
	vm12 =	vgt.f32 v5, $0.0e+00  }
0x481: {  	v12 =	vsel vm1, $0x3F570A3D, v1;
	vm13 =	vlt.f32 v5, $0.0e+00;
	vm14 =	vmand vm3, vm12  }
0x482: {  	v58 =	vld [tilespmem:s9+$0x9720];
	vm15 =	vmand vm4, vm13;
	vm3 =	vmand vm3, vm13;
	vm4 =	vmand vm4, vm12  }
0x483: {  	v30 =	vld [tilespmem:s9+$0x94B0];
	vm12 =	vlt.f32 v55, $0.0e+00;
	vm13 =	vgt.f32 v57, v8;
	vm5 =	vmor vm14, vm15  }
0x484: {  	vm2 =	vmor vm3, vm4;
	vm3 =	vgt.f32 v55, $0.0e+00;
	vm7 =	vmand vm12, vm13  }
0x485: {  	vm14 =	vgt.f32 v57, v60;
	vm15 =	vlt.f32 v57, v60;
	vm13 =	vgt.f32 v56, $1.000000010e-01  }
0x486: {  	vm4 =	vmand vm3, vm11;
	vm3 =	vmand vm3, vm14;
	vm6 =	vmand vm12, vm15  }
0x487: {  	vm12 =	vlt.f32 v58, $-1.000000010e-01;
	vm15 =	vlt.f32 v59, $2.000000030e-01;
	vm9 =	vmand vm13, vm5  }
0x488: {  	v31 =	vld [tilespmem:s9+$0x95B0];
	vm8 =	vmand vm8, vm2;
	vm11 =	vlt.f32 v30, $0.0e+00;
	vm4 =	vmor vm4, vm7  }
0x489: {  	vm6 =	vmor vm3, vm6;
	vm7 =	vmand vm15, vm5;
	v63 =	vsel vm9, $0x3F866666, v1  }
0x48a: {  	v13 =	vsel vm8, $0x3F333333, v1;
	vm3 =	vmand vm5, vm4;
	vm14 =	vmor vm12, vm4  }
0x48b: {  	vm4 =	vmand vm12, vm4;
	v6 =	vadd.f32 v63, v62;
	v14 =	vsel vm7, $0x3F333333, v1  }
0x48c: {  	vm7 =	vgt.f32 v30, $0.0e+00;
	vm10 =	vmand vm13, vm14;
	vm13 =	vmand vm2, vm6  }
0x48d: {  	vm14 =	vgt.f32 v58, $1.000000010e-01;
	v16 =	vsel vm3, $0x3F570A3D, v1;
	vm3 =	vgt.f32 v31, $0.0e+00  }
0x48e: {  	vm4 =	vmor vm4, vm10;
	vm10 =	vlt.f32 v56, $-1.000000010e-01;
	v6 =	vadd.f32 v6, v14  }
0x48f: {  	v26 =	vld [tilespmem:s9+$0x7030];
	vm15 =	vmor vm14, vm6;
	vm4 =	vmand vm5, vm4;
	vm12 =	vmand vm10, vm2  }
0x490: {  	v28 =	vld [tilespmem:s9+$0x9430];
	v61 =	vsel vm12, $0x3F866666, v1;
	vm4 =	vmand vm0, vm4;
	v6 =	vadd.f32 v16, v6  }
0x491: {  	v34 =	vld [tilespmem:s9+$0xB830];
	v15 =	vsel vm13, $0x3F570A3D, v1;
	v5 =	vadd.f32 v61, v12;
	v18 =	vsel vm4, $0x3FB851EC, v1  }
0x492: {  	vm9 =	vmand vm10, vm15;
	vm0 =	vmand vm14, vm6;
	v16 =	vld [tilespmem:s9+$0x70B0];
	v6 =	vadd.f32 v18, v6  }
0x493: {  	v56 =	vshll.u32 v54, $0x3;
	vm0 =	vmor vm0, vm9;
	v18 =	vld [tilespmem:s9+$0xB8B0];
	v5 =	vadd.f32 v5, v13  }
0x494: {  	v12 =	vand.u32 $0x7FFFFC00, v24;
	vm0 =	vmand vm2, vm0;
	v20 =	vadd.f32 v6, v6  }
0x495: {  	v58 =	vld [tilespmem:s9+$0x7040];
	vm0 =	vmand vm1, vm0;
	v5 =	vadd.f32 v15, v5;
	v15 =	vand.u32 $0x3F, v22  }
0x496: {  	v17 =	vsel vm0, $0x3FB851EC, v1;
	v9 =	vadd.f32 $8.000000110e-01, v20;
	v12 =	vor.u32 v15, v12;
	v20 =	vld [tilespmem:s9+$0x70C0]  }
0x497: {  	vm10 =	vlt.f32 v28, $0.0e+00;
	v7 =	vadd.f32 v17, v5;
	v17 =	vld [tilespmem:s9+$0x9530];
	v12 =	vadd.s32 $0x2580, v12  }
0x498: {  	vm6 =	vgt.f32 v28, $0.0e+00;
	v32 =	vsub.f32 v16, v26;
	v35 =	vsub.f32 v34, v18  }
0x499: {  	vm4 =	vgt.f32 v16, v26;
	vm8 =	vlt.f32 v16, v26;
	v19 =	vadd.f32 v7, v7  }
0x49a: {  	v39 =	vld [tilespmem:s9+$0x96B0];
	v37 =	vsub.f32 v16, v18;
	v16 =	vand.u32 $0x7FFFFC00, v56;
	v5 =	vpop (erf);
	v40 =	vmul.f32 $8.000000110e-01, v35  }
0x49b: {  	v7 =	vpop (erf);
	v21 =	vadd.f32 $8.000000110e-01, v19;
	v19 =	vand.u32 $0x7F, v54;
	v24 =	vsub.f32 v20, v58  }
0x49c: {  	v6 =	vpop (erf);
	v33 =	vld.idx.msk [tilespmem:v12+s18+$0x0], $0xffff;
	vm5 =	vgt.f32 v17, $0.0e+00;
	vm9 =	vlt.f32 v17, $0.0e+00;
	v12 =	vmul.f32 $2.000000030e-01, v35  }
0x49d: {  	v26 =	vld [tilespmem:s9+$0xB840];
	v16 =	vor.u32 v19, v16;
	v23 =	vadd.f32 v6, v7;
	v25 =	vmax.f32 v21, v9  }
0x49e: {  	v22 =	vld [tilespmem:s9+$0xB8C0];
	vm0 =	vmand vm4, vm5;
	vm1 =	vmand vm8, vm9;
	vm4 =	vlt.f32 v31, $0.0e+00  }
0x49f: {  	vm8 =	vgt.f32 v39, $8.000000110e-01;
	v16 =	vadd.s32 $0x2580, v16;
	v10 =	vsub.f32 v21, v25  }
0x4a0: {  	v8 =	vpop (erf);
	v27 =	vsub.f32 $4.000000060e-01, v25;
	v9 =	vsub.f32 v9, v25;
	vm0 =	vmand vm6, vm0  }
0x4a1: {  	vm1 =	vmand vm10, vm1;
	v11 =	vadd.f32 v23, v8;
	vm0 =	vmand vm7, vm0  }
0x4a2: {  	vm1 =	vmand vm11, vm1;
	vm11 =	vlt.f32 v37, v12;
	v10 =	vmul.f32 $1.442695020e+00, v10  }
0x4a3: {  	v29 =	vmul.f32 $1.442695020e+00, v27;
	v27 =	vsub.f32 v26, v22;
	(erf) = vrcp.f32 v11  }
0x4a4: {  	v9 =	vmul.f32 $1.442695020e+00, v9;
	v11 =	vand.u32 $0x7FFFFFFF, v32;
	(erf) = vpow2.f32 v10  }
0x4a5: {  	vm2 =	vgt.f32 v11, $5.000000000e-01;
	v25 =	vld.idx.msk [tilespmem:v16+s18+$0x0], $0xffff;
	v16 =	vmul.f32 $2.000000030e-01, v27;
	(erf) = vpow2.f32 v29  }
0x4a6: {  	v32 =	vmul.f32 $8.000000110e-01, v27;
	(erf) = vpow2.f32 v9;
	v9 =	vsub.f32 v31, v33  }
0x4a7: {  	vm0 =	vmand vm2, vm0;
	vm1 =	vmand vm2, vm1;
	v29 =	vsub.f32 v20, v22  }
0x4a8: {  	v36 =	vld [tilespmem:s9+$0x9630];
	v42 =	vsel vm0, $0x3F570A3D, v1;
	vm12 =	vgt.f32 v9, $0.0e+00;
	vm13 =	vlt.f32 v9, $0.0e+00  }
0x4a9: {  	v38 =	vld [tilespmem:s9+$0x9730];
	v44 =	vsel vm1, $0x3F570A3D, v1;
	vm14 =	vmand vm3, vm12;
	vm15 =	vmand vm4, vm13  }
0x4aa: {  	vm3 =	vmand vm3, vm13;
	vm4 =	vmand vm4, vm12;
	vm12 =	vlt.f32 v35, $0.0e+00  }
0x4ab: {  	v62 =	vld [tilespmem:s9+$0x94C0];
	vm13 =	vgt.f32 v37, v12;
	vm5 =	vmor vm14, vm15;
	vm2 =	vmor vm3, vm4  }
0x4ac: {  	vm3 =	vgt.f32 v35, $0.0e+00;
	vm7 =	vmand vm12, vm13;
	vm14 =	vgt.f32 v37, v40  }
0x4ad: {  	vm15 =	vlt.f32 v37, v40;
	vm13 =	vgt.f32 v36, $1.000000010e-01;
	vm4 =	vmand vm3, vm11  }
0x4ae: {  	vm3 =	vmand vm3, vm14;
	vm6 =	vmand vm12, vm15;
	vm12 =	vlt.f32 v38, $-1.000000010e-01  }
0x4af: {  	vm15 =	vlt.f32 v39, $2.000000030e-01;
	vm9 =	vmand vm13, vm5;
	vm8 =	vmand vm8, vm2  }
0x4b0: {  	vm11 =	vlt.f32 v62, $0.0e+00;
	vm4 =	vmor vm4, vm7;
	vm6 =	vmor vm3, vm6  }
0x4b1: {  	vm7 =	vmand vm15, vm5;
	v43 =	vsel vm9, $0x3F866666, v1;
	v45 =	vsel vm8, $0x3F333333, v1  }
0x4b2: {  	vm8 =	vlt.f32 v20, v58;
	vm3 =	vmand vm5, vm4;
	vm14 =	vmor vm12, vm4  }
0x4b3: {  	vm4 =	vmand vm12, vm4;
	v10 =	vadd.f32 v43, v42;
	vm10 =	vmand vm13, vm14  }
0x4b4: {  	v46 =	vsel vm7, $0x3F333333, v1;
	vm4 =	vmor vm4, vm10;
	vm10 =	vlt.f32 v36, $-1.000000010e-01  }
0x4b5: {  	vm7 =	vgt.f32 v62, $0.0e+00;
	vm14 =	vgt.f32 v38, $1.000000010e-01;
	vm12 =	vmand vm10, vm2  }
0x4b6: {  	v60 =	vld [tilespmem:s9+$0x9440];
	vm13 =	vmand vm2, vm6;
	vm15 =	vmor vm14, vm6;
	v41 =	vsel vm12, $0x3F866666, v1  }
0x4b7: {  	v63 =	vld [tilespmem:s9+$0x95C0];
	v10 =	vadd.f32 v10, v46;
	vm4 =	vmand vm5, vm4;
	v9 =	vadd.f32 v41, v44  }
0x4b8: {  	v21 =	vld [tilespmem:s9+$0x9540];
	vm9 =	vmand vm10, vm15;
	vm4 =	vmand vm0, vm4;
	vm0 =	vmand vm14, vm6  }
0x4b9: {  	v48 =	vsel vm3, $0x3F570A3D, v1;
	vm0 =	vmor vm0, vm9;
	v9 =	vadd.f32 v9, v45  }
0x4ba: {  	v31 =	vld [tilespmem:s9+$0x96C0];
	v47 =	vsel vm13, $0x3F570A3D, v1;
	v10 =	vadd.f32 v48, v10;
	vm0 =	vmand vm2, vm0  }
0x4bb: {  	v50 =	vsel vm4, $0x3FB851EC, v1;
	vm0 =	vmand vm1, vm0;
	v9 =	vadd.f32 v47, v9  }
0x4bc: {  	vm3 =	vgt.f32 v63, $0.0e+00;
	v10 =	vadd.f32 v50, v10;
	v49 =	vsel vm0, $0x3FB851EC, v1  }
0x4bd: {  	vm5 =	vgt.f32 v21, $0.0e+00;
	vm10 =	vlt.f32 v60, $0.0e+00;
	v11 =	vadd.f32 v49, v9  }
0x4be: {  	vm6 =	vgt.f32 v60, $0.0e+00;
	vm4 =	vgt.f32 v20, v58;
	vm9 =	vlt.f32 v21, $0.0e+00  }
0x4bf: {  	vm1 =	vmand vm8, vm9;
	vm8 =	vgt.f32 v31, $8.000000110e-01;
	v52 =	vadd.f32 v10, v10;
	v9 =	vpop (erf)  }
0x4c0: {  	vm0 =	vmand vm4, vm5;
	vm1 =	vmand vm10, vm1;
	v51 =	vadd.f32 v11, v11;
	v10 =	vpop (erf)  }
0x4c1: {  	s28 =	sadd.s32 $0xFFFFFFE0, s2;
	vm4 =	vlt.f32 v63, $0.0e+00;
	vm0 =	vmand vm6, vm0;
	v13 =	vadd.f32 $8.000000110e-01, v52;
	v11 =	vpop (erf)  }
0x4c2: {  	v47 =	vadd.s32 s28, v0;
	v53 =	vadd.f32 $8.000000110e-01, v51;
	v55 =	vadd.f32 v11, v10  }
0x4c3: {  	vm1 =	vmand vm11, vm1;
	vm11 =	vlt.f32 v29, v16;
	v23 =	vand.u32 $0x5F, v47;
	v12 =	vpop (erf)  }
0x4c4: {  	v26 =	vld [tilespmem:s9+$0xB8D0];
	v49 =	vshll.u32 v47, $0x3;
	v57 =	vmax.f32 v53, v13;
	v15 =	vadd.f32 v55, v12  }
0x4c5: {  	v20 =	vand.u32 $0x7FFFFC00, v49;
	v51 =	vld [tilespmem:s9+$0x7050];
	v14 =	vsub.f32 v53, v57;
	v59 =	vsub.f32 $4.000000060e-01, v57  }
0x4c6: {  	v20 =	vor.u32 v23, v20;
	(erf) = vrcp.f32 v15;
	v15 =	vand.u32 $0x7FFFFFFF, v24;
	v24 =	vld [tilespmem:s9+$0x70D0]  }
0x4c7: {  	v13 =	vsub.f32 v13, v57;
	v14 =	vmul.f32 $1.442695020e+00, v14;
	v61 =	vmul.f32 $1.442695020e+00, v59;
	v59 =	vld [tilespmem:s9+$0xB850]  }
0x4c8: {  	vm0 =	vmand vm7, vm0;
	v20 =	vadd.s32 $0x2580, v20;
	vm2 =	vgt.f32 v15, $5.000000000e-01  }
0x4c9: {  	v13 =	vmul.f32 $1.442695020e+00, v13;
	(erf) = vpow2.f32 v14;
	vm0 =	vmand vm2, vm0  }
0x4ca: {  	vm1 =	vmand vm2, vm1;
	(erf) = vpow2.f32 v61;
	v34 =	vsel vm0, $0x3F570A3D, v1  }
0x4cb: {  	(erf) = vpow2.f32 v13;
	v13 =	vsub.f32 v63, v25;
	v57 =	vsub.f32 v24, v51  }
0x4cc: {  	v36 =	vsel vm1, $0x3F570A3D, v1;
	v60 =	vsub.f32 v59, v26;
	v62 =	vsub.f32 v24, v26  }
0x4cd: {  	v28 =	vld [tilespmem:s9+$0x9640];
	v59 =	vadd.s32 s2, v0;
	vm12 =	vgt.f32 v13, $0.0e+00;
	vm13 =	vlt.f32 v13, $0.0e+00  }
0x4ce: {  	v30 =	vld [tilespmem:s9+$0x9740];
	vm14 =	vmand vm3, vm12;
	vm15 =	vmand vm4, vm13;
	vm3 =	vmand vm3, vm13  }
0x4cf: {  	v55 =	vld [tilespmem:s9+$0x94D0];
	vm4 =	vmand vm4, vm12;
	vm12 =	vlt.f32 v27, $0.0e+00;
	vm13 =	vgt.f32 v29, v16  }
0x4d0: {  	v58 =	vld.idx.msk [tilespmem:v20+s18+$0x0], $0xffff;
	v20 =	vmul.f32 $2.000000030e-01, v60;
	vm5 =	vmor vm14, vm15;
	vm2 =	vmor vm3, vm4  }
0x4d1: {  	vm3 =	vgt.f32 v27, $0.0e+00;
	vm7 =	vmand vm12, vm13;
	vm14 =	vgt.f32 v29, v32  }
0x4d2: {  	vm15 =	vlt.f32 v29, v32;
	vm13 =	vgt.f32 v28, $1.000000010e-01;
	vm4 =	vmand vm3, vm11  }
0x4d3: {  	vm3 =	vmand vm3, vm14;
	vm6 =	vmand vm12, vm15;
	vm12 =	vlt.f32 v30, $-1.000000010e-01  }
0x4d4: {  	vm15 =	vlt.f32 v31, $2.000000030e-01;
	vm9 =	vmand vm13, vm5;
	vm8 =	vmand vm8, vm2  }
0x4d5: {  	vm11 =	vlt.f32 v55, $0.0e+00;
	vm4 =	vmor vm4, vm7;
	vm6 =	vmor vm3, vm6  }
0x4d6: {  	vm7 =	vmand vm15, vm5;
	v35 =	vsel vm9, $0x3F866666, v1;
	vm14 =	vmor vm12, vm4  }
0x4d7: {  	vm3 =	vmand vm5, vm4;
	vm4 =	vmand vm12, vm4;
	vm10 =	vmand vm13, vm14  }
0x4d8: {  	v37 =	vsel vm8, $0x3F333333, v1;
	vm4 =	vmor vm4, vm10;
	vm10 =	vlt.f32 v28, $-1.000000010e-01  }
0x4d9: {  	v14 =	vadd.f32 v35, v34;
	v38 =	vsel vm7, $0x3F333333, v1;
	vm12 =	vmand vm10, vm2  }
0x4da: {  	vm13 =	vmand vm2, vm6;
	vm14 =	vgt.f32 v30, $1.000000010e-01;
	v33 =	vsel vm12, $0x3F866666, v1  }
0x4db: {  	v56 =	vld [tilespmem:s9+$0x95D0];
	vm15 =	vmor vm14, vm6;
	vm4 =	vmand vm5, vm4;
	v13 =	vadd.f32 v33, v36  }
0x4dc: {  	v53 =	vld [tilespmem:s9+$0x9450];
	vm9 =	vmand vm10, vm15;
	vm4 =	vmand vm0, vm4;
	vm0 =	vmand vm14, vm6  }
0x4dd: {  	v25 =	vld [tilespmem:s9+$0x9550];
	v14 =	vadd.f32 v14, v38;
	vm0 =	vmor vm0, vm9;
	v13 =	vadd.f32 v13, v37  }
0x4de: {  	v40 =	vsel vm3, $0x3F570A3D, v1;
	v39 =	vsel vm13, $0x3F570A3D, v1;
	vm0 =	vmand vm2, vm0  }
0x4df: {  	v14 =	vadd.f32 v40, v14;
	vm0 =	vmand vm1, vm0;
	v13 =	vadd.f32 v39, v13  }
0x4e0: {  	vm8 =	vlt.f32 v24, v51;
	v42 =	vsel vm4, $0x3FB851EC, v1;
	v41 =	vsel vm0, $0x3FB851EC, v1  }
0x4e1: {  	vm7 =	vgt.f32 v55, $0.0e+00;
	v43 =	vadd.f32 v42, v14;
	v13 =	vadd.f32 v41, v13  }
0x4e2: {  	vm3 =	vgt.f32 v56, $0.0e+00;
	vm5 =	vgt.f32 v25, $0.0e+00;
	vm10 =	vlt.f32 v53, $0.0e+00  }
0x4e3: {  	vm6 =	vgt.f32 v53, $0.0e+00;
	v45 =	vadd.f32 v43, v43;
	v44 =	vadd.f32 v13, v13  }
0x4e4: {  	s28 =	sadd.s32 $0xFFFFFFF0, s2;
	vm4 =	vgt.f32 v24, v51;
	vm9 =	vlt.f32 v25, $0.0e+00;
	v25 =	vmul.f32 $8.000000110e-01, v60;
	v14 =	vpop (erf)  }
0x4e5: {  	v36 =	vadd.s32 s28, v0;
	v15 =	vpop (erf);
	v17 =	vadd.f32 $8.000000110e-01, v45;
	v46 =	vadd.f32 $8.000000110e-01, v44  }
0x4e6: {  	v21 =	vand.u32 $0x7F, v36;
	vm1 =	vmand vm8, vm9;
	vm0 =	vmand vm4, vm5;
	v13 =	vpop (erf)  }
0x4e7: {  	vm1 =	vmand vm10, vm1;
	v48 =	vadd.f32 v13, v15;
	v50 =	vmax.f32 v46, v17  }
0x4e8: {  	vm4 =	vlt.f32 v56, $0.0e+00;
	vm0 =	vmand vm6, vm0;
	v16 =	vpop (erf);
	v18 =	vsub.f32 v46, v50  }
0x4e9: {  	vm1 =	vmand vm11, vm1;
	v19 =	vadd.f32 v48, v16;
	v52 =	vsub.f32 $4.000000060e-01, v50  }
0x4ea: {  	v24 =	vld [tilespmem:s9+$0x96D0];
	vm11 =	vlt.f32 v62, v20;
	v17 =	vsub.f32 v17, v50;
	v18 =	vmul.f32 $1.442695020e+00, v18  }
0x4eb: {  	v39 =	vshll.u32 v36, $0x3;
	(erf) = vrcp.f32 v19;
	v54 =	vmul.f32 $1.442695020e+00, v52  }
0x4ec: {  	v17 =	vmul.f32 $1.442695020e+00, v17;
	v19 =	vand.u32 $0x7FFFFFFF, v57;
	(erf) = vpow2.f32 v18  }
0x4ed: {  	vm0 =	vmand vm7, vm0;
	vm2 =	vgt.f32 v19, $5.000000000e-01;
	(erf) = vpow2.f32 v54  }
0x4ee: {  	vm0 =	vmand vm2, vm0;
	(erf) = vpow2.f32 v17;
	v17 =	vsub.f32 v56, v58  }
0x4ef: {  	vm8 =	vgt.f32 v24, $8.000000110e-01;
	vm1 =	vmand vm2, vm1;
	v27 =	vsel vm0, $0x3F570A3D, v1  }
0x4f0: {  	v61 =	vld [tilespmem:s9+$0x9650];
	v29 =	vsel vm1, $0x3F570A3D, v1;
	vm12 =	vgt.f32 v17, $0.0e+00;
	vm13 =	vlt.f32 v17, $0.0e+00  }
0x4f1: {  	v63 =	vld [tilespmem:s9+$0x9750];
	vm14 =	vmand vm3, vm12;
	vm15 =	vmand vm4, vm13;
	vm3 =	vmand vm3, vm13  }
0x4f2: {  	vm4 =	vmand vm4, vm12;
	vm12 =	vlt.f32 v60, $0.0e+00;
	vm13 =	vgt.f32 v62, v20  }
0x4f3: {  	vm5 =	vmor vm14, vm15;
	vm2 =	vmor vm3, vm4;
	vm3 =	vgt.f32 v60, $0.0e+00  }
0x4f4: {  	vm7 =	vmand vm12, vm13;
	vm14 =	vgt.f32 v62, v25;
	vm15 =	vlt.f32 v62, v25  }
0x4f5: {  	vm13 =	vgt.f32 v61, $1.000000010e-01;
	vm4 =	vmand vm3, vm11;
	vm3 =	vmand vm3, vm14  }
0x4f6: {  	vm6 =	vmand vm12, vm15;
	vm12 =	vlt.f32 v63, $-1.000000010e-01;
	vm15 =	vlt.f32 v24, $2.000000030e-01  }
0x4f7: {  	vm9 =	vmand vm13, vm5;
	vm8 =	vmand vm8, vm2;
	vm4 =	vmor vm4, vm7  }
0x4f8: {  	v43 =	vld [tilespmem:s9+$0x95E0];
	vm6 =	vmor vm3, vm6;
	vm7 =	vmand vm15, vm5;
	v28 =	vsel vm9, $0x3F866666, v1  }
0x4f9: {  	v30 =	vsel vm8, $0x3F333333, v1;
	vm3 =	vmand vm5, vm4;
	vm14 =	vmor vm12, vm4  }
0x4fa: {  	vm4 =	vmand vm12, vm4;
	v18 =	vadd.f32 v28, v27;
	v31 =	vsel vm7, $0x3F333333, v1  }
0x4fb: {  	vm10 =	vmand vm13, vm14;
	vm13 =	vmand vm2, vm6;
	vm14 =	vgt.f32 v63, $1.000000010e-01  }
0x4fc: {  	v33 =	vsel vm3, $0x3F570A3D, v1;
	vm4 =	vmor vm4, vm10;
	vm10 =	vlt.f32 v61, $-1.000000010e-01  }
0x4fd: {  	vm3 =	vgt.f32 v43, $0.0e+00;
	v18 =	vadd.f32 v18, v31;
	vm12 =	vmand vm10, vm2  }
0x4fe: {  	v40 =	vld [tilespmem:s9+$0x7060];
	vm15 =	vmor vm14, vm6;
	vm4 =	vmand vm5, vm4;
	v26 =	vsel vm12, $0x3F866666, v1  }
0x4ff: {  	v27 =	vld [tilespmem:s9+$0x70E0];
	vm4 =	vmand vm0, vm4;
	v18 =	vadd.f32 v33, v18;
	v17 =	vadd.f32 v26, v29  }
0x500: {  	vm9 =	vmand vm10, vm15;
	vm0 =	vmand vm14, vm6;
	v35 =	vsel vm4, $0x3FB851EC, v1  }
0x501: {  	v28 =	vld [tilespmem:s9+$0x9560];
	vm0 =	vmor vm0, vm9;
	v18 =	vadd.f32 v35, v18;
	v17 =	vadd.f32 v17, v30  }
0x502: {  	v32 =	vsel vm13, $0x3F570A3D, v1;
	v61 =	vshll.u32 v59, $0x3;
	vm0 =	vmand vm2, vm0  }
0x503: {  	v33 =	vld [tilespmem:s9+$0xB8E0];
	vm0 =	vmand vm1, vm0;
	v20 =	vadd.f32 v18, v18;
	v17 =	vadd.f32 v32, v17  }
0x504: {  	v29 =	vld [tilespmem:s9+$0x9460];
	v44 =	vsub.f32 v27, v40;
	vm4 =	vgt.f32 v27, v40;
	v34 =	vsel vm0, $0x3FB851EC, v1  }
0x505: {  	v30 =	vld [tilespmem:s9+$0x94E0];
	v38 =	vadd.f32 $8.000000110e-01, v20;
	v20 =	vand.u32 $0x7FFFFC00, v39;
	v17 =	vadd.f32 v34, v17  }
0x506: {  	vm5 =	vgt.f32 v28, $0.0e+00;
	vm8 =	vlt.f32 v27, v40;
	v32 =	vld [tilespmem:s9+$0xB860];
	v21 =	vor.u32 v21, v20  }
0x507: {  	vm9 =	vlt.f32 v28, $0.0e+00;
	v21 =	vadd.s32 $0x2580, v21;
	v19 =	vadd.f32 v17, v17  }
0x508: {  	vm1 =	vmand vm8, vm9;
	vm0 =	vmand vm4, vm5;
	vm4 =	vlt.f32 v43, $0.0e+00  }
0x509: {  	v47 =	vsub.f32 v27, v33;
	v27 =	vand.u32 $0x7F, v59;
	v18 =	vpop (erf);
	vm6 =	vgt.f32 v29, $0.0e+00  }
0x50a: {  	vm10 =	vlt.f32 v29, $0.0e+00;
	vm0 =	vmand vm6, vm0;
	v17 =	vpop (erf);
	v37 =	vadd.f32 $8.000000110e-01, v19  }
0x50b: {  	vm1 =	vmand vm10, vm1;
	vm7 =	vgt.f32 v30, $0.0e+00;
	v45 =	vsub.f32 v32, v33;
	v19 =	vpop (erf)  }
0x50c: {  	vm11 =	vlt.f32 v30, $0.0e+00;
	v42 =	vmax.f32 v37, v38;
	v21 =	vld.idx.msk [tilespmem:v21+s18+$0x0], $0xffff;
	v41 =	vadd.f32 v19, v17  }
0x50d: {  	vm0 =	vmand vm7, vm0;
	v48 =	vmul.f32 $2.000000030e-01, v45;
	v20 =	vpop (erf);
	v22 =	vsub.f32 v37, v42  }
0x50e: {  	vm1 =	vmand vm11, vm1;
	v31 =	vsub.f32 $4.000000060e-01, v42;
	v25 =	vadd.f32 v41, v20  }
0x50f: {  	v51 =	vmul.f32 $8.000000110e-01, v45;
	vm11 =	vlt.f32 v47, v48;
	v22 =	vmul.f32 $1.442695020e+00, v22  }
0x510: {  	v53 =	vsub.f32 v38, v42;
	v52 =	vmul.f32 $1.442695020e+00, v31;
	(erf) = vrcp.f32 v25  }
0x511: {  	v25 =	vand.u32 $0x7FFFFFFF, v44;
	v21 =	vsub.f32 v43, v21;
	(erf) = vpow2.f32 v22  }
0x512: {  	vm2 =	vgt.f32 v25, $5.000000000e-01;
	v25 =	vand.u32 $0x7FFFFC00, v61;
	v22 =	vmul.f32 $1.442695020e+00, v53  }
0x513: {  	v50 =	vld [tilespmem:s9+$0x96E0];
	vm0 =	vmand vm2, vm0;
	vm12 =	vgt.f32 v21, $0.0e+00;
	vm13 =	vlt.f32 v21, $0.0e+00  }
0x514: {  	v63 =	vld [tilespmem:s9+$0x7070];
	vm2 =	vmand vm2, vm1;
	vm1 =	vgt.f32 v45, $0.0e+00;
	v25 =	vor.u32 v27, v25  }
0x515: {  	v39 =	vld [tilespmem:s9+$0x9570];
	(erf) = vpow2.f32 v52;
	vm14 =	vmand vm3, vm12;
	vm15 =	vmand vm4, vm13  }
0x516: {  	v37 =	vld [tilespmem:s9+$0x70F0];
	vm3 =	vmand vm3, vm13;
	vm4 =	vmand vm4, vm12;
	vm12 =	vlt.f32 v45, $0.0e+00  }
0x517: {  	v49 =	vld [tilespmem:s9+$0x9760];
	vm13 =	vgt.f32 v47, v48;
	v54 =	vsel vm2, $0x3F570A3D, v1;
	v57 =	vsel vm0, $0x3F570A3D, v1  }
0x518: {  	v46 =	vld [tilespmem:s9+$0x9660];
	v25 =	vadd.s32 $0x2580, v25;
	(erf) = vpow2.f32 v22;
	vm5 =	vmor vm14, vm15  }
0x519: {  	vm3 =	vmor vm3, vm4;
	vm4 =	vmand vm1, vm11;
	vm7 =	vmand vm12, vm13  }
0x51a: {  	vm14 =	vgt.f32 v47, v51;
	vm15 =	vlt.f32 v47, v51;
	vm13 =	vlt.f32 v50, $2.000000030e-01  }
0x51b: {  	v41 =	vld [tilespmem:s9+$0x9470];
	v47 =	vsub.f32 v37, v63;
	vm11 =	vlt.f32 v39, $0.0e+00;
	vm4 =	vmor vm4, vm7  }
0x51c: {  	vm1 =	vmand vm1, vm14;
	vm6 =	vmand vm12, vm15;
	vm12 =	vlt.f32 v49, $-1.000000010e-01  }
0x51d: {  	v43 =	vld [tilespmem:s9+$0x94F0];
	vm14 =	vgt.f32 v46, $1.000000010e-01;
	vm8 =	vmand vm13, vm5;
	vm13 =	vgt.f32 v49, $1.000000010e-01  }
0x51e: {  	vm6 =	vmor vm1, vm6;
	vm1 =	vmand vm5, vm4;
	vm15 =	vmor vm12, vm4  }
0x51f: {  	vm4 =	vmand vm12, vm4;
	vm12 =	vlt.f32 v46, $-1.000000010e-01;
	vm9 =	vmand vm14, vm5  }
0x520: {  	v62 =	vsel vm8, $0x3F333333, v1;
	vm8 =	vgt.f32 v41, $0.0e+00;
	vm10 =	vmand vm14, vm15  }
0x521: {  	vm14 =	vmor vm13, vm6;
	vm15 =	vgt.f32 v50, $8.000000110e-01;
	vm7 =	vmand vm12, vm3  }
0x522: {  	v48 =	vld [tilespmem:s9+$0xB870];
	v58 =	vsel vm9, $0x3F866666, v1;
	v38 =	vsel vm1, $0x3F570A3D, v1;
	vm9 =	vgt.f32 v43, $0.0e+00  }
0x523: {  	v49 =	vld [tilespmem:s9+$0xB8F0];
	vm4 =	vmor vm4, vm10;
	vm10 =	vmand vm13, vm6;
	vm6 =	vmand vm3, vm6  }
0x524: {  	v55 =	vsel vm7, $0x3F866666, v1;
	v60 =	vadd.f32 v58, v57;
	vm7 =	vgt.f32 v39, $0.0e+00  }
0x525: {  	vm13 =	vlt.f32 v43, $0.0e+00;
	vm4 =	vmand vm5, vm4;
	vm5 =	vmand vm12, vm14  }
0x526: {  	v46 =	vld [tilespmem:s9+$0x95F0];
	v23 =	vadd.f32 v55, v54;
	v36 =	vsel vm6, $0x3F570A3D, v1;
	vm6 =	vgt.f32 v37, v63  }
0x527: {  	vm12 =	vlt.f32 v41, $0.0e+00;
	vm5 =	vmor vm10, vm5;
	vm10 =	vmand vm15, vm3  }
0x528: {  	v24 =	vadd.f32 v60, v62;
	vm0 =	vmand vm0, vm4;
	v51 =	vsub.f32 v48, v49  }
0x529: {  	v25 =	vld.idx.msk [tilespmem:v25+s18+$0x0], $0xffff;
	v53 =	vsub.f32 v37, v49;
	vm3 =	vmand vm3, vm5;
	v56 =	vsel vm10, $0x3F333333, v1  }
0x52a: {  	v42 =	vsel vm0, $0x3FB851EC, v1;
	vm0 =	vmand vm6, vm7;
	vm10 =	vlt.f32 v37, v63  }
0x52b: {  	vm4 =	vlt.f32 v46, $0.0e+00;
	vm2 =	vmand vm2, vm3;
	v23 =	vadd.f32 v23, v56  }
0x52c: {  	v24 =	vadd.f32 v38, v24;
	vm0 =	vmand vm8, vm0;
	vm1 =	vmand vm10, vm11  }
0x52d: {  	vm3 =	vgt.f32 v46, $0.0e+00;
	v54 =	vmul.f32 $2.000000030e-01, v51;
	v57 =	vmul.f32 $8.000000110e-01, v51  }
0x52e: {  	v40 =	vsel vm2, $0x3FB851EC, v1;
	vm0 =	vmand vm9, vm0;
	v50 =	vsub.f32 v46, v25  }
0x52f: {  	vm1 =	vmand vm12, vm1;
	v23 =	vadd.f32 v36, v23;
	v44 =	vadd.f32 v42, v24  }
0x530: {  	v24 =	vand.u32 $0x7FFFFFFF, v47;
	vm1 =	vmand vm13, vm1;
	vm11 =	vgt.f32 v53, v54  }
0x531: {  	vm2 =	vgt.f32 v24, $5.000000000e-01;
	vm14 =	vgt.f32 v50, $0.0e+00;
	vm15 =	vlt.f32 v50, $0.0e+00  }
0x532: {  	v23 =	vadd.f32 v40, v23;
	v21 =	vadd.f32 v44, v44;
	vm0 =	vmand vm2, vm0  }
0x533: {  	v52 =	vld [tilespmem:s9+$0x9670];
	vm12 =	vmand vm3, vm14;
	vm13 =	vmand vm4, vm15;
	vm3 =	vmand vm3, vm15  }
0x534: {  	v55 =	vld [tilespmem:s9+$0x9770];
	vm4 =	vmand vm4, vm14;
	vm1 =	vmand vm2, vm1;
	vm2 =	vgt.f32 v51, $0.0e+00  }
0x535: {  	v56 =	vld [tilespmem:s9+$0x96F0];
	vm14 =	vlt.f32 v53, v54;
	vm15 =	vlt.f32 v51, $0.0e+00;
	vm5 =	vmor vm12, vm13  }
0x536: {  	vm3 =	vmor vm3, vm4;
	vm4 =	vmand vm2, vm14;
	vm7 =	vmand vm15, vm11  }
0x537: {  	vm12 =	vgt.f32 v53, v57;
	vm13 =	vlt.f32 v53, v57;
	v61 =	vsel vm0, $0x3F570A3D, v1  }
0x538: {  	v37 =	vsel vm1, $0x3F570A3D, v1;
	v45 =	vadd.f32 v23, v23;
	vm7 =	vmor vm4, vm7  }
0x539: {  	vm2 =	vmand vm2, vm12;
	vm14 =	vmand vm15, vm13;
	vm15 =	vlt.f32 v55, $-1.000000010e-01  }
0x53a: {  	vm12 =	vlt.f32 v56, $2.000000030e-01;
	vm13 =	vgt.f32 v52, $1.000000010e-01;
	v21 =	vadd.f32 $8.000000110e-01, v21  }
0x53b: {  	vm6 =	vmor vm2, vm14;
	vm2 =	vmand vm5, vm7;
	vm14 =	vmor vm15, vm7  }
0x53c: {  	vm4 =	vmand vm12, vm5;
	vm7 =	vmand vm15, vm7;
	vm15 =	vlt.f32 v52, $-1.000000010e-01  }
0x53d: {  	vm12 =	vgt.f32 v55, $1.000000010e-01;
	vm9 =	vmand vm13, vm5;
	vm10 =	vmand vm13, vm14  }
0x53e: {  	vm13 =	vmor vm12, vm6;
	v22 =	vadd.f32 $8.000000110e-01, v45;
	vm14 =	vgt.f32 v56, $8.000000110e-01  }
0x53f: {  	v23 =	vpop (erf);
	vm8 =	vmand vm15, vm3;
	v63 =	vsel vm9, $0x3F866666, v1;
	v41 =	vsel vm4, $0x3F333333, v1  }
0x540: {  	v44 =	vsel vm2, $0x3F570A3D, v1;
	vm7 =	vmor vm7, vm10;
	v24 =	vpop (erf);
	vm10 =	vmand vm12, vm6  }
0x541: {  	vm6 =	vmand vm3, vm6;
	v60 =	vsel vm8, $0x3F866666, v1;
	v39 =	vadd.f32 v63, v61;
	v25 =	vpop (erf)  }
0x542: {  	vm5 =	vmand vm5, vm7;
	v59 =	vmax.f32 v22, v21;
	v58 =	vadd.f32 v25, v24  }
0x543: {  	vm7 =	vmand vm15, vm13;
	v38 =	vadd.f32 v60, v37;
	v27 =	vpop (erf);
	v22 =	vsub.f32 v22, v59  }
0x544: {  	vm7 =	vmor vm10, vm7;
	v62 =	vsub.f32 $4.000000060e-01, v59;
	v26 =	vadd.f32 v58, v27  }
0x545: {  	vm10 =	vmand vm14, vm3;
	v21 =	vsub.f32 v21, v59;
	v22 =	vmul.f32 $1.442695020e+00, v22  }
0x546: {  	v42 =	vadd.f32 v39, v41;
	v36 =	vmul.f32 $1.442695020e+00, v62;
	(erf) = vrcp.f32 v26  }
0x547: {  	vm3 =	vmand vm3, vm7;
	v40 =	vsel vm10, $0x3F333333, v1;
	(erf) = vpow2.f32 v22  }
0x548: {  	v21 =	vmul.f32 $1.442695020e+00, v21;
	v22 =	vadd.f32 v38, v40;
	(erf) = vpow2.f32 v36  }
0x549: {  	v43 =	vsel vm6, $0x3F570A3D, v1;
	vm5 =	vmand vm0, vm5;
	vm15 =	vmand vm1, vm3  }
0x54a: {  	v46 =	vadd.f32 v44, v42;
	(erf) = vpow2.f32 v21;
	v45 =	vadd.f32 v43, v22  }
0x54b: {  	v48 =	vsel vm5, $0x3FB851EC, v1;
	v47 =	vsel vm15, $0x3FB851EC, v1  }
0x54c: {  	v22 =	vadd.f32 v48, v46;
	v21 =	vadd.f32 v47, v45;
	_ =	sdelay $0x1  }
0x54d: {  	v22 =	vadd.f32 v22, v22;
	v21 =	vadd.f32 v21, v21  }
0x54e: {  	v49 =	vpop (erf)  }
0x54f: {  	v22 =	vadd.f32 $8.000000110e-01, v22;
	v21 =	vadd.f32 $8.000000110e-01, v21;
	v50 =	vpop (erf)  }
0x550: {  	v51 =	vpop (erf)  }
0x551: {  	v53 =	vmax.f32 v21, v22;
	v52 =	vadd.f32 v51, v50  }
0x552: {  	v54 =	vpop (erf);
	v21 =	vsub.f32 v21, v53  }
0x553: {  	v55 =	vsub.f32 $4.000000060e-01, v53;
	v30 =	vadd.f32 v52, v54  }
0x554: {  	v21 =	vmul.f32 $1.442695020e+00, v21  }
0x555: {  	v22 =	vsub.f32 v22, v53;
	v56 =	vmul.f32 $1.442695020e+00, v55;
	(erf) = vrcp.f32 v30  }
0x556: {  	(erf) = vpow2.f32 v21  }
0x557: {  	v57 =	vmul.f32 $1.442695020e+00, v22;
	(erf) = vpow2.f32 v56;
	_ =	sdelay $0x1  }
0x558: {  	(erf) = vpow2.f32 v57  }
0x559: {  	v2 =	vmul.f32 v5, v2  }
0x55a: {  	v3 =	vmul.f32 v5, v3  }
0x55b: {  	[tilespmem:s6+$0xFFFFFF40] =	vst v2;
	v2 =	vmul.f32 v5, v4  }
0x55c: {  	[tilespmem:s6+$0xFFFFFFC0] =	vst v3;
	v3 =	vmul.f32 v9, v7  }
0x55d: {  	[tilespmem:s6+$0x40] =	vst v2;
	v2 =	vmul.f32 v9, v6;
	v58 =	vpop (erf)  }
0x55e: {  	[tilespmem:s6+$0xFFFFFF50] =	vst v3;
	v3 =	vmul.f32 v9, v8;
	v59 =	vpop (erf)  }
0x55f: {  	[tilespmem:s6+$0xFFFFFFD0] =	vst v2;
	v2 =	vmul.f32 v14, v10;
	v60 =	vpop (erf)  }
0x560: {  	[tilespmem:s6+$0x50] =	vst v3;
	v3 =	vmul.f32 v14, v11;
	v61 =	vadd.f32 v60, v59  }
0x561: {  	[tilespmem:s6+$0xFFFFFF60] =	vst v2;
	v2 =	vmul.f32 v14, v12;
	v62 =	vpop (erf)  }
0x562: {  	[tilespmem:s6+$0xFFFFFFE0] =	vst v3;
	v3 =	vmul.f32 v18, v15;
	v7 =	vadd.f32 v61, v62  }
0x563: {  	[tilespmem:s6+$0x60] =	vst v2;
	v2 =	vmul.f32 v18, v13  }
0x564: {  	[tilespmem:s6+$0xFFFFFF70] =	vst v3;
	v3 =	vmul.f32 v18, v16;
	(erf) = vrcp.f32 v7  }
0x565: {  	[tilespmem:s6+$0xFFFFFFF0] =	vst v2;
	v2 =	vmul.f32 v23, v17  }
0x566: {  	[tilespmem:s6+$0x70] =	vst v3;
	v3 =	vmul.f32 v23, v19  }
0x567: {  	[tilespmem:s6+$0xFFFFFF80] =	vst v2;
	v2 =	vmul.f32 v23, v20  }
0x568: {  	[tilespmem:s6+$0x0] =	vst v3;
	v3 =	vmul.f32 v49, v24  }
0x569: {  	[tilespmem:s6+$0x80] =	vst v2;
	v2 =	vmul.f32 v49, v25  }
0x56a: {  	[tilespmem:s6+$0xFFFFFF90] =	vst v3;
	v3 =	vmul.f32 v49, v27  }
0x56b: {  	[tilespmem:s6+$0x10] =	vst v2;
	v2 =	vmul.f32 v58, v50  }
0x56c: {  	s24 =	sadd.s32 $0x8, s24;
	[tilespmem:s6+$0x90] =	vst v3;
	v3 =	vmul.f32 v58, v51  }
0x56d: {  	p0 =	slt.u32 s24, $0x38;
	[tilespmem:s6+$0xFFFFFFA0] =	vst v2;
	v2 =	vmul.f32 v58, v54;
	v63 =	vpop (erf)  }
.Ltmp2:
0x56e: {  	[tilespmem:s6+$0x20] =	vst v3;
	v3 =	vmul.f32 v63, v59;
	(pc) =	sbr.rel @p0 .LBB2_7-.Ltmp2, $4  }
0x56f: {  	[tilespmem:s6+$0xA0] =	vst v2;
	v2 =	vmul.f32 v63, v60  }
0x570: {  	[tilespmem:s6+$0xFFFFFFB0] =	vst v3;
	v3 =	vmul.f32 v63, v62  }
0x571: {  	[tilespmem:s6+$0x30] =	vst v2  }
0x572: {  	s7 =	sadd.s32 $0x1000, s7;
	s2 =	sadd.s32 $0x80, s2;
	[tilespmem:s6+$0xB0] =	vst v3;
	s6 =	sadd.s32 $0x200, s6  }
0x573: {  	p0 =	sne.s32 s22, $0x10  }
.Ltmp3:
0x574: {  	_ = 	snop;
	(pc) =	sbr.rel @p0 .LBB2_2-.Ltmp3, $4  }
0x575: {  	_ = 	snop  }
0x576: {  	s2 =	sshrl.u32 s25, $0x1  }
0x577: {  	s2 =	sadd.s32 s3, s2  }
0x578: {  	[hbm4b:s2+s4] =	stream.linear.scatter [tilespmem:s21], [sflag:$0x6], $0x1000, $0x38;
	[tilespmem:$0xF800] =	vst v63  }
0x579: {  	s2 =	simm.s32 $0x5  }
0x57a: {  	_ =	swait.ge [sflag:s2], $0x1000  }
0x57b: {  	[sflag:s2] =	ssyncset.done $0x0  }
0x57c: {  	s6 =	simm.s32 $0x6;
	[sflag:s2] =	ssyncadd.s32 $0xFFFFF000  }
0x57d: {  	_ =	swait.ge [sflag:s6], $0x1000  }
0x57e: {  	s7 =	sld [smem:$0x7BF];
	_ =	sdelay $0x2  }
0x57f: {  	s28 =	rddreg [dreg:$0xd];
	s7 =	sadd.s32 $0x1, s7  }
0x580: {  	p0 =	sne.s32 s7, s28  }
.Ltmp4:
0x581: {  	_ = 	snop;
	(pc) =	sbr.rel @p0 .LBB2_1-.Ltmp4, $3  }
0x582: {  	_ =	sdelay $0x1  }
0x583: {  	[sflag:s6] =	ssyncset.done $0x0  }
0x584: {  	[sflag:s6] =	ssyncadd.s32 $0xFFFFF000  }
0x585: {  	_ =	sfence.sel $0x180000  }
0x586: {  	[bflag:$0x0] =	sbarrier.arrive $0xFFFF  }
0x587: {  	_ =	strace $0x90000047  }
0x588: {  	s0 =	stileid.u32;
	[bflag:$0x2] =	sbarrier.arrive $0xFFFF  }
0x589: {  	p0 =	sne.s32 s0, $0x0;
	s0 =	rddreg [dreg:$0x2]  }
0x58a: {  	s0 =	sadd.s32 @!p0 $0x100000, s0  }
0x58b: {  	[sflag:s0] =	ssyncadd.tile.s32 @!p0 $0x1;
	_ =	shalt  }
.Lfunc_end2:
_tile_overlayer_lowered:
.L_overlay_start_2:
0x58c: {  	(tag) =	ssettag $0x2  }
0x58d: {  	s0 =	rddreg [dreg:$0x0];
	s2 =	stileid.u32  }
0x58e: {  	s1 =	rddreg [dreg:$0x1];
	p0 =	sne.s32 s2, $0x0  }
0x58f: {  	s3 =	rddreg [dreg:$0x2];
	[bflag:$0x3] =	sbarrier.arrive $0xFFFF;
	s2 =	simm.s32 @!p0 $0x1C07  }
0x590: {  	[timem:s3], [sflag:s2] =	dma.local @!p0 [hbm:s0], s1  }
0x591: {  	s0 =	simm.s32 @!p0 $0x7  }
0x592: {  	_ =	swait.ge @!p0 [sflag:s0], s1  }
0x593: {  	s1 =	ssub.s32 @!p0 $0x0, s1;
	[sflag:s0] =	ssyncset.done @!p0 $0x0  }
0x594: {  	[sflag:s0] =	ssyncadd.s32 @!p0 s1  }
0x595: {  	[bflag:$0x3] =	sbarrier.arrive $0xFFFF  }
0x596: {  	_ =	shalt  }

</sc_bundles>
